<compile_context>
chip_gen: v7x
topology: tpu7x:2x2x1
jax: 0.10.2.dev20260603
libtpu: 0.0.44.dev20260713+nightly
codegen_flags: <defaults>
</compile_context>

<pallas_src>
import functools

import jax
import jax.numpy as jnp
from jax import lax
from jax.experimental import pallas as pl
from jax.experimental.pallas import tpu as pltpu
from jax.experimental.pallas import tpu_sc as plsc

_N = 10000
_E = 320000
_DIN = 128
_H = 64
_G = 64

_NC = 2
_NS = 16
_NW = _NC * _NS
_ET = _E // _NW
_CH = 125
_NCH = _ET // _CH
_NB = 8
_NR = _NCH // _NB
_ACCR = 10240
_RPT = _ACCR // _NS

_BN = 2000
_GRID = _N // _BN

_built = {}


def _build_sc_kernels():
    mesh = plsc.VectorSubcoreMesh(core_axis_name="c", subcore_axis_name="s")
    cp = pltpu.CompilerParams(use_tc_tiling_on_sc=False)

    @functools.partial(
        pl.kernel,
        mesh=mesh,
        compiler_params=cp,
        out_type=jax.ShapeDtypeStruct((_NC, _ACCR, _H), jnp.float32),
        scratch_types=[
            pltpu.VMEM((_NCH, _CH), jnp.int32),
            pltpu.VMEM((_NCH, _CH), jnp.int32),
            pltpu.VMEM((_NB, _CH, _H), jnp.float32),
            pltpu.VMEM_SHARED((_ACCR, _H), jnp.float32),
        ] + [pltpu.SemaphoreType.DMA] * (2 * _NB),
    )
    def edge_agg(y_hbm, src_hbm, dst_hbm, zero_hbm, out_hbm, src_v, dst_v,
                 rows_v, acc, *sems):
        gsem = sems[:_NB]
        ssem = sems[_NB:]
        cid = lax.axis_index("c")
        sid = lax.axis_index("s")
        wid = cid * _NS + sid
        pltpu.sync_copy(zero_hbm, acc.at[pl.ds(sid * _RPT, _RPT)])
        pltpu.sync_copy(src_hbm.at[wid], src_v)
        pltpu.sync_copy(dst_hbm.at[wid], dst_v)
        plsc.subcore_barrier()

        for b in range(_NB):
            pltpu.async_copy(y_hbm.at[src_v.at[b]], rows_v.at[b], gsem[b])

        @pl.loop(0, _NR - 1)
        def _(i):
            j0 = i * _NB
            sh = []
            for b in range(_NB):
                pltpu.make_async_copy(y_hbm.at[src_v.at[j0 + b]],
                                      rows_v.at[b], gsem[b]).wait()
                sh.append(pltpu.async_copy(rows_v.at[b],
                                           acc.at[dst_v.at[j0 + b]],
                                           ssem[b], add=True))
            for b in range(_NB):
                sh[b].wait()
                pltpu.async_copy(y_hbm.at[src_v.at[j0 + _NB + b]],
                                 rows_v.at[b], gsem[b])

        jL = (_NR - 1) * _NB
        shl = []
        for b in range(_NB):
            pltpu.make_async_copy(y_hbm.at[src_v.at[jL + b]],
                                  rows_v.at[b], gsem[b]).wait()
            shl.append(pltpu.async_copy(rows_v.at[b],
                                        acc.at[dst_v.at[jL + b]],
                                        ssem[b], add=True))
        for h in shl:
            h.wait()

        plsc.subcore_barrier()
        pltpu.sync_copy(acc.at[pl.ds(sid * _RPT, _RPT)],
                        out_hbm.at[cid, pl.ds(sid * _RPT, _RPT)])

    @functools.partial(
        pl.kernel,
        mesh=mesh,
        compiler_params=cp,
        out_type=jax.ShapeDtypeStruct((_NC, _ACCR, 16), jnp.float32),
        scratch_types=[
            pltpu.VMEM((_NCH, _CH), jnp.int32),
            pltpu.VMEM((_CH, 16), jnp.float32),
            pltpu.VMEM_SHARED((_ACCR, 16), jnp.float32),
        ],
    )
    def deg_hist(dst_hbm, zero_hbm, ones_hbm, out_hbm, dst_v, ones_v, acc):
        cid = lax.axis_index("c")
        sid = lax.axis_index("s")
        wid = cid * _NS + sid
        pltpu.sync_copy(zero_hbm, acc.at[pl.ds(sid * _RPT, _RPT)])
        pltpu.sync_copy(ones_hbm, ones_v)
        pltpu.sync_copy(dst_hbm.at[wid], dst_v)
        plsc.subcore_barrier()

        @pl.loop(0, _NCH)
        def _(j):
            pltpu.sync_copy(ones_v, acc.at[dst_v.at[j]], add=True)

        plsc.subcore_barrier()
        pltpu.sync_copy(acc.at[pl.ds(sid * _RPT, _RPT)],
                        out_hbm.at[cid, pl.ds(sid * _RPT, _RPT)])

    return edge_agg, deg_hist


def _mm1_body(x_ref, w_ref, o_ref):
    o_ref[...] = jnp.dot(x_ref[...], w_ref[...],
                         preferred_element_type=jnp.float32)


def _scale_body(degp_ref, xt_ref, y_ref, dis_ref):
    deg = degp_ref[0, :, :1] + degp_ref[1, :, :1] + 1.0
    dis = lax.rsqrt(deg)
    dis_ref[...] = dis
    y_ref[...] = xt_ref[...] * dis


def _mid_body(agg_ref, y_ref, dis_ref, b_ref, w_ref, x1_ref, y2_ref):
    dis = dis_ref[...]
    s = agg_ref[0] + agg_ref[1] + y_ref[...]
    x1 = jnp.tanh(s * dis + b_ref[...])
    x1_ref[...] = x1
    y2_ref[...] = jnp.dot(x1, w_ref[...],
                          preferred_element_type=jnp.float32) * dis


def _final_body(agg_ref, y_ref, dis_ref, b_ref, batch_ref, x2_ref, mean_ref,
                cnt_ref):
    i = pl.program_id(0)

    @pl.when(i == 0)
    def _():
        mean_ref[...] = jnp.zeros_like(mean_ref)
        cnt_ref[...] = jnp.zeros_like(cnt_ref)

    s = agg_ref[0] + agg_ref[1] + y_ref[...]
    x2 = jnp.tanh(s * dis_ref[...] + b_ref[...])
    x2_ref[...] = x2
    onehot = (batch_ref[...] == lax.broadcasted_iota(
        jnp.int32, (_BN, _G), 1)).astype(jnp.float32)
    mean_ref[...] += lax.dot_general(onehot, x2, (((0,), (0,)), ((), ())),
                                     preferred_element_type=jnp.float32)
    cnt_ref[...] += lax.dot_general(onehot, jnp.ones((_BN, 1), jnp.float32),
                                    (((0,), (0,)), ((), ())),
                                    preferred_element_type=jnp.float32)

    @pl.when(i == _GRID - 1)
    def _():
        mean_ref[...] = mean_ref[...] / jnp.maximum(cnt_ref[...], 1.0)


def _tc_matmul1(attrs, W1):
    return pl.pallas_call(
        _mm1_body,
        grid=(_GRID,),
        in_specs=[
            pl.BlockSpec((_BN, _DIN), lambda i: (i, 0)),
            pl.BlockSpec((_DIN, _H), lambda i: (0, 0)),
        ],
        out_specs=pl.BlockSpec((_BN, _H), lambda i: (i, 0)),
        out_shape=jax.ShapeDtypeStruct((_N, _H), jnp.float32),
    )(attrs, W1)


def _tc_scale(deg_p, xt1):
    return pl.pallas_call(
        _scale_body,
        grid=(_GRID,),
        in_specs=[
            pl.BlockSpec((_NC, _BN, 16), lambda i: (0, i, 0)),
            pl.BlockSpec((_BN, _H), lambda i: (i, 0)),
        ],
        out_specs=[
            pl.BlockSpec((_BN, _H), lambda i: (i, 0)),
            pl.BlockSpec((_BN, 1), lambda i: (i, 0)),
        ],
        out_shape=[
            jax.ShapeDtypeStruct((_N, _H), jnp.float32),
            jax.ShapeDtypeStruct((_N, 1), jnp.float32),
        ],
    )(deg_p, xt1)


def _tc_mid(agg, y1, dis, b1r, W2):
    return pl.pallas_call(
        _mid_body,
        grid=(_GRID,),
        in_specs=[
            pl.BlockSpec((_NC, _BN, _H), lambda i: (0, i, 0)),
            pl.BlockSpec((_BN, _H), lambda i: (i, 0)),
            pl.BlockSpec((_BN, 1), lambda i: (i, 0)),
            pl.BlockSpec((1, _H), lambda i: (0, 0)),
            pl.BlockSpec((_H, _H), lambda i: (0, 0)),
        ],
        out_specs=[
            pl.BlockSpec((_BN, _H), lambda i: (i, 0)),
            pl.BlockSpec((_BN, _H), lambda i: (i, 0)),
        ],
        out_shape=[
            jax.ShapeDtypeStruct((_N, _H), jnp.float32),
            jax.ShapeDtypeStruct((_N, _H), jnp.float32),
        ],
    )(agg, y1, dis, b1r, W2)


def _tc_final(agg, y2, dis, b2r, batch2):
    return pl.pallas_call(
        _final_body,
        grid=(_GRID,),
        in_specs=[
            pl.BlockSpec((_NC, _BN, _H), lambda i: (0, i, 0)),
            pl.BlockSpec((_BN, _H), lambda i: (i, 0)),
            pl.BlockSpec((_BN, 1), lambda i: (i, 0)),
            pl.BlockSpec((1, _H), lambda i: (0, 0)),
            pl.BlockSpec((_BN, 1), lambda i: (i, 0)),
        ],
        out_specs=[
            pl.BlockSpec((_BN, _H), lambda i: (i, 0)),
            pl.BlockSpec((_G, _H), lambda i: (0, 0)),
        ],
        out_shape=[
            jax.ShapeDtypeStruct((_N, _H), jnp.float32),
            jax.ShapeDtypeStruct((_G, _H), jnp.float32),
        ],
        scratch_shapes=[pltpu.VMEM((_G, 1), jnp.float32)],
    )(agg, y2, dis, b2r, batch2)


def kernel(attrs, edge_index, batch, W1, b1, W2, b2):
    if "sc" not in _built:
        _built["sc"] = _build_sc_kernels()
    edge_agg, deg_hist = _built["sc"]

    f32 = jnp.float32
    src3 = edge_index[0].reshape(_NW, _NCH, _CH)
    dst3 = edge_index[1].reshape(_NW, _NCH, _CH)
    zero64 = jnp.zeros((_RPT, _H), f32)
    zero16 = jnp.zeros((_RPT, 16), f32)
    ones16 = jnp.ones((_CH, 16), f32)
    b1r = b1.reshape(1, _H)
    b2r = b2.reshape(1, _H)
    batch2 = batch.reshape(_N, 1)

    deg_p = deg_hist(dst3, zero16, ones16)
    xt1 = _tc_matmul1(attrs.astype(f32), W1)
    y1, dis = _tc_scale(deg_p, xt1)
    agg1 = edge_agg(y1, src3, dst3, zero64)
    x1, y2 = _tc_mid(agg1, y1, dis, b1r, W2)
    agg2 = edge_agg(y2, src3, dst3, zero64)
    x2, x_mean = _tc_final(agg2, y2, dis, b2r, batch2)
    return (x2, x_mean, x1, x2)

# --- scband reference (transcript-rebuilt; emitter-appended) ---
"""Pipeline reference for scband-encoder-137438954180 (READ-ONLY COPY).

The authoritative reference and input builder live on the scoring server;
editing this copy changes nothing except your own understanding.
"""

import jax, jax.numpy as jnp
import numpy as np

N = 10000
E = 320000
D_IN = 128
H = 64
G = 64


def setup_inputs(seed: int = 0) -> dict:
    key = jax.random.key(seed)
    ks = jax.random.split(key, 8)
    attrs = jax.random.normal(ks[0], (N, D_IN), dtype=jnp.float32)
    edge_index = jax.random.randint(ks[1], (2, E), 0, N, dtype=jnp.int32)
    batch = jnp.sort(jax.random.randint(ks[2], (N,), 0, G, dtype=jnp.int32))
    W1 = jax.random.normal(ks[3], (D_IN, H), dtype=jnp.float32) * (1.0 / np.sqrt(D_IN))
    b1 = jnp.zeros((H,), dtype=jnp.float32)
    W2 = jax.random.normal(ks[4], (H, H), dtype=jnp.float32) * (1.0 / np.sqrt(H))
    b2 = jnp.zeros((H,), dtype=jnp.float32)
    return {"attrs": attrs, "edge_index": edge_index, "batch": batch,
            "W1": W1, "b1": b1, "W2": W2, "b2": b2}


def _gcn_conv(x, src, dst, W, b):
    n = x.shape[0]
    # add self-loops (PyG GCNConv default)
    loop = jnp.arange(n, dtype=src.dtype)
    src_sl = jnp.concatenate([src, loop])
    dst_sl = jnp.concatenate([dst, loop])
    x = x @ W
    deg = jax.ops.segment_sum(jnp.ones_like(dst_sl, dtype=x.dtype), dst_sl, num_segments=n)
    deg_inv_sqrt = jnp.where(deg > 0, deg ** -0.5, 0.0)
    norm = deg_inv_sqrt[src_sl] * deg_inv_sqrt[dst_sl]
    msg = x[src_sl] * norm[:, None]
    out = jax.ops.segment_sum(msg, dst_sl, num_segments=n)
    return out + b


def reference(attrs, edge_index, batch, W1, b1, W2, b2):
    src = edge_index[0]
    dst = edge_index[1]
    x = attrs.astype(jnp.float32)
    xs = []
    x = jnp.tanh(_gcn_conv(x, src, dst, W1, b1))
    xs.append(x)
    x = jnp.tanh(_gcn_conv(x, src, dst, W2, b2))
    xs.append(x)
    # scatter_mean over batch assignment
    sums = jax.ops.segment_sum(x, batch, num_segments=G)
    cnts = jax.ops.segment_sum(jnp.ones((x.shape[0],), dtype=x.dtype), batch, num_segments=G)
    x_mean = sums / jnp.maximum(cnts, 1.0)[:, None]
    return (x, x_mean, xs[0], xs[1])

if __name__ == "__main__":
    import jax
    _d = setup_inputs()
    print(jax.jit(kernel)(*tuple(_d.values())))

</pallas_src>

<mosaic_0001>
#map = affine_map<(d0, d1) -> (0, 0, 0)>
#map1 = affine_map<(d0, d1) -> (0, 0)>
module attributes {stable_mosaic.version = 14 : i64} {
  func.func @deg_hist(%arg0: i32, %arg1: i32, %arg2: memref<32x80x125xi32, #tpu.memory_space<hbm>>, %arg3: memref<640x16xf32, #tpu.memory_space<hbm>>, %arg4: memref<125x16xf32, #tpu.memory_space<hbm>>, %arg5: memref<2x10240x16xf32, #tpu.memory_space<hbm>>, %arg6: memref<80x125xi32, #tpu.memory_space<vmem>>, %arg7: memref<125x16xf32, #tpu.memory_space<vmem>>, %arg8: memref<10240x16xf32, #tpu.memory_space<vmem_shared>>) attributes {dimension_semantics = [#tpu.dimension_semantics<core_parallel>, #tpu.dimension_semantics<subcore_parallel>], iteration_bounds = array<i64: 2, 16>, scalar_prefetch = 0 : i64, scratch_operands = 3 : i64, tpu.core_type = #tpu.core_type<sc_vector_subcore>, window_params = [{transform_indices = #map}, {transform_indices = #map1}, {transform_indices = #map1}, {transform_indices = #map}]} {
    %mul3A = arith.constant 16 : i32
    %mul3A_0 = arith.muli %arg0, %mul3A : i32
    %add3A = arith.addi %mul3A_0, %arg1 : i32
    %mul3A_1 = arith.constant 640 : i32
    %mul3A_2 = arith.muli %arg1, %mul3A_1 : i32
    "tpu.region"() ({
      %run_scoped3A = tpu.sem_alloc : memref<!tpu.dma_semaphore, #tpu.memory_space<semaphore_mem>>
      %dma_start3A = arith.constant 0 : i32
      %dma_start3A_12 = tpu.memref_slice %arg8[%mul3A_2, %dma_start3A] : memref<10240x16xf32, #tpu.memory_space<vmem_shared>> -> memref<640x16xf32, #tpu.memory_space<vmem_shared>>
      tpu.enqueue_dma source(%arg3 : memref<640x16xf32, #tpu.memory_space<hbm>>) target(%dma_start3A_12 : memref<640x16xf32, #tpu.memory_space<vmem_shared>>) target_semaphore(%run_scoped3A : memref<!tpu.dma_semaphore, #tpu.memory_space<semaphore_mem>>)
      %dma_wait3A = arith.constant 0 : i32
      %dma_wait3A_13 = tpu.memref_slice %arg8[%mul3A_2, %dma_wait3A] : memref<10240x16xf32, #tpu.memory_space<vmem_shared>> -> memref<640x16xf32, #tpu.memory_space<vmem_shared>>
      tpu.wait_dma2 semaphore(%run_scoped3A : memref<!tpu.dma_semaphore, #tpu.memory_space<semaphore_mem>>) src(%arg3 : memref<640x16xf32, #tpu.memory_space<hbm>>) dst(%dma_wait3A_13 : memref<640x16xf32, #tpu.memory_space<vmem_shared>>)
      tpu.yield
    }) : () -> ()
    "tpu.region"() ({
      %run_scoped3A = tpu.sem_alloc : memref<!tpu.dma_semaphore, #tpu.memory_space<semaphore_mem>>
      tpu.enqueue_dma source(%arg4 : memref<125x16xf32, #tpu.memory_space<hbm>>) target(%arg7 : memref<125x16xf32, #tpu.memory_space<vmem>>) target_semaphore(%run_scoped3A : memref<!tpu.dma_semaphore, #tpu.memory_space<semaphore_mem>>)
      tpu.wait_dma2 semaphore(%run_scoped3A : memref<!tpu.dma_semaphore, #tpu.memory_space<semaphore_mem>>) src(%arg4 : memref<125x16xf32, #tpu.memory_space<hbm>>) dst(%arg7 : memref<125x16xf32, #tpu.memory_space<vmem>>)
      tpu.yield
    }) : () -> ()
    "tpu.region"() ({
      %run_scoped3A = tpu.sem_alloc : memref<!tpu.dma_semaphore, #tpu.memory_space<semaphore_mem>>
      %dma_start3A = arith.constant 0 : i32
      %dma_start3A_12 = arith.constant 0 : i32
      %dma_start3A_13 = tpu.memref_slice %arg2[%add3A, %dma_start3A, %dma_start3A_12] : memref<32x80x125xi32, #tpu.memory_space<hbm>> -> memref<1x80x125xi32, #tpu.memory_space<hbm>>
      %dma_start3A_14 = tpu.memref_squeeze %dma_start3A_13 : memref<1x80x125xi32, #tpu.memory_space<hbm>> -> memref<80x125xi32, #tpu.memory_space<hbm>>
      %dma_start3A_15 = arith.constant 0 : i32
      %dma_start3A_16 = arith.constant 0 : i32
      %dma_start3A_17 = tpu.memref_slice %arg2[%add3A, %dma_start3A_15, %dma_start3A_16] : memref<32x80x125xi32, #tpu.memory_space<hbm>> -> memref<1x80x125xi32, #tpu.memory_space<hbm>>
      %dma_start3A_18 = tpu.memref_squeeze %dma_start3A_17 : memref<1x80x125xi32, #tpu.memory_space<hbm>> -> memref<80x125xi32, #tpu.memory_space<hbm>>
      tpu.enqueue_dma source(%dma_start3A_18 : memref<80x125xi32, #tpu.memory_space<hbm>>) target(%arg6 : memref<80x125xi32, #tpu.memory_space<vmem>>) target_semaphore(%run_scoped3A : memref<!tpu.dma_semaphore, #tpu.memory_space<semaphore_mem>>)
      %dma_wait3A = arith.constant 0 : i32
      %dma_wait3A_19 = arith.constant 0 : i32
      %dma_wait3A_20 = tpu.memref_slice %arg2[%add3A, %dma_wait3A, %dma_wait3A_19] : memref<32x80x125xi32, #tpu.memory_space<hbm>> -> memref<1x80x125xi32, #tpu.memory_space<hbm>>
      %dma_wait3A_21 = tpu.memref_squeeze %dma_wait3A_20 : memref<1x80x125xi32, #tpu.memory_space<hbm>> -> memref<80x125xi32, #tpu.memory_space<hbm>>
      %dma_wait3A_22 = arith.constant 0 : i32
      %dma_wait3A_23 = arith.constant 0 : i32
      %dma_wait3A_24 = tpu.memref_slice %arg2[%add3A, %dma_wait3A_22, %dma_wait3A_23] : memref<32x80x125xi32, #tpu.memory_space<hbm>> -> memref<1x80x125xi32, #tpu.memory_space<hbm>>
      %dma_wait3A_25 = tpu.memref_squeeze %dma_wait3A_24 : memref<1x80x125xi32, #tpu.memory_space<hbm>> -> memref<80x125xi32, #tpu.memory_space<hbm>>
      tpu.wait_dma2 semaphore(%run_scoped3A : memref<!tpu.dma_semaphore, #tpu.memory_space<semaphore_mem>>) src(%dma_wait3A_25 : memref<80x125xi32, #tpu.memory_space<hbm>>) dst(%arg6 : memref<80x125xi32, #tpu.memory_space<vmem>>)
      tpu.yield
    }) : () -> ()
    %barrier3A = arith.constant 0 : index
    tpu.barrier barrier_id(%barrier3A)
    %scan3A = arith.constant 0 : i32
    %scan3A_3 = arith.constant 80 : i32
    %scan3A_4 = arith.addi %scan3A, %scan3A_3 : i32
    %scan3A_5 = arith.constant 1 : i32
    scf.for %scan3A_12 = %scan3A to %scan3A_4 step %scan3A_5  : i32 {
      %mul3A_13 = arith.constant 1 : i32
      %mul3A_14 = arith.muli %scan3A_12, %mul3A_13 : i32
      %add3A_15 = arith.constant 0 : i32
      %add3A_16 = arith.addi %add3A_15, %mul3A_14 : i32
      "tpu.region"() ({
        %run_scoped3A = tpu.sem_alloc : memref<!tpu.dma_semaphore, #tpu.memory_space<semaphore_mem>>
        %dma_start3A = arith.constant 0 : i32
        %dma_start3A_17 = tpu.memref_slice %arg6[%add3A_16, %dma_start3A] : memref<80x125xi32, #tpu.memory_space<vmem>> -> memref<1x125xi32, #tpu.memory_space<vmem>>
        %dma_start3A_18 = tpu.memref_squeeze %dma_start3A_17 : memref<1x125xi32, #tpu.memory_space<vmem>> -> memref<125xi32, #tpu.memory_space<vmem>>
        %dma_start3A_19 = arith.constant 0 : i32
        %dma_start3A_20 = arith.constant 0 : i32
        %dma_start3A_21 = tpu.memref_slice %arg8[%dma_start3A_19, %dma_start3A_20] : memref<10240x16xf32, #tpu.memory_space<vmem_shared>> -> memref<10240x16xf32, #tpu.memory_space<vmem_shared>>
        tpu.enqueue_indirect_dma source(%arg7 : memref<125x16xf32, #tpu.memory_space<vmem>>) target(%dma_start3A_21 : memref<10240x16xf32, #tpu.memory_space<vmem_shared>>) offsets(%dma_start3A_18 : memref<125xi32, #tpu.memory_space<vmem>>) semaphore(%run_scoped3A : memref<!tpu.dma_semaphore, #tpu.memory_space<semaphore_mem>>) {add = true}
        %dma_wait3A = arith.constant 0 : i32
        %dma_wait3A_22 = tpu.memref_slice %arg6[%add3A_16, %dma_wait3A] : memref<80x125xi32, #tpu.memory_space<vmem>> -> memref<1x125xi32, #tpu.memory_space<vmem>>
        %dma_wait3A_23 = tpu.memref_squeeze %dma_wait3A_22 : memref<1x125xi32, #tpu.memory_space<vmem>> -> memref<125xi32, #tpu.memory_space<vmem>>
        %dma_wait3A_24 = arith.constant 0 : i32
        %dma_wait3A_25 = arith.constant 0 : i32
        %dma_wait3A_26 = tpu.memref_slice %arg8[%dma_wait3A_24, %dma_wait3A_25] : memref<10240x16xf32, #tpu.memory_space<vmem_shared>> -> memref<10240x16xf32, #tpu.memory_space<vmem_shared>>
        tpu.wait_indirect_dma semaphore(%run_scoped3A : memref<!tpu.dma_semaphore, #tpu.memory_space<semaphore_mem>>) src(%arg7 : memref<125x16xf32, #tpu.memory_space<vmem>>) dst(%dma_wait3A_26 : memref<10240x16xf32, #tpu.memory_space<vmem_shared>>)
        tpu.yield
      }) : () -> ()
    }
    %scan3A_6 = arith.constant 80 : i32
    %barrier3A_7 = arith.constant 0 : index
    tpu.barrier barrier_id(%barrier3A_7)
    %mul3A_8 = arith.constant 640 : i32
    %mul3A_9 = arith.muli %arg1, %mul3A_8 : i32
    %mul3A_10 = arith.constant 640 : i32
    %mul3A_11 = arith.muli %arg1, %mul3A_10 : i32
    "tpu.region"() ({
      %run_scoped3A = tpu.sem_alloc : memref<!tpu.dma_semaphore, #tpu.memory_space<semaphore_mem>>
      %dma_start3A = arith.constant 0 : i32
      %dma_start3A_12 = tpu.memref_slice %arg5[%arg0, %mul3A_11, %dma_start3A] : memref<2x10240x16xf32, #tpu.memory_space<hbm>> -> memref<1x640x16xf32, #tpu.memory_space<hbm>>
      %dma_start3A_13 = tpu.memref_squeeze %dma_start3A_12 : memref<1x640x16xf32, #tpu.memory_space<hbm>> -> memref<640x16xf32, #tpu.memory_space<hbm>>
      %dma_start3A_14 = arith.constant 0 : i32
      %dma_start3A_15 = tpu.memref_slice %arg8[%mul3A_9, %dma_start3A_14] : memref<10240x16xf32, #tpu.memory_space<vmem_shared>> -> memref<640x16xf32, #tpu.memory_space<vmem_shared>>
      tpu.enqueue_dma source(%dma_start3A_15 : memref<640x16xf32, #tpu.memory_space<vmem_shared>>) target(%dma_start3A_13 : memref<640x16xf32, #tpu.memory_space<hbm>>) target_semaphore(%run_scoped3A : memref<!tpu.dma_semaphore, #tpu.memory_space<semaphore_mem>>)
      %dma_wait3A = arith.constant 0 : i32
      %dma_wait3A_16 = tpu.memref_slice %arg5[%arg0, %mul3A_11, %dma_wait3A] : memref<2x10240x16xf32, #tpu.memory_space<hbm>> -> memref<1x640x16xf32, #tpu.memory_space<hbm>>
      %dma_wait3A_17 = tpu.memref_squeeze %dma_wait3A_16 : memref<1x640x16xf32, #tpu.memory_space<hbm>> -> memref<640x16xf32, #tpu.memory_space<hbm>>
      %dma_wait3A_18 = arith.constant 0 : i32
      %dma_wait3A_19 = tpu.memref_slice %arg8[%mul3A_9, %dma_wait3A_18] : memref<10240x16xf32, #tpu.memory_space<vmem_shared>> -> memref<640x16xf32, #tpu.memory_space<vmem_shared>>
      tpu.wait_dma2 semaphore(%run_scoped3A : memref<!tpu.dma_semaphore, #tpu.memory_space<semaphore_mem>>) src(%dma_wait3A_19 : memref<640x16xf32, #tpu.memory_space<vmem_shared>>) dst(%dma_wait3A_17 : memref<640x16xf32, #tpu.memory_space<hbm>>)
      tpu.yield
    }) : () -> ()
    return
  }
}

#map = affine_map<(d0, d1) -> (0, 0)>
#map1 = affine_map<(d0, d1) -> (0, 0, 0)>
module attributes {stable_mosaic.version = 14 : i64} {
  func.func @edge_agg(%arg0: i32, %arg1: i32, %arg2: memref<10000x64xf32, #tpu.memory_space<hbm>>, %arg3: memref<32x80x125xi32, #tpu.memory_space<hbm>>, %arg4: memref<32x80x125xi32, #tpu.memory_space<hbm>>, %arg5: memref<640x64xf32, #tpu.memory_space<hbm>>, %arg6: memref<2x10240x64xf32, #tpu.memory_space<hbm>>, %arg7: memref<80x125xi32, #tpu.memory_space<vmem>>, %arg8: memref<80x125xi32, #tpu.memory_space<vmem>>, %arg9: memref<8x125x64xf32, #tpu.memory_space<vmem>>, %arg10: memref<10240x64xf32, #tpu.memory_space<vmem_shared>>, %arg11: memref<!tpu.dma_semaphore, #tpu.memory_space<semaphore_mem>>, %arg12: memref<!tpu.dma_semaphore, #tpu.memory_space<semaphore_mem>>, %arg13: memref<!tpu.dma_semaphore, #tpu.memory_space<semaphore_mem>>, %arg14: memref<!tpu.dma_semaphore, #tpu.memory_space<semaphore_mem>>, %arg15: memref<!tpu.dma_semaphore, #tpu.memory_space<semaphore_mem>>, %arg16: memref<!tpu.dma_semaphore, #tpu.memory_space<semaphore_mem>>, %arg17: memref<!tpu.dma_semaphore, #tpu.memory_space<semaphore_mem>>, %arg18: memref<!tpu.dma_semaphore, #tpu.memory_space<semaphore_mem>>, %arg19: memref<!tpu.dma_semaphore, #tpu.memory_space<semaphore_mem>>, %arg20: memref<!tpu.dma_semaphore, #tpu.memory_space<semaphore_mem>>, %arg21: memref<!tpu.dma_semaphore, #tpu.memory_space<semaphore_mem>>, %arg22: memref<!tpu.dma_semaphore, #tpu.memory_space<semaphore_mem>>, %arg23: memref<!tpu.dma_semaphore, #tpu.memory_space<semaphore_mem>>, %arg24: memref<!tpu.dma_semaphore, #tpu.memory_space<semaphore_mem>>, %arg25: memref<!tpu.dma_semaphore, #tpu.memory_space<semaphore_mem>>, %arg26: memref<!tpu.dma_semaphore, #tpu.memory_space<semaphore_mem>>) attributes {dimension_semantics = [#tpu.dimension_semantics<core_parallel>, #tpu.dimension_semantics<subcore_parallel>], iteration_bounds = array<i64: 2, 16>, scalar_prefetch = 0 : i64, scratch_operands = 20 : i64, tpu.core_type = #tpu.core_type<sc_vector_subcore>, window_params = [{transform_indices = #map}, {transform_indices = #map1}, {transform_indices = #map1}, {transform_indices = #map}, {transform_indices = #map1}]} {
    %mul3A = arith.constant 16 : i32
    %mul3A_0 = arith.muli %arg0, %mul3A : i32
    %add3A = arith.addi %mul3A_0, %arg1 : i32
    %mul3A_1 = arith.constant 640 : i32
    %mul3A_2 = arith.muli %arg1, %mul3A_1 : i32
    "tpu.region"() ({
      %run_scoped3A = tpu.sem_alloc : memref<!tpu.dma_semaphore, #tpu.memory_space<semaphore_mem>>
      %dma_start3A_394 = arith.constant 0 : i32
      %dma_start3A_395 = tpu.memref_slice %arg10[%mul3A_2, %dma_start3A_394] : memref<10240x64xf32, #tpu.memory_space<vmem_shared>> -> memref<640x64xf32, #tpu.memory_space<vmem_shared>>
      tpu.enqueue_dma source(%arg5 : memref<640x64xf32, #tpu.memory_space<hbm>>) target(%dma_start3A_395 : memref<640x64xf32, #tpu.memory_space<vmem_shared>>) target_semaphore(%run_scoped3A : memref<!tpu.dma_semaphore, #tpu.memory_space<semaphore_mem>>)
      %dma_wait3A_396 = arith.constant 0 : i32
      %dma_wait3A_397 = tpu.memref_slice %arg10[%mul3A_2, %dma_wait3A_396] : memref<10240x64xf32, #tpu.memory_space<vmem_shared>> -> memref<640x64xf32, #tpu.memory_space<vmem_shared>>
      tpu.wait_dma2 semaphore(%run_scoped3A : memref<!tpu.dma_semaphore, #tpu.memory_space<semaphore_mem>>) src(%arg5 : memref<640x64xf32, #tpu.memory_space<hbm>>) dst(%dma_wait3A_397 : memref<640x64xf32, #tpu.memory_space<vmem_shared>>)
      tpu.yield
    }) : () -> ()
    "tpu.region"() ({
      %run_scoped3A = tpu.sem_alloc : memref<!tpu.dma_semaphore, #tpu.memory_space<semaphore_mem>>
      %dma_start3A_394 = arith.constant 0 : i32
      %dma_start3A_395 = arith.constant 0 : i32
      %dma_start3A_396 = tpu.memref_slice %arg3[%add3A, %dma_start3A_394, %dma_start3A_395] : memref<32x80x125xi32, #tpu.memory_space<hbm>> -> memref<1x80x125xi32, #tpu.memory_space<hbm>>
      %dma_start3A_397 = tpu.memref_squeeze %dma_start3A_396 : memref<1x80x125xi32, #tpu.memory_space<hbm>> -> memref<80x125xi32, #tpu.memory_space<hbm>>
      %dma_start3A_398 = arith.constant 0 : i32
      %dma_start3A_399 = arith.constant 0 : i32
      %dma_start3A_400 = tpu.memref_slice %arg3[%add3A, %dma_start3A_398, %dma_start3A_399] : memref<32x80x125xi32, #tpu.memory_space<hbm>> -> memref<1x80x125xi32, #tpu.memory_space<hbm>>
      %dma_start3A_401 = tpu.memref_squeeze %dma_start3A_400 : memref<1x80x125xi32, #tpu.memory_space<hbm>> -> memref<80x125xi32, #tpu.memory_space<hbm>>
      tpu.enqueue_dma source(%dma_start3A_401 : memref<80x125xi32, #tpu.memory_space<hbm>>) target(%arg7 : memref<80x125xi32, #tpu.memory_space<vmem>>) target_semaphore(%run_scoped3A : memref<!tpu.dma_semaphore, #tpu.memory_space<semaphore_mem>>)
      %dma_wait3A_402 = arith.constant 0 : i32
      %dma_wait3A_403 = arith.constant 0 : i32
      %dma_wait3A_404 = tpu.memref_slice %arg3[%add3A, %dma_wait3A_402, %dma_wait3A_403] : memref<32x80x125xi32, #tpu.memory_space<hbm>> -> memref<1x80x125xi32, #tpu.memory_space<hbm>>
      %dma_wait3A_405 = tpu.memref_squeeze %dma_wait3A_404 : memref<1x80x125xi32, #tpu.memory_space<hbm>> -> memref<80x125xi32, #tpu.memory_space<hbm>>
      %dma_wait3A_406 = arith.constant 0 : i32
      %dma_wait3A_407 = arith.constant 0 : i32
      %dma_wait3A_408 = tpu.memref_slice %arg3[%add3A, %dma_wait3A_406, %dma_wait3A_407] : memref<32x80x125xi32, #tpu.memory_space<hbm>> -> memref<1x80x125xi32, #tpu.memory_space<hbm>>
      %dma_wait3A_409 = tpu.memref_squeeze %dma_wait3A_408 : memref<1x80x125xi32, #tpu.memory_space<hbm>> -> memref<80x125xi32, #tpu.memory_space<hbm>>
      tpu.wait_dma2 semaphore(%run_scoped3A : memref<!tpu.dma_semaphore, #tpu.memory_space<semaphore_mem>>) src(%dma_wait3A_409 : memref<80x125xi32, #tpu.memory_space<hbm>>) dst(%arg7 : memref<80x125xi32, #tpu.memory_space<vmem>>)
      tpu.yield
    }) : () -> ()
    "tpu.region"() ({
      %run_scoped3A = tpu.sem_alloc : memref<!tpu.dma_semaphore, #tpu.memory_space<semaphore_mem>>
      %dma_start3A_394 = arith.constant 0 : i32
      %dma_start3A_395 = arith.constant 0 : i32
      %dma_start3A_396 = tpu.memref_slice %arg4[%add3A, %dma_start3A_394, %dma_start3A_395] : memref<32x80x125xi32, #tpu.memory_space<hbm>> -> memref<1x80x125xi32, #tpu.memory_space<hbm>>
      %dma_start3A_397 = tpu.memref_squeeze %dma_start3A_396 : memref<1x80x125xi32, #tpu.memory_space<hbm>> -> memref<80x125xi32, #tpu.memory_space<hbm>>
      %dma_start3A_398 = arith.constant 0 : i32
      %dma_start3A_399 = arith.constant 0 : i32
      %dma_start3A_400 = tpu.memref_slice %arg4[%add3A, %dma_start3A_398, %dma_start3A_399] : memref<32x80x125xi32, #tpu.memory_space<hbm>> -> memref<1x80x125xi32, #tpu.memory_space<hbm>>
      %dma_start3A_401 = tpu.memref_squeeze %dma_start3A_400 : memref<1x80x125xi32, #tpu.memory_space<hbm>> -> memref<80x125xi32, #tpu.memory_space<hbm>>
      tpu.enqueue_dma source(%dma_start3A_401 : memref<80x125xi32, #tpu.memory_space<hbm>>) target(%arg8 : memref<80x125xi32, #tpu.memory_space<vmem>>) target_semaphore(%run_scoped3A : memref<!tpu.dma_semaphore, #tpu.memory_space<semaphore_mem>>)
      %dma_wait3A_402 = arith.constant 0 : i32
      %dma_wait3A_403 = arith.constant 0 : i32
      %dma_wait3A_404 = tpu.memref_slice %arg4[%add3A, %dma_wait3A_402, %dma_wait3A_403] : memref<32x80x125xi32, #tpu.memory_space<hbm>> -> memref<1x80x125xi32, #tpu.memory_space<hbm>>
      %dma_wait3A_405 = tpu.memref_squeeze %dma_wait3A_404 : memref<1x80x125xi32, #tpu.memory_space<hbm>> -> memref<80x125xi32, #tpu.memory_space<hbm>>
      %dma_wait3A_406 = arith.constant 0 : i32
      %dma_wait3A_407 = arith.constant 0 : i32
      %dma_wait3A_408 = tpu.memref_slice %arg4[%add3A, %dma_wait3A_406, %dma_wait3A_407] : memref<32x80x125xi32, #tpu.memory_space<hbm>> -> memref<1x80x125xi32, #tpu.memory_space<hbm>>
      %dma_wait3A_409 = tpu.memref_squeeze %dma_wait3A_408 : memref<1x80x125xi32, #tpu.memory_space<hbm>> -> memref<80x125xi32, #tpu.memory_space<hbm>>
      tpu.wait_dma2 semaphore(%run_scoped3A : memref<!tpu.dma_semaphore, #tpu.memory_space<semaphore_mem>>) src(%dma_wait3A_409 : memref<80x125xi32, #tpu.memory_space<hbm>>) dst(%arg8 : memref<80x125xi32, #tpu.memory_space<vmem>>)
      tpu.yield
    }) : () -> ()
    %barrier3A = arith.constant 0 : index
    tpu.barrier barrier_id(%barrier3A)
    %dma_start3A = arith.constant 0 : i32
    %dma_start3A_3 = arith.constant 0 : i32
    %dma_start3A_4 = arith.constant 0 : i32
    %dma_start3A_5 = arith.constant 0 : i32
    %dma_start3A_6 = tpu.memref_slice %arg9[%dma_start3A_3, %dma_start3A_4, %dma_start3A_5] : memref<8x125x64xf32, #tpu.memory_space<vmem>> -> memref<1x125x64xf32, #tpu.memory_space<vmem>>
    %dma_start3A_7 = tpu.memref_squeeze %dma_start3A_6 : memref<1x125x64xf32, #tpu.memory_space<vmem>> -> memref<125x64xf32, #tpu.memory_space<vmem>>
    %dma_start3A_8 = arith.constant 0 : i32
    %dma_start3A_9 = tpu.memref_slice %arg7[%dma_start3A, %dma_start3A_8] : memref<80x125xi32, #tpu.memory_space<vmem>> -> memref<1x125xi32, #tpu.memory_space<vmem>>
    %dma_start3A_10 = tpu.memref_squeeze %dma_start3A_9 : memref<1x125xi32, #tpu.memory_space<vmem>> -> memref<125xi32, #tpu.memory_space<vmem>>
    %dma_start3A_11 = arith.constant 0 : i32
    %dma_start3A_12 = arith.constant 0 : i32
    %dma_start3A_13 = tpu.memref_slice %arg2[%dma_start3A_11, %dma_start3A_12] : memref<10000x64xf32, #tpu.memory_space<hbm>> -> memref<10000x64xf32, #tpu.memory_space<hbm>>
    tpu.enqueue_indirect_dma source(%dma_start3A_13 : memref<10000x64xf32, #tpu.memory_space<hbm>>) target(%dma_start3A_7 : memref<125x64xf32, #tpu.memory_space<vmem>>) offsets(%dma_start3A_10 : memref<125xi32, #tpu.memory_space<vmem>>) semaphore(%arg11 : memref<!tpu.dma_semaphore, #tpu.memory_space<semaphore_mem>>)
    %dma_start3A_14 = arith.constant 1 : i32
    %dma_start3A_15 = arith.constant 1 : i32
    %dma_start3A_16 = arith.constant 0 : i32
    %dma_start3A_17 = arith.constant 0 : i32
    %dma_start3A_18 = tpu.memref_slice %arg9[%dma_start3A_15, %dma_start3A_16, %dma_start3A_17] : memref<8x125x64xf32, #tpu.memory_space<vmem>> -> memref<1x125x64xf32, #tpu.memory_space<vmem>>
    %dma_start3A_19 = tpu.memref_squeeze %dma_start3A_18 : memref<1x125x64xf32, #tpu.memory_space<vmem>> -> memref<125x64xf32, #tpu.memory_space<vmem>>
    %dma_start3A_20 = arith.constant 0 : i32
    %dma_start3A_21 = tpu.memref_slice %arg7[%dma_start3A_14, %dma_start3A_20] : memref<80x125xi32, #tpu.memory_space<vmem>> -> memref<1x125xi32, #tpu.memory_space<vmem>>
    %dma_start3A_22 = tpu.memref_squeeze %dma_start3A_21 : memref<1x125xi32, #tpu.memory_space<vmem>> -> memref<125xi32, #tpu.memory_space<vmem>>
    %dma_start3A_23 = arith.constant 0 : i32
    %dma_start3A_24 = arith.constant 0 : i32
    %dma_start3A_25 = tpu.memref_slice %arg2[%dma_start3A_23, %dma_start3A_24] : memref<10000x64xf32, #tpu.memory_space<hbm>> -> memref<10000x64xf32, #tpu.memory_space<hbm>>
    tpu.enqueue_indirect_dma source(%dma_start3A_25 : memref<10000x64xf32, #tpu.memory_space<hbm>>) target(%dma_start3A_19 : memref<125x64xf32, #tpu.memory_space<vmem>>) offsets(%dma_start3A_22 : memref<125xi32, #tpu.memory_space<vmem>>) semaphore(%arg12 : memref<!tpu.dma_semaphore, #tpu.memory_space<semaphore_mem>>)
    %dma_start3A_26 = arith.constant 2 : i32
    %dma_start3A_27 = arith.constant 2 : i32
    %dma_start3A_28 = arith.constant 0 : i32
    %dma_start3A_29 = arith.constant 0 : i32
    %dma_start3A_30 = tpu.memref_slice %arg9[%dma_start3A_27, %dma_start3A_28, %dma_start3A_29] : memref<8x125x64xf32, #tpu.memory_space<vmem>> -> memref<1x125x64xf32, #tpu.memory_space<vmem>>
    %dma_start3A_31 = tpu.memref_squeeze %dma_start3A_30 : memref<1x125x64xf32, #tpu.memory_space<vmem>> -> memref<125x64xf32, #tpu.memory_space<vmem>>
    %dma_start3A_32 = arith.constant 0 : i32
    %dma_start3A_33 = tpu.memref_slice %arg7[%dma_start3A_26, %dma_start3A_32] : memref<80x125xi32, #tpu.memory_space<vmem>> -> memref<1x125xi32, #tpu.memory_space<vmem>>
    %dma_start3A_34 = tpu.memref_squeeze %dma_start3A_33 : memref<1x125xi32, #tpu.memory_space<vmem>> -> memref<125xi32, #tpu.memory_space<vmem>>
    %dma_start3A_35 = arith.constant 0 : i32
    %dma_start3A_36 = arith.constant 0 : i32
    %dma_start3A_37 = tpu.memref_slice %arg2[%dma_start3A_35, %dma_start3A_36] : memref<10000x64xf32, #tpu.memory_space<hbm>> -> memref<10000x64xf32, #tpu.memory_space<hbm>>
    tpu.enqueue_indirect_dma source(%dma_start3A_37 : memref<10000x64xf32, #tpu.memory_space<hbm>>) target(%dma_start3A_31 : memref<125x64xf32, #tpu.memory_space<vmem>>) offsets(%dma_start3A_34 : memref<125xi32, #tpu.memory_space<vmem>>) semaphore(%arg13 : memref<!tpu.dma_semaphore, #tpu.memory_space<semaphore_mem>>)
    %dma_start3A_38 = arith.constant 3 : i32
    %dma_start3A_39 = arith.constant 3 : i32
    %dma_start3A_40 = arith.constant 0 : i32
    %dma_start3A_41 = arith.constant 0 : i32
    %dma_start3A_42 = tpu.memref_slice %arg9[%dma_start3A_39, %dma_start3A_40, %dma_start3A_41] : memref<8x125x64xf32, #tpu.memory_space<vmem>> -> memref<1x125x64xf32, #tpu.memory_space<vmem>>
    %dma_start3A_43 = tpu.memref_squeeze %dma_start3A_42 : memref<1x125x64xf32, #tpu.memory_space<vmem>> -> memref<125x64xf32, #tpu.memory_space<vmem>>
    %dma_start3A_44 = arith.constant 0 : i32
    %dma_start3A_45 = tpu.memref_slice %arg7[%dma_start3A_38, %dma_start3A_44] : memref<80x125xi32, #tpu.memory_space<vmem>> -> memref<1x125xi32, #tpu.memory_space<vmem>>
    %dma_start3A_46 = tpu.memref_squeeze %dma_start3A_45 : memref<1x125xi32, #tpu.memory_space<vmem>> -> memref<125xi32, #tpu.memory_space<vmem>>
    %dma_start3A_47 = arith.constant 0 : i32
    %dma_start3A_48 = arith.constant 0 : i32
    %dma_start3A_49 = tpu.memref_slice %arg2[%dma_start3A_47, %dma_start3A_48] : memref<10000x64xf32, #tpu.memory_space<hbm>> -> memref<10000x64xf32, #tpu.memory_space<hbm>>
    tpu.enqueue_indirect_dma source(%dma_start3A_49 : memref<10000x64xf32, #tpu.memory_space<hbm>>) target(%dma_start3A_43 : memref<125x64xf32, #tpu.memory_space<vmem>>) offsets(%dma_start3A_46 : memref<125xi32, #tpu.memory_space<vmem>>) semaphore(%arg14 : memref<!tpu.dma_semaphore, #tpu.memory_space<semaphore_mem>>)
    %dma_start3A_50 = arith.constant 4 : i32
    %dma_start3A_51 = arith.constant 4 : i32
    %dma_start3A_52 = arith.constant 0 : i32
    %dma_start3A_53 = arith.constant 0 : i32
    %dma_start3A_54 = tpu.memref_slice %arg9[%dma_start3A_51, %dma_start3A_52, %dma_start3A_53] : memref<8x125x64xf32, #tpu.memory_space<vmem>> -> memref<1x125x64xf32, #tpu.memory_space<vmem>>
    %dma_start3A_55 = tpu.memref_squeeze %dma_start3A_54 : memref<1x125x64xf32, #tpu.memory_space<vmem>> -> memref<125x64xf32, #tpu.memory_space<vmem>>
    %dma_start3A_56 = arith.constant 0 : i32
    %dma_start3A_57 = tpu.memref_slice %arg7[%dma_start3A_50, %dma_start3A_56] : memref<80x125xi32, #tpu.memory_space<vmem>> -> memref<1x125xi32, #tpu.memory_space<vmem>>
    %dma_start3A_58 = tpu.memref_squeeze %dma_start3A_57 : memref<1x125xi32, #tpu.memory_space<vmem>> -> memref<125xi32, #tpu.memory_space<vmem>>
    %dma_start3A_59 = arith.constant 0 : i32
    %dma_start3A_60 = arith.constant 0 : i32
    %dma_start3A_61 = tpu.memref_slice %arg2[%dma_start3A_59, %dma_start3A_60] : memref<10000x64xf32, #tpu.memory_space<hbm>> -> memref<10000x64xf32, #tpu.memory_space<hbm>>
    tpu.enqueue_indirect_dma source(%dma_start3A_61 : memref<10000x64xf32, #tpu.memory_space<hbm>>) target(%dma_start3A_55 : memref<125x64xf32, #tpu.memory_space<vmem>>) offsets(%dma_start3A_58 : memref<125xi32, #tpu.memory_space<vmem>>) semaphore(%arg15 : memref<!tpu.dma_semaphore, #tpu.memory_space<semaphore_mem>>)
    %dma_start3A_62 = arith.constant 5 : i32
    %dma_start3A_63 = arith.constant 5 : i32
    %dma_start3A_64 = arith.constant 0 : i32
    %dma_start3A_65 = arith.constant 0 : i32
    %dma_start3A_66 = tpu.memref_slice %arg9[%dma_start3A_63, %dma_start3A_64, %dma_start3A_65] : memref<8x125x64xf32, #tpu.memory_space<vmem>> -> memref<1x125x64xf32, #tpu.memory_space<vmem>>
    %dma_start3A_67 = tpu.memref_squeeze %dma_start3A_66 : memref<1x125x64xf32, #tpu.memory_space<vmem>> -> memref<125x64xf32, #tpu.memory_space<vmem>>
    %dma_start3A_68 = arith.constant 0 : i32
    %dma_start3A_69 = tpu.memref_slice %arg7[%dma_start3A_62, %dma_start3A_68] : memref<80x125xi32, #tpu.memory_space<vmem>> -> memref<1x125xi32, #tpu.memory_space<vmem>>
    %dma_start3A_70 = tpu.memref_squeeze %dma_start3A_69 : memref<1x125xi32, #tpu.memory_space<vmem>> -> memref<125xi32, #tpu.memory_space<vmem>>
    %dma_start3A_71 = arith.constant 0 : i32
    %dma_start3A_72 = arith.constant 0 : i32
    %dma_start3A_73 = tpu.memref_slice %arg2[%dma_start3A_71, %dma_start3A_72] : memref<10000x64xf32, #tpu.memory_space<hbm>> -> memref<10000x64xf32, #tpu.memory_space<hbm>>
    tpu.enqueue_indirect_dma source(%dma_start3A_73 : memref<10000x64xf32, #tpu.memory_space<hbm>>) target(%dma_start3A_67 : memref<125x64xf32, #tpu.memory_space<vmem>>) offsets(%dma_start3A_70 : memref<125xi32, #tpu.memory_space<vmem>>) semaphore(%arg16 : memref<!tpu.dma_semaphore, #tpu.memory_space<semaphore_mem>>)
    %dma_start3A_74 = arith.constant 6 : i32
    %dma_start3A_75 = arith.constant 6 : i32
    %dma_start3A_76 = arith.constant 0 : i32
    %dma_start3A_77 = arith.constant 0 : i32
    %dma_start3A_78 = tpu.memref_slice %arg9[%dma_start3A_75, %dma_start3A_76, %dma_start3A_77] : memref<8x125x64xf32, #tpu.memory_space<vmem>> -> memref<1x125x64xf32, #tpu.memory_space<vmem>>
    %dma_start3A_79 = tpu.memref_squeeze %dma_start3A_78 : memref<1x125x64xf32, #tpu.memory_space<vmem>> -> memref<125x64xf32, #tpu.memory_space<vmem>>
    %dma_start3A_80 = arith.constant 0 : i32
    %dma_start3A_81 = tpu.memref_slice %arg7[%dma_start3A_74, %dma_start3A_80] : memref<80x125xi32, #tpu.memory_space<vmem>> -> memref<1x125xi32, #tpu.memory_space<vmem>>
    %dma_start3A_82 = tpu.memref_squeeze %dma_start3A_81 : memref<1x125xi32, #tpu.memory_space<vmem>> -> memref<125xi32, #tpu.memory_space<vmem>>
    %dma_start3A_83 = arith.constant 0 : i32
    %dma_start3A_84 = arith.constant 0 : i32
    %dma_start3A_85 = tpu.memref_slice %arg2[%dma_start3A_83, %dma_start3A_84] : memref<10000x64xf32, #tpu.memory_space<hbm>> -> memref<10000x64xf32, #tpu.memory_space<hbm>>
    tpu.enqueue_indirect_dma source(%dma_start3A_85 : memref<10000x64xf32, #tpu.memory_space<hbm>>) target(%dma_start3A_79 : memref<125x64xf32, #tpu.memory_space<vmem>>) offsets(%dma_start3A_82 : memref<125xi32, #tpu.memory_space<vmem>>) semaphore(%arg17 : memref<!tpu.dma_semaphore, #tpu.memory_space<semaphore_mem>>)
    %dma_start3A_86 = arith.constant 7 : i32
    %dma_start3A_87 = arith.constant 7 : i32
    %dma_start3A_88 = arith.constant 0 : i32
    %dma_start3A_89 = arith.constant 0 : i32
    %dma_start3A_90 = tpu.memref_slice %arg9[%dma_start3A_87, %dma_start3A_88, %dma_start3A_89] : memref<8x125x64xf32, #tpu.memory_space<vmem>> -> memref<1x125x64xf32, #tpu.memory_space<vmem>>
    %dma_start3A_91 = tpu.memref_squeeze %dma_start3A_90 : memref<1x125x64xf32, #tpu.memory_space<vmem>> -> memref<125x64xf32, #tpu.memory_space<vmem>>
    %dma_start3A_92 = arith.constant 0 : i32
    %dma_start3A_93 = tpu.memref_slice %arg7[%dma_start3A_86, %dma_start3A_92] : memref<80x125xi32, #tpu.memory_space<vmem>> -> memref<1x125xi32, #tpu.memory_space<vmem>>
    %dma_start3A_94 = tpu.memref_squeeze %dma_start3A_93 : memref<1x125xi32, #tpu.memory_space<vmem>> -> memref<125xi32, #tpu.memory_space<vmem>>
    %dma_start3A_95 = arith.constant 0 : i32
    %dma_start3A_96 = arith.constant 0 : i32
    %dma_start3A_97 = tpu.memref_slice %arg2[%dma_start3A_95, %dma_start3A_96] : memref<10000x64xf32, #tpu.memory_space<hbm>> -> memref<10000x64xf32, #tpu.memory_space<hbm>>
    tpu.enqueue_indirect_dma source(%dma_start3A_97 : memref<10000x64xf32, #tpu.memory_space<hbm>>) target(%dma_start3A_91 : memref<125x64xf32, #tpu.memory_space<vmem>>) offsets(%dma_start3A_94 : memref<125xi32, #tpu.memory_space<vmem>>) semaphore(%arg18 : memref<!tpu.dma_semaphore, #tpu.memory_space<semaphore_mem>>)
    %scan3A = arith.constant 0 : i32
    %scan3A_98 = arith.constant 9 : i32
    %scan3A_99 = arith.addi %scan3A, %scan3A_98 : i32
    %scan3A_100 = arith.constant 1 : i32
    scf.for %scan3A_394 = %scan3A to %scan3A_99 step %scan3A_100  : i32 {
      %mul3A_395 = arith.constant 1 : i32
      %mul3A_396 = arith.muli %scan3A_394, %mul3A_395 : i32
      %add3A_397 = arith.constant 0 : i32
      %add3A_398 = arith.addi %add3A_397, %mul3A_396 : i32
      %mul3A_399 = arith.constant 8 : i32
      %mul3A_400 = arith.muli %add3A_398, %mul3A_399 : i32
      %add3A_401 = arith.constant 0 : i32
      %add3A_402 = arith.addi %mul3A_400, %add3A_401 : i32
      %dma_wait3A_403 = arith.constant 0 : i32
      %dma_wait3A_404 = arith.constant 0 : i32
      %dma_wait3A_405 = arith.constant 0 : i32
      %dma_wait3A_406 = tpu.memref_slice %arg9[%dma_wait3A_403, %dma_wait3A_404, %dma_wait3A_405] : memref<8x125x64xf32, #tpu.memory_space<vmem>> -> memref<1x125x64xf32, #tpu.memory_space<vmem>>
      %dma_wait3A_407 = tpu.memref_squeeze %dma_wait3A_406 : memref<1x125x64xf32, #tpu.memory_space<vmem>> -> memref<125x64xf32, #tpu.memory_space<vmem>>
      %dma_wait3A_408 = arith.constant 0 : i32
      %dma_wait3A_409 = tpu.memref_slice %arg7[%add3A_402, %dma_wait3A_408] : memref<80x125xi32, #tpu.memory_space<vmem>> -> memref<1x125xi32, #tpu.memory_space<vmem>>
      %dma_wait3A_410 = tpu.memref_squeeze %dma_wait3A_409 : memref<1x125xi32, #tpu.memory_space<vmem>> -> memref<125xi32, #tpu.memory_space<vmem>>
      %dma_wait3A_411 = arith.constant 0 : i32
      %dma_wait3A_412 = arith.constant 0 : i32
      %dma_wait3A_413 = tpu.memref_slice %arg2[%dma_wait3A_411, %dma_wait3A_412] : memref<10000x64xf32, #tpu.memory_space<hbm>> -> memref<10000x64xf32, #tpu.memory_space<hbm>>
      tpu.wait_indirect_dma semaphore(%arg11 : memref<!tpu.dma_semaphore, #tpu.memory_space<semaphore_mem>>) src(%dma_wait3A_413 : memref<10000x64xf32, #tpu.memory_space<hbm>>) dst(%dma_wait3A_407 : memref<125x64xf32, #tpu.memory_space<vmem>>)
      %add3A_414 = arith.constant 0 : i32
      %add3A_415 = arith.addi %mul3A_400, %add3A_414 : i32
      %dma_start3A_416 = arith.constant 0 : i32
      %dma_start3A_417 = arith.constant 0 : i32
      %dma_start3A_418 = arith.constant 0 : i32
      %dma_start3A_419 = tpu.memref_slice %arg9[%dma_start3A_416, %dma_start3A_417, %dma_start3A_418] : memref<8x125x64xf32, #tpu.memory_space<vmem>> -> memref<1x125x64xf32, #tpu.memory_space<vmem>>
      %dma_start3A_420 = tpu.memref_squeeze %dma_start3A_419 : memref<1x125x64xf32, #tpu.memory_space<vmem>> -> memref<125x64xf32, #tpu.memory_space<vmem>>
      %dma_start3A_421 = arith.constant 0 : i32
      %dma_start3A_422 = tpu.memref_slice %arg8[%add3A_415, %dma_start3A_421] : memref<80x125xi32, #tpu.memory_space<vmem>> -> memref<1x125xi32, #tpu.memory_space<vmem>>
      %dma_start3A_423 = tpu.memref_squeeze %dma_start3A_422 : memref<1x125xi32, #tpu.memory_space<vmem>> -> memref<125xi32, #tpu.memory_space<vmem>>
      %dma_start3A_424 = arith.constant 0 : i32
      %dma_start3A_425 = arith.constant 0 : i32
      %dma_start3A_426 = tpu.memref_slice %arg10[%dma_start3A_424, %dma_start3A_425] : memref<10240x64xf32, #tpu.memory_space<vmem_shared>> -> memref<10240x64xf32, #tpu.memory_space<vmem_shared>>
      tpu.enqueue_indirect_dma source(%dma_start3A_420 : memref<125x64xf32, #tpu.memory_space<vmem>>) target(%dma_start3A_426 : memref<10240x64xf32, #tpu.memory_space<vmem_shared>>) offsets(%dma_start3A_423 : memref<125xi32, #tpu.memory_space<vmem>>) semaphore(%arg19 : memref<!tpu.dma_semaphore, #tpu.memory_space<semaphore_mem>>) {add = true}
      %add3A_427 = arith.constant 1 : i32
      %add3A_428 = arith.addi %mul3A_400, %add3A_427 : i32
      %dma_wait3A_429 = arith.constant 1 : i32
      %dma_wait3A_430 = arith.constant 0 : i32
      %dma_wait3A_431 = arith.constant 0 : i32
      %dma_wait3A_432 = tpu.memref_slice %arg9[%dma_wait3A_429, %dma_wait3A_430, %dma_wait3A_431] : memref<8x125x64xf32, #tpu.memory_space<vmem>> -> memref<1x125x64xf32, #tpu.memory_space<vmem>>
      %dma_wait3A_433 = tpu.memref_squeeze %dma_wait3A_432 : memref<1x125x64xf32, #tpu.memory_space<vmem>> -> memref<125x64xf32, #tpu.memory_space<vmem>>
      %dma_wait3A_434 = arith.constant 0 : i32
      %dma_wait3A_435 = tpu.memref_slice %arg7[%add3A_428, %dma_wait3A_434] : memref<80x125xi32, #tpu.memory_space<vmem>> -> memref<1x125xi32, #tpu.memory_space<vmem>>
      %dma_wait3A_436 = tpu.memref_squeeze %dma_wait3A_435 : memref<1x125xi32, #tpu.memory_space<vmem>> -> memref<125xi32, #tpu.memory_space<vmem>>
      %dma_wait3A_437 = arith.constant 0 : i32
      %dma_wait3A_438 = arith.constant 0 : i32
      %dma_wait3A_439 = tpu.memref_slice %arg2[%dma_wait3A_437, %dma_wait3A_438] : memref<10000x64xf32, #tpu.memory_space<hbm>> -> memref<10000x64xf32, #tpu.memory_space<hbm>>
      tpu.wait_indirect_dma semaphore(%arg12 : memref<!tpu.dma_semaphore, #tpu.memory_space<semaphore_mem>>) src(%dma_wait3A_439 : memref<10000x64xf32, #tpu.memory_space<hbm>>) dst(%dma_wait3A_433 : memref<125x64xf32, #tpu.memory_space<vmem>>)
      %add3A_440 = arith.constant 1 : i32
      %add3A_441 = arith.addi %mul3A_400, %add3A_440 : i32
      %dma_start3A_442 = arith.constant 1 : i32
      %dma_start3A_443 = arith.constant 0 : i32
      %dma_start3A_444 = arith.constant 0 : i32
      %dma_start3A_445 = tpu.memref_slice %arg9[%dma_start3A_442, %dma_start3A_443, %dma_start3A_444] : memref<8x125x64xf32, #tpu.memory_space<vmem>> -> memref<1x125x64xf32, #tpu.memory_space<vmem>>
      %dma_start3A_446 = tpu.memref_squeeze %dma_start3A_445 : memref<1x125x64xf32, #tpu.memory_space<vmem>> -> memref<125x64xf32, #tpu.memory_space<vmem>>
      %dma_start3A_447 = arith.constant 0 : i32
      %dma_start3A_448 = tpu.memref_slice %arg8[%add3A_441, %dma_start3A_447] : memref<80x125xi32, #tpu.memory_space<vmem>> -> memref<1x125xi32, #tpu.memory_space<vmem>>
      %dma_start3A_449 = tpu.memref_squeeze %dma_start3A_448 : memref<1x125xi32, #tpu.memory_space<vmem>> -> memref<125xi32, #tpu.memory_space<vmem>>
      %dma_start3A_450 = arith.constant 0 : i32
      %dma_start3A_451 = arith.constant 0 : i32
      %dma_start3A_452 = tpu.memref_slice %arg10[%dma_start3A_450, %dma_start3A_451] : memref<10240x64xf32, #tpu.memory_space<vmem_shared>> -> memref<10240x64xf32, #tpu.memory_space<vmem_shared>>
      tpu.enqueue_indirect_dma source(%dma_start3A_446 : memref<125x64xf32, #tpu.memory_space<vmem>>) target(%dma_start3A_452 : memref<10240x64xf32, #tpu.memory_space<vmem_shared>>) offsets(%dma_start3A_449 : memref<125xi32, #tpu.memory_space<vmem>>) semaphore(%arg20 : memref<!tpu.dma_semaphore, #tpu.memory_space<semaphore_mem>>) {add = true}
      %add3A_453 = arith.constant 2 : i32
      %add3A_454 = arith.addi %mul3A_400, %add3A_453 : i32
      %dma_wait3A_455 = arith.constant 2 : i32
      %dma_wait3A_456 = arith.constant 0 : i32
      %dma_wait3A_457 = arith.constant 0 : i32
      %dma_wait3A_458 = tpu.memref_slice %arg9[%dma_wait3A_455, %dma_wait3A_456, %dma_wait3A_457] : memref<8x125x64xf32, #tpu.memory_space<vmem>> -> memref<1x125x64xf32, #tpu.memory_space<vmem>>
      %dma_wait3A_459 = tpu.memref_squeeze %dma_wait3A_458 : memref<1x125x64xf32, #tpu.memory_space<vmem>> -> memref<125x64xf32, #tpu.memory_space<vmem>>
      %dma_wait3A_460 = arith.constant 0 : i32
      %dma_wait3A_461 = tpu.memref_slice %arg7[%add3A_454, %dma_wait3A_460] : memref<80x125xi32, #tpu.memory_space<vmem>> -> memref<1x125xi32, #tpu.memory_space<vmem>>
      %dma_wait3A_462 = tpu.memref_squeeze %dma_wait3A_461 : memref<1x125xi32, #tpu.memory_space<vmem>> -> memref<125xi32, #tpu.memory_space<vmem>>
      %dma_wait3A_463 = arith.constant 0 : i32
      %dma_wait3A_464 = arith.constant 0 : i32
      %dma_wait3A_465 = tpu.memref_slice %arg2[%dma_wait3A_463, %dma_wait3A_464] : memref<10000x64xf32, #tpu.memory_space<hbm>> -> memref<10000x64xf32, #tpu.memory_space<hbm>>
      tpu.wait_indirect_dma semaphore(%arg13 : memref<!tpu.dma_semaphore, #tpu.memory_space<semaphore_mem>>) src(%dma_wait3A_465 : memref<10000x64xf32, #tpu.memory_space<hbm>>) dst(%dma_wait3A_459 : memref<125x64xf32, #tpu.memory_space<vmem>>)
      %add3A_466 = arith.constant 2 : i32
      %add3A_467 = arith.addi %mul3A_400, %add3A_466 : i32
      %dma_start3A_468 = arith.constant 2 : i32
      %dma_start3A_469 = arith.constant 0 : i32
      %dma_start3A_470 = arith.constant 0 : i32
      %dma_start3A_471 = tpu.memref_slice %arg9[%dma_start3A_468, %dma_start3A_469, %dma_start3A_470] : memref<8x125x64xf32, #tpu.memory_space<vmem>> -> memref<1x125x64xf32, #tpu.memory_space<vmem>>
      %dma_start3A_472 = tpu.memref_squeeze %dma_start3A_471 : memref<1x125x64xf32, #tpu.memory_space<vmem>> -> memref<125x64xf32, #tpu.memory_space<vmem>>
      %dma_start3A_473 = arith.constant 0 : i32
      %dma_start3A_474 = tpu.memref_slice %arg8[%add3A_467, %dma_start3A_473] : memref<80x125xi32, #tpu.memory_space<vmem>> -> memref<1x125xi32, #tpu.memory_space<vmem>>
      %dma_start3A_475 = tpu.memref_squeeze %dma_start3A_474 : memref<1x125xi32, #tpu.memory_space<vmem>> -> memref<125xi32, #tpu.memory_space<vmem>>
      %dma_start3A_476 = arith.constant 0 : i32
      %dma_start3A_477 = arith.constant 0 : i32
      %dma_start3A_478 = tpu.memref_slice %arg10[%dma_start3A_476, %dma_start3A_477] : memref<10240x64xf32, #tpu.memory_space<vmem_shared>> -> memref<10240x64xf32, #tpu.memory_space<vmem_shared>>
      tpu.enqueue_indirect_dma source(%dma_start3A_472 : memref<125x64xf32, #tpu.memory_space<vmem>>) target(%dma_start3A_478 : memref<10240x64xf32, #tpu.memory_space<vmem_shared>>) offsets(%dma_start3A_475 : memref<125xi32, #tpu.memory_space<vmem>>) semaphore(%arg21 : memref<!tpu.dma_semaphore, #tpu.memory_space<semaphore_mem>>) {add = true}
      %add3A_479 = arith.constant 3 : i32
      %add3A_480 = arith.addi %mul3A_400, %add3A_479 : i32
      %dma_wait3A_481 = arith.constant 3 : i32
      %dma_wait3A_482 = arith.constant 0 : i32
      %dma_wait3A_483 = arith.constant 0 : i32
      %dma_wait3A_484 = tpu.memref_slice %arg9[%dma_wait3A_481, %dma_wait3A_482, %dma_wait3A_483] : memref<8x125x64xf32, #tpu.memory_space<vmem>> -> memref<1x125x64xf32, #tpu.memory_space<vmem>>
      %dma_wait3A_485 = tpu.memref_squeeze %dma_wait3A_484 : memref<1x125x64xf32, #tpu.memory_space<vmem>> -> memref<125x64xf32, #tpu.memory_space<vmem>>
      %dma_wait3A_486 = arith.constant 0 : i32
      %dma_wait3A_487 = tpu.memref_slice %arg7[%add3A_480, %dma_wait3A_486] : memref<80x125xi32, #tpu.memory_space<vmem>> -> memref<1x125xi32, #tpu.memory_space<vmem>>
      %dma_wait3A_488 = tpu.memref_squeeze %dma_wait3A_487 : memref<1x125xi32, #tpu.memory_space<vmem>> -> memref<125xi32, #tpu.memory_space<vmem>>
      %dma_wait3A_489 = arith.constant 0 : i32
      %dma_wait3A_490 = arith.constant 0 : i32
      %dma_wait3A_491 = tpu.memref_slice %arg2[%dma_wait3A_489, %dma_wait3A_490] : memref<10000x64xf32, #tpu.memory_space<hbm>> -> memref<10000x64xf32, #tpu.memory_space<hbm>>
      tpu.wait_indirect_dma semaphore(%arg14 : memref<!tpu.dma_semaphore, #tpu.memory_space<semaphore_mem>>) src(%dma_wait3A_491 : memref<10000x64xf32, #tpu.memory_space<hbm>>) dst(%dma_wait3A_485 : memref<125x64xf32, #tpu.memory_space<vmem>>)
      %add3A_492 = arith.constant 3 : i32
      %add3A_493 = arith.addi %mul3A_400, %add3A_492 : i32
      %dma_start3A_494 = arith.constant 3 : i32
      %dma_start3A_495 = arith.constant 0 : i32
      %dma_start3A_496 = arith.constant 0 : i32
      %dma_start3A_497 = tpu.memref_slice %arg9[%dma_start3A_494, %dma_start3A_495, %dma_start3A_496] : memref<8x125x64xf32, #tpu.memory_space<vmem>> -> memref<1x125x64xf32, #tpu.memory_space<vmem>>
      %dma_start3A_498 = tpu.memref_squeeze %dma_start3A_497 : memref<1x125x64xf32, #tpu.memory_space<vmem>> -> memref<125x64xf32, #tpu.memory_space<vmem>>
      %dma_start3A_499 = arith.constant 0 : i32
      %dma_start3A_500 = tpu.memref_slice %arg8[%add3A_493, %dma_start3A_499] : memref<80x125xi32, #tpu.memory_space<vmem>> -> memref<1x125xi32, #tpu.memory_space<vmem>>
      %dma_start3A_501 = tpu.memref_squeeze %dma_start3A_500 : memref<1x125xi32, #tpu.memory_space<vmem>> -> memref<125xi32, #tpu.memory_space<vmem>>
      %dma_start3A_502 = arith.constant 0 : i32
      %dma_start3A_503 = arith.constant 0 : i32
      %dma_start3A_504 = tpu.memref_slice %arg10[%dma_start3A_502, %dma_start3A_503] : memref<10240x64xf32, #tpu.memory_space<vmem_shared>> -> memref<10240x64xf32, #tpu.memory_space<vmem_shared>>
      tpu.enqueue_indirect_dma source(%dma_start3A_498 : memref<125x64xf32, #tpu.memory_space<vmem>>) target(%dma_start3A_504 : memref<10240x64xf32, #tpu.memory_space<vmem_shared>>) offsets(%dma_start3A_501 : memref<125xi32, #tpu.memory_space<vmem>>) semaphore(%arg22 : memref<!tpu.dma_semaphore, #tpu.memory_space<semaphore_mem>>) {add = true}
      %add3A_505 = arith.constant 4 : i32
      %add3A_506 = arith.addi %mul3A_400, %add3A_505 : i32
      %dma_wait3A_507 = arith.constant 4 : i32
      %dma_wait3A_508 = arith.constant 0 : i32
      %dma_wait3A_509 = arith.constant 0 : i32
      %dma_wait3A_510 = tpu.memref_slice %arg9[%dma_wait3A_507, %dma_wait3A_508, %dma_wait3A_509] : memref<8x125x64xf32, #tpu.memory_space<vmem>> -> memref<1x125x64xf32, #tpu.memory_space<vmem>>
      %dma_wait3A_511 = tpu.memref_squeeze %dma_wait3A_510 : memref<1x125x64xf32, #tpu.memory_space<vmem>> -> memref<125x64xf32, #tpu.memory_space<vmem>>
      %dma_wait3A_512 = arith.constant 0 : i32
      %dma_wait3A_513 = tpu.memref_slice %arg7[%add3A_506, %dma_wait3A_512] : memref<80x125xi32, #tpu.memory_space<vmem>> -> memref<1x125xi32, #tpu.memory_space<vmem>>
      %dma_wait3A_514 = tpu.memref_squeeze %dma_wait3A_513 : memref<1x125xi32, #tpu.memory_space<vmem>> -> memref<125xi32, #tpu.memory_space<vmem>>
      %dma_wait3A_515 = arith.constant 0 : i32
      %dma_wait3A_516 = arith.constant 0 : i32
      %dma_wait3A_517 = tpu.memref_slice %arg2[%dma_wait3A_515, %dma_wait3A_516] : memref<10000x64xf32, #tpu.memory_space<hbm>> -> memref<10000x64xf32, #tpu.memory_space<hbm>>
      tpu.wait_indirect_dma semaphore(%arg15 : memref<!tpu.dma_semaphore, #tpu.memory_space<semaphore_mem>>) src(%dma_wait3A_517 : memref<10000x64xf32, #tpu.memory_space<hbm>>) dst(%dma_wait3A_511 : memref<125x64xf32, #tpu.memory_space<vmem>>)
      %add3A_518 = arith.constant 4 : i32
      %add3A_519 = arith.addi %mul3A_400, %add3A_518 : i32
      %dma_start3A_520 = arith.constant 4 : i32
      %dma_start3A_521 = arith.constant 0 : i32
      %dma_start3A_522 = arith.constant 0 : i32
      %dma_start3A_523 = tpu.memref_slice %arg9[%dma_start3A_520, %dma_start3A_521, %dma_start3A_522] : memref<8x125x64xf32, #tpu.memory_space<vmem>> -> memref<1x125x64xf32, #tpu.memory_space<vmem>>
      %dma_start3A_524 = tpu.memref_squeeze %dma_start3A_523 : memref<1x125x64xf32, #tpu.memory_space<vmem>> -> memref<125x64xf32, #tpu.memory_space<vmem>>
      %dma_start3A_525 = arith.constant 0 : i32
      %dma_start3A_526 = tpu.memref_slice %arg8[%add3A_519, %dma_start3A_525] : memref<80x125xi32, #tpu.memory_space<vmem>> -> memref<1x125xi32, #tpu.memory_space<vmem>>
      %dma_start3A_527 = tpu.memref_squeeze %dma_start3A_526 : memref<1x125xi32, #tpu.memory_space<vmem>> -> memref<125xi32, #tpu.memory_space<vmem>>
      %dma_start3A_528 = arith.constant 0 : i32
      %dma_start3A_529 = arith.constant 0 : i32
      %dma_start3A_530 = tpu.memref_slice %arg10[%dma_start3A_528, %dma_start3A_529] : memref<10240x64xf32, #tpu.memory_space<vmem_shared>> -> memref<10240x64xf32, #tpu.memory_space<vmem_shared>>
      tpu.enqueue_indirect_dma source(%dma_start3A_524 : memref<125x64xf32, #tpu.memory_space<vmem>>) target(%dma_start3A_530 : memref<10240x64xf32, #tpu.memory_space<vmem_shared>>) offsets(%dma_start3A_527 : memref<125xi32, #tpu.memory_space<vmem>>) semaphore(%arg23 : memref<!tpu.dma_semaphore, #tpu.memory_space<semaphore_mem>>) {add = true}
      %add3A_531 = arith.constant 5 : i32
      %add3A_532 = arith.addi %mul3A_400, %add3A_531 : i32
      %dma_wait3A_533 = arith.constant 5 : i32
      %dma_wait3A_534 = arith.constant 0 : i32
      %dma_wait3A_535 = arith.constant 0 : i32
      %dma_wait3A_536 = tpu.memref_slice %arg9[%dma_wait3A_533, %dma_wait3A_534, %dma_wait3A_535] : memref<8x125x64xf32, #tpu.memory_space<vmem>> -> memref<1x125x64xf32, #tpu.memory_space<vmem>>
      %dma_wait3A_537 = tpu.memref_squeeze %dma_wait3A_536 : memref<1x125x64xf32, #tpu.memory_space<vmem>> -> memref<125x64xf32, #tpu.memory_space<vmem>>
      %dma_wait3A_538 = arith.constant 0 : i32
      %dma_wait3A_539 = tpu.memref_slice %arg7[%add3A_532, %dma_wait3A_538] : memref<80x125xi32, #tpu.memory_space<vmem>> -> memref<1x125xi32, #tpu.memory_space<vmem>>
      %dma_wait3A_540 = tpu.memref_squeeze %dma_wait3A_539 : memref<1x125xi32, #tpu.memory_space<vmem>> -> memref<125xi32, #tpu.memory_space<vmem>>
      %dma_wait3A_541 = arith.constant 0 : i32
      %dma_wait3A_542 = arith.constant 0 : i32
      %dma_wait3A_543 = tpu.memref_slice %arg2[%dma_wait3A_541, %dma_wait3A_542] : memref<10000x64xf32, #tpu.memory_space<hbm>> -> memref<10000x64xf32, #tpu.memory_space<hbm>>
      tpu.wait_indirect_dma semaphore(%arg16 : memref<!tpu.dma_semaphore, #tpu.memory_space<semaphore_mem>>) src(%dma_wait3A_543 : memref<10000x64xf32, #tpu.memory_space<hbm>>) dst(%dma_wait3A_537 : memref<125x64xf32, #tpu.memory_space<vmem>>)
      %add3A_544 = arith.constant 5 : i32
      %add3A_545 = arith.addi %mul3A_400, %add3A_544 : i32
      %dma_start3A_546 = arith.constant 5 : i32
      %dma_start3A_547 = arith.constant 0 : i32
      %dma_start3A_548 = arith.constant 0 : i32
      %dma_start3A_549 = tpu.memref_slice %arg9[%dma_start3A_546, %dma_start3A_547, %dma_start3A_548] : memref<8x125x64xf32, #tpu.memory_space<vmem>> -> memref<1x125x64xf32, #tpu.memory_space<vmem>>
      %dma_start3A_550 = tpu.memref_squeeze %dma_start3A_549 : memref<1x125x64xf32, #tpu.memory_space<vmem>> -> memref<125x64xf32, #tpu.memory_space<vmem>>
      %dma_start3A_551 = arith.constant 0 : i32
      %dma_start3A_552 = tpu.memref_slice %arg8[%add3A_545, %dma_start3A_551] : memref<80x125xi32, #tpu.memory_space<vmem>> -> memref<1x125xi32, #tpu.memory_space<vmem>>
      %dma_start3A_553 = tpu.memref_squeeze %dma_start3A_552 : memref<1x125xi32, #tpu.memory_space<vmem>> -> memref<125xi32, #tpu.memory_space<vmem>>
      %dma_start3A_554 = arith.constant 0 : i32
      %dma_start3A_555 = arith.constant 0 : i32
      %dma_start3A_556 = tpu.memref_slice %arg10[%dma_start3A_554, %dma_start3A_555] : memref<10240x64xf32, #tpu.memory_space<vmem_shared>> -> memref<10240x64xf32, #tpu.memory_space<vmem_shared>>
      tpu.enqueue_indirect_dma source(%dma_start3A_550 : memref<125x64xf32, #tpu.memory_space<vmem>>) target(%dma_start3A_556 : memref<10240x64xf32, #tpu.memory_space<vmem_shared>>) offsets(%dma_start3A_553 : memref<125xi32, #tpu.memory_space<vmem>>) semaphore(%arg24 : memref<!tpu.dma_semaphore, #tpu.memory_space<semaphore_mem>>) {add = true}
      %add3A_557 = arith.constant 6 : i32
      %add3A_558 = arith.addi %mul3A_400, %add3A_557 : i32
      %dma_wait3A_559 = arith.constant 6 : i32
      %dma_wait3A_560 = arith.constant 0 : i32
      %dma_wait3A_561 = arith.constant 0 : i32
      %dma_wait3A_562 = tpu.memref_slice %arg9[%dma_wait3A_559, %dma_wait3A_560, %dma_wait3A_561] : memref<8x125x64xf32, #tpu.memory_space<vmem>> -> memref<1x125x64xf32, #tpu.memory_space<vmem>>
      %dma_wait3A_563 = tpu.memref_squeeze %dma_wait3A_562 : memref<1x125x64xf32, #tpu.memory_space<vmem>> -> memref<125x64xf32, #tpu.memory_space<vmem>>
      %dma_wait3A_564 = arith.constant 0 : i32
      %dma_wait3A_565 = tpu.memref_slice %arg7[%add3A_558, %dma_wait3A_564] : memref<80x125xi32, #tpu.memory_space<vmem>> -> memref<1x125xi32, #tpu.memory_space<vmem>>
      %dma_wait3A_566 = tpu.memref_squeeze %dma_wait3A_565 : memref<1x125xi32, #tpu.memory_space<vmem>> -> memref<125xi32, #tpu.memory_space<vmem>>
      %dma_wait3A_567 = arith.constant 0 : i32
      %dma_wait3A_568 = arith.constant 0 : i32
      %dma_wait3A_569 = tpu.memref_slice %arg2[%dma_wait3A_567, %dma_wait3A_568] : memref<10000x64xf32, #tpu.memory_space<hbm>> -> memref<10000x64xf32, #tpu.memory_space<hbm>>
      tpu.wait_indirect_dma semaphore(%arg17 : memref<!tpu.dma_semaphore, #tpu.memory_space<semaphore_mem>>) src(%dma_wait3A_569 : memref<10000x64xf32, #tpu.memory_space<hbm>>) dst(%dma_wait3A_563 : memref<125x64xf32, #tpu.memory_space<vmem>>)
      %add3A_570 = arith.constant 6 : i32
      %add3A_571 = arith.addi %mul3A_400, %add3A_570 : i32
      %dma_start3A_572 = arith.constant 6 : i32
      %dma_start3A_573 = arith.constant 0 : i32
      %dma_start3A_574 = arith.constant 0 : i32
      %dma_start3A_575 = tpu.memref_slice %arg9[%dma_start3A_572, %dma_start3A_573, %dma_start3A_574] : memref<8x125x64xf32, #tpu.memory_space<vmem>> -> memref<1x125x64xf32, #tpu.memory_space<vmem>>
      %dma_start3A_576 = tpu.memref_squeeze %dma_start3A_575 : memref<1x125x64xf32, #tpu.memory_space<vmem>> -> memref<125x64xf32, #tpu.memory_space<vmem>>
      %dma_start3A_577 = arith.constant 0 : i32
      %dma_start3A_578 = tpu.memref_slice %arg8[%add3A_571, %dma_start3A_577] : memref<80x125xi32, #tpu.memory_space<vmem>> -> memref<1x125xi32, #tpu.memory_space<vmem>>
      %dma_start3A_579 = tpu.memref_squeeze %dma_start3A_578 : memref<1x125xi32, #tpu.memory_space<vmem>> -> memref<125xi32, #tpu.memory_space<vmem>>
      %dma_start3A_580 = arith.constant 0 : i32
      %dma_start3A_581 = arith.constant 0 : i32
      %dma_start3A_582 = tpu.memref_slice %arg10[%dma_start3A_580, %dma_start3A_581] : memref<10240x64xf32, #tpu.memory_space<vmem_shared>> -> memref<10240x64xf32, #tpu.memory_space<vmem_shared>>
      tpu.enqueue_indirect_dma source(%dma_start3A_576 : memref<125x64xf32, #tpu.memory_space<vmem>>) target(%dma_start3A_582 : memref<10240x64xf32, #tpu.memory_space<vmem_shared>>) offsets(%dma_start3A_579 : memref<125xi32, #tpu.memory_space<vmem>>) semaphore(%arg25 : memref<!tpu.dma_semaphore, #tpu.memory_space<semaphore_mem>>) {add = true}
      %add3A_583 = arith.constant 7 : i32
      %add3A_584 = arith.addi %mul3A_400, %add3A_583 : i32
      %dma_wait3A_585 = arith.constant 7 : i32
      %dma_wait3A_586 = arith.constant 0 : i32
      %dma_wait3A_587 = arith.constant 0 : i32
      %dma_wait3A_588 = tpu.memref_slice %arg9[%dma_wait3A_585, %dma_wait3A_586, %dma_wait3A_587] : memref<8x125x64xf32, #tpu.memory_space<vmem>> -> memref<1x125x64xf32, #tpu.memory_space<vmem>>
      %dma_wait3A_589 = tpu.memref_squeeze %dma_wait3A_588 : memref<1x125x64xf32, #tpu.memory_space<vmem>> -> memref<125x64xf32, #tpu.memory_space<vmem>>
      %dma_wait3A_590 = arith.constant 0 : i32
      %dma_wait3A_591 = tpu.memref_slice %arg7[%add3A_584, %dma_wait3A_590] : memref<80x125xi32, #tpu.memory_space<vmem>> -> memref<1x125xi32, #tpu.memory_space<vmem>>
      %dma_wait3A_592 = tpu.memref_squeeze %dma_wait3A_591 : memref<1x125xi32, #tpu.memory_space<vmem>> -> memref<125xi32, #tpu.memory_space<vmem>>
      %dma_wait3A_593 = arith.constant 0 : i32
      %dma_wait3A_594 = arith.constant 0 : i32
      %dma_wait3A_595 = tpu.memref_slice %arg2[%dma_wait3A_593, %dma_wait3A_594] : memref<10000x64xf32, #tpu.memory_space<hbm>> -> memref<10000x64xf32, #tpu.memory_space<hbm>>
      tpu.wait_indirect_dma semaphore(%arg18 : memref<!tpu.dma_semaphore, #tpu.memory_space<semaphore_mem>>) src(%dma_wait3A_595 : memref<10000x64xf32, #tpu.memory_space<hbm>>) dst(%dma_wait3A_589 : memref<125x64xf32, #tpu.memory_space<vmem>>)
      %add3A_596 = arith.constant 7 : i32
      %add3A_597 = arith.addi %mul3A_400, %add3A_596 : i32
      %dma_start3A_598 = arith.constant 7 : i32
      %dma_start3A_599 = arith.constant 0 : i32
      %dma_start3A_600 = arith.constant 0 : i32
      %dma_start3A_601 = tpu.memref_slice %arg9[%dma_start3A_598, %dma_start3A_599, %dma_start3A_600] : memref<8x125x64xf32, #tpu.memory_space<vmem>> -> memref<1x125x64xf32, #tpu.memory_space<vmem>>
      %dma_start3A_602 = tpu.memref_squeeze %dma_start3A_601 : memref<1x125x64xf32, #tpu.memory_space<vmem>> -> memref<125x64xf32, #tpu.memory_space<vmem>>
      %dma_start3A_603 = arith.constant 0 : i32
      %dma_start3A_604 = tpu.memref_slice %arg8[%add3A_597, %dma_start3A_603] : memref<80x125xi32, #tpu.memory_space<vmem>> -> memref<1x125xi32, #tpu.memory_space<vmem>>
      %dma_start3A_605 = tpu.memref_squeeze %dma_start3A_604 : memref<1x125xi32, #tpu.memory_space<vmem>> -> memref<125xi32, #tpu.memory_space<vmem>>
      %dma_start3A_606 = arith.constant 0 : i32
      %dma_start3A_607 = arith.constant 0 : i32
      %dma_start3A_608 = tpu.memref_slice %arg10[%dma_start3A_606, %dma_start3A_607] : memref<10240x64xf32, #tpu.memory_space<vmem_shared>> -> memref<10240x64xf32, #tpu.memory_space<vmem_shared>>
      tpu.enqueue_indirect_dma source(%dma_start3A_602 : memref<125x64xf32, #tpu.memory_space<vmem>>) target(%dma_start3A_608 : memref<10240x64xf32, #tpu.memory_space<vmem_shared>>) offsets(%dma_start3A_605 : memref<125xi32, #tpu.memory_space<vmem>>) semaphore(%arg26 : memref<!tpu.dma_semaphore, #tpu.memory_space<semaphore_mem>>) {add = true}
      %dma_wait3A_609 = arith.constant 0 : i32
      %dma_wait3A_610 = arith.constant 0 : i32
      %dma_wait3A_611 = arith.constant 0 : i32
      %dma_wait3A_612 = tpu.memref_slice %arg9[%dma_wait3A_609, %dma_wait3A_610, %dma_wait3A_611] : memref<8x125x64xf32, #tpu.memory_space<vmem>> -> memref<1x125x64xf32, #tpu.memory_space<vmem>>
      %dma_wait3A_613 = tpu.memref_squeeze %dma_wait3A_612 : memref<1x125x64xf32, #tpu.memory_space<vmem>> -> memref<125x64xf32, #tpu.memory_space<vmem>>
      %dma_wait3A_614 = arith.constant 0 : i32
      %dma_wait3A_615 = tpu.memref_slice %arg8[%add3A_415, %dma_wait3A_614] : memref<80x125xi32, #tpu.memory_space<vmem>> -> memref<1x125xi32, #tpu.memory_space<vmem>>
      %dma_wait3A_616 = tpu.memref_squeeze %dma_wait3A_615 : memref<1x125xi32, #tpu.memory_space<vmem>> -> memref<125xi32, #tpu.memory_space<vmem>>
      %dma_wait3A_617 = arith.constant 0 : i32
      %dma_wait3A_618 = arith.constant 0 : i32
      %dma_wait3A_619 = tpu.memref_slice %arg10[%dma_wait3A_617, %dma_wait3A_618] : memref<10240x64xf32, #tpu.memory_space<vmem_shared>> -> memref<10240x64xf32, #tpu.memory_space<vmem_shared>>
      tpu.wait_indirect_dma semaphore(%arg19 : memref<!tpu.dma_semaphore, #tpu.memory_space<semaphore_mem>>) src(%dma_wait3A_613 : memref<125x64xf32, #tpu.memory_space<vmem>>) dst(%dma_wait3A_619 : memref<10240x64xf32, #tpu.memory_space<vmem_shared>>)
      %add3A_620 = arith.constant 8 : i32
      %add3A_621 = arith.addi %mul3A_400, %add3A_620 : i32
      %add3A_622 = arith.constant 0 : i32
      %add3A_623 = arith.addi %add3A_621, %add3A_622 : i32
      %dma_start3A_624 = arith.constant 0 : i32
      %dma_start3A_625 = arith.constant 0 : i32
      %dma_start3A_626 = arith.constant 0 : i32
      %dma_start3A_627 = tpu.memref_slice %arg9[%dma_start3A_624, %dma_start3A_625, %dma_start3A_626] : memref<8x125x64xf32, #tpu.memory_space<vmem>> -> memref<1x125x64xf32, #tpu.memory_space<vmem>>
      %dma_start3A_628 = tpu.memref_squeeze %dma_start3A_627 : memref<1x125x64xf32, #tpu.memory_space<vmem>> -> memref<125x64xf32, #tpu.memory_space<vmem>>
      %dma_start3A_629 = arith.constant 0 : i32
      %dma_start3A_630 = tpu.memref_slice %arg7[%add3A_623, %dma_start3A_629] : memref<80x125xi32, #tpu.memory_space<vmem>> -> memref<1x125xi32, #tpu.memory_space<vmem>>
      %dma_start3A_631 = tpu.memref_squeeze %dma_start3A_630 : memref<1x125xi32, #tpu.memory_space<vmem>> -> memref<125xi32, #tpu.memory_space<vmem>>
      %dma_start3A_632 = arith.constant 0 : i32
      %dma_start3A_633 = arith.constant 0 : i32
      %dma_start3A_634 = tpu.memref_slice %arg2[%dma_start3A_632, %dma_start3A_633] : memref<10000x64xf32, #tpu.memory_space<hbm>> -> memref<10000x64xf32, #tpu.memory_space<hbm>>
      tpu.enqueue_indirect_dma source(%dma_start3A_634 : memref<10000x64xf32, #tpu.memory_space<hbm>>) target(%dma_start3A_628 : memref<125x64xf32, #tpu.memory_space<vmem>>) offsets(%dma_start3A_631 : memref<125xi32, #tpu.memory_space<vmem>>) semaphore(%arg11 : memref<!tpu.dma_semaphore, #tpu.memory_space<semaphore_mem>>)
      %dma_wait3A_635 = arith.constant 1 : i32
      %dma_wait3A_636 = arith.constant 0 : i32
      %dma_wait3A_637 = arith.constant 0 : i32
      %dma_wait3A_638 = tpu.memref_slice %arg9[%dma_wait3A_635, %dma_wait3A_636, %dma_wait3A_637] : memref<8x125x64xf32, #tpu.memory_space<vmem>> -> memref<1x125x64xf32, #tpu.memory_space<vmem>>
      %dma_wait3A_639 = tpu.memref_squeeze %dma_wait3A_638 : memref<1x125x64xf32, #tpu.memory_space<vmem>> -> memref<125x64xf32, #tpu.memory_space<vmem>>
      %dma_wait3A_640 = arith.constant 0 : i32
      %dma_wait3A_641 = tpu.memref_slice %arg8[%add3A_441, %dma_wait3A_640] : memref<80x125xi32, #tpu.memory_space<vmem>> -> memref<1x125xi32, #tpu.memory_space<vmem>>
      %dma_wait3A_642 = tpu.memref_squeeze %dma_wait3A_641 : memref<1x125xi32, #tpu.memory_space<vmem>> -> memref<125xi32, #tpu.memory_space<vmem>>
      %dma_wait3A_643 = arith.constant 0 : i32
      %dma_wait3A_644 = arith.constant 0 : i32
      %dma_wait3A_645 = tpu.memref_slice %arg10[%dma_wait3A_643, %dma_wait3A_644] : memref<10240x64xf32, #tpu.memory_space<vmem_shared>> -> memref<10240x64xf32, #tpu.memory_space<vmem_shared>>
      tpu.wait_indirect_dma semaphore(%arg20 : memref<!tpu.dma_semaphore, #tpu.memory_space<semaphore_mem>>) src(%dma_wait3A_639 : memref<125x64xf32, #tpu.memory_space<vmem>>) dst(%dma_wait3A_645 : memref<10240x64xf32, #tpu.memory_space<vmem_shared>>)
      %add3A_646 = arith.constant 8 : i32
      %add3A_647 = arith.addi %mul3A_400, %add3A_646 : i32
      %add3A_648 = arith.constant 1 : i32
      %add3A_649 = arith.addi %add3A_647, %add3A_648 : i32
      %dma_start3A_650 = arith.constant 1 : i32
      %dma_start3A_651 = arith.constant 0 : i32
      %dma_start3A_652 = arith.constant 0 : i32
      %dma_start3A_653 = tpu.memref_slice %arg9[%dma_start3A_650, %dma_start3A_651, %dma_start3A_652] : memref<8x125x64xf32, #tpu.memory_space<vmem>> -> memref<1x125x64xf32, #tpu.memory_space<vmem>>
      %dma_start3A_654 = tpu.memref_squeeze %dma_start3A_653 : memref<1x125x64xf32, #tpu.memory_space<vmem>> -> memref<125x64xf32, #tpu.memory_space<vmem>>
      %dma_start3A_655 = arith.constant 0 : i32
      %dma_start3A_656 = tpu.memref_slice %arg7[%add3A_649, %dma_start3A_655] : memref<80x125xi32, #tpu.memory_space<vmem>> -> memref<1x125xi32, #tpu.memory_space<vmem>>
      %dma_start3A_657 = tpu.memref_squeeze %dma_start3A_656 : memref<1x125xi32, #tpu.memory_space<vmem>> -> memref<125xi32, #tpu.memory_space<vmem>>
      %dma_start3A_658 = arith.constant 0 : i32
      %dma_start3A_659 = arith.constant 0 : i32
      %dma_start3A_660 = tpu.memref_slice %arg2[%dma_start3A_658, %dma_start3A_659] : memref<10000x64xf32, #tpu.memory_space<hbm>> -> memref<10000x64xf32, #tpu.memory_space<hbm>>
      tpu.enqueue_indirect_dma source(%dma_start3A_660 : memref<10000x64xf32, #tpu.memory_space<hbm>>) target(%dma_start3A_654 : memref<125x64xf32, #tpu.memory_space<vmem>>) offsets(%dma_start3A_657 : memref<125xi32, #tpu.memory_space<vmem>>) semaphore(%arg12 : memref<!tpu.dma_semaphore, #tpu.memory_space<semaphore_mem>>)
      %dma_wait3A_661 = arith.constant 2 : i32
      %dma_wait3A_662 = arith.constant 0 : i32
      %dma_wait3A_663 = arith.constant 0 : i32
      %dma_wait3A_664 = tpu.memref_slice %arg9[%dma_wait3A_661, %dma_wait3A_662, %dma_wait3A_663] : memref<8x125x64xf32, #tpu.memory_space<vmem>> -> memref<1x125x64xf32, #tpu.memory_space<vmem>>
      %dma_wait3A_665 = tpu.memref_squeeze %dma_wait3A_664 : memref<1x125x64xf32, #tpu.memory_space<vmem>> -> memref<125x64xf32, #tpu.memory_space<vmem>>
      %dma_wait3A_666 = arith.constant 0 : i32
      %dma_wait3A_667 = tpu.memref_slice %arg8[%add3A_467, %dma_wait3A_666] : memref<80x125xi32, #tpu.memory_space<vmem>> -> memref<1x125xi32, #tpu.memory_space<vmem>>
      %dma_wait3A_668 = tpu.memref_squeeze %dma_wait3A_667 : memref<1x125xi32, #tpu.memory_space<vmem>> -> memref<125xi32, #tpu.memory_space<vmem>>
      %dma_wait3A_669 = arith.constant 0 : i32
      %dma_wait3A_670 = arith.constant 0 : i32
      %dma_wait3A_671 = tpu.memref_slice %arg10[%dma_wait3A_669, %dma_wait3A_670] : memref<10240x64xf32, #tpu.memory_space<vmem_shared>> -> memref<10240x64xf32, #tpu.memory_space<vmem_shared>>
      tpu.wait_indirect_dma semaphore(%arg21 : memref<!tpu.dma_semaphore, #tpu.memory_space<semaphore_mem>>) src(%dma_wait3A_665 : memref<125x64xf32, #tpu.memory_space<vmem>>) dst(%dma_wait3A_671 : memref<10240x64xf32, #tpu.memory_space<vmem_shared>>)
      %add3A_672 = arith.constant 8 : i32
      %add3A_673 = arith.addi %mul3A_400, %add3A_672 : i32
      %add3A_674 = arith.constant 2 : i32
      %add3A_675 = arith.addi %add3A_673, %add3A_674 : i32
      %dma_start3A_676 = arith.constant 2 : i32
      %dma_start3A_677 = arith.constant 0 : i32
      %dma_start3A_678 = arith.constant 0 : i32
      %dma_start3A_679 = tpu.memref_slice %arg9[%dma_start3A_676, %dma_start3A_677, %dma_start3A_678] : memref<8x125x64xf32, #tpu.memory_space<vmem>> -> memref<1x125x64xf32, #tpu.memory_space<vmem>>
      %dma_start3A_680 = tpu.memref_squeeze %dma_start3A_679 : memref<1x125x64xf32, #tpu.memory_space<vmem>> -> memref<125x64xf32, #tpu.memory_space<vmem>>
      %dma_start3A_681 = arith.constant 0 : i32
      %dma_start3A_682 = tpu.memref_slice %arg7[%add3A_675, %dma_start3A_681] : memref<80x125xi32, #tpu.memory_space<vmem>> -> memref<1x125xi32, #tpu.memory_space<vmem>>
      %dma_start3A_683 = tpu.memref_squeeze %dma_start3A_682 : memref<1x125xi32, #tpu.memory_space<vmem>> -> memref<125xi32, #tpu.memory_space<vmem>>
      %dma_start3A_684 = arith.constant 0 : i32
      %dma_start3A_685 = arith.constant 0 : i32
      %dma_start3A_686 = tpu.memref_slice %arg2[%dma_start3A_684, %dma_start3A_685] : memref<10000x64xf32, #tpu.memory_space<hbm>> -> memref<10000x64xf32, #tpu.memory_space<hbm>>
      tpu.enqueue_indirect_dma source(%dma_start3A_686 : memref<10000x64xf32, #tpu.memory_space<hbm>>) target(%dma_start3A_680 : memref<125x64xf32, #tpu.memory_space<vmem>>) offsets(%dma_start3A_683 : memref<125xi32, #tpu.memory_space<vmem>>) semaphore(%arg13 : memref<!tpu.dma_semaphore, #tpu.memory_space<semaphore_mem>>)
      %dma_wait3A_687 = arith.constant 3 : i32
      %dma_wait3A_688 = arith.constant 0 : i32
      %dma_wait3A_689 = arith.constant 0 : i32
      %dma_wait3A_690 = tpu.memref_slice %arg9[%dma_wait3A_687, %dma_wait3A_688, %dma_wait3A_689] : memref<8x125x64xf32, #tpu.memory_space<vmem>> -> memref<1x125x64xf32, #tpu.memory_space<vmem>>
      %dma_wait3A_691 = tpu.memref_squeeze %dma_wait3A_690 : memref<1x125x64xf32, #tpu.memory_space<vmem>> -> memref<125x64xf32, #tpu.memory_space<vmem>>
      %dma_wait3A_692 = arith.constant 0 : i32
      %dma_wait3A_693 = tpu.memref_slice %arg8[%add3A_493, %dma_wait3A_692] : memref<80x125xi32, #tpu.memory_space<vmem>> -> memref<1x125xi32, #tpu.memory_space<vmem>>
      %dma_wait3A_694 = tpu.memref_squeeze %dma_wait3A_693 : memref<1x125xi32, #tpu.memory_space<vmem>> -> memref<125xi32, #tpu.memory_space<vmem>>
      %dma_wait3A_695 = arith.constant 0 : i32
      %dma_wait3A_696 = arith.constant 0 : i32
      %dma_wait3A_697 = tpu.memref_slice %arg10[%dma_wait3A_695, %dma_wait3A_696] : memref<10240x64xf32, #tpu.memory_space<vmem_shared>> -> memref<10240x64xf32, #tpu.memory_space<vmem_shared>>
      tpu.wait_indirect_dma semaphore(%arg22 : memref<!tpu.dma_semaphore, #tpu.memory_space<semaphore_mem>>) src(%dma_wait3A_691 : memref<125x64xf32, #tpu.memory_space<vmem>>) dst(%dma_wait3A_697 : memref<10240x64xf32, #tpu.memory_space<vmem_shared>>)
      %add3A_698 = arith.constant 8 : i32
      %add3A_699 = arith.addi %mul3A_400, %add3A_698 : i32
      %add3A_700 = arith.constant 3 : i32
      %add3A_701 = arith.addi %add3A_699, %add3A_700 : i32
      %dma_start3A_702 = arith.constant 3 : i32
      %dma_start3A_703 = arith.constant 0 : i32
      %dma_start3A_704 = arith.constant 0 : i32
      %dma_start3A_705 = tpu.memref_slice %arg9[%dma_start3A_702, %dma_start3A_703, %dma_start3A_704] : memref<8x125x64xf32, #tpu.memory_space<vmem>> -> memref<1x125x64xf32, #tpu.memory_space<vmem>>
      %dma_start3A_706 = tpu.memref_squeeze %dma_start3A_705 : memref<1x125x64xf32, #tpu.memory_space<vmem>> -> memref<125x64xf32, #tpu.memory_space<vmem>>
      %dma_start3A_707 = arith.constant 0 : i32
      %dma_start3A_708 = tpu.memref_slice %arg7[%add3A_701, %dma_start3A_707] : memref<80x125xi32, #tpu.memory_space<vmem>> -> memref<1x125xi32, #tpu.memory_space<vmem>>
      %dma_start3A_709 = tpu.memref_squeeze %dma_start3A_708 : memref<1x125xi32, #tpu.memory_space<vmem>> -> memref<125xi32, #tpu.memory_space<vmem>>
      %dma_start3A_710 = arith.constant 0 : i32
      %dma_start3A_711 = arith.constant 0 : i32
      %dma_start3A_712 = tpu.memref_slice %arg2[%dma_start3A_710, %dma_start3A_711] : memref<10000x64xf32, #tpu.memory_space<hbm>> -> memref<10000x64xf32, #tpu.memory_space<hbm>>
      tpu.enqueue_indirect_dma source(%dma_start3A_712 : memref<10000x64xf32, #tpu.memory_space<hbm>>) target(%dma_start3A_706 : memref<125x64xf32, #tpu.memory_space<vmem>>) offsets(%dma_start3A_709 : memref<125xi32, #tpu.memory_space<vmem>>) semaphore(%arg14 : memref<!tpu.dma_semaphore, #tpu.memory_space<semaphore_mem>>)
      %dma_wait3A_713 = arith.constant 4 : i32
      %dma_wait3A_714 = arith.constant 0 : i32
      %dma_wait3A_715 = arith.constant 0 : i32
      %dma_wait3A_716 = tpu.memref_slice %arg9[%dma_wait3A_713, %dma_wait3A_714, %dma_wait3A_715] : memref<8x125x64xf32, #tpu.memory_space<vmem>> -> memref<1x125x64xf32, #tpu.memory_space<vmem>>
      %dma_wait3A_717 = tpu.memref_squeeze %dma_wait3A_716 : memref<1x125x64xf32, #tpu.memory_space<vmem>> -> memref<125x64xf32, #tpu.memory_space<vmem>>
      %dma_wait3A_718 = arith.constant 0 : i32
      %dma_wait3A_719 = tpu.memref_slice %arg8[%add3A_519, %dma_wait3A_718] : memref<80x125xi32, #tpu.memory_space<vmem>> -> memref<1x125xi32, #tpu.memory_space<vmem>>
      %dma_wait3A_720 = tpu.memref_squeeze %dma_wait3A_719 : memref<1x125xi32, #tpu.memory_space<vmem>> -> memref<125xi32, #tpu.memory_space<vmem>>
      %dma_wait3A_721 = arith.constant 0 : i32
      %dma_wait3A_722 = arith.constant 0 : i32
      %dma_wait3A_723 = tpu.memref_slice %arg10[%dma_wait3A_721, %dma_wait3A_722] : memref<10240x64xf32, #tpu.memory_space<vmem_shared>> -> memref<10240x64xf32, #tpu.memory_space<vmem_shared>>
      tpu.wait_indirect_dma semaphore(%arg23 : memref<!tpu.dma_semaphore, #tpu.memory_space<semaphore_mem>>) src(%dma_wait3A_717 : memref<125x64xf32, #tpu.memory_space<vmem>>) dst(%dma_wait3A_723 : memref<10240x64xf32, #tpu.memory_space<vmem_shared>>)
      %add3A_724 = arith.constant 8 : i32
      %add3A_725 = arith.addi %mul3A_400, %add3A_724 : i32
      %add3A_726 = arith.constant 4 : i32
      %add3A_727 = arith.addi %add3A_725, %add3A_726 : i32
      %dma_start3A_728 = arith.constant 4 : i32
      %dma_start3A_729 = arith.constant 0 : i32
      %dma_start3A_730 = arith.constant 0 : i32
      %dma_start3A_731 = tpu.memref_slice %arg9[%dma_start3A_728, %dma_start3A_729, %dma_start3A_730] : memref<8x125x64xf32, #tpu.memory_space<vmem>> -> memref<1x125x64xf32, #tpu.memory_space<vmem>>
      %dma_start3A_732 = tpu.memref_squeeze %dma_start3A_731 : memref<1x125x64xf32, #tpu.memory_space<vmem>> -> memref<125x64xf32, #tpu.memory_space<vmem>>
      %dma_start3A_733 = arith.constant 0 : i32
      %dma_start3A_734 = tpu.memref_slice %arg7[%add3A_727, %dma_start3A_733] : memref<80x125xi32, #tpu.memory_space<vmem>> -> memref<1x125xi32, #tpu.memory_space<vmem>>
      %dma_start3A_735 = tpu.memref_squeeze %dma_start3A_734 : memref<1x125xi32, #tpu.memory_space<vmem>> -> memref<125xi32, #tpu.memory_space<vmem>>
      %dma_start3A_736 = arith.constant 0 : i32
      %dma_start3A_737 = arith.constant 0 : i32
      %dma_start3A_738 = tpu.memref_slice %arg2[%dma_start3A_736, %dma_start3A_737] : memref<10000x64xf32, #tpu.memory_space<hbm>> -> memref<10000x64xf32, #tpu.memory_space<hbm>>
      tpu.enqueue_indirect_dma source(%dma_start3A_738 : memref<10000x64xf32, #tpu.memory_space<hbm>>) target(%dma_start3A_732 : memref<125x64xf32, #tpu.memory_space<vmem>>) offsets(%dma_start3A_735 : memref<125xi32, #tpu.memory_space<vmem>>) semaphore(%arg15 : memref<!tpu.dma_semaphore, #tpu.memory_space<semaphore_mem>>)
      %dma_wait3A_739 = arith.constant 5 : i32
      %dma_wait3A_740 = arith.constant 0 : i32
      %dma_wait3A_741 = arith.constant 0 : i32
      %dma_wait3A_742 = tpu.memref_slice %arg9[%dma_wait3A_739, %dma_wait3A_740, %dma_wait3A_741] : memref<8x125x64xf32, #tpu.memory_space<vmem>> -> memref<1x125x64xf32, #tpu.memory_space<vmem>>
      %dma_wait3A_743 = tpu.memref_squeeze %dma_wait3A_742 : memref<1x125x64xf32, #tpu.memory_space<vmem>> -> memref<125x64xf32, #tpu.memory_space<vmem>>
      %dma_wait3A_744 = arith.constant 0 : i32
      %dma_wait3A_745 = tpu.memref_slice %arg8[%add3A_545, %dma_wait3A_744] : memref<80x125xi32, #tpu.memory_space<vmem>> -> memref<1x125xi32, #tpu.memory_space<vmem>>
      %dma_wait3A_746 = tpu.memref_squeeze %dma_wait3A_745 : memref<1x125xi32, #tpu.memory_space<vmem>> -> memref<125xi32, #tpu.memory_space<vmem>>
      %dma_wait3A_747 = arith.constant 0 : i32
      %dma_wait3A_748 = arith.constant 0 : i32
      %dma_wait3A_749 = tpu.memref_slice %arg10[%dma_wait3A_747, %dma_wait3A_748] : memref<10240x64xf32, #tpu.memory_space<vmem_shared>> -> memref<10240x64xf32, #tpu.memory_space<vmem_shared>>
      tpu.wait_indirect_dma semaphore(%arg24 : memref<!tpu.dma_semaphore, #tpu.memory_space<semaphore_mem>>) src(%dma_wait3A_743 : memref<125x64xf32, #tpu.memory_space<vmem>>) dst(%dma_wait3A_749 : memref<10240x64xf32, #tpu.memory_space<vmem_shared>>)
      %add3A_750 = arith.constant 8 : i32
      %add3A_751 = arith.addi %mul3A_400, %add3A_750 : i32
      %add3A_752 = arith.constant 5 : i32
      %add3A_753 = arith.addi %add3A_751, %add3A_752 : i32
      %dma_start3A_754 = arith.constant 5 : i32
      %dma_start3A_755 = arith.constant 0 : i32
      %dma_start3A_756 = arith.constant 0 : i32
      %dma_start3A_757 = tpu.memref_slice %arg9[%dma_start3A_754, %dma_start3A_755, %dma_start3A_756] : memref<8x125x64xf32, #tpu.memory_space<vmem>> -> memref<1x125x64xf32, #tpu.memory_space<vmem>>
      %dma_start3A_758 = tpu.memref_squeeze %dma_start3A_757 : memref<1x125x64xf32, #tpu.memory_space<vmem>> -> memref<125x64xf32, #tpu.memory_space<vmem>>
      %dma_start3A_759 = arith.constant 0 : i32
      %dma_start3A_760 = tpu.memref_slice %arg7[%add3A_753, %dma_start3A_759] : memref<80x125xi32, #tpu.memory_space<vmem>> -> memref<1x125xi32, #tpu.memory_space<vmem>>
      %dma_start3A_761 = tpu.memref_squeeze %dma_start3A_760 : memref<1x125xi32, #tpu.memory_space<vmem>> -> memref<125xi32, #tpu.memory_space<vmem>>
      %dma_start3A_762 = arith.constant 0 : i32
      %dma_start3A_763 = arith.constant 0 : i32
      %dma_start3A_764 = tpu.memref_slice %arg2[%dma_start3A_762, %dma_start3A_763] : memref<10000x64xf32, #tpu.memory_space<hbm>> -> memref<10000x64xf32, #tpu.memory_space<hbm>>
      tpu.enqueue_indirect_dma source(%dma_start3A_764 : memref<10000x64xf32, #tpu.memory_space<hbm>>) target(%dma_start3A_758 : memref<125x64xf32, #tpu.memory_space<vmem>>) offsets(%dma_start3A_761 : memref<125xi32, #tpu.memory_space<vmem>>) semaphore(%arg16 : memref<!tpu.dma_semaphore, #tpu.memory_space<semaphore_mem>>)
      %dma_wait3A_765 = arith.constant 6 : i32
      %dma_wait3A_766 = arith.constant 0 : i32
      %dma_wait3A_767 = arith.constant 0 : i32
      %dma_wait3A_768 = tpu.memref_slice %arg9[%dma_wait3A_765, %dma_wait3A_766, %dma_wait3A_767] : memref<8x125x64xf32, #tpu.memory_space<vmem>> -> memref<1x125x64xf32, #tpu.memory_space<vmem>>
      %dma_wait3A_769 = tpu.memref_squeeze %dma_wait3A_768 : memref<1x125x64xf32, #tpu.memory_space<vmem>> -> memref<125x64xf32, #tpu.memory_space<vmem>>
      %dma_wait3A_770 = arith.constant 0 : i32
      %dma_wait3A_771 = tpu.memref_slice %arg8[%add3A_571, %dma_wait3A_770] : memref<80x125xi32, #tpu.memory_space<vmem>> -> memref<1x125xi32, #tpu.memory_space<vmem>>
      %dma_wait3A_772 = tpu.memref_squeeze %dma_wait3A_771 : memref<1x125xi32, #tpu.memory_space<vmem>> -> memref<125xi32, #tpu.memory_space<vmem>>
      %dma_wait3A_773 = arith.constant 0 : i32
      %dma_wait3A_774 = arith.constant 0 : i32
      %dma_wait3A_775 = tpu.memref_slice %arg10[%dma_wait3A_773, %dma_wait3A_774] : memref<10240x64xf32, #tpu.memory_space<vmem_shared>> -> memref<10240x64xf32, #tpu.memory_space<vmem_shared>>
      tpu.wait_indirect_dma semaphore(%arg25 : memref<!tpu.dma_semaphore, #tpu.memory_space<semaphore_mem>>) src(%dma_wait3A_769 : memref<125x64xf32, #tpu.memory_space<vmem>>) dst(%dma_wait3A_775 : memref<10240x64xf32, #tpu.memory_space<vmem_shared>>)
      %add3A_776 = arith.constant 8 : i32
      %add3A_777 = arith.addi %mul3A_400, %add3A_776 : i32
      %add3A_778 = arith.constant 6 : i32
      %add3A_779 = arith.addi %add3A_777, %add3A_778 : i32
      %dma_start3A_780 = arith.constant 6 : i32
      %dma_start3A_781 = arith.constant 0 : i32
      %dma_start3A_782 = arith.constant 0 : i32
      %dma_start3A_783 = tpu.memref_slice %arg9[%dma_start3A_780, %dma_start3A_781, %dma_start3A_782] : memref<8x125x64xf32, #tpu.memory_space<vmem>> -> memref<1x125x64xf32, #tpu.memory_space<vmem>>
      %dma_start3A_784 = tpu.memref_squeeze %dma_start3A_783 : memref<1x125x64xf32, #tpu.memory_space<vmem>> -> memref<125x64xf32, #tpu.memory_space<vmem>>
      %dma_start3A_785 = arith.constant 0 : i32
      %dma_start3A_786 = tpu.memref_slice %arg7[%add3A_779, %dma_start3A_785] : memref<80x125xi32, #tpu.memory_space<vmem>> -> memref<1x125xi32, #tpu.memory_space<vmem>>
      %dma_start3A_787 = tpu.memref_squeeze %dma_start3A_786 : memref<1x125xi32, #tpu.memory_space<vmem>> -> memref<125xi32, #tpu.memory_space<vmem>>
      %dma_start3A_788 = arith.constant 0 : i32
      %dma_start3A_789 = arith.constant 0 : i32
      %dma_start3A_790 = tpu.memref_slice %arg2[%dma_start3A_788, %dma_start3A_789] : memref<10000x64xf32, #tpu.memory_space<hbm>> -> memref<10000x64xf32, #tpu.memory_space<hbm>>
      tpu.enqueue_indirect_dma source(%dma_start3A_790 : memref<10000x64xf32, #tpu.memory_space<hbm>>) target(%dma_start3A_784 : memref<125x64xf32, #tpu.memory_space<vmem>>) offsets(%dma_start3A_787 : memref<125xi32, #tpu.memory_space<vmem>>) semaphore(%arg17 : memref<!tpu.dma_semaphore, #tpu.memory_space<semaphore_mem>>)
      %dma_wait3A_791 = arith.constant 7 : i32
      %dma_wait3A_792 = arith.constant 0 : i32
      %dma_wait3A_793 = arith.constant 0 : i32
      %dma_wait3A_794 = tpu.memref_slice %arg9[%dma_wait3A_791, %dma_wait3A_792, %dma_wait3A_793] : memref<8x125x64xf32, #tpu.memory_space<vmem>> -> memref<1x125x64xf32, #tpu.memory_space<vmem>>
      %dma_wait3A_795 = tpu.memref_squeeze %dma_wait3A_794 : memref<1x125x64xf32, #tpu.memory_space<vmem>> -> memref<125x64xf32, #tpu.memory_space<vmem>>
      %dma_wait3A_796 = arith.constant 0 : i32
      %dma_wait3A_797 = tpu.memref_slice %arg8[%add3A_597, %dma_wait3A_796] : memref<80x125xi32, #tpu.memory_space<vmem>> -> memref<1x125xi32, #tpu.memory_space<vmem>>
      %dma_wait3A_798 = tpu.memref_squeeze %dma_wait3A_797 : memref<1x125xi32, #tpu.memory_space<vmem>> -> memref<125xi32, #tpu.memory_space<vmem>>
      %dma_wait3A_799 = arith.constant 0 : i32
      %dma_wait3A_800 = arith.constant 0 : i32
      %dma_wait3A_801 = tpu.memref_slice %arg10[%dma_wait3A_799, %dma_wait3A_800] : memref<10240x64xf32, #tpu.memory_space<vmem_shared>> -> memref<10240x64xf32, #tpu.memory_space<vmem_shared>>
      tpu.wait_indirect_dma semaphore(%arg26 : memref<!tpu.dma_semaphore, #tpu.memory_space<semaphore_mem>>) src(%dma_wait3A_795 : memref<125x64xf32, #tpu.memory_space<vmem>>) dst(%dma_wait3A_801 : memref<10240x64xf32, #tpu.memory_space<vmem_shared>>)
      %add3A_802 = arith.constant 8 : i32
      %add3A_803 = arith.addi %mul3A_400, %add3A_802 : i32
      %add3A_804 = arith.constant 7 : i32
      %add3A_805 = arith.addi %add3A_803, %add3A_804 : i32
      %dma_start3A_806 = arith.constant 7 : i32
      %dma_start3A_807 = arith.constant 0 : i32
      %dma_start3A_808 = arith.constant 0 : i32
      %dma_start3A_809 = tpu.memref_slice %arg9[%dma_start3A_806, %dma_start3A_807, %dma_start3A_808] : memref<8x125x64xf32, #tpu.memory_space<vmem>> -> memref<1x125x64xf32, #tpu.memory_space<vmem>>
      %dma_start3A_810 = tpu.memref_squeeze %dma_start3A_809 : memref<1x125x64xf32, #tpu.memory_space<vmem>> -> memref<125x64xf32, #tpu.memory_space<vmem>>
      %dma_start3A_811 = arith.constant 0 : i32
      %dma_start3A_812 = tpu.memref_slice %arg7[%add3A_805, %dma_start3A_811] : memref<80x125xi32, #tpu.memory_space<vmem>> -> memref<1x125xi32, #tpu.memory_space<vmem>>
      %dma_start3A_813 = tpu.memref_squeeze %dma_start3A_812 : memref<1x125xi32, #tpu.memory_space<vmem>> -> memref<125xi32, #tpu.memory_space<vmem>>
      %dma_start3A_814 = arith.constant 0 : i32
      %dma_start3A_815 = arith.constant 0 : i32
      %dma_start3A_816 = tpu.memref_slice %arg2[%dma_start3A_814, %dma_start3A_815] : memref<10000x64xf32, #tpu.memory_space<hbm>> -> memref<10000x64xf32, #tpu.memory_space<hbm>>
      tpu.enqueue_indirect_dma source(%dma_start3A_816 : memref<10000x64xf32, #tpu.memory_space<hbm>>) target(%dma_start3A_810 : memref<125x64xf32, #tpu.memory_space<vmem>>) offsets(%dma_start3A_813 : memref<125xi32, #tpu.memory_space<vmem>>) semaphore(%arg18 : memref<!tpu.dma_semaphore, #tpu.memory_space<semaphore_mem>>)
    }
    %scan3A_101 = arith.constant 9 : i32
    %dma_wait3A = arith.constant 72 : i32
    %dma_wait3A_102 = arith.constant 0 : i32
    %dma_wait3A_103 = arith.constant 0 : i32
    %dma_wait3A_104 = arith.constant 0 : i32
    %dma_wait3A_105 = tpu.memref_slice %arg9[%dma_wait3A_102, %dma_wait3A_103, %dma_wait3A_104] : memref<8x125x64xf32, #tpu.memory_space<vmem>> -> memref<1x125x64xf32, #tpu.memory_space<vmem>>
    %dma_wait3A_106 = tpu.memref_squeeze %dma_wait3A_105 : memref<1x125x64xf32, #tpu.memory_space<vmem>> -> memref<125x64xf32, #tpu.memory_space<vmem>>
    %dma_wait3A_107 = arith.constant 0 : i32
    %dma_wait3A_108 = tpu.memref_slice %arg7[%dma_wait3A, %dma_wait3A_107] : memref<80x125xi32, #tpu.memory_space<vmem>> -> memref<1x125xi32, #tpu.memory_space<vmem>>
    %dma_wait3A_109 = tpu.memref_squeeze %dma_wait3A_108 : memref<1x125xi32, #tpu.memory_space<vmem>> -> memref<125xi32, #tpu.memory_space<vmem>>
    %dma_wait3A_110 = arith.constant 0 : i32
    %dma_wait3A_111 = arith.constant 0 : i32
    %dma_wait3A_112 = tpu.memref_slice %arg2[%dma_wait3A_110, %dma_wait3A_111] : memref<10000x64xf32, #tpu.memory_space<hbm>> -> memref<10000x64xf32, #tpu.memory_space<hbm>>
    tpu.wait_indirect_dma semaphore(%arg11 : memref<!tpu.dma_semaphore, #tpu.memory_space<semaphore_mem>>) src(%dma_wait3A_112 : memref<10000x64xf32, #tpu.memory_space<hbm>>) dst(%dma_wait3A_106 : memref<125x64xf32, #tpu.memory_space<vmem>>)
    %dma_start3A_113 = arith.constant 0 : i32
    %dma_start3A_114 = arith.constant 72 : i32
    %dma_start3A_115 = arith.constant 0 : i32
    %dma_start3A_116 = arith.constant 0 : i32
    %dma_start3A_117 = tpu.memref_slice %arg9[%dma_start3A_113, %dma_start3A_115, %dma_start3A_116] : memref<8x125x64xf32, #tpu.memory_space<vmem>> -> memref<1x125x64xf32, #tpu.memory_space<vmem>>
    %dma_start3A_118 = tpu.memref_squeeze %dma_start3A_117 : memref<1x125x64xf32, #tpu.memory_space<vmem>> -> memref<125x64xf32, #tpu.memory_space<vmem>>
    %dma_start3A_119 = arith.constant 0 : i32
    %dma_start3A_120 = tpu.memref_slice %arg8[%dma_start3A_114, %dma_start3A_119] : memref<80x125xi32, #tpu.memory_space<vmem>> -> memref<1x125xi32, #tpu.memory_space<vmem>>
    %dma_start3A_121 = tpu.memref_squeeze %dma_start3A_120 : memref<1x125xi32, #tpu.memory_space<vmem>> -> memref<125xi32, #tpu.memory_space<vmem>>
    %dma_start3A_122 = arith.constant 0 : i32
    %dma_start3A_123 = arith.constant 0 : i32
    %dma_start3A_124 = tpu.memref_slice %arg10[%dma_start3A_122, %dma_start3A_123] : memref<10240x64xf32, #tpu.memory_space<vmem_shared>> -> memref<10240x64xf32, #tpu.memory_space<vmem_shared>>
    tpu.enqueue_indirect_dma source(%dma_start3A_118 : memref<125x64xf32, #tpu.memory_space<vmem>>) target(%dma_start3A_124 : memref<10240x64xf32, #tpu.memory_space<vmem_shared>>) offsets(%dma_start3A_121 : memref<125xi32, #tpu.memory_space<vmem>>) semaphore(%arg19 : memref<!tpu.dma_semaphore, #tpu.memory_space<semaphore_mem>>) {add = true}
    %dma_wait3A_125 = arith.constant 73 : i32
    %dma_wait3A_126 = arith.constant 1 : i32
    %dma_wait3A_127 = arith.constant 0 : i32
    %dma_wait3A_128 = arith.constant 0 : i32
    %dma_wait3A_129 = tpu.memref_slice %arg9[%dma_wait3A_126, %dma_wait3A_127, %dma_wait3A_128] : memref<8x125x64xf32, #tpu.memory_space<vmem>> -> memref<1x125x64xf32, #tpu.memory_space<vmem>>
    %dma_wait3A_130 = tpu.memref_squeeze %dma_wait3A_129 : memref<1x125x64xf32, #tpu.memory_space<vmem>> -> memref<125x64xf32, #tpu.memory_space<vmem>>
    %dma_wait3A_131 = arith.constant 0 : i32
    %dma_wait3A_132 = tpu.memref_slice %arg7[%dma_wait3A_125, %dma_wait3A_131] : memref<80x125xi32, #tpu.memory_space<vmem>> -> memref<1x125xi32, #tpu.memory_space<vmem>>
    %dma_wait3A_133 = tpu.memref_squeeze %dma_wait3A_132 : memref<1x125xi32, #tpu.memory_space<vmem>> -> memref<125xi32, #tpu.memory_space<vmem>>
    %dma_wait3A_134 = arith.constant 0 : i32
    %dma_wait3A_135 = arith.constant 0 : i32
    %dma_wait3A_136 = tpu.memref_slice %arg2[%dma_wait3A_134, %dma_wait3A_135] : memref<10000x64xf32, #tpu.memory_space<hbm>> -> memref<10000x64xf32, #tpu.memory_space<hbm>>
    tpu.wait_indirect_dma semaphore(%arg12 : memref<!tpu.dma_semaphore, #tpu.memory_space<semaphore_mem>>) src(%dma_wait3A_136 : memref<10000x64xf32, #tpu.memory_space<hbm>>) dst(%dma_wait3A_130 : memref<125x64xf32, #tpu.memory_space<vmem>>)
    %dma_start3A_137 = arith.constant 1 : i32
    %dma_start3A_138 = arith.constant 73 : i32
    %dma_start3A_139 = arith.constant 0 : i32
    %dma_start3A_140 = arith.constant 0 : i32
    %dma_start3A_141 = tpu.memref_slice %arg9[%dma_start3A_137, %dma_start3A_139, %dma_start3A_140] : memref<8x125x64xf32, #tpu.memory_space<vmem>> -> memref<1x125x64xf32, #tpu.memory_space<vmem>>
    %dma_start3A_142 = tpu.memref_squeeze %dma_start3A_141 : memref<1x125x64xf32, #tpu.memory_space<vmem>> -> memref<125x64xf32, #tpu.memory_space<vmem>>
    %dma_start3A_143 = arith.constant 0 : i32
    %dma_start3A_144 = tpu.memref_slice %arg8[%dma_start3A_138, %dma_start3A_143] : memref<80x125xi32, #tpu.memory_space<vmem>> -> memref<1x125xi32, #tpu.memory_space<vmem>>
    %dma_start3A_145 = tpu.memref_squeeze %dma_start3A_144 : memref<1x125xi32, #tpu.memory_space<vmem>> -> memref<125xi32, #tpu.memory_space<vmem>>
    %dma_start3A_146 = arith.constant 0 : i32
    %dma_start3A_147 = arith.constant 0 : i32
    %dma_start3A_148 = tpu.memref_slice %arg10[%dma_start3A_146, %dma_start3A_147] : memref<10240x64xf32, #tpu.memory_space<vmem_shared>> -> memref<10240x64xf32, #tpu.memory_space<vmem_shared>>
    tpu.enqueue_indirect_dma source(%dma_start3A_142 : memref<125x64xf32, #tpu.memory_space<vmem>>) target(%dma_start3A_148 : memref<10240x64xf32, #tpu.memory_space<vmem_shared>>) offsets(%dma_start3A_145 : memref<125xi32, #tpu.memory_space<vmem>>) semaphore(%arg20 : memref<!tpu.dma_semaphore, #tpu.memory_space<semaphore_mem>>) {add = true}
    %dma_wait3A_149 = arith.constant 74 : i32
    %dma_wait3A_150 = arith.constant 2 : i32
    %dma_wait3A_151 = arith.constant 0 : i32
    %dma_wait3A_152 = arith.constant 0 : i32
    %dma_wait3A_153 = tpu.memref_slice %arg9[%dma_wait3A_150, %dma_wait3A_151, %dma_wait3A_152] : memref<8x125x64xf32, #tpu.memory_space<vmem>> -> memref<1x125x64xf32, #tpu.memory_space<vmem>>
    %dma_wait3A_154 = tpu.memref_squeeze %dma_wait3A_153 : memref<1x125x64xf32, #tpu.memory_space<vmem>> -> memref<125x64xf32, #tpu.memory_space<vmem>>
    %dma_wait3A_155 = arith.constant 0 : i32
    %dma_wait3A_156 = tpu.memref_slice %arg7[%dma_wait3A_149, %dma_wait3A_155] : memref<80x125xi32, #tpu.memory_space<vmem>> -> memref<1x125xi32, #tpu.memory_space<vmem>>
    %dma_wait3A_157 = tpu.memref_squeeze %dma_wait3A_156 : memref<1x125xi32, #tpu.memory_space<vmem>> -> memref<125xi32, #tpu.memory_space<vmem>>
    %dma_wait3A_158 = arith.constant 0 : i32
    %dma_wait3A_159 = arith.constant 0 : i32
    %dma_wait3A_160 = tpu.memref_slice %arg2[%dma_wait3A_158, %dma_wait3A_159] : memref<10000x64xf32, #tpu.memory_space<hbm>> -> memref<10000x64xf32, #tpu.memory_space<hbm>>
    tpu.wait_indirect_dma semaphore(%arg13 : memref<!tpu.dma_semaphore, #tpu.memory_space<semaphore_mem>>) src(%dma_wait3A_160 : memref<10000x64xf32, #tpu.memory_space<hbm>>) dst(%dma_wait3A_154 : memref<125x64xf32, #tpu.memory_space<vmem>>)
    %dma_start3A_161 = arith.constant 2 : i32
    %dma_start3A_162 = arith.constant 74 : i32
    %dma_start3A_163 = arith.constant 0 : i32
    %dma_start3A_164 = arith.constant 0 : i32
    %dma_start3A_165 = tpu.memref_slice %arg9[%dma_start3A_161, %dma_start3A_163, %dma_start3A_164] : memref<8x125x64xf32, #tpu.memory_space<vmem>> -> memref<1x125x64xf32, #tpu.memory_space<vmem>>
    %dma_start3A_166 = tpu.memref_squeeze %dma_start3A_165 : memref<1x125x64xf32, #tpu.memory_space<vmem>> -> memref<125x64xf32, #tpu.memory_space<vmem>>
    %dma_start3A_167 = arith.constant 0 : i32
    %dma_start3A_168 = tpu.memref_slice %arg8[%dma_start3A_162, %dma_start3A_167] : memref<80x125xi32, #tpu.memory_space<vmem>> -> memref<1x125xi32, #tpu.memory_space<vmem>>
    %dma_start3A_169 = tpu.memref_squeeze %dma_start3A_168 : memref<1x125xi32, #tpu.memory_space<vmem>> -> memref<125xi32, #tpu.memory_space<vmem>>
    %dma_start3A_170 = arith.constant 0 : i32
    %dma_start3A_171 = arith.constant 0 : i32
    %dma_start3A_172 = tpu.memref_slice %arg10[%dma_start3A_170, %dma_start3A_171] : memref<10240x64xf32, #tpu.memory_space<vmem_shared>> -> memref<10240x64xf32, #tpu.memory_space<vmem_shared>>
    tpu.enqueue_indirect_dma source(%dma_start3A_166 : memref<125x64xf32, #tpu.memory_space<vmem>>) target(%dma_start3A_172 : memref<10240x64xf32, #tpu.memory_space<vmem_shared>>) offsets(%dma_start3A_169 : memref<125xi32, #tpu.memory_space<vmem>>) semaphore(%arg21 : memref<!tpu.dma_semaphore, #tpu.memory_space<semaphore_mem>>) {add = true}
    %dma_wait3A_173 = arith.constant 75 : i32
    %dma_wait3A_174 = arith.constant 3 : i32
    %dma_wait3A_175 = arith.constant 0 : i32
    %dma_wait3A_176 = arith.constant 0 : i32
    %dma_wait3A_177 = tpu.memref_slice %arg9[%dma_wait3A_174, %dma_wait3A_175, %dma_wait3A_176] : memref<8x125x64xf32, #tpu.memory_space<vmem>> -> memref<1x125x64xf32, #tpu.memory_space<vmem>>
    %dma_wait3A_178 = tpu.memref_squeeze %dma_wait3A_177 : memref<1x125x64xf32, #tpu.memory_space<vmem>> -> memref<125x64xf32, #tpu.memory_space<vmem>>
    %dma_wait3A_179 = arith.constant 0 : i32
    %dma_wait3A_180 = tpu.memref_slice %arg7[%dma_wait3A_173, %dma_wait3A_179] : memref<80x125xi32, #tpu.memory_space<vmem>> -> memref<1x125xi32, #tpu.memory_space<vmem>>
    %dma_wait3A_181 = tpu.memref_squeeze %dma_wait3A_180 : memref<1x125xi32, #tpu.memory_space<vmem>> -> memref<125xi32, #tpu.memory_space<vmem>>
    %dma_wait3A_182 = arith.constant 0 : i32
    %dma_wait3A_183 = arith.constant 0 : i32
    %dma_wait3A_184 = tpu.memref_slice %arg2[%dma_wait3A_182, %dma_wait3A_183] : memref<10000x64xf32, #tpu.memory_space<hbm>> -> memref<10000x64xf32, #tpu.memory_space<hbm>>
    tpu.wait_indirect_dma semaphore(%arg14 : memref<!tpu.dma_semaphore, #tpu.memory_space<semaphore_mem>>) src(%dma_wait3A_184 : memref<10000x64xf32, #tpu.memory_space<hbm>>) dst(%dma_wait3A_178 : memref<125x64xf32, #tpu.memory_space<vmem>>)
    %dma_start3A_185 = arith.constant 3 : i32
    %dma_start3A_186 = arith.constant 75 : i32
    %dma_start3A_187 = arith.constant 0 : i32
    %dma_start3A_188 = arith.constant 0 : i32
    %dma_start3A_189 = tpu.memref_slice %arg9[%dma_start3A_185, %dma_start3A_187, %dma_start3A_188] : memref<8x125x64xf32, #tpu.memory_space<vmem>> -> memref<1x125x64xf32, #tpu.memory_space<vmem>>
    %dma_start3A_190 = tpu.memref_squeeze %dma_start3A_189 : memref<1x125x64xf32, #tpu.memory_space<vmem>> -> memref<125x64xf32, #tpu.memory_space<vmem>>
    %dma_start3A_191 = arith.constant 0 : i32
    %dma_start3A_192 = tpu.memref_slice %arg8[%dma_start3A_186, %dma_start3A_191] : memref<80x125xi32, #tpu.memory_space<vmem>> -> memref<1x125xi32, #tpu.memory_space<vmem>>
    %dma_start3A_193 = tpu.memref_squeeze %dma_start3A_192 : memref<1x125xi32, #tpu.memory_space<vmem>> -> memref<125xi32, #tpu.memory_space<vmem>>
    %dma_start3A_194 = arith.constant 0 : i32
    %dma_start3A_195 = arith.constant 0 : i32
    %dma_start3A_196 = tpu.memref_slice %arg10[%dma_start3A_194, %dma_start3A_195] : memref<10240x64xf32, #tpu.memory_space<vmem_shared>> -> memref<10240x64xf32, #tpu.memory_space<vmem_shared>>
    tpu.enqueue_indirect_dma source(%dma_start3A_190 : memref<125x64xf32, #tpu.memory_space<vmem>>) target(%dma_start3A_196 : memref<10240x64xf32, #tpu.memory_space<vmem_shared>>) offsets(%dma_start3A_193 : memref<125xi32, #tpu.memory_space<vmem>>) semaphore(%arg22 : memref<!tpu.dma_semaphore, #tpu.memory_space<semaphore_mem>>) {add = true}
    %dma_wait3A_197 = arith.constant 76 : i32
    %dma_wait3A_198 = arith.constant 4 : i32
    %dma_wait3A_199 = arith.constant 0 : i32
    %dma_wait3A_200 = arith.constant 0 : i32
    %dma_wait3A_201 = tpu.memref_slice %arg9[%dma_wait3A_198, %dma_wait3A_199, %dma_wait3A_200] : memref<8x125x64xf32, #tpu.memory_space<vmem>> -> memref<1x125x64xf32, #tpu.memory_space<vmem>>
    %dma_wait3A_202 = tpu.memref_squeeze %dma_wait3A_201 : memref<1x125x64xf32, #tpu.memory_space<vmem>> -> memref<125x64xf32, #tpu.memory_space<vmem>>
    %dma_wait3A_203 = arith.constant 0 : i32
    %dma_wait3A_204 = tpu.memref_slice %arg7[%dma_wait3A_197, %dma_wait3A_203] : memref<80x125xi32, #tpu.memory_space<vmem>> -> memref<1x125xi32, #tpu.memory_space<vmem>>
    %dma_wait3A_205 = tpu.memref_squeeze %dma_wait3A_204 : memref<1x125xi32, #tpu.memory_space<vmem>> -> memref<125xi32, #tpu.memory_space<vmem>>
    %dma_wait3A_206 = arith.constant 0 : i32
    %dma_wait3A_207 = arith.constant 0 : i32
    %dma_wait3A_208 = tpu.memref_slice %arg2[%dma_wait3A_206, %dma_wait3A_207] : memref<10000x64xf32, #tpu.memory_space<hbm>> -> memref<10000x64xf32, #tpu.memory_space<hbm>>
    tpu.wait_indirect_dma semaphore(%arg15 : memref<!tpu.dma_semaphore, #tpu.memory_space<semaphore_mem>>) src(%dma_wait3A_208 : memref<10000x64xf32, #tpu.memory_space<hbm>>) dst(%dma_wait3A_202 : memref<125x64xf32, #tpu.memory_space<vmem>>)
    %dma_start3A_209 = arith.constant 4 : i32
    %dma_start3A_210 = arith.constant 76 : i32
    %dma_start3A_211 = arith.constant 0 : i32
    %dma_start3A_212 = arith.constant 0 : i32
    %dma_start3A_213 = tpu.memref_slice %arg9[%dma_start3A_209, %dma_start3A_211, %dma_start3A_212] : memref<8x125x64xf32, #tpu.memory_space<vmem>> -> memref<1x125x64xf32, #tpu.memory_space<vmem>>
    %dma_start3A_214 = tpu.memref_squeeze %dma_start3A_213 : memref<1x125x64xf32, #tpu.memory_space<vmem>> -> memref<125x64xf32, #tpu.memory_space<vmem>>
    %dma_start3A_215 = arith.constant 0 : i32
    %dma_start3A_216 = tpu.memref_slice %arg8[%dma_start3A_210, %dma_start3A_215] : memref<80x125xi32, #tpu.memory_space<vmem>> -> memref<1x125xi32, #tpu.memory_space<vmem>>
    %dma_start3A_217 = tpu.memref_squeeze %dma_start3A_216 : memref<1x125xi32, #tpu.memory_space<vmem>> -> memref<125xi32, #tpu.memory_space<vmem>>
    %dma_start3A_218 = arith.constant 0 : i32
    %dma_start3A_219 = arith.constant 0 : i32
    %dma_start3A_220 = tpu.memref_slice %arg10[%dma_start3A_218, %dma_start3A_219] : memref<10240x64xf32, #tpu.memory_space<vmem_shared>> -> memref<10240x64xf32, #tpu.memory_space<vmem_shared>>
    tpu.enqueue_indirect_dma source(%dma_start3A_214 : memref<125x64xf32, #tpu.memory_space<vmem>>) target(%dma_start3A_220 : memref<10240x64xf32, #tpu.memory_space<vmem_shared>>) offsets(%dma_start3A_217 : memref<125xi32, #tpu.memory_space<vmem>>) semaphore(%arg23 : memref<!tpu.dma_semaphore, #tpu.memory_space<semaphore_mem>>) {add = true}
    %dma_wait3A_221 = arith.constant 77 : i32
    %dma_wait3A_222 = arith.constant 5 : i32
    %dma_wait3A_223 = arith.constant 0 : i32
    %dma_wait3A_224 = arith.constant 0 : i32
    %dma_wait3A_225 = tpu.memref_slice %arg9[%dma_wait3A_222, %dma_wait3A_223, %dma_wait3A_224] : memref<8x125x64xf32, #tpu.memory_space<vmem>> -> memref<1x125x64xf32, #tpu.memory_space<vmem>>
    %dma_wait3A_226 = tpu.memref_squeeze %dma_wait3A_225 : memref<1x125x64xf32, #tpu.memory_space<vmem>> -> memref<125x64xf32, #tpu.memory_space<vmem>>
    %dma_wait3A_227 = arith.constant 0 : i32
    %dma_wait3A_228 = tpu.memref_slice %arg7[%dma_wait3A_221, %dma_wait3A_227] : memref<80x125xi32, #tpu.memory_space<vmem>> -> memref<1x125xi32, #tpu.memory_space<vmem>>
    %dma_wait3A_229 = tpu.memref_squeeze %dma_wait3A_228 : memref<1x125xi32, #tpu.memory_space<vmem>> -> memref<125xi32, #tpu.memory_space<vmem>>
    %dma_wait3A_230 = arith.constant 0 : i32
    %dma_wait3A_231 = arith.constant 0 : i32
    %dma_wait3A_232 = tpu.memref_slice %arg2[%dma_wait3A_230, %dma_wait3A_231] : memref<10000x64xf32, #tpu.memory_space<hbm>> -> memref<10000x64xf32, #tpu.memory_space<hbm>>
    tpu.wait_indirect_dma semaphore(%arg16 : memref<!tpu.dma_semaphore, #tpu.memory_space<semaphore_mem>>) src(%dma_wait3A_232 : memref<10000x64xf32, #tpu.memory_space<hbm>>) dst(%dma_wait3A_226 : memref<125x64xf32, #tpu.memory_space<vmem>>)
    %dma_start3A_233 = arith.constant 5 : i32
    %dma_start3A_234 = arith.constant 77 : i32
    %dma_start3A_235 = arith.constant 0 : i32
    %dma_start3A_236 = arith.constant 0 : i32
    %dma_start3A_237 = tpu.memref_slice %arg9[%dma_start3A_233, %dma_start3A_235, %dma_start3A_236] : memref<8x125x64xf32, #tpu.memory_space<vmem>> -> memref<1x125x64xf32, #tpu.memory_space<vmem>>
    %dma_start3A_238 = tpu.memref_squeeze %dma_start3A_237 : memref<1x125x64xf32, #tpu.memory_space<vmem>> -> memref<125x64xf32, #tpu.memory_space<vmem>>
    %dma_start3A_239 = arith.constant 0 : i32
    %dma_start3A_240 = tpu.memref_slice %arg8[%dma_start3A_234, %dma_start3A_239] : memref<80x125xi32, #tpu.memory_space<vmem>> -> memref<1x125xi32, #tpu.memory_space<vmem>>
    %dma_start3A_241 = tpu.memref_squeeze %dma_start3A_240 : memref<1x125xi32, #tpu.memory_space<vmem>> -> memref<125xi32, #tpu.memory_space<vmem>>
    %dma_start3A_242 = arith.constant 0 : i32
    %dma_start3A_243 = arith.constant 0 : i32
    %dma_start3A_244 = tpu.memref_slice %arg10[%dma_start3A_242, %dma_start3A_243] : memref<10240x64xf32, #tpu.memory_space<vmem_shared>> -> memref<10240x64xf32, #tpu.memory_space<vmem_shared>>
    tpu.enqueue_indirect_dma source(%dma_start3A_238 : memref<125x64xf32, #tpu.memory_space<vmem>>) target(%dma_start3A_244 : memref<10240x64xf32, #tpu.memory_space<vmem_shared>>) offsets(%dma_start3A_241 : memref<125xi32, #tpu.memory_space<vmem>>) semaphore(%arg24 : memref<!tpu.dma_semaphore, #tpu.memory_space<semaphore_mem>>) {add = true}
    %dma_wait3A_245 = arith.constant 78 : i32
    %dma_wait3A_246 = arith.constant 6 : i32
    %dma_wait3A_247 = arith.constant 0 : i32
    %dma_wait3A_248 = arith.constant 0 : i32
    %dma_wait3A_249 = tpu.memref_slice %arg9[%dma_wait3A_246, %dma_wait3A_247, %dma_wait3A_248] : memref<8x125x64xf32, #tpu.memory_space<vmem>> -> memref<1x125x64xf32, #tpu.memory_space<vmem>>
    %dma_wait3A_250 = tpu.memref_squeeze %dma_wait3A_249 : memref<1x125x64xf32, #tpu.memory_space<vmem>> -> memref<125x64xf32, #tpu.memory_space<vmem>>
    %dma_wait3A_251 = arith.constant 0 : i32
    %dma_wait3A_252 = tpu.memref_slice %arg7[%dma_wait3A_245, %dma_wait3A_251] : memref<80x125xi32, #tpu.memory_space<vmem>> -> memref<1x125xi32, #tpu.memory_space<vmem>>
    %dma_wait3A_253 = tpu.memref_squeeze %dma_wait3A_252 : memref<1x125xi32, #tpu.memory_space<vmem>> -> memref<125xi32, #tpu.memory_space<vmem>>
    %dma_wait3A_254 = arith.constant 0 : i32
    %dma_wait3A_255 = arith.constant 0 : i32
    %dma_wait3A_256 = tpu.memref_slice %arg2[%dma_wait3A_254, %dma_wait3A_255] : memref<10000x64xf32, #tpu.memory_space<hbm>> -> memref<10000x64xf32, #tpu.memory_space<hbm>>
    tpu.wait_indirect_dma semaphore(%arg17 : memref<!tpu.dma_semaphore, #tpu.memory_space<semaphore_mem>>) src(%dma_wait3A_256 : memref<10000x64xf32, #tpu.memory_space<hbm>>) dst(%dma_wait3A_250 : memref<125x64xf32, #tpu.memory_space<vmem>>)
    %dma_start3A_257 = arith.constant 6 : i32
    %dma_start3A_258 = arith.constant 78 : i32
    %dma_start3A_259 = arith.constant 0 : i32
    %dma_start3A_260 = arith.constant 0 : i32
    %dma_start3A_261 = tpu.memref_slice %arg9[%dma_start3A_257, %dma_start3A_259, %dma_start3A_260] : memref<8x125x64xf32, #tpu.memory_space<vmem>> -> memref<1x125x64xf32, #tpu.memory_space<vmem>>
    %dma_start3A_262 = tpu.memref_squeeze %dma_start3A_261 : memref<1x125x64xf32, #tpu.memory_space<vmem>> -> memref<125x64xf32, #tpu.memory_space<vmem>>
    %dma_start3A_263 = arith.constant 0 : i32
    %dma_start3A_264 = tpu.memref_slice %arg8[%dma_start3A_258, %dma_start3A_263] : memref<80x125xi32, #tpu.memory_space<vmem>> -> memref<1x125xi32, #tpu.memory_space<vmem>>
    %dma_start3A_265 = tpu.memref_squeeze %dma_start3A_264 : memref<1x125xi32, #tpu.memory_space<vmem>> -> memref<125xi32, #tpu.memory_space<vmem>>
    %dma_start3A_266 = arith.constant 0 : i32
    %dma_start3A_267 = arith.constant 0 : i32
    %dma_start3A_268 = tpu.memref_slice %arg10[%dma_start3A_266, %dma_start3A_267] : memref<10240x64xf32, #tpu.memory_space<vmem_shared>> -> memref<10240x64xf32, #tpu.memory_space<vmem_shared>>
    tpu.enqueue_indirect_dma source(%dma_start3A_262 : memref<125x64xf32, #tpu.memory_space<vmem>>) target(%dma_start3A_268 : memref<10240x64xf32, #tpu.memory_space<vmem_shared>>) offsets(%dma_start3A_265 : memref<125xi32, #tpu.memory_space<vmem>>) semaphore(%arg25 : memref<!tpu.dma_semaphore, #tpu.memory_space<semaphore_mem>>) {add = true}
    %dma_wait3A_269 = arith.constant 79 : i32
    %dma_wait3A_270 = arith.constant 7 : i32
    %dma_wait3A_271 = arith.constant 0 : i32
    %dma_wait3A_272 = arith.constant 0 : i32
    %dma_wait3A_273 = tpu.memref_slice %arg9[%dma_wait3A_270, %dma_wait3A_271, %dma_wait3A_272] : memref<8x125x64xf32, #tpu.memory_space<vmem>> -> memref<1x125x64xf32, #tpu.memory_space<vmem>>
    %dma_wait3A_274 = tpu.memref_squeeze %dma_wait3A_273 : memref<1x125x64xf32, #tpu.memory_space<vmem>> -> memref<125x64xf32, #tpu.memory_space<vmem>>
    %dma_wait3A_275 = arith.constant 0 : i32
    %dma_wait3A_276 = tpu.memref_slice %arg7[%dma_wait3A_269, %dma_wait3A_275] : memref<80x125xi32, #tpu.memory_space<vmem>> -> memref<1x125xi32, #tpu.memory_space<vmem>>
    %dma_wait3A_277 = tpu.memref_squeeze %dma_wait3A_276 : memref<1x125xi32, #tpu.memory_space<vmem>> -> memref<125xi32, #tpu.memory_space<vmem>>
    %dma_wait3A_278 = arith.constant 0 : i32
    %dma_wait3A_279 = arith.constant 0 : i32
    %dma_wait3A_280 = tpu.memref_slice %arg2[%dma_wait3A_278, %dma_wait3A_279] : memref<10000x64xf32, #tpu.memory_space<hbm>> -> memref<10000x64xf32, #tpu.memory_space<hbm>>
    tpu.wait_indirect_dma semaphore(%arg18 : memref<!tpu.dma_semaphore, #tpu.memory_space<semaphore_mem>>) src(%dma_wait3A_280 : memref<10000x64xf32, #tpu.memory_space<hbm>>) dst(%dma_wait3A_274 : memref<125x64xf32, #tpu.memory_space<vmem>>)
    %dma_start3A_281 = arith.constant 7 : i32
    %dma_start3A_282 = arith.constant 79 : i32
    %dma_start3A_283 = arith.constant 0 : i32
    %dma_start3A_284 = arith.constant 0 : i32
    %dma_start3A_285 = tpu.memref_slice %arg9[%dma_start3A_281, %dma_start3A_283, %dma_start3A_284] : memref<8x125x64xf32, #tpu.memory_space<vmem>> -> memref<1x125x64xf32, #tpu.memory_space<vmem>>
    %dma_start3A_286 = tpu.memref_squeeze %dma_start3A_285 : memref<1x125x64xf32, #tpu.memory_space<vmem>> -> memref<125x64xf32, #tpu.memory_space<vmem>>
    %dma_start3A_287 = arith.constant 0 : i32
    %dma_start3A_288 = tpu.memref_slice %arg8[%dma_start3A_282, %dma_start3A_287] : memref<80x125xi32, #tpu.memory_space<vmem>> -> memref<1x125xi32, #tpu.memory_space<vmem>>
    %dma_start3A_289 = tpu.memref_squeeze %dma_start3A_288 : memref<1x125xi32, #tpu.memory_space<vmem>> -> memref<125xi32, #tpu.memory_space<vmem>>
    %dma_start3A_290 = arith.constant 0 : i32
    %dma_start3A_291 = arith.constant 0 : i32
    %dma_start3A_292 = tpu.memref_slice %arg10[%dma_start3A_290, %dma_start3A_291] : memref<10240x64xf32, #tpu.memory_space<vmem_shared>> -> memref<10240x64xf32, #tpu.memory_space<vmem_shared>>
    tpu.enqueue_indirect_dma source(%dma_start3A_286 : memref<125x64xf32, #tpu.memory_space<vmem>>) target(%dma_start3A_292 : memref<10240x64xf32, #tpu.memory_space<vmem_shared>>) offsets(%dma_start3A_289 : memref<125xi32, #tpu.memory_space<vmem>>) semaphore(%arg26 : memref<!tpu.dma_semaphore, #tpu.memory_space<semaphore_mem>>) {add = true}
    %dma_wait3A_293 = arith.constant 0 : i32
    %dma_wait3A_294 = arith.constant 72 : i32
    %dma_wait3A_295 = arith.constant 0 : i32
    %dma_wait3A_296 = arith.constant 0 : i32
    %dma_wait3A_297 = tpu.memref_slice %arg9[%dma_wait3A_293, %dma_wait3A_295, %dma_wait3A_296] : memref<8x125x64xf32, #tpu.memory_space<vmem>> -> memref<1x125x64xf32, #tpu.memory_space<vmem>>
    %dma_wait3A_298 = tpu.memref_squeeze %dma_wait3A_297 : memref<1x125x64xf32, #tpu.memory_space<vmem>> -> memref<125x64xf32, #tpu.memory_space<vmem>>
    %dma_wait3A_299 = arith.constant 0 : i32
    %dma_wait3A_300 = tpu.memref_slice %arg8[%dma_wait3A_294, %dma_wait3A_299] : memref<80x125xi32, #tpu.memory_space<vmem>> -> memref<1x125xi32, #tpu.memory_space<vmem>>
    %dma_wait3A_301 = tpu.memref_squeeze %dma_wait3A_300 : memref<1x125xi32, #tpu.memory_space<vmem>> -> memref<125xi32, #tpu.memory_space<vmem>>
    %dma_wait3A_302 = arith.constant 0 : i32
    %dma_wait3A_303 = arith.constant 0 : i32
    %dma_wait3A_304 = tpu.memref_slice %arg10[%dma_wait3A_302, %dma_wait3A_303] : memref<10240x64xf32, #tpu.memory_space<vmem_shared>> -> memref<10240x64xf32, #tpu.memory_space<vmem_shared>>
    tpu.wait_indirect_dma semaphore(%arg19 : memref<!tpu.dma_semaphore, #tpu.memory_space<semaphore_mem>>) src(%dma_wait3A_298 : memref<125x64xf32, #tpu.memory_space<vmem>>) dst(%dma_wait3A_304 : memref<10240x64xf32, #tpu.memory_space<vmem_shared>>)
    %dma_wait3A_305 = arith.constant 1 : i32
    %dma_wait3A_306 = arith.constant 73 : i32
    %dma_wait3A_307 = arith.constant 0 : i32
    %dma_wait3A_308 = arith.constant 0 : i32
    %dma_wait3A_309 = tpu.memref_slice %arg9[%dma_wait3A_305, %dma_wait3A_307, %dma_wait3A_308] : memref<8x125x64xf32, #tpu.memory_space<vmem>> -> memref<1x125x64xf32, #tpu.memory_space<vmem>>
    %dma_wait3A_310 = tpu.memref_squeeze %dma_wait3A_309 : memref<1x125x64xf32, #tpu.memory_space<vmem>> -> memref<125x64xf32, #tpu.memory_space<vmem>>
    %dma_wait3A_311 = arith.constant 0 : i32
    %dma_wait3A_312 = tpu.memref_slice %arg8[%dma_wait3A_306, %dma_wait3A_311] : memref<80x125xi32, #tpu.memory_space<vmem>> -> memref<1x125xi32, #tpu.memory_space<vmem>>
    %dma_wait3A_313 = tpu.memref_squeeze %dma_wait3A_312 : memref<1x125xi32, #tpu.memory_space<vmem>> -> memref<125xi32, #tpu.memory_space<vmem>>
    %dma_wait3A_314 = arith.constant 0 : i32
    %dma_wait3A_315 = arith.constant 0 : i32
    %dma_wait3A_316 = tpu.memref_slice %arg10[%dma_wait3A_314, %dma_wait3A_315] : memref<10240x64xf32, #tpu.memory_space<vmem_shared>> -> memref<10240x64xf32, #tpu.memory_space<vmem_shared>>
    tpu.wait_indirect_dma semaphore(%arg20 : memref<!tpu.dma_semaphore, #tpu.memory_space<semaphore_mem>>) src(%dma_wait3A_310 : memref<125x64xf32, #tpu.memory_space<vmem>>) dst(%dma_wait3A_316 : memref<10240x64xf32, #tpu.memory_space<vmem_shared>>)
    %dma_wait3A_317 = arith.constant 2 : i32
    %dma_wait3A_318 = arith.constant 74 : i32
    %dma_wait3A_319 = arith.constant 0 : i32
    %dma_wait3A_320 = arith.constant 0 : i32
    %dma_wait3A_321 = tpu.memref_slice %arg9[%dma_wait3A_317, %dma_wait3A_319, %dma_wait3A_320] : memref<8x125x64xf32, #tpu.memory_space<vmem>> -> memref<1x125x64xf32, #tpu.memory_space<vmem>>
    %dma_wait3A_322 = tpu.memref_squeeze %dma_wait3A_321 : memref<1x125x64xf32, #tpu.memory_space<vmem>> -> memref<125x64xf32, #tpu.memory_space<vmem>>
    %dma_wait3A_323 = arith.constant 0 : i32
    %dma_wait3A_324 = tpu.memref_slice %arg8[%dma_wait3A_318, %dma_wait3A_323] : memref<80x125xi32, #tpu.memory_space<vmem>> -> memref<1x125xi32, #tpu.memory_space<vmem>>
    %dma_wait3A_325 = tpu.memref_squeeze %dma_wait3A_324 : memref<1x125xi32, #tpu.memory_space<vmem>> -> memref<125xi32, #tpu.memory_space<vmem>>
    %dma_wait3A_326 = arith.constant 0 : i32
    %dma_wait3A_327 = arith.constant 0 : i32
    %dma_wait3A_328 = tpu.memref_slice %arg10[%dma_wait3A_326, %dma_wait3A_327] : memref<10240x64xf32, #tpu.memory_space<vmem_shared>> -> memref<10240x64xf32, #tpu.memory_space<vmem_shared>>
    tpu.wait_indirect_dma semaphore(%arg21 : memref<!tpu.dma_semaphore, #tpu.memory_space<semaphore_mem>>) src(%dma_wait3A_322 : memref<125x64xf32, #tpu.memory_space<vmem>>) dst(%dma_wait3A_328 : memref<10240x64xf32, #tpu.memory_space<vmem_shared>>)
    %dma_wait3A_329 = arith.constant 3 : i32
    %dma_wait3A_330 = arith.constant 75 : i32
    %dma_wait3A_331 = arith.constant 0 : i32
    %dma_wait3A_332 = arith.constant 0 : i32
    %dma_wait3A_333 = tpu.memref_slice %arg9[%dma_wait3A_329, %dma_wait3A_331, %dma_wait3A_332] : memref<8x125x64xf32, #tpu.memory_space<vmem>> -> memref<1x125x64xf32, #tpu.memory_space<vmem>>
    %dma_wait3A_334 = tpu.memref_squeeze %dma_wait3A_333 : memref<1x125x64xf32, #tpu.memory_space<vmem>> -> memref<125x64xf32, #tpu.memory_space<vmem>>
    %dma_wait3A_335 = arith.constant 0 : i32
    %dma_wait3A_336 = tpu.memref_slice %arg8[%dma_wait3A_330, %dma_wait3A_335] : memref<80x125xi32, #tpu.memory_space<vmem>> -> memref<1x125xi32, #tpu.memory_space<vmem>>
    %dma_wait3A_337 = tpu.memref_squeeze %dma_wait3A_336 : memref<1x125xi32, #tpu.memory_space<vmem>> -> memref<125xi32, #tpu.memory_space<vmem>>
    %dma_wait3A_338 = arith.constant 0 : i32
    %dma_wait3A_339 = arith.constant 0 : i32
    %dma_wait3A_340 = tpu.memref_slice %arg10[%dma_wait3A_338, %dma_wait3A_339] : memref<10240x64xf32, #tpu.memory_space<vmem_shared>> -> memref<10240x64xf32, #tpu.memory_space<vmem_shared>>
    tpu.wait_indirect_dma semaphore(%arg22 : memref<!tpu.dma_semaphore, #tpu.memory_space<semaphore_mem>>) src(%dma_wait3A_334 : memref<125x64xf32, #tpu.memory_space<vmem>>) dst(%dma_wait3A_340 : memref<10240x64xf32, #tpu.memory_space<vmem_shared>>)
    %dma_wait3A_341 = arith.constant 4 : i32
    %dma_wait3A_342 = arith.constant 76 : i32
    %dma_wait3A_343 = arith.constant 0 : i32
    %dma_wait3A_344 = arith.constant 0 : i32
    %dma_wait3A_345 = tpu.memref_slice %arg9[%dma_wait3A_341, %dma_wait3A_343, %dma_wait3A_344] : memref<8x125x64xf32, #tpu.memory_space<vmem>> -> memref<1x125x64xf32, #tpu.memory_space<vmem>>
    %dma_wait3A_346 = tpu.memref_squeeze %dma_wait3A_345 : memref<1x125x64xf32, #tpu.memory_space<vmem>> -> memref<125x64xf32, #tpu.memory_space<vmem>>
    %dma_wait3A_347 = arith.constant 0 : i32
    %dma_wait3A_348 = tpu.memref_slice %arg8[%dma_wait3A_342, %dma_wait3A_347] : memref<80x125xi32, #tpu.memory_space<vmem>> -> memref<1x125xi32, #tpu.memory_space<vmem>>
    %dma_wait3A_349 = tpu.memref_squeeze %dma_wait3A_348 : memref<1x125xi32, #tpu.memory_space<vmem>> -> memref<125xi32, #tpu.memory_space<vmem>>
    %dma_wait3A_350 = arith.constant 0 : i32
    %dma_wait3A_351 = arith.constant 0 : i32
    %dma_wait3A_352 = tpu.memref_slice %arg10[%dma_wait3A_350, %dma_wait3A_351] : memref<10240x64xf32, #tpu.memory_space<vmem_shared>> -> memref<10240x64xf32, #tpu.memory_space<vmem_shared>>
    tpu.wait_indirect_dma semaphore(%arg23 : memref<!tpu.dma_semaphore, #tpu.memory_space<semaphore_mem>>) src(%dma_wait3A_346 : memref<125x64xf32, #tpu.memory_space<vmem>>) dst(%dma_wait3A_352 : memref<10240x64xf32, #tpu.memory_space<vmem_shared>>)
    %dma_wait3A_353 = arith.constant 5 : i32
    %dma_wait3A_354 = arith.constant 77 : i32
    %dma_wait3A_355 = arith.constant 0 : i32
    %dma_wait3A_356 = arith.constant 0 : i32
    %dma_wait3A_357 = tpu.memref_slice %arg9[%dma_wait3A_353, %dma_wait3A_355, %dma_wait3A_356] : memref<8x125x64xf32, #tpu.memory_space<vmem>> -> memref<1x125x64xf32, #tpu.memory_space<vmem>>
    %dma_wait3A_358 = tpu.memref_squeeze %dma_wait3A_357 : memref<1x125x64xf32, #tpu.memory_space<vmem>> -> memref<125x64xf32, #tpu.memory_space<vmem>>
    %dma_wait3A_359 = arith.constant 0 : i32
    %dma_wait3A_360 = tpu.memref_slice %arg8[%dma_wait3A_354, %dma_wait3A_359] : memref<80x125xi32, #tpu.memory_space<vmem>> -> memref<1x125xi32, #tpu.memory_space<vmem>>
    %dma_wait3A_361 = tpu.memref_squeeze %dma_wait3A_360 : memref<1x125xi32, #tpu.memory_space<vmem>> -> memref<125xi32, #tpu.memory_space<vmem>>
    %dma_wait3A_362 = arith.constant 0 : i32
    %dma_wait3A_363 = arith.constant 0 : i32
    %dma_wait3A_364 = tpu.memref_slice %arg10[%dma_wait3A_362, %dma_wait3A_363] : memref<10240x64xf32, #tpu.memory_space<vmem_shared>> -> memref<10240x64xf32, #tpu.memory_space<vmem_shared>>
    tpu.wait_indirect_dma semaphore(%arg24 : memref<!tpu.dma_semaphore, #tpu.memory_space<semaphore_mem>>) src(%dma_wait3A_358 : memref<125x64xf32, #tpu.memory_space<vmem>>) dst(%dma_wait3A_364 : memref<10240x64xf32, #tpu.memory_space<vmem_shared>>)
    %dma_wait3A_365 = arith.constant 6 : i32
    %dma_wait3A_366 = arith.constant 78 : i32
    %dma_wait3A_367 = arith.constant 0 : i32
    %dma_wait3A_368 = arith.constant 0 : i32
    %dma_wait3A_369 = tpu.memref_slice %arg9[%dma_wait3A_365, %dma_wait3A_367, %dma_wait3A_368] : memref<8x125x64xf32, #tpu.memory_space<vmem>> -> memref<1x125x64xf32, #tpu.memory_space<vmem>>
    %dma_wait3A_370 = tpu.memref_squeeze %dma_wait3A_369 : memref<1x125x64xf32, #tpu.memory_space<vmem>> -> memref<125x64xf32, #tpu.memory_space<vmem>>
    %dma_wait3A_371 = arith.constant 0 : i32
    %dma_wait3A_372 = tpu.memref_slice %arg8[%dma_wait3A_366, %dma_wait3A_371] : memref<80x125xi32, #tpu.memory_space<vmem>> -> memref<1x125xi32, #tpu.memory_space<vmem>>
    %dma_wait3A_373 = tpu.memref_squeeze %dma_wait3A_372 : memref<1x125xi32, #tpu.memory_space<vmem>> -> memref<125xi32, #tpu.memory_space<vmem>>
    %dma_wait3A_374 = arith.constant 0 : i32
    %dma_wait3A_375 = arith.constant 0 : i32
    %dma_wait3A_376 = tpu.memref_slice %arg10[%dma_wait3A_374, %dma_wait3A_375] : memref<10240x64xf32, #tpu.memory_space<vmem_shared>> -> memref<10240x64xf32, #tpu.memory_space<vmem_shared>>
    tpu.wait_indirect_dma semaphore(%arg25 : memref<!tpu.dma_semaphore, #tpu.memory_space<semaphore_mem>>) src(%dma_wait3A_370 : memref<125x64xf32, #tpu.memory_space<vmem>>) dst(%dma_wait3A_376 : memref<10240x64xf32, #tpu.memory_space<vmem_shared>>)
    %dma_wait3A_377 = arith.constant 7 : i32
    %dma_wait3A_378 = arith.constant 79 : i32
    %dma_wait3A_379 = arith.constant 0 : i32
    %dma_wait3A_380 = arith.constant 0 : i32
    %dma_wait3A_381 = tpu.memref_slice %arg9[%dma_wait3A_377, %dma_wait3A_379, %dma_wait3A_380] : memref<8x125x64xf32, #tpu.memory_space<vmem>> -> memref<1x125x64xf32, #tpu.memory_space<vmem>>
    %dma_wait3A_382 = tpu.memref_squeeze %dma_wait3A_381 : memref<1x125x64xf32, #tpu.memory_space<vmem>> -> memref<125x64xf32, #tpu.memory_space<vmem>>
    %dma_wait3A_383 = arith.constant 0 : i32
    %dma_wait3A_384 = tpu.memref_slice %arg8[%dma_wait3A_378, %dma_wait3A_383] : memref<80x125xi32, #tpu.memory_space<vmem>> -> memref<1x125xi32, #tpu.memory_space<vmem>>
    %dma_wait3A_385 = tpu.memref_squeeze %dma_wait3A_384 : memref<1x125xi32, #tpu.memory_space<vmem>> -> memref<125xi32, #tpu.memory_space<vmem>>
    %dma_wait3A_386 = arith.constant 0 : i32
    %dma_wait3A_387 = arith.constant 0 : i32
    %dma_wait3A_388 = tpu.memref_slice %arg10[%dma_wait3A_386, %dma_wait3A_387] : memref<10240x64xf32, #tpu.memory_space<vmem_shared>> -> memref<10240x64xf32, #tpu.memory_space<vmem_shared>>
    tpu.wait_indirect_dma semaphore(%arg26 : memref<!tpu.dma_semaphore, #tpu.memory_space<semaphore_mem>>) src(%dma_wait3A_382 : memref<125x64xf32, #tpu.memory_space<vmem>>) dst(%dma_wait3A_388 : memref<10240x64xf32, #tpu.memory_space<vmem_shared>>)
    %barrier3A_389 = arith.constant 0 : index
    tpu.barrier barrier_id(%barrier3A_389)
    %mul3A_390 = arith.constant 640 : i32
    %mul3A_391 = arith.muli %arg1, %mul3A_390 : i32
    %mul3A_392 = arith.constant 640 : i32
    %mul3A_393 = arith.muli %arg1, %mul3A_392 : i32
    "tpu.region"() ({
      %run_scoped3A = tpu.sem_alloc : memref<!tpu.dma_semaphore, #tpu.memory_space<semaphore_mem>>
      %dma_start3A_394 = arith.constant 0 : i32
      %dma_start3A_395 = tpu.memref_slice %arg6[%arg0, %mul3A_393, %dma_start3A_394] : memref<2x10240x64xf32, #tpu.memory_space<hbm>> -> memref<1x640x64xf32, #tpu.memory_space<hbm>>
      %dma_start3A_396 = tpu.memref_squeeze %dma_start3A_395 : memref<1x640x64xf32, #tpu.memory_space<hbm>> -> memref<640x64xf32, #tpu.memory_space<hbm>>
      %dma_start3A_397 = arith.constant 0 : i32
      %dma_start3A_398 = tpu.memref_slice %arg10[%mul3A_391, %dma_start3A_397] : memref<10240x64xf32, #tpu.memory_space<vmem_shared>> -> memref<640x64xf32, #tpu.memory_space<vmem_shared>>
      tpu.enqueue_dma source(%dma_start3A_398 : memref<640x64xf32, #tpu.memory_space<vmem_shared>>) target(%dma_start3A_396 : memref<640x64xf32, #tpu.memory_space<hbm>>) target_semaphore(%run_scoped3A : memref<!tpu.dma_semaphore, #tpu.memory_space<semaphore_mem>>)
      %dma_wait3A_399 = arith.constant 0 : i32
      %dma_wait3A_400 = tpu.memref_slice %arg6[%arg0, %mul3A_393, %dma_wait3A_399] : memref<2x10240x64xf32, #tpu.memory_space<hbm>> -> memref<1x640x64xf32, #tpu.memory_space<hbm>>
      %dma_wait3A_401 = tpu.memref_squeeze %dma_wait3A_400 : memref<1x640x64xf32, #tpu.memory_space<hbm>> -> memref<640x64xf32, #tpu.memory_space<hbm>>
      %dma_wait3A_402 = arith.constant 0 : i32
      %dma_wait3A_403 = tpu.memref_slice %arg10[%mul3A_391, %dma_wait3A_402] : memref<10240x64xf32, #tpu.memory_space<vmem_shared>> -> memref<640x64xf32, #tpu.memory_space<vmem_shared>>
      tpu.wait_dma2 semaphore(%run_scoped3A : memref<!tpu.dma_semaphore, #tpu.memory_space<semaphore_mem>>) src(%dma_wait3A_403 : memref<640x64xf32, #tpu.memory_space<vmem_shared>>) dst(%dma_wait3A_401 : memref<640x64xf32, #tpu.memory_space<hbm>>)
      tpu.yield
    }) : () -> ()
    return
  }
}

#map = affine_map<(d0, d1) -> (0, 0)>
#map1 = affine_map<(d0, d1) -> (0, 0, 0)>
module attributes {stable_mosaic.version = 14 : i64} {
  func.func @edge_agg(%arg0: i32, %arg1: i32, %arg2: memref<10000x64xf32, #tpu.memory_space<hbm>>, %arg3: memref<32x80x125xi32, #tpu.memory_space<hbm>>, %arg4: memref<32x80x125xi32, #tpu.memory_space<hbm>>, %arg5: memref<640x64xf32, #tpu.memory_space<hbm>>, %arg6: memref<2x10240x64xf32, #tpu.memory_space<hbm>>, %arg7: memref<80x125xi32, #tpu.memory_space<vmem>>, %arg8: memref<80x125xi32, #tpu.memory_space<vmem>>, %arg9: memref<8x125x64xf32, #tpu.memory_space<vmem>>, %arg10: memref<10240x64xf32, #tpu.memory_space<vmem_shared>>, %arg11: memref<!tpu.dma_semaphore, #tpu.memory_space<semaphore_mem>>, %arg12: memref<!tpu.dma_semaphore, #tpu.memory_space<semaphore_mem>>, %arg13: memref<!tpu.dma_semaphore, #tpu.memory_space<semaphore_mem>>, %arg14: memref<!tpu.dma_semaphore, #tpu.memory_space<semaphore_mem>>, %arg15: memref<!tpu.dma_semaphore, #tpu.memory_space<semaphore_mem>>, %arg16: memref<!tpu.dma_semaphore, #tpu.memory_space<semaphore_mem>>, %arg17: memref<!tpu.dma_semaphore, #tpu.memory_space<semaphore_mem>>, %arg18: memref<!tpu.dma_semaphore, #tpu.memory_space<semaphore_mem>>, %arg19: memref<!tpu.dma_semaphore, #tpu.memory_space<semaphore_mem>>, %arg20: memref<!tpu.dma_semaphore, #tpu.memory_space<semaphore_mem>>, %arg21: memref<!tpu.dma_semaphore, #tpu.memory_space<semaphore_mem>>, %arg22: memref<!tpu.dma_semaphore, #tpu.memory_space<semaphore_mem>>, %arg23: memref<!tpu.dma_semaphore, #tpu.memory_space<semaphore_mem>>, %arg24: memref<!tpu.dma_semaphore, #tpu.memory_space<semaphore_mem>>, %arg25: memref<!tpu.dma_semaphore, #tpu.memory_space<semaphore_mem>>, %arg26: memref<!tpu.dma_semaphore, #tpu.memory_space<semaphore_mem>>) attributes {dimension_semantics = [#tpu.dimension_semantics<core_parallel>, #tpu.dimension_semantics<subcore_parallel>], iteration_bounds = array<i64: 2, 16>, scalar_prefetch = 0 : i64, scratch_operands = 20 : i64, tpu.core_type = #tpu.core_type<sc_vector_subcore>, window_params = [{transform_indices = #map}, {transform_indices = #map1}, {transform_indices = #map1}, {transform_indices = #map}, {transform_indices = #map1}]} {
    %mul3A = arith.constant 16 : i32
    %mul3A_0 = arith.muli %arg0, %mul3A : i32
    %add3A = arith.addi %mul3A_0, %arg1 : i32
    %mul3A_1 = arith.constant 640 : i32
    %mul3A_2 = arith.muli %arg1, %mul3A_1 : i32
    "tpu.region"() ({
      %run_scoped3A = tpu.sem_alloc : memref<!tpu.dma_semaphore, #tpu.memory_space<semaphore_mem>>
      %dma_start3A_394 = arith.constant 0 : i32
      %dma_start3A_395 = tpu.memref_slice %arg10[%mul3A_2, %dma_start3A_394] : memref<10240x64xf32, #tpu.memory_space<vmem_shared>> -> memref<640x64xf32, #tpu.memory_space<vmem_shared>>
      tpu.enqueue_dma source(%arg5 : memref<640x64xf32, #tpu.memory_space<hbm>>) target(%dma_start3A_395 : memref<640x64xf32, #tpu.memory_space<vmem_shared>>) target_semaphore(%run_scoped3A : memref<!tpu.dma_semaphore, #tpu.memory_space<semaphore_mem>>)
      %dma_wait3A_396 = arith.constant 0 : i32
      %dma_wait3A_397 = tpu.memref_slice %arg10[%mul3A_2, %dma_wait3A_396] : memref<10240x64xf32, #tpu.memory_space<vmem_shared>> -> memref<640x64xf32, #tpu.memory_space<vmem_shared>>
      tpu.wait_dma2 semaphore(%run_scoped3A : memref<!tpu.dma_semaphore, #tpu.memory_space<semaphore_mem>>) src(%arg5 : memref<640x64xf32, #tpu.memory_space<hbm>>) dst(%dma_wait3A_397 : memref<640x64xf32, #tpu.memory_space<vmem_shared>>)
      tpu.yield
    }) : () -> ()
    "tpu.region"() ({
      %run_scoped3A = tpu.sem_alloc : memref<!tpu.dma_semaphore, #tpu.memory_space<semaphore_mem>>
      %dma_start3A_394 = arith.constant 0 : i32
      %dma_start3A_395 = arith.constant 0 : i32
      %dma_start3A_396 = tpu.memref_slice %arg3[%add3A, %dma_start3A_394, %dma_start3A_395] : memref<32x80x125xi32, #tpu.memory_space<hbm>> -> memref<1x80x125xi32, #tpu.memory_space<hbm>>
      %dma_start3A_397 = tpu.memref_squeeze %dma_start3A_396 : memref<1x80x125xi32, #tpu.memory_space<hbm>> -> memref<80x125xi32, #tpu.memory_space<hbm>>
      %dma_start3A_398 = arith.constant 0 : i32
      %dma_start3A_399 = arith.constant 0 : i32
      %dma_start3A_400 = tpu.memref_slice %arg3[%add3A, %dma_start3A_398, %dma_start3A_399] : memref<32x80x125xi32, #tpu.memory_space<hbm>> -> memref<1x80x125xi32, #tpu.memory_space<hbm>>
      %dma_start3A_401 = tpu.memref_squeeze %dma_start3A_400 : memref<1x80x125xi32, #tpu.memory_space<hbm>> -> memref<80x125xi32, #tpu.memory_space<hbm>>
      tpu.enqueue_dma source(%dma_start3A_401 : memref<80x125xi32, #tpu.memory_space<hbm>>) target(%arg7 : memref<80x125xi32, #tpu.memory_space<vmem>>) target_semaphore(%run_scoped3A : memref<!tpu.dma_semaphore, #tpu.memory_space<semaphore_mem>>)
      %dma_wait3A_402 = arith.constant 0 : i32
      %dma_wait3A_403 = arith.constant 0 : i32
      %dma_wait3A_404 = tpu.memref_slice %arg3[%add3A, %dma_wait3A_402, %dma_wait3A_403] : memref<32x80x125xi32, #tpu.memory_space<hbm>> -> memref<1x80x125xi32, #tpu.memory_space<hbm>>
      %dma_wait3A_405 = tpu.memref_squeeze %dma_wait3A_404 : memref<1x80x125xi32, #tpu.memory_space<hbm>> -> memref<80x125xi32, #tpu.memory_space<hbm>>
      %dma_wait3A_406 = arith.constant 0 : i32
      %dma_wait3A_407 = arith.constant 0 : i32
      %dma_wait3A_408 = tpu.memref_slice %arg3[%add3A, %dma_wait3A_406, %dma_wait3A_407] : memref<32x80x125xi32, #tpu.memory_space<hbm>> -> memref<1x80x125xi32, #tpu.memory_space<hbm>>
      %dma_wait3A_409 = tpu.memref_squeeze %dma_wait3A_408 : memref<1x80x125xi32, #tpu.memory_space<hbm>> -> memref<80x125xi32, #tpu.memory_space<hbm>>
      tpu.wait_dma2 semaphore(%run_scoped3A : memref<!tpu.dma_semaphore, #tpu.memory_space<semaphore_mem>>) src(%dma_wait3A_409 : memref<80x125xi32, #tpu.memory_space<hbm>>) dst(%arg7 : memref<80x125xi32, #tpu.memory_space<vmem>>)
      tpu.yield
    }) : () -> ()
    "tpu.region"() ({
      %run_scoped3A = tpu.sem_alloc : memref<!tpu.dma_semaphore, #tpu.memory_space<semaphore_mem>>
      %dma_start3A_394 = arith.constant 0 : i32
      %dma_start3A_395 = arith.constant 0 : i32
      %dma_start3A_396 = tpu.memref_slice %arg4[%add3A, %dma_start3A_394, %dma_start3A_395] : memref<32x80x125xi32, #tpu.memory_space<hbm>> -> memref<1x80x125xi32, #tpu.memory_space<hbm>>
      %dma_start3A_397 = tpu.memref_squeeze %dma_start3A_396 : memref<1x80x125xi32, #tpu.memory_space<hbm>> -> memref<80x125xi32, #tpu.memory_space<hbm>>
      %dma_start3A_398 = arith.constant 0 : i32
      %dma_start3A_399 = arith.constant 0 : i32
      %dma_start3A_400 = tpu.memref_slice %arg4[%add3A, %dma_start3A_398, %dma_start3A_399] : memref<32x80x125xi32, #tpu.memory_space<hbm>> -> memref<1x80x125xi32, #tpu.memory_space<hbm>>
      %dma_start3A_401 = tpu.memref_squeeze %dma_start3A_400 : memref<1x80x125xi32, #tpu.memory_space<hbm>> -> memref<80x125xi32, #tpu.memory_space<hbm>>
      tpu.enqueue_dma source(%dma_start3A_401 : memref<80x125xi32, #tpu.memory_space<hbm>>) target(%arg8 : memref<80x125xi32, #tpu.memory_space<vmem>>) target_semaphore(%run_scoped3A : memref<!tpu.dma_semaphore, #tpu.memory_space<semaphore_mem>>)
      %dma_wait3A_402 = arith.constant 0 : i32
      %dma_wait3A_403 = arith.constant 0 : i32
      %dma_wait3A_404 = tpu.memref_slice %arg4[%add3A, %dma_wait3A_402, %dma_wait3A_403] : memref<32x80x125xi32, #tpu.memory_space<hbm>> -> memref<1x80x125xi32, #tpu.memory_space<hbm>>
      %dma_wait3A_405 = tpu.memref_squeeze %dma_wait3A_404 : memref<1x80x125xi32, #tpu.memory_space<hbm>> -> memref<80x125xi32, #tpu.memory_space<hbm>>
      %dma_wait3A_406 = arith.constant 0 : i32
      %dma_wait3A_407 = arith.constant 0 : i32
      %dma_wait3A_408 = tpu.memref_slice %arg4[%add3A, %dma_wait3A_406, %dma_wait3A_407] : memref<32x80x125xi32, #tpu.memory_space<hbm>> -> memref<1x80x125xi32, #tpu.memory_space<hbm>>
      %dma_wait3A_409 = tpu.memref_squeeze %dma_wait3A_408 : memref<1x80x125xi32, #tpu.memory_space<hbm>> -> memref<80x125xi32, #tpu.memory_space<hbm>>
      tpu.wait_dma2 semaphore(%run_scoped3A : memref<!tpu.dma_semaphore, #tpu.memory_space<semaphore_mem>>) src(%dma_wait3A_409 : memref<80x125xi32, #tpu.memory_space<hbm>>) dst(%arg8 : memref<80x125xi32, #tpu.memory_space<vmem>>)
      tpu.yield
    }) : () -> ()
    %barrier3A = arith.constant 0 : index
    tpu.barrier barrier_id(%barrier3A)
    %dma_start3A = arith.constant 0 : i32
    %dma_start3A_3 = arith.constant 0 : i32
    %dma_start3A_4 = arith.constant 0 : i32
    %dma_start3A_5 = arith.constant 0 : i32
    %dma_start3A_6 = tpu.memref_slice %arg9[%dma_start3A_3, %dma_start3A_4, %dma_start3A_5] : memref<8x125x64xf32, #tpu.memory_space<vmem>> -> memref<1x125x64xf32, #tpu.memory_space<vmem>>
    %dma_start3A_7 = tpu.memref_squeeze %dma_start3A_6 : memref<1x125x64xf32, #tpu.memory_space<vmem>> -> memref<125x64xf32, #tpu.memory_space<vmem>>
    %dma_start3A_8 = arith.constant 0 : i32
    %dma_start3A_9 = tpu.memref_slice %arg7[%dma_start3A, %dma_start3A_8] : memref<80x125xi32, #tpu.memory_space<vmem>> -> memref<1x125xi32, #tpu.memory_space<vmem>>
    %dma_start3A_10 = tpu.memref_squeeze %dma_start3A_9 : memref<1x125xi32, #tpu.memory_space<vmem>> -> memref<125xi32, #tpu.memory_space<vmem>>
    %dma_start3A_11 = arith.constant 0 : i32
    %dma_start3A_12 = arith.constant 0 : i32
    %dma_start3A_13 = tpu.memref_slice %arg2[%dma_start3A_11, %dma_start3A_12] : memref<10000x64xf32, #tpu.memory_space<hbm>> -> memref<10000x64xf32, #tpu.memory_space<hbm>>
    tpu.enqueue_indirect_dma source(%dma_start3A_13 : memref<10000x64xf32, #tpu.memory_space<hbm>>) target(%dma_start3A_7 : memref<125x64xf32, #tpu.memory_space<vmem>>) offsets(%dma_start3A_10 : memref<125xi32, #tpu.memory_space<vmem>>) semaphore(%arg11 : memref<!tpu.dma_semaphore, #tpu.memory_space<semaphore_mem>>)
    %dma_start3A_14 = arith.constant 1 : i32
    %dma_start3A_15 = arith.constant 1 : i32
    %dma_start3A_16 = arith.constant 0 : i32
    %dma_start3A_17 = arith.constant 0 : i32
    %dma_start3A_18 = tpu.memref_slice %arg9[%dma_start3A_15, %dma_start3A_16, %dma_start3A_17] : memref<8x125x64xf32, #tpu.memory_space<vmem>> -> memref<1x125x64xf32, #tpu.memory_space<vmem>>
    %dma_start3A_19 = tpu.memref_squeeze %dma_start3A_18 : memref<1x125x64xf32, #tpu.memory_space<vmem>> -> memref<125x64xf32, #tpu.memory_space<vmem>>
    %dma_start3A_20 = arith.constant 0 : i32
    %dma_start3A_21 = tpu.memref_slice %arg7[%dma_start3A_14, %dma_start3A_20] : memref<80x125xi32, #tpu.memory_space<vmem>> -> memref<1x125xi32, #tpu.memory_space<vmem>>
    %dma_start3A_22 = tpu.memref_squeeze %dma_start3A_21 : memref<1x125xi32, #tpu.memory_space<vmem>> -> memref<125xi32, #tpu.memory_space<vmem>>
    %dma_start3A_23 = arith.constant 0 : i32
    %dma_start3A_24 = arith.constant 0 : i32
    %dma_start3A_25 = tpu.memref_slice %arg2[%dma_start3A_23, %dma_start3A_24] : memref<10000x64xf32, #tpu.memory_space<hbm>> -> memref<10000x64xf32, #tpu.memory_space<hbm>>
    tpu.enqueue_indirect_dma source(%dma_start3A_25 : memref<10000x64xf32, #tpu.memory_space<hbm>>) target(%dma_start3A_19 : memref<125x64xf32, #tpu.memory_space<vmem>>) offsets(%dma_start3A_22 : memref<125xi32, #tpu.memory_space<vmem>>) semaphore(%arg12 : memref<!tpu.dma_semaphore, #tpu.memory_space<semaphore_mem>>)
    %dma_start3A_26 = arith.constant 2 : i32
    %dma_start3A_27 = arith.constant 2 : i32
    %dma_start3A_28 = arith.constant 0 : i32
    %dma_start3A_29 = arith.constant 0 : i32
    %dma_start3A_30 = tpu.memref_slice %arg9[%dma_start3A_27, %dma_start3A_28, %dma_start3A_29] : memref<8x125x64xf32, #tpu.memory_space<vmem>> -> memref<1x125x64xf32, #tpu.memory_space<vmem>>
    %dma_start3A_31 = tpu.memref_squeeze %dma_start3A_30 : memref<1x125x64xf32, #tpu.memory_space<vmem>> -> memref<125x64xf32, #tpu.memory_space<vmem>>
    %dma_start3A_32 = arith.constant 0 : i32
    %dma_start3A_33 = tpu.memref_slice %arg7[%dma_start3A_26, %dma_start3A_32] : memref<80x125xi32, #tpu.memory_space<vmem>> -> memref<1x125xi32, #tpu.memory_space<vmem>>
    %dma_start3A_34 = tpu.memref_squeeze %dma_start3A_33 : memref<1x125xi32, #tpu.memory_space<vmem>> -> memref<125xi32, #tpu.memory_space<vmem>>
    %dma_start3A_35 = arith.constant 0 : i32
    %dma_start3A_36 = arith.constant 0 : i32
    %dma_start3A_37 = tpu.memref_slice %arg2[%dma_start3A_35, %dma_start3A_36] : memref<10000x64xf32, #tpu.memory_space<hbm>> -> memref<10000x64xf32, #tpu.memory_space<hbm>>
    tpu.enqueue_indirect_dma source(%dma_start3A_37 : memref<10000x64xf32, #tpu.memory_space<hbm>>) target(%dma_start3A_31 : memref<125x64xf32, #tpu.memory_space<vmem>>) offsets(%dma_start3A_34 : memref<125xi32, #tpu.memory_space<vmem>>) semaphore(%arg13 : memref<!tpu.dma_semaphore, #tpu.memory_space<semaphore_mem>>)
    %dma_start3A_38 = arith.constant 3 : i32
    %dma_start3A_39 = arith.constant 3 : i32
    %dma_start3A_40 = arith.constant 0 : i32
    %dma_start3A_41 = arith.constant 0 : i32
    %dma_start3A_42 = tpu.memref_slice %arg9[%dma_start3A_39, %dma_start3A_40, %dma_start3A_41] : memref<8x125x64xf32, #tpu.memory_space<vmem>> -> memref<1x125x64xf32, #tpu.memory_space<vmem>>
    %dma_start3A_43 = tpu.memref_squeeze %dma_start3A_42 : memref<1x125x64xf32, #tpu.memory_space<vmem>> -> memref<125x64xf32, #tpu.memory_space<vmem>>
    %dma_start3A_44 = arith.constant 0 : i32
    %dma_start3A_45 = tpu.memref_slice %arg7[%dma_start3A_38, %dma_start3A_44] : memref<80x125xi32, #tpu.memory_space<vmem>> -> memref<1x125xi32, #tpu.memory_space<vmem>>
    %dma_start3A_46 = tpu.memref_squeeze %dma_start3A_45 : memref<1x125xi32, #tpu.memory_space<vmem>> -> memref<125xi32, #tpu.memory_space<vmem>>
    %dma_start3A_47 = arith.constant 0 : i32
    %dma_start3A_48 = arith.constant 0 : i32
    %dma_start3A_49 = tpu.memref_slice %arg2[%dma_start3A_47, %dma_start3A_48] : memref<10000x64xf32, #tpu.memory_space<hbm>> -> memref<10000x64xf32, #tpu.memory_space<hbm>>
    tpu.enqueue_indirect_dma source(%dma_start3A_49 : memref<10000x64xf32, #tpu.memory_space<hbm>>) target(%dma_start3A_43 : memref<125x64xf32, #tpu.memory_space<vmem>>) offsets(%dma_start3A_46 : memref<125xi32, #tpu.memory_space<vmem>>) semaphore(%arg14 : memref<!tpu.dma_semaphore, #tpu.memory_space<semaphore_mem>>)
    %dma_start3A_50 = arith.constant 4 : i32
    %dma_start3A_51 = arith.constant 4 : i32
    %dma_start3A_52 = arith.constant 0 : i32
    %dma_start3A_53 = arith.constant 0 : i32
    %dma_start3A_54 = tpu.memref_slice %arg9[%dma_start3A_51, %dma_start3A_52, %dma_start3A_53] : memref<8x125x64xf32, #tpu.memory_space<vmem>> -> memref<1x125x64xf32, #tpu.memory_space<vmem>>
    %dma_start3A_55 = tpu.memref_squeeze %dma_start3A_54 : memref<1x125x64xf32, #tpu.memory_space<vmem>> -> memref<125x64xf32, #tpu.memory_space<vmem>>
    %dma_start3A_56 = arith.constant 0 : i32
    %dma_start3A_57 = tpu.memref_slice %arg7[%dma_start3A_50, %dma_start3A_56] : memref<80x125xi32, #tpu.memory_space<vmem>> -> memref<1x125xi32, #tpu.memory_space<vmem>>
    %dma_start3A_58 = tpu.memref_squeeze %dma_start3A_57 : memref<1x125xi32, #tpu.memory_space<vmem>> -> memref<125xi32, #tpu.memory_space<vmem>>
    %dma_start3A_59 = arith.constant 0 : i32
    %dma_start3A_60 = arith.constant 0 : i32
    %dma_start3A_61 = tpu.memref_slice %arg2[%dma_start3A_59, %dma_start3A_60] : memref<10000x64xf32, #tpu.memory_space<hbm>> -> memref<10000x64xf32, #tpu.memory_space<hbm>>
    tpu.enqueue_indirect_dma source(%dma_start3A_61 : memref<10000x64xf32, #tpu.memory_space<hbm>>) target(%dma_start3A_55 : memref<125x64xf32, #tpu.memory_space<vmem>>) offsets(%dma_start3A_58 : memref<125xi32, #tpu.memory_space<vmem>>) semaphore(%arg15 : memref<!tpu.dma_semaphore, #tpu.memory_space<semaphore_mem>>)
    %dma_start3A_62 = arith.constant 5 : i32
    %dma_start3A_63 = arith.constant 5 : i32
    %dma_start3A_64 = arith.constant 0 : i32
    %dma_start3A_65 = arith.constant 0 : i32
    %dma_start3A_66 = tpu.memref_slice %arg9[%dma_start3A_63, %dma_start3A_64, %dma_start3A_65] : memref<8x125x64xf32, #tpu.memory_space<vmem>> -> memref<1x125x64xf32, #tpu.memory_space<vmem>>
    %dma_start3A_67 = tpu.memref_squeeze %dma_start3A_66 : memref<1x125x64xf32, #tpu.memory_space<vmem>> -> memref<125x64xf32, #tpu.memory_space<vmem>>
    %dma_start3A_68 = arith.constant 0 : i32
    %dma_start3A_69 = tpu.memref_slice %arg7[%dma_start3A_62, %dma_start3A_68] : memref<80x125xi32, #tpu.memory_space<vmem>> -> memref<1x125xi32, #tpu.memory_space<vmem>>
    %dma_start3A_70 = tpu.memref_squeeze %dma_start3A_69 : memref<1x125xi32, #tpu.memory_space<vmem>> -> memref<125xi32, #tpu.memory_space<vmem>>
    %dma_start3A_71 = arith.constant 0 : i32
    %dma_start3A_72 = arith.constant 0 : i32
    %dma_start3A_73 = tpu.memref_slice %arg2[%dma_start3A_71, %dma_start3A_72] : memref<10000x64xf32, #tpu.memory_space<hbm>> -> memref<10000x64xf32, #tpu.memory_space<hbm>>
    tpu.enqueue_indirect_dma source(%dma_start3A_73 : memref<10000x64xf32, #tpu.memory_space<hbm>>) target(%dma_start3A_67 : memref<125x64xf32, #tpu.memory_space<vmem>>) offsets(%dma_start3A_70 : memref<125xi32, #tpu.memory_space<vmem>>) semaphore(%arg16 : memref<!tpu.dma_semaphore, #tpu.memory_space<semaphore_mem>>)
    %dma_start3A_74 = arith.constant 6 : i32
    %dma_start3A_75 = arith.constant 6 : i32
    %dma_start3A_76 = arith.constant 0 : i32
    %dma_start3A_77 = arith.constant 0 : i32
    %dma_start3A_78 = tpu.memref_slice %arg9[%dma_start3A_75, %dma_start3A_76, %dma_start3A_77] : memref<8x125x64xf32, #tpu.memory_space<vmem>> -> memref<1x125x64xf32, #tpu.memory_space<vmem>>
    %dma_start3A_79 = tpu.memref_squeeze %dma_start3A_78 : memref<1x125x64xf32, #tpu.memory_space<vmem>> -> memref<125x64xf32, #tpu.memory_space<vmem>>
    %dma_start3A_80 = arith.constant 0 : i32
    %dma_start3A_81 = tpu.memref_slice %arg7[%dma_start3A_74, %dma_start3A_80] : memref<80x125xi32, #tpu.memory_space<vmem>> -> memref<1x125xi32, #tpu.memory_space<vmem>>
    %dma_start3A_82 = tpu.memref_squeeze %dma_start3A_81 : memref<1x125xi32, #tpu.memory_space<vmem>> -> memref<125xi32, #tpu.memory_space<vmem>>
    %dma_start3A_83 = arith.constant 0 : i32
    %dma_start3A_84 = arith.constant 0 : i32
    %dma_start3A_85 = tpu.memref_slice %arg2[%dma_start3A_83, %dma_start3A_84] : memref<10000x64xf32, #tpu.memory_space<hbm>> -> memref<10000x64xf32, #tpu.memory_space<hbm>>
    tpu.enqueue_indirect_dma source(%dma_start3A_85 : memref<10000x64xf32, #tpu.memory_space<hbm>>) target(%dma_start3A_79 : memref<125x64xf32, #tpu.memory_space<vmem>>) offsets(%dma_start3A_82 : memref<125xi32, #tpu.memory_space<vmem>>) semaphore(%arg17 : memref<!tpu.dma_semaphore, #tpu.memory_space<semaphore_mem>>)
    %dma_start3A_86 = arith.constant 7 : i32
    %dma_start3A_87 = arith.constant 7 : i32
    %dma_start3A_88 = arith.constant 0 : i32
    %dma_start3A_89 = arith.constant 0 : i32
    %dma_start3A_90 = tpu.memref_slice %arg9[%dma_start3A_87, %dma_start3A_88, %dma_start3A_89] : memref<8x125x64xf32, #tpu.memory_space<vmem>> -> memref<1x125x64xf32, #tpu.memory_space<vmem>>
    %dma_start3A_91 = tpu.memref_squeeze %dma_start3A_90 : memref<1x125x64xf32, #tpu.memory_space<vmem>> -> memref<125x64xf32, #tpu.memory_space<vmem>>
    %dma_start3A_92 = arith.constant 0 : i32
    %dma_start3A_93 = tpu.memref_slice %arg7[%dma_start3A_86, %dma_start3A_92] : memref<80x125xi32, #tpu.memory_space<vmem>> -> memref<1x125xi32, #tpu.memory_space<vmem>>
    %dma_start3A_94 = tpu.memref_squeeze %dma_start3A_93 : memref<1x125xi32, #tpu.memory_space<vmem>> -> memref<125xi32, #tpu.memory_space<vmem>>
    %dma_start3A_95 = arith.constant 0 : i32
    %dma_start3A_96 = arith.constant 0 : i32
    %dma_start3A_97 = tpu.memref_slice %arg2[%dma_start3A_95, %dma_start3A_96] : memref<10000x64xf32, #tpu.memory_space<hbm>> -> memref<10000x64xf32, #tpu.memory_space<hbm>>
    tpu.enqueue_indirect_dma source(%dma_start3A_97 : memref<10000x64xf32, #tpu.memory_space<hbm>>) target(%dma_start3A_91 : memref<125x64xf32, #tpu.memory_space<vmem>>) offsets(%dma_start3A_94 : memref<125xi32, #tpu.memory_space<vmem>>) semaphore(%arg18 : memref<!tpu.dma_semaphore, #tpu.memory_space<semaphore_mem>>)
    %scan3A = arith.constant 0 : i32
    %scan3A_98 = arith.constant 9 : i32
    %scan3A_99 = arith.addi %scan3A, %scan3A_98 : i32
    %scan3A_100 = arith.constant 1 : i32
    scf.for %scan3A_394 = %scan3A to %scan3A_99 step %scan3A_100  : i32 {
      %mul3A_395 = arith.constant 1 : i32
      %mul3A_396 = arith.muli %scan3A_394, %mul3A_395 : i32
      %add3A_397 = arith.constant 0 : i32
      %add3A_398 = arith.addi %add3A_397, %mul3A_396 : i32
      %mul3A_399 = arith.constant 8 : i32
      %mul3A_400 = arith.muli %add3A_398, %mul3A_399 : i32
      %add3A_401 = arith.constant 0 : i32
      %add3A_402 = arith.addi %mul3A_400, %add3A_401 : i32
      %dma_wait3A_403 = arith.constant 0 : i32
      %dma_wait3A_404 = arith.constant 0 : i32
      %dma_wait3A_405 = arith.constant 0 : i32
      %dma_wait3A_406 = tpu.memref_slice %arg9[%dma_wait3A_403, %dma_wait3A_404, %dma_wait3A_405] : memref<8x125x64xf32, #tpu.memory_space<vmem>> -> memref<1x125x64xf32, #tpu.memory_space<vmem>>
      %dma_wait3A_407 = tpu.memref_squeeze %dma_wait3A_406 : memref<1x125x64xf32, #tpu.memory_space<vmem>> -> memref<125x64xf32, #tpu.memory_space<vmem>>
      %dma_wait3A_408 = arith.constant 0 : i32
      %dma_wait3A_409 = tpu.memref_slice %arg7[%add3A_402, %dma_wait3A_408] : memref<80x125xi32, #tpu.memory_space<vmem>> -> memref<1x125xi32, #tpu.memory_space<vmem>>
      %dma_wait3A_410 = tpu.memref_squeeze %dma_wait3A_409 : memref<1x125xi32, #tpu.memory_space<vmem>> -> memref<125xi32, #tpu.memory_space<vmem>>
      %dma_wait3A_411 = arith.constant 0 : i32
      %dma_wait3A_412 = arith.constant 0 : i32
      %dma_wait3A_413 = tpu.memref_slice %arg2[%dma_wait3A_411, %dma_wait3A_412] : memref<10000x64xf32, #tpu.memory_space<hbm>> -> memref<10000x64xf32, #tpu.memory_space<hbm>>
      tpu.wait_indirect_dma semaphore(%arg11 : memref<!tpu.dma_semaphore, #tpu.memory_space<semaphore_mem>>) src(%dma_wait3A_413 : memref<10000x64xf32, #tpu.memory_space<hbm>>) dst(%dma_wait3A_407 : memref<125x64xf32, #tpu.memory_space<vmem>>)
      %add3A_414 = arith.constant 0 : i32
      %add3A_415 = arith.addi %mul3A_400, %add3A_414 : i32
      %dma_start3A_416 = arith.constant 0 : i32
      %dma_start3A_417 = arith.constant 0 : i32
      %dma_start3A_418 = arith.constant 0 : i32
      %dma_start3A_419 = tpu.memref_slice %arg9[%dma_start3A_416, %dma_start3A_417, %dma_start3A_418] : memref<8x125x64xf32, #tpu.memory_space<vmem>> -> memref<1x125x64xf32, #tpu.memory_space<vmem>>
      %dma_start3A_420 = tpu.memref_squeeze %dma_start3A_419 : memref<1x125x64xf32, #tpu.memory_space<vmem>> -> memref<125x64xf32, #tpu.memory_space<vmem>>
      %dma_start3A_421 = arith.constant 0 : i32
      %dma_start3A_422 = tpu.memref_slice %arg8[%add3A_415, %dma_start3A_421] : memref<80x125xi32, #tpu.memory_space<vmem>> -> memref<1x125xi32, #tpu.memory_space<vmem>>
      %dma_start3A_423 = tpu.memref_squeeze %dma_start3A_422 : memref<1x125xi32, #tpu.memory_space<vmem>> -> memref<125xi32, #tpu.memory_space<vmem>>
      %dma_start3A_424 = arith.constant 0 : i32
      %dma_start3A_425 = arith.constant 0 : i32
      %dma_start3A_426 = tpu.memref_slice %arg10[%dma_start3A_424, %dma_start3A_425] : memref<10240x64xf32, #tpu.memory_space<vmem_shared>> -> memref<10240x64xf32, #tpu.memory_space<vmem_shared>>
      tpu.enqueue_indirect_dma source(%dma_start3A_420 : memref<125x64xf32, #tpu.memory_space<vmem>>) target(%dma_start3A_426 : memref<10240x64xf32, #tpu.memory_space<vmem_shared>>) offsets(%dma_start3A_423 : memref<125xi32, #tpu.memory_space<vmem>>) semaphore(%arg19 : memref<!tpu.dma_semaphore, #tpu.memory_space<semaphore_mem>>) {add = true}
      %add3A_427 = arith.constant 1 : i32
      %add3A_428 = arith.addi %mul3A_400, %add3A_427 : i32
      %dma_wait3A_429 = arith.constant 1 : i32
      %dma_wait3A_430 = arith.constant 0 : i32
      %dma_wait3A_431 = arith.constant 0 : i32
      %dma_wait3A_432 = tpu.memref_slice %arg9[%dma_wait3A_429, %dma_wait3A_430, %dma_wait3A_431] : memref<8x125x64xf32, #tpu.memory_space<vmem>> -> memref<1x125x64xf32, #tpu.memory_space<vmem>>
      %dma_wait3A_433 = tpu.memref_squeeze %dma_wait3A_432 : memref<1x125x64xf32, #tpu.memory_space<vmem>> -> memref<125x64xf32, #tpu.memory_space<vmem>>
      %dma_wait3A_434 = arith.constant 0 : i32
      %dma_wait3A_435 = tpu.memref_slice %arg7[%add3A_428, %dma_wait3A_434] : memref<80x125xi32, #tpu.memory_space<vmem>> -> memref<1x125xi32, #tpu.memory_space<vmem>>
      %dma_wait3A_436 = tpu.memref_squeeze %dma_wait3A_435 : memref<1x125xi32, #tpu.memory_space<vmem>> -> memref<125xi32, #tpu.memory_space<vmem>>
      %dma_wait3A_437 = arith.constant 0 : i32
      %dma_wait3A_438 = arith.constant 0 : i32
      %dma_wait3A_439 = tpu.memref_slice %arg2[%dma_wait3A_437, %dma_wait3A_438] : memref<10000x64xf32, #tpu.memory_space<hbm>> -> memref<10000x64xf32, #tpu.memory_space<hbm>>
      tpu.wait_indirect_dma semaphore(%arg12 : memref<!tpu.dma_semaphore, #tpu.memory_space<semaphore_mem>>) src(%dma_wait3A_439 : memref<10000x64xf32, #tpu.memory_space<hbm>>) dst(%dma_wait3A_433 : memref<125x64xf32, #tpu.memory_space<vmem>>)
      %add3A_440 = arith.constant 1 : i32
      %add3A_441 = arith.addi %mul3A_400, %add3A_440 : i32
      %dma_start3A_442 = arith.constant 1 : i32
      %dma_start3A_443 = arith.constant 0 : i32
      %dma_start3A_444 = arith.constant 0 : i32
      %dma_start3A_445 = tpu.memref_slice %arg9[%dma_start3A_442, %dma_start3A_443, %dma_start3A_444] : memref<8x125x64xf32, #tpu.memory_space<vmem>> -> memref<1x125x64xf32, #tpu.memory_space<vmem>>
      %dma_start3A_446 = tpu.memref_squeeze %dma_start3A_445 : memref<1x125x64xf32, #tpu.memory_space<vmem>> -> memref<125x64xf32, #tpu.memory_space<vmem>>
      %dma_start3A_447 = arith.constant 0 : i32
      %dma_start3A_448 = tpu.memref_slice %arg8[%add3A_441, %dma_start3A_447] : memref<80x125xi32, #tpu.memory_space<vmem>> -> memref<1x125xi32, #tpu.memory_space<vmem>>
      %dma_start3A_449 = tpu.memref_squeeze %dma_start3A_448 : memref<1x125xi32, #tpu.memory_space<vmem>> -> memref<125xi32, #tpu.memory_space<vmem>>
      %dma_start3A_450 = arith.constant 0 : i32
      %dma_start3A_451 = arith.constant 0 : i32
      %dma_start3A_452 = tpu.memref_slice %arg10[%dma_start3A_450, %dma_start3A_451] : memref<10240x64xf32, #tpu.memory_space<vmem_shared>> -> memref<10240x64xf32, #tpu.memory_space<vmem_shared>>
      tpu.enqueue_indirect_dma source(%dma_start3A_446 : memref<125x64xf32, #tpu.memory_space<vmem>>) target(%dma_start3A_452 : memref<10240x64xf32, #tpu.memory_space<vmem_shared>>) offsets(%dma_start3A_449 : memref<125xi32, #tpu.memory_space<vmem>>) semaphore(%arg20 : memref<!tpu.dma_semaphore, #tpu.memory_space<semaphore_mem>>) {add = true}
      %add3A_453 = arith.constant 2 : i32
      %add3A_454 = arith.addi %mul3A_400, %add3A_453 : i32
      %dma_wait3A_455 = arith.constant 2 : i32
      %dma_wait3A_456 = arith.constant 0 : i32
      %dma_wait3A_457 = arith.constant 0 : i32
      %dma_wait3A_458 = tpu.memref_slice %arg9[%dma_wait3A_455, %dma_wait3A_456, %dma_wait3A_457] : memref<8x125x64xf32, #tpu.memory_space<vmem>> -> memref<1x125x64xf32, #tpu.memory_space<vmem>>
      %dma_wait3A_459 = tpu.memref_squeeze %dma_wait3A_458 : memref<1x125x64xf32, #tpu.memory_space<vmem>> -> memref<125x64xf32, #tpu.memory_space<vmem>>
      %dma_wait3A_460 = arith.constant 0 : i32
      %dma_wait3A_461 = tpu.memref_slice %arg7[%add3A_454, %dma_wait3A_460] : memref<80x125xi32, #tpu.memory_space<vmem>> -> memref<1x125xi32, #tpu.memory_space<vmem>>
      %dma_wait3A_462 = tpu.memref_squeeze %dma_wait3A_461 : memref<1x125xi32, #tpu.memory_space<vmem>> -> memref<125xi32, #tpu.memory_space<vmem>>
      %dma_wait3A_463 = arith.constant 0 : i32
      %dma_wait3A_464 = arith.constant 0 : i32
      %dma_wait3A_465 = tpu.memref_slice %arg2[%dma_wait3A_463, %dma_wait3A_464] : memref<10000x64xf32, #tpu.memory_space<hbm>> -> memref<10000x64xf32, #tpu.memory_space<hbm>>
      tpu.wait_indirect_dma semaphore(%arg13 : memref<!tpu.dma_semaphore, #tpu.memory_space<semaphore_mem>>) src(%dma_wait3A_465 : memref<10000x64xf32, #tpu.memory_space<hbm>>) dst(%dma_wait3A_459 : memref<125x64xf32, #tpu.memory_space<vmem>>)
      %add3A_466 = arith.constant 2 : i32
      %add3A_467 = arith.addi %mul3A_400, %add3A_466 : i32
      %dma_start3A_468 = arith.constant 2 : i32
      %dma_start3A_469 = arith.constant 0 : i32
      %dma_start3A_470 = arith.constant 0 : i32
      %dma_start3A_471 = tpu.memref_slice %arg9[%dma_start3A_468, %dma_start3A_469, %dma_start3A_470] : memref<8x125x64xf32, #tpu.memory_space<vmem>> -> memref<1x125x64xf32, #tpu.memory_space<vmem>>
      %dma_start3A_472 = tpu.memref_squeeze %dma_start3A_471 : memref<1x125x64xf32, #tpu.memory_space<vmem>> -> memref<125x64xf32, #tpu.memory_space<vmem>>
      %dma_start3A_473 = arith.constant 0 : i32
      %dma_start3A_474 = tpu.memref_slice %arg8[%add3A_467, %dma_start3A_473] : memref<80x125xi32, #tpu.memory_space<vmem>> -> memref<1x125xi32, #tpu.memory_space<vmem>>
      %dma_start3A_475 = tpu.memref_squeeze %dma_start3A_474 : memref<1x125xi32, #tpu.memory_space<vmem>> -> memref<125xi32, #tpu.memory_space<vmem>>
      %dma_start3A_476 = arith.constant 0 : i32
      %dma_start3A_477 = arith.constant 0 : i32
      %dma_start3A_478 = tpu.memref_slice %arg10[%dma_start3A_476, %dma_start3A_477] : memref<10240x64xf32, #tpu.memory_space<vmem_shared>> -> memref<10240x64xf32, #tpu.memory_space<vmem_shared>>
      tpu.enqueue_indirect_dma source(%dma_start3A_472 : memref<125x64xf32, #tpu.memory_space<vmem>>) target(%dma_start3A_478 : memref<10240x64xf32, #tpu.memory_space<vmem_shared>>) offsets(%dma_start3A_475 : memref<125xi32, #tpu.memory_space<vmem>>) semaphore(%arg21 : memref<!tpu.dma_semaphore, #tpu.memory_space<semaphore_mem>>) {add = true}
      %add3A_479 = arith.constant 3 : i32
      %add3A_480 = arith.addi %mul3A_400, %add3A_479 : i32
      %dma_wait3A_481 = arith.constant 3 : i32
      %dma_wait3A_482 = arith.constant 0 : i32
      %dma_wait3A_483 = arith.constant 0 : i32
      %dma_wait3A_484 = tpu.memref_slice %arg9[%dma_wait3A_481, %dma_wait3A_482, %dma_wait3A_483] : memref<8x125x64xf32, #tpu.memory_space<vmem>> -> memref<1x125x64xf32, #tpu.memory_space<vmem>>
      %dma_wait3A_485 = tpu.memref_squeeze %dma_wait3A_484 : memref<1x125x64xf32, #tpu.memory_space<vmem>> -> memref<125x64xf32, #tpu.memory_space<vmem>>
      %dma_wait3A_486 = arith.constant 0 : i32
      %dma_wait3A_487 = tpu.memref_slice %arg7[%add3A_480, %dma_wait3A_486] : memref<80x125xi32, #tpu.memory_space<vmem>> -> memref<1x125xi32, #tpu.memory_space<vmem>>
      %dma_wait3A_488 = tpu.memref_squeeze %dma_wait3A_487 : memref<1x125xi32, #tpu.memory_space<vmem>> -> memref<125xi32, #tpu.memory_space<vmem>>
      %dma_wait3A_489 = arith.constant 0 : i32
      %dma_wait3A_490 = arith.constant 0 : i32
      %dma_wait3A_491 = tpu.memref_slice %arg2[%dma_wait3A_489, %dma_wait3A_490] : memref<10000x64xf32, #tpu.memory_space<hbm>> -> memref<10000x64xf32, #tpu.memory_space<hbm>>
      tpu.wait_indirect_dma semaphore(%arg14 : memref<!tpu.dma_semaphore, #tpu.memory_space<semaphore_mem>>) src(%dma_wait3A_491 : memref<10000x64xf32, #tpu.memory_space<hbm>>) dst(%dma_wait3A_485 : memref<125x64xf32, #tpu.memory_space<vmem>>)
      %add3A_492 = arith.constant 3 : i32
      %add3A_493 = arith.addi %mul3A_400, %add3A_492 : i32
      %dma_start3A_494 = arith.constant 3 : i32
      %dma_start3A_495 = arith.constant 0 : i32
      %dma_start3A_496 = arith.constant 0 : i32
      %dma_start3A_497 = tpu.memref_slice %arg9[%dma_start3A_494, %dma_start3A_495, %dma_start3A_496] : memref<8x125x64xf32, #tpu.memory_space<vmem>> -> memref<1x125x64xf32, #tpu.memory_space<vmem>>
      %dma_start3A_498 = tpu.memref_squeeze %dma_start3A_497 : memref<1x125x64xf32, #tpu.memory_space<vmem>> -> memref<125x64xf32, #tpu.memory_space<vmem>>
      %dma_start3A_499 = arith.constant 0 : i32
      %dma_start3A_500 = tpu.memref_slice %arg8[%add3A_493, %dma_start3A_499] : memref<80x125xi32, #tpu.memory_space<vmem>> -> memref<1x125xi32, #tpu.memory_space<vmem>>
      %dma_start3A_501 = tpu.memref_squeeze %dma_start3A_500 : memref<1x125xi32, #tpu.memory_space<vmem>> -> memref<125xi32, #tpu.memory_space<vmem>>
      %dma_start3A_502 = arith.constant 0 : i32
      %dma_start3A_503 = arith.constant 0 : i32
      %dma_start3A_504 = tpu.memref_slice %arg10[%dma_start3A_502, %dma_start3A_503] : memref<10240x64xf32, #tpu.memory_space<vmem_shared>> -> memref<10240x64xf32, #tpu.memory_space<vmem_shared>>
      tpu.enqueue_indirect_dma source(%dma_start3A_498 : memref<125x64xf32, #tpu.memory_space<vmem>>) target(%dma_start3A_504 : memref<10240x64xf32, #tpu.memory_space<vmem_shared>>) offsets(%dma_start3A_501 : memref<125xi32, #tpu.memory_space<vmem>>) semaphore(%arg22 : memref<!tpu.dma_semaphore, #tpu.memory_space<semaphore_mem>>) {add = true}
      %add3A_505 = arith.constant 4 : i32
      %add3A_506 = arith.addi %mul3A_400, %add3A_505 : i32
      %dma_wait3A_507 = arith.constant 4 : i32
      %dma_wait3A_508 = arith.constant 0 : i32
      %dma_wait3A_509 = arith.constant 0 : i32
      %dma_wait3A_510 = tpu.memref_slice %arg9[%dma_wait3A_507, %dma_wait3A_508, %dma_wait3A_509] : memref<8x125x64xf32, #tpu.memory_space<vmem>> -> memref<1x125x64xf32, #tpu.memory_space<vmem>>
      %dma_wait3A_511 = tpu.memref_squeeze %dma_wait3A_510 : memref<1x125x64xf32, #tpu.memory_space<vmem>> -> memref<125x64xf32, #tpu.memory_space<vmem>>
      %dma_wait3A_512 = arith.constant 0 : i32
      %dma_wait3A_513 = tpu.memref_slice %arg7[%add3A_506, %dma_wait3A_512] : memref<80x125xi32, #tpu.memory_space<vmem>> -> memref<1x125xi32, #tpu.memory_space<vmem>>
      %dma_wait3A_514 = tpu.memref_squeeze %dma_wait3A_513 : memref<1x125xi32, #tpu.memory_space<vmem>> -> memref<125xi32, #tpu.memory_space<vmem>>
      %dma_wait3A_515 = arith.constant 0 : i32
      %dma_wait3A_516 = arith.constant 0 : i32
      %dma_wait3A_517 = tpu.memref_slice %arg2[%dma_wait3A_515, %dma_wait3A_516] : memref<10000x64xf32, #tpu.memory_space<hbm>> -> memref<10000x64xf32, #tpu.memory_space<hbm>>
      tpu.wait_indirect_dma semaphore(%arg15 : memref<!tpu.dma_semaphore, #tpu.memory_space<semaphore_mem>>) src(%dma_wait3A_517 : memref<10000x64xf32, #tpu.memory_space<hbm>>) dst(%dma_wait3A_511 : memref<125x64xf32, #tpu.memory_space<vmem>>)
      %add3A_518 = arith.constant 4 : i32
      %add3A_519 = arith.addi %mul3A_400, %add3A_518 : i32
      %dma_start3A_520 = arith.constant 4 : i32
      %dma_start3A_521 = arith.constant 0 : i32
      %dma_start3A_522 = arith.constant 0 : i32
      %dma_start3A_523 = tpu.memref_slice %arg9[%dma_start3A_520, %dma_start3A_521, %dma_start3A_522] : memref<8x125x64xf32, #tpu.memory_space<vmem>> -> memref<1x125x64xf32, #tpu.memory_space<vmem>>
      %dma_start3A_524 = tpu.memref_squeeze %dma_start3A_523 : memref<1x125x64xf32, #tpu.memory_space<vmem>> -> memref<125x64xf32, #tpu.memory_space<vmem>>
      %dma_start3A_525 = arith.constant 0 : i32
      %dma_start3A_526 = tpu.memref_slice %arg8[%add3A_519, %dma_start3A_525] : memref<80x125xi32, #tpu.memory_space<vmem>> -> memref<1x125xi32, #tpu.memory_space<vmem>>
      %dma_start3A_527 = tpu.memref_squeeze %dma_start3A_526 : memref<1x125xi32, #tpu.memory_space<vmem>> -> memref<125xi32, #tpu.memory_space<vmem>>
      %dma_start3A_528 = arith.constant 0 : i32
      %dma_start3A_529 = arith.constant 0 : i32
      %dma_start3A_530 = tpu.memref_slice %arg10[%dma_start3A_528, %dma_start3A_529] : memref<10240x64xf32, #tpu.memory_space<vmem_shared>> -> memref<10240x64xf32, #tpu.memory_space<vmem_shared>>
      tpu.enqueue_indirect_dma source(%dma_start3A_524 : memref<125x64xf32, #tpu.memory_space<vmem>>) target(%dma_start3A_530 : memref<10240x64xf32, #tpu.memory_space<vmem_shared>>) offsets(%dma_start3A_527 : memref<125xi32, #tpu.memory_space<vmem>>) semaphore(%arg23 : memref<!tpu.dma_semaphore, #tpu.memory_space<semaphore_mem>>) {add = true}
      %add3A_531 = arith.constant 5 : i32
      %add3A_532 = arith.addi %mul3A_400, %add3A_531 : i32
      %dma_wait3A_533 = arith.constant 5 : i32
      %dma_wait3A_534 = arith.constant 0 : i32
      %dma_wait3A_535 = arith.constant 0 : i32
      %dma_wait3A_536 = tpu.memref_slice %arg9[%dma_wait3A_533, %dma_wait3A_534, %dma_wait3A_535] : memref<8x125x64xf32, #tpu.memory_space<vmem>> -> memref<1x125x64xf32, #tpu.memory_space<vmem>>
      %dma_wait3A_537 = tpu.memref_squeeze %dma_wait3A_536 : memref<1x125x64xf32, #tpu.memory_space<vmem>> -> memref<125x64xf32, #tpu.memory_space<vmem>>
      %dma_wait3A_538 = arith.constant 0 : i32
      %dma_wait3A_539 = tpu.memref_slice %arg7[%add3A_532, %dma_wait3A_538] : memref<80x125xi32, #tpu.memory_space<vmem>> -> memref<1x125xi32, #tpu.memory_space<vmem>>
      %dma_wait3A_540 = tpu.memref_squeeze %dma_wait3A_539 : memref<1x125xi32, #tpu.memory_space<vmem>> -> memref<125xi32, #tpu.memory_space<vmem>>
      %dma_wait3A_541 = arith.constant 0 : i32
      %dma_wait3A_542 = arith.constant 0 : i32
      %dma_wait3A_543 = tpu.memref_slice %arg2[%dma_wait3A_541, %dma_wait3A_542] : memref<10000x64xf32, #tpu.memory_space<hbm>> -> memref<10000x64xf32, #tpu.memory_space<hbm>>
      tpu.wait_indirect_dma semaphore(%arg16 : memref<!tpu.dma_semaphore, #tpu.memory_space<semaphore_mem>>) src(%dma_wait3A_543 : memref<10000x64xf32, #tpu.memory_space<hbm>>) dst(%dma_wait3A_537 : memref<125x64xf32, #tpu.memory_space<vmem>>)
      %add3A_544 = arith.constant 5 : i32
      %add3A_545 = arith.addi %mul3A_400, %add3A_544 : i32
      %dma_start3A_546 = arith.constant 5 : i32
      %dma_start3A_547 = arith.constant 0 : i32
      %dma_start3A_548 = arith.constant 0 : i32
      %dma_start3A_549 = tpu.memref_slice %arg9[%dma_start3A_546, %dma_start3A_547, %dma_start3A_548] : memref<8x125x64xf32, #tpu.memory_space<vmem>> -> memref<1x125x64xf32, #tpu.memory_space<vmem>>
      %dma_start3A_550 = tpu.memref_squeeze %dma_start3A_549 : memref<1x125x64xf32, #tpu.memory_space<vmem>> -> memref<125x64xf32, #tpu.memory_space<vmem>>
      %dma_start3A_551 = arith.constant 0 : i32
      %dma_start3A_552 = tpu.memref_slice %arg8[%add3A_545, %dma_start3A_551] : memref<80x125xi32, #tpu.memory_space<vmem>> -> memref<1x125xi32, #tpu.memory_space<vmem>>
      %dma_start3A_553 = tpu.memref_squeeze %dma_start3A_552 : memref<1x125xi32, #tpu.memory_space<vmem>> -> memref<125xi32, #tpu.memory_space<vmem>>
      %dma_start3A_554 = arith.constant 0 : i32
      %dma_start3A_555 = arith.constant 0 : i32
      %dma_start3A_556 = tpu.memref_slice %arg10[%dma_start3A_554, %dma_start3A_555] : memref<10240x64xf32, #tpu.memory_space<vmem_shared>> -> memref<10240x64xf32, #tpu.memory_space<vmem_shared>>
      tpu.enqueue_indirect_dma source(%dma_start3A_550 : memref<125x64xf32, #tpu.memory_space<vmem>>) target(%dma_start3A_556 : memref<10240x64xf32, #tpu.memory_space<vmem_shared>>) offsets(%dma_start3A_553 : memref<125xi32, #tpu.memory_space<vmem>>) semaphore(%arg24 : memref<!tpu.dma_semaphore, #tpu.memory_space<semaphore_mem>>) {add = true}
      %add3A_557 = arith.constant 6 : i32
      %add3A_558 = arith.addi %mul3A_400, %add3A_557 : i32
      %dma_wait3A_559 = arith.constant 6 : i32
      %dma_wait3A_560 = arith.constant 0 : i32
      %dma_wait3A_561 = arith.constant 0 : i32
      %dma_wait3A_562 = tpu.memref_slice %arg9[%dma_wait3A_559, %dma_wait3A_560, %dma_wait3A_561] : memref<8x125x64xf32, #tpu.memory_space<vmem>> -> memref<1x125x64xf32, #tpu.memory_space<vmem>>
      %dma_wait3A_563 = tpu.memref_squeeze %dma_wait3A_562 : memref<1x125x64xf32, #tpu.memory_space<vmem>> -> memref<125x64xf32, #tpu.memory_space<vmem>>
      %dma_wait3A_564 = arith.constant 0 : i32
      %dma_wait3A_565 = tpu.memref_slice %arg7[%add3A_558, %dma_wait3A_564] : memref<80x125xi32, #tpu.memory_space<vmem>> -> memref<1x125xi32, #tpu.memory_space<vmem>>
      %dma_wait3A_566 = tpu.memref_squeeze %dma_wait3A_565 : memref<1x125xi32, #tpu.memory_space<vmem>> -> memref<125xi32, #tpu.memory_space<vmem>>
      %dma_wait3A_567 = arith.constant 0 : i32
      %dma_wait3A_568 = arith.constant 0 : i32
      %dma_wait3A_569 = tpu.memref_slice %arg2[%dma_wait3A_567, %dma_wait3A_568] : memref<10000x64xf32, #tpu.memory_space<hbm>> -> memref<10000x64xf32, #tpu.memory_space<hbm>>
      tpu.wait_indirect_dma semaphore(%arg17 : memref<!tpu.dma_semaphore, #tpu.memory_space<semaphore_mem>>) src(%dma_wait3A_569 : memref<10000x64xf32, #tpu.memory_space<hbm>>) dst(%dma_wait3A_563 : memref<125x64xf32, #tpu.memory_space<vmem>>)
      %add3A_570 = arith.constant 6 : i32
      %add3A_571 = arith.addi %mul3A_400, %add3A_570 : i32
      %dma_start3A_572 = arith.constant 6 : i32
      %dma_start3A_573 = arith.constant 0 : i32
      %dma_start3A_574 = arith.constant 0 : i32
      %dma_start3A_575 = tpu.memref_slice %arg9[%dma_start3A_572, %dma_start3A_573, %dma_start3A_574] : memref<8x125x64xf32, #tpu.memory_space<vmem>> -> memref<1x125x64xf32, #tpu.memory_space<vmem>>
      %dma_start3A_576 = tpu.memref_squeeze %dma_start3A_575 : memref<1x125x64xf32, #tpu.memory_space<vmem>> -> memref<125x64xf32, #tpu.memory_space<vmem>>
      %dma_start3A_577 = arith.constant 0 : i32
      %dma_start3A_578 = tpu.memref_slice %arg8[%add3A_571, %dma_start3A_577] : memref<80x125xi32, #tpu.memory_space<vmem>> -> memref<1x125xi32, #tpu.memory_space<vmem>>
      %dma_start3A_579 = tpu.memref_squeeze %dma_start3A_578 : memref<1x125xi32, #tpu.memory_space<vmem>> -> memref<125xi32, #tpu.memory_space<vmem>>
      %dma_start3A_580 = arith.constant 0 : i32
      %dma_start3A_581 = arith.constant 0 : i32
      %dma_start3A_582 = tpu.memref_slice %arg10[%dma_start3A_580, %dma_start3A_581] : memref<10240x64xf32, #tpu.memory_space<vmem_shared>> -> memref<10240x64xf32, #tpu.memory_space<vmem_shared>>
      tpu.enqueue_indirect_dma source(%dma_start3A_576 : memref<125x64xf32, #tpu.memory_space<vmem>>) target(%dma_start3A_582 : memref<10240x64xf32, #tpu.memory_space<vmem_shared>>) offsets(%dma_start3A_579 : memref<125xi32, #tpu.memory_space<vmem>>) semaphore(%arg25 : memref<!tpu.dma_semaphore, #tpu.memory_space<semaphore_mem>>) {add = true}
      %add3A_583 = arith.constant 7 : i32
      %add3A_584 = arith.addi %mul3A_400, %add3A_583 : i32
      %dma_wait3A_585 = arith.constant 7 : i32
      %dma_wait3A_586 = arith.constant 0 : i32
      %dma_wait3A_587 = arith.constant 0 : i32
      %dma_wait3A_588 = tpu.memref_slice %arg9[%dma_wait3A_585, %dma_wait3A_586, %dma_wait3A_587] : memref<8x125x64xf32, #tpu.memory_space<vmem>> -> memref<1x125x64xf32, #tpu.memory_space<vmem>>
      %dma_wait3A_589 = tpu.memref_squeeze %dma_wait3A_588 : memref<1x125x64xf32, #tpu.memory_space<vmem>> -> memref<125x64xf32, #tpu.memory_space<vmem>>
      %dma_wait3A_590 = arith.constant 0 : i32
      %dma_wait3A_591 = tpu.memref_slice %arg7[%add3A_584, %dma_wait3A_590] : memref<80x125xi32, #tpu.memory_space<vmem>> -> memref<1x125xi32, #tpu.memory_space<vmem>>
      %dma_wait3A_592 = tpu.memref_squeeze %dma_wait3A_591 : memref<1x125xi32, #tpu.memory_space<vmem>> -> memref<125xi32, #tpu.memory_space<vmem>>
      %dma_wait3A_593 = arith.constant 0 : i32
      %dma_wait3A_594 = arith.constant 0 : i32
      %dma_wait3A_595 = tpu.memref_slice %arg2[%dma_wait3A_593, %dma_wait3A_594] : memref<10000x64xf32, #tpu.memory_space<hbm>> -> memref<10000x64xf32, #tpu.memory_space<hbm>>
      tpu.wait_indirect_dma semaphore(%arg18 : memref<!tpu.dma_semaphore, #tpu.memory_space<semaphore_mem>>) src(%dma_wait3A_595 : memref<10000x64xf32, #tpu.memory_space<hbm>>) dst(%dma_wait3A_589 : memref<125x64xf32, #tpu.memory_space<vmem>>)
      %add3A_596 = arith.constant 7 : i32
      %add3A_597 = arith.addi %mul3A_400, %add3A_596 : i32
      %dma_start3A_598 = arith.constant 7 : i32
      %dma_start3A_599 = arith.constant 0 : i32
      %dma_start3A_600 = arith.constant 0 : i32
      %dma_start3A_601 = tpu.memref_slice %arg9[%dma_start3A_598, %dma_start3A_599, %dma_start3A_600] : memref<8x125x64xf32, #tpu.memory_space<vmem>> -> memref<1x125x64xf32, #tpu.memory_space<vmem>>
      %dma_start3A_602 = tpu.memref_squeeze %dma_start3A_601 : memref<1x125x64xf32, #tpu.memory_space<vmem>> -> memref<125x64xf32, #tpu.memory_space<vmem>>
      %dma_start3A_603 = arith.constant 0 : i32
      %dma_start3A_604 = tpu.memref_slice %arg8[%add3A_597, %dma_start3A_603] : memref<80x125xi32, #tpu.memory_space<vmem>> -> memref<1x125xi32, #tpu.memory_space<vmem>>
      %dma_start3A_605 = tpu.memref_squeeze %dma_start3A_604 : memref<1x125xi32, #tpu.memory_space<vmem>> -> memref<125xi32, #tpu.memory_space<vmem>>
      %dma_start3A_606 = arith.constant 0 : i32
      %dma_start3A_607 = arith.constant 0 : i32
      %dma_start3A_608 = tpu.memref_slice %arg10[%dma_start3A_606, %dma_start3A_607] : memref<10240x64xf32, #tpu.memory_space<vmem_shared>> -> memref<10240x64xf32, #tpu.memory_space<vmem_shared>>
      tpu.enqueue_indirect_dma source(%dma_start3A_602 : memref<125x64xf32, #tpu.memory_space<vmem>>) target(%dma_start3A_608 : memref<10240x64xf32, #tpu.memory_space<vmem_shared>>) offsets(%dma_start3A_605 : memref<125xi32, #tpu.memory_space<vmem>>) semaphore(%arg26 : memref<!tpu.dma_semaphore, #tpu.memory_space<semaphore_mem>>) {add = true}
      %dma_wait3A_609 = arith.constant 0 : i32
      %dma_wait3A_610 = arith.constant 0 : i32
      %dma_wait3A_611 = arith.constant 0 : i32
      %dma_wait3A_612 = tpu.memref_slice %arg9[%dma_wait3A_609, %dma_wait3A_610, %dma_wait3A_611] : memref<8x125x64xf32, #tpu.memory_space<vmem>> -> memref<1x125x64xf32, #tpu.memory_space<vmem>>
      %dma_wait3A_613 = tpu.memref_squeeze %dma_wait3A_612 : memref<1x125x64xf32, #tpu.memory_space<vmem>> -> memref<125x64xf32, #tpu.memory_space<vmem>>
      %dma_wait3A_614 = arith.constant 0 : i32
      %dma_wait3A_615 = tpu.memref_slice %arg8[%add3A_415, %dma_wait3A_614] : memref<80x125xi32, #tpu.memory_space<vmem>> -> memref<1x125xi32, #tpu.memory_space<vmem>>
      %dma_wait3A_616 = tpu.memref_squeeze %dma_wait3A_615 : memref<1x125xi32, #tpu.memory_space<vmem>> -> memref<125xi32, #tpu.memory_space<vmem>>
      %dma_wait3A_617 = arith.constant 0 : i32
      %dma_wait3A_618 = arith.constant 0 : i32
      %dma_wait3A_619 = tpu.memref_slice %arg10[%dma_wait3A_617, %dma_wait3A_618] : memref<10240x64xf32, #tpu.memory_space<vmem_shared>> -> memref<10240x64xf32, #tpu.memory_space<vmem_shared>>
      tpu.wait_indirect_dma semaphore(%arg19 : memref<!tpu.dma_semaphore, #tpu.memory_space<semaphore_mem>>) src(%dma_wait3A_613 : memref<125x64xf32, #tpu.memory_space<vmem>>) dst(%dma_wait3A_619 : memref<10240x64xf32, #tpu.memory_space<vmem_shared>>)
      %add3A_620 = arith.constant 8 : i32
      %add3A_621 = arith.addi %mul3A_400, %add3A_620 : i32
      %add3A_622 = arith.constant 0 : i32
      %add3A_623 = arith.addi %add3A_621, %add3A_622 : i32
      %dma_start3A_624 = arith.constant 0 : i32
      %dma_start3A_625 = arith.constant 0 : i32
      %dma_start3A_626 = arith.constant 0 : i32
      %dma_start3A_627 = tpu.memref_slice %arg9[%dma_start3A_624, %dma_start3A_625, %dma_start3A_626] : memref<8x125x64xf32, #tpu.memory_space<vmem>> -> memref<1x125x64xf32, #tpu.memory_space<vmem>>
      %dma_start3A_628 = tpu.memref_squeeze %dma_start3A_627 : memref<1x125x64xf32, #tpu.memory_space<vmem>> -> memref<125x64xf32, #tpu.memory_space<vmem>>
      %dma_start3A_629 = arith.constant 0 : i32
      %dma_start3A_630 = tpu.memref_slice %arg7[%add3A_623, %dma_start3A_629] : memref<80x125xi32, #tpu.memory_space<vmem>> -> memref<1x125xi32, #tpu.memory_space<vmem>>
      %dma_start3A_631 = tpu.memref_squeeze %dma_start3A_630 : memref<1x125xi32, #tpu.memory_space<vmem>> -> memref<125xi32, #tpu.memory_space<vmem>>
      %dma_start3A_632 = arith.constant 0 : i32
      %dma_start3A_633 = arith.constant 0 : i32
      %dma_start3A_634 = tpu.memref_slice %arg2[%dma_start3A_632, %dma_start3A_633] : memref<10000x64xf32, #tpu.memory_space<hbm>> -> memref<10000x64xf32, #tpu.memory_space<hbm>>
      tpu.enqueue_indirect_dma source(%dma_start3A_634 : memref<10000x64xf32, #tpu.memory_space<hbm>>) target(%dma_start3A_628 : memref<125x64xf32, #tpu.memory_space<vmem>>) offsets(%dma_start3A_631 : memref<125xi32, #tpu.memory_space<vmem>>) semaphore(%arg11 : memref<!tpu.dma_semaphore, #tpu.memory_space<semaphore_mem>>)
      %dma_wait3A_635 = arith.constant 1 : i32
      %dma_wait3A_636 = arith.constant 0 : i32
      %dma_wait3A_637 = arith.constant 0 : i32
      %dma_wait3A_638 = tpu.memref_slice %arg9[%dma_wait3A_635, %dma_wait3A_636, %dma_wait3A_637] : memref<8x125x64xf32, #tpu.memory_space<vmem>> -> memref<1x125x64xf32, #tpu.memory_space<vmem>>
      %dma_wait3A_639 = tpu.memref_squeeze %dma_wait3A_638 : memref<1x125x64xf32, #tpu.memory_space<vmem>> -> memref<125x64xf32, #tpu.memory_space<vmem>>
      %dma_wait3A_640 = arith.constant 0 : i32
      %dma_wait3A_641 = tpu.memref_slice %arg8[%add3A_441, %dma_wait3A_640] : memref<80x125xi32, #tpu.memory_space<vmem>> -> memref<1x125xi32, #tpu.memory_space<vmem>>
      %dma_wait3A_642 = tpu.memref_squeeze %dma_wait3A_641 : memref<1x125xi32, #tpu.memory_space<vmem>> -> memref<125xi32, #tpu.memory_space<vmem>>
      %dma_wait3A_643 = arith.constant 0 : i32
      %dma_wait3A_644 = arith.constant 0 : i32
      %dma_wait3A_645 = tpu.memref_slice %arg10[%dma_wait3A_643, %dma_wait3A_644] : memref<10240x64xf32, #tpu.memory_space<vmem_shared>> -> memref<10240x64xf32, #tpu.memory_space<vmem_shared>>
      tpu.wait_indirect_dma semaphore(%arg20 : memref<!tpu.dma_semaphore, #tpu.memory_space<semaphore_mem>>) src(%dma_wait3A_639 : memref<125x64xf32, #tpu.memory_space<vmem>>) dst(%dma_wait3A_645 : memref<10240x64xf32, #tpu.memory_space<vmem_shared>>)
      %add3A_646 = arith.constant 8 : i32
      %add3A_647 = arith.addi %mul3A_400, %add3A_646 : i32
      %add3A_648 = arith.constant 1 : i32
      %add3A_649 = arith.addi %add3A_647, %add3A_648 : i32
      %dma_start3A_650 = arith.constant 1 : i32
      %dma_start3A_651 = arith.constant 0 : i32
      %dma_start3A_652 = arith.constant 0 : i32
      %dma_start3A_653 = tpu.memref_slice %arg9[%dma_start3A_650, %dma_start3A_651, %dma_start3A_652] : memref<8x125x64xf32, #tpu.memory_space<vmem>> -> memref<1x125x64xf32, #tpu.memory_space<vmem>>
      %dma_start3A_654 = tpu.memref_squeeze %dma_start3A_653 : memref<1x125x64xf32, #tpu.memory_space<vmem>> -> memref<125x64xf32, #tpu.memory_space<vmem>>
      %dma_start3A_655 = arith.constant 0 : i32
      %dma_start3A_656 = tpu.memref_slice %arg7[%add3A_649, %dma_start3A_655] : memref<80x125xi32, #tpu.memory_space<vmem>> -> memref<1x125xi32, #tpu.memory_space<vmem>>
      %dma_start3A_657 = tpu.memref_squeeze %dma_start3A_656 : memref<1x125xi32, #tpu.memory_space<vmem>> -> memref<125xi32, #tpu.memory_space<vmem>>
      %dma_start3A_658 = arith.constant 0 : i32
      %dma_start3A_659 = arith.constant 0 : i32
      %dma_start3A_660 = tpu.memref_slice %arg2[%dma_start3A_658, %dma_start3A_659] : memref<10000x64xf32, #tpu.memory_space<hbm>> -> memref<10000x64xf32, #tpu.memory_space<hbm>>
      tpu.enqueue_indirect_dma source(%dma_start3A_660 : memref<10000x64xf32, #tpu.memory_space<hbm>>) target(%dma_start3A_654 : memref<125x64xf32, #tpu.memory_space<vmem>>) offsets(%dma_start3A_657 : memref<125xi32, #tpu.memory_space<vmem>>) semaphore(%arg12 : memref<!tpu.dma_semaphore, #tpu.memory_space<semaphore_mem>>)
      %dma_wait3A_661 = arith.constant 2 : i32
      %dma_wait3A_662 = arith.constant 0 : i32
      %dma_wait3A_663 = arith.constant 0 : i32
      %dma_wait3A_664 = tpu.memref_slice %arg9[%dma_wait3A_661, %dma_wait3A_662, %dma_wait3A_663] : memref<8x125x64xf32, #tpu.memory_space<vmem>> -> memref<1x125x64xf32, #tpu.memory_space<vmem>>
      %dma_wait3A_665 = tpu.memref_squeeze %dma_wait3A_664 : memref<1x125x64xf32, #tpu.memory_space<vmem>> -> memref<125x64xf32, #tpu.memory_space<vmem>>
      %dma_wait3A_666 = arith.constant 0 : i32
      %dma_wait3A_667 = tpu.memref_slice %arg8[%add3A_467, %dma_wait3A_666] : memref<80x125xi32, #tpu.memory_space<vmem>> -> memref<1x125xi32, #tpu.memory_space<vmem>>
      %dma_wait3A_668 = tpu.memref_squeeze %dma_wait3A_667 : memref<1x125xi32, #tpu.memory_space<vmem>> -> memref<125xi32, #tpu.memory_space<vmem>>
      %dma_wait3A_669 = arith.constant 0 : i32
      %dma_wait3A_670 = arith.constant 0 : i32
      %dma_wait3A_671 = tpu.memref_slice %arg10[%dma_wait3A_669, %dma_wait3A_670] : memref<10240x64xf32, #tpu.memory_space<vmem_shared>> -> memref<10240x64xf32, #tpu.memory_space<vmem_shared>>
      tpu.wait_indirect_dma semaphore(%arg21 : memref<!tpu.dma_semaphore, #tpu.memory_space<semaphore_mem>>) src(%dma_wait3A_665 : memref<125x64xf32, #tpu.memory_space<vmem>>) dst(%dma_wait3A_671 : memref<10240x64xf32, #tpu.memory_space<vmem_shared>>)
      %add3A_672 = arith.constant 8 : i32
      %add3A_673 = arith.addi %mul3A_400, %add3A_672 : i32
      %add3A_674 = arith.constant 2 : i32
      %add3A_675 = arith.addi %add3A_673, %add3A_674 : i32
      %dma_start3A_676 = arith.constant 2 : i32
      %dma_start3A_677 = arith.constant 0 : i32
      %dma_start3A_678 = arith.constant 0 : i32
      %dma_start3A_679 = tpu.memref_slice %arg9[%dma_start3A_676, %dma_start3A_677, %dma_start3A_678] : memref<8x125x64xf32, #tpu.memory_space<vmem>> -> memref<1x125x64xf32, #tpu.memory_space<vmem>>
      %dma_start3A_680 = tpu.memref_squeeze %dma_start3A_679 : memref<1x125x64xf32, #tpu.memory_space<vmem>> -> memref<125x64xf32, #tpu.memory_space<vmem>>
      %dma_start3A_681 = arith.constant 0 : i32
      %dma_start3A_682 = tpu.memref_slice %arg7[%add3A_675, %dma_start3A_681] : memref<80x125xi32, #tpu.memory_space<vmem>> -> memref<1x125xi32, #tpu.memory_space<vmem>>
      %dma_start3A_683 = tpu.memref_squeeze %dma_start3A_682 : memref<1x125xi32, #tpu.memory_space<vmem>> -> memref<125xi32, #tpu.memory_space<vmem>>
      %dma_start3A_684 = arith.constant 0 : i32
      %dma_start3A_685 = arith.constant 0 : i32
      %dma_start3A_686 = tpu.memref_slice %arg2[%dma_start3A_684, %dma_start3A_685] : memref<10000x64xf32, #tpu.memory_space<hbm>> -> memref<10000x64xf32, #tpu.memory_space<hbm>>
      tpu.enqueue_indirect_dma source(%dma_start3A_686 : memref<10000x64xf32, #tpu.memory_space<hbm>>) target(%dma_start3A_680 : memref<125x64xf32, #tpu.memory_space<vmem>>) offsets(%dma_start3A_683 : memref<125xi32, #tpu.memory_space<vmem>>) semaphore(%arg13 : memref<!tpu.dma_semaphore, #tpu.memory_space<semaphore_mem>>)
      %dma_wait3A_687 = arith.constant 3 : i32
      %dma_wait3A_688 = arith.constant 0 : i32
      %dma_wait3A_689 = arith.constant 0 : i32
      %dma_wait3A_690 = tpu.memref_slice %arg9[%dma_wait3A_687, %dma_wait3A_688, %dma_wait3A_689] : memref<8x125x64xf32, #tpu.memory_space<vmem>> -> memref<1x125x64xf32, #tpu.memory_space<vmem>>
      %dma_wait3A_691 = tpu.memref_squeeze %dma_wait3A_690 : memref<1x125x64xf32, #tpu.memory_space<vmem>> -> memref<125x64xf32, #tpu.memory_space<vmem>>
      %dma_wait3A_692 = arith.constant 0 : i32
      %dma_wait3A_693 = tpu.memref_slice %arg8[%add3A_493, %dma_wait3A_692] : memref<80x125xi32, #tpu.memory_space<vmem>> -> memref<1x125xi32, #tpu.memory_space<vmem>>
      %dma_wait3A_694 = tpu.memref_squeeze %dma_wait3A_693 : memref<1x125xi32, #tpu.memory_space<vmem>> -> memref<125xi32, #tpu.memory_space<vmem>>
      %dma_wait3A_695 = arith.constant 0 : i32
      %dma_wait3A_696 = arith.constant 0 : i32
      %dma_wait3A_697 = tpu.memref_slice %arg10[%dma_wait3A_695, %dma_wait3A_696] : memref<10240x64xf32, #tpu.memory_space<vmem_shared>> -> memref<10240x64xf32, #tpu.memory_space<vmem_shared>>
      tpu.wait_indirect_dma semaphore(%arg22 : memref<!tpu.dma_semaphore, #tpu.memory_space<semaphore_mem>>) src(%dma_wait3A_691 : memref<125x64xf32, #tpu.memory_space<vmem>>) dst(%dma_wait3A_697 : memref<10240x64xf32, #tpu.memory_space<vmem_shared>>)
      %add3A_698 = arith.constant 8 : i32
      %add3A_699 = arith.addi %mul3A_400, %add3A_698 : i32
      %add3A_700 = arith.constant 3 : i32
      %add3A_701 = arith.addi %add3A_699, %add3A_700 : i32
      %dma_start3A_702 = arith.constant 3 : i32
      %dma_start3A_703 = arith.constant 0 : i32
      %dma_start3A_704 = arith.constant 0 : i32
      %dma_start3A_705 = tpu.memref_slice %arg9[%dma_start3A_702, %dma_start3A_703, %dma_start3A_704] : memref<8x125x64xf32, #tpu.memory_space<vmem>> -> memref<1x125x64xf32, #tpu.memory_space<vmem>>
      %dma_start3A_706 = tpu.memref_squeeze %dma_start3A_705 : memref<1x125x64xf32, #tpu.memory_space<vmem>> -> memref<125x64xf32, #tpu.memory_space<vmem>>
      %dma_start3A_707 = arith.constant 0 : i32
      %dma_start3A_708 = tpu.memref_slice %arg7[%add3A_701, %dma_start3A_707] : memref<80x125xi32, #tpu.memory_space<vmem>> -> memref<1x125xi32, #tpu.memory_space<vmem>>
      %dma_start3A_709 = tpu.memref_squeeze %dma_start3A_708 : memref<1x125xi32, #tpu.memory_space<vmem>> -> memref<125xi32, #tpu.memory_space<vmem>>
      %dma_start3A_710 = arith.constant 0 : i32
      %dma_start3A_711 = arith.constant 0 : i32
      %dma_start3A_712 = tpu.memref_slice %arg2[%dma_start3A_710, %dma_start3A_711] : memref<10000x64xf32, #tpu.memory_space<hbm>> -> memref<10000x64xf32, #tpu.memory_space<hbm>>
      tpu.enqueue_indirect_dma source(%dma_start3A_712 : memref<10000x64xf32, #tpu.memory_space<hbm>>) target(%dma_start3A_706 : memref<125x64xf32, #tpu.memory_space<vmem>>) offsets(%dma_start3A_709 : memref<125xi32, #tpu.memory_space<vmem>>) semaphore(%arg14 : memref<!tpu.dma_semaphore, #tpu.memory_space<semaphore_mem>>)
      %dma_wait3A_713 = arith.constant 4 : i32
      %dma_wait3A_714 = arith.constant 0 : i32
      %dma_wait3A_715 = arith.constant 0 : i32
      %dma_wait3A_716 = tpu.memref_slice %arg9[%dma_wait3A_713, %dma_wait3A_714, %dma_wait3A_715] : memref<8x125x64xf32, #tpu.memory_space<vmem>> -> memref<1x125x64xf32, #tpu.memory_space<vmem>>
      %dma_wait3A_717 = tpu.memref_squeeze %dma_wait3A_716 : memref<1x125x64xf32, #tpu.memory_space<vmem>> -> memref<125x64xf32, #tpu.memory_space<vmem>>
      %dma_wait3A_718 = arith.constant 0 : i32
      %dma_wait3A_719 = tpu.memref_slice %arg8[%add3A_519, %dma_wait3A_718] : memref<80x125xi32, #tpu.memory_space<vmem>> -> memref<1x125xi32, #tpu.memory_space<vmem>>
      %dma_wait3A_720 = tpu.memref_squeeze %dma_wait3A_719 : memref<1x125xi32, #tpu.memory_space<vmem>> -> memref<125xi32, #tpu.memory_space<vmem>>
      %dma_wait3A_721 = arith.constant 0 : i32
      %dma_wait3A_722 = arith.constant 0 : i32
      %dma_wait3A_723 = tpu.memref_slice %arg10[%dma_wait3A_721, %dma_wait3A_722] : memref<10240x64xf32, #tpu.memory_space<vmem_shared>> -> memref<10240x64xf32, #tpu.memory_space<vmem_shared>>
      tpu.wait_indirect_dma semaphore(%arg23 : memref<!tpu.dma_semaphore, #tpu.memory_space<semaphore_mem>>) src(%dma_wait3A_717 : memref<125x64xf32, #tpu.memory_space<vmem>>) dst(%dma_wait3A_723 : memref<10240x64xf32, #tpu.memory_space<vmem_shared>>)
      %add3A_724 = arith.constant 8 : i32
      %add3A_725 = arith.addi %mul3A_400, %add3A_724 : i32
      %add3A_726 = arith.constant 4 : i32
      %add3A_727 = arith.addi %add3A_725, %add3A_726 : i32
      %dma_start3A_728 = arith.constant 4 : i32
      %dma_start3A_729 = arith.constant 0 : i32
      %dma_start3A_730 = arith.constant 0 : i32
      %dma_start3A_731 = tpu.memref_slice %arg9[%dma_start3A_728, %dma_start3A_729, %dma_start3A_730] : memref<8x125x64xf32, #tpu.memory_space<vmem>> -> memref<1x125x64xf32, #tpu.memory_space<vmem>>
      %dma_start3A_732 = tpu.memref_squeeze %dma_start3A_731 : memref<1x125x64xf32, #tpu.memory_space<vmem>> -> memref<125x64xf32, #tpu.memory_space<vmem>>
      %dma_start3A_733 = arith.constant 0 : i32
      %dma_start3A_734 = tpu.memref_slice %arg7[%add3A_727, %dma_start3A_733] : memref<80x125xi32, #tpu.memory_space<vmem>> -> memref<1x125xi32, #tpu.memory_space<vmem>>
      %dma_start3A_735 = tpu.memref_squeeze %dma_start3A_734 : memref<1x125xi32, #tpu.memory_space<vmem>> -> memref<125xi32, #tpu.memory_space<vmem>>
      %dma_start3A_736 = arith.constant 0 : i32
      %dma_start3A_737 = arith.constant 0 : i32
      %dma_start3A_738 = tpu.memref_slice %arg2[%dma_start3A_736, %dma_start3A_737] : memref<10000x64xf32, #tpu.memory_space<hbm>> -> memref<10000x64xf32, #tpu.memory_space<hbm>>
      tpu.enqueue_indirect_dma source(%dma_start3A_738 : memref<10000x64xf32, #tpu.memory_space<hbm>>) target(%dma_start3A_732 : memref<125x64xf32, #tpu.memory_space<vmem>>) offsets(%dma_start3A_735 : memref<125xi32, #tpu.memory_space<vmem>>) semaphore(%arg15 : memref<!tpu.dma_semaphore, #tpu.memory_space<semaphore_mem>>)
      %dma_wait3A_739 = arith.constant 5 : i32
      %dma_wait3A_740 = arith.constant 0 : i32
      %dma_wait3A_741 = arith.constant 0 : i32
      %dma_wait3A_742 = tpu.memref_slice %arg9[%dma_wait3A_739, %dma_wait3A_740, %dma_wait3A_741] : memref<8x125x64xf32, #tpu.memory_space<vmem>> -> memref<1x125x64xf32, #tpu.memory_space<vmem>>
      %dma_wait3A_743 = tpu.memref_squeeze %dma_wait3A_742 : memref<1x125x64xf32, #tpu.memory_space<vmem>> -> memref<125x64xf32, #tpu.memory_space<vmem>>
      %dma_wait3A_744 = arith.constant 0 : i32
      %dma_wait3A_745 = tpu.memref_slice %arg8[%add3A_545, %dma_wait3A_744] : memref<80x125xi32, #tpu.memory_space<vmem>> -> memref<1x125xi32, #tpu.memory_space<vmem>>
      %dma_wait3A_746 = tpu.memref_squeeze %dma_wait3A_745 : memref<1x125xi32, #tpu.memory_space<vmem>> -> memref<125xi32, #tpu.memory_space<vmem>>
      %dma_wait3A_747 = arith.constant 0 : i32
      %dma_wait3A_748 = arith.constant 0 : i32
      %dma_wait3A_749 = tpu.memref_slice %arg10[%dma_wait3A_747, %dma_wait3A_748] : memref<10240x64xf32, #tpu.memory_space<vmem_shared>> -> memref<10240x64xf32, #tpu.memory_space<vmem_shared>>
      tpu.wait_indirect_dma semaphore(%arg24 : memref<!tpu.dma_semaphore, #tpu.memory_space<semaphore_mem>>) src(%dma_wait3A_743 : memref<125x64xf32, #tpu.memory_space<vmem>>) dst(%dma_wait3A_749 : memref<10240x64xf32, #tpu.memory_space<vmem_shared>>)
      %add3A_750 = arith.constant 8 : i32
      %add3A_751 = arith.addi %mul3A_400, %add3A_750 : i32
      %add3A_752 = arith.constant 5 : i32
      %add3A_753 = arith.addi %add3A_751, %add3A_752 : i32
      %dma_start3A_754 = arith.constant 5 : i32
      %dma_start3A_755 = arith.constant 0 : i32
      %dma_start3A_756 = arith.constant 0 : i32
      %dma_start3A_757 = tpu.memref_slice %arg9[%dma_start3A_754, %dma_start3A_755, %dma_start3A_756] : memref<8x125x64xf32, #tpu.memory_space<vmem>> -> memref<1x125x64xf32, #tpu.memory_space<vmem>>
      %dma_start3A_758 = tpu.memref_squeeze %dma_start3A_757 : memref<1x125x64xf32, #tpu.memory_space<vmem>> -> memref<125x64xf32, #tpu.memory_space<vmem>>
      %dma_start3A_759 = arith.constant 0 : i32
      %dma_start3A_760 = tpu.memref_slice %arg7[%add3A_753, %dma_start3A_759] : memref<80x125xi32, #tpu.memory_space<vmem>> -> memref<1x125xi32, #tpu.memory_space<vmem>>
      %dma_start3A_761 = tpu.memref_squeeze %dma_start3A_760 : memref<1x125xi32, #tpu.memory_space<vmem>> -> memref<125xi32, #tpu.memory_space<vmem>>
      %dma_start3A_762 = arith.constant 0 : i32
      %dma_start3A_763 = arith.constant 0 : i32
      %dma_start3A_764 = tpu.memref_slice %arg2[%dma_start3A_762, %dma_start3A_763] : memref<10000x64xf32, #tpu.memory_space<hbm>> -> memref<10000x64xf32, #tpu.memory_space<hbm>>
      tpu.enqueue_indirect_dma source(%dma_start3A_764 : memref<10000x64xf32, #tpu.memory_space<hbm>>) target(%dma_start3A_758 : memref<125x64xf32, #tpu.memory_space<vmem>>) offsets(%dma_start3A_761 : memref<125xi32, #tpu.memory_space<vmem>>) semaphore(%arg16 : memref<!tpu.dma_semaphore, #tpu.memory_space<semaphore_mem>>)
      %dma_wait3A_765 = arith.constant 6 : i32
      %dma_wait3A_766 = arith.constant 0 : i32
      %dma_wait3A_767 = arith.constant 0 : i32
      %dma_wait3A_768 = tpu.memref_slice %arg9[%dma_wait3A_765, %dma_wait3A_766, %dma_wait3A_767] : memref<8x125x64xf32, #tpu.memory_space<vmem>> -> memref<1x125x64xf32, #tpu.memory_space<vmem>>
      %dma_wait3A_769 = tpu.memref_squeeze %dma_wait3A_768 : memref<1x125x64xf32, #tpu.memory_space<vmem>> -> memref<125x64xf32, #tpu.memory_space<vmem>>
      %dma_wait3A_770 = arith.constant 0 : i32
      %dma_wait3A_771 = tpu.memref_slice %arg8[%add3A_571, %dma_wait3A_770] : memref<80x125xi32, #tpu.memory_space<vmem>> -> memref<1x125xi32, #tpu.memory_space<vmem>>
      %dma_wait3A_772 = tpu.memref_squeeze %dma_wait3A_771 : memref<1x125xi32, #tpu.memory_space<vmem>> -> memref<125xi32, #tpu.memory_space<vmem>>
      %dma_wait3A_773 = arith.constant 0 : i32
      %dma_wait3A_774 = arith.constant 0 : i32
      %dma_wait3A_775 = tpu.memref_slice %arg10[%dma_wait3A_773, %dma_wait3A_774] : memref<10240x64xf32, #tpu.memory_space<vmem_shared>> -> memref<10240x64xf32, #tpu.memory_space<vmem_shared>>
      tpu.wait_indirect_dma semaphore(%arg25 : memref<!tpu.dma_semaphore, #tpu.memory_space<semaphore_mem>>) src(%dma_wait3A_769 : memref<125x64xf32, #tpu.memory_space<vmem>>) dst(%dma_wait3A_775 : memref<10240x64xf32, #tpu.memory_space<vmem_shared>>)
      %add3A_776 = arith.constant 8 : i32
      %add3A_777 = arith.addi %mul3A_400, %add3A_776 : i32
      %add3A_778 = arith.constant 6 : i32
      %add3A_779 = arith.addi %add3A_777, %add3A_778 : i32
      %dma_start3A_780 = arith.constant 6 : i32
      %dma_start3A_781 = arith.constant 0 : i32
      %dma_start3A_782 = arith.constant 0 : i32
      %dma_start3A_783 = tpu.memref_slice %arg9[%dma_start3A_780, %dma_start3A_781, %dma_start3A_782] : memref<8x125x64xf32, #tpu.memory_space<vmem>> -> memref<1x125x64xf32, #tpu.memory_space<vmem>>
      %dma_start3A_784 = tpu.memref_squeeze %dma_start3A_783 : memref<1x125x64xf32, #tpu.memory_space<vmem>> -> memref<125x64xf32, #tpu.memory_space<vmem>>
      %dma_start3A_785 = arith.constant 0 : i32
      %dma_start3A_786 = tpu.memref_slice %arg7[%add3A_779, %dma_start3A_785] : memref<80x125xi32, #tpu.memory_space<vmem>> -> memref<1x125xi32, #tpu.memory_space<vmem>>
      %dma_start3A_787 = tpu.memref_squeeze %dma_start3A_786 : memref<1x125xi32, #tpu.memory_space<vmem>> -> memref<125xi32, #tpu.memory_space<vmem>>
      %dma_start3A_788 = arith.constant 0 : i32
      %dma_start3A_789 = arith.constant 0 : i32
      %dma_start3A_790 = tpu.memref_slice %arg2[%dma_start3A_788, %dma_start3A_789] : memref<10000x64xf32, #tpu.memory_space<hbm>> -> memref<10000x64xf32, #tpu.memory_space<hbm>>
      tpu.enqueue_indirect_dma source(%dma_start3A_790 : memref<10000x64xf32, #tpu.memory_space<hbm>>) target(%dma_start3A_784 : memref<125x64xf32, #tpu.memory_space<vmem>>) offsets(%dma_start3A_787 : memref<125xi32, #tpu.memory_space<vmem>>) semaphore(%arg17 : memref<!tpu.dma_semaphore, #tpu.memory_space<semaphore_mem>>)
      %dma_wait3A_791 = arith.constant 7 : i32
      %dma_wait3A_792 = arith.constant 0 : i32
      %dma_wait3A_793 = arith.constant 0 : i32
      %dma_wait3A_794 = tpu.memref_slice %arg9[%dma_wait3A_791, %dma_wait3A_792, %dma_wait3A_793] : memref<8x125x64xf32, #tpu.memory_space<vmem>> -> memref<1x125x64xf32, #tpu.memory_space<vmem>>
      %dma_wait3A_795 = tpu.memref_squeeze %dma_wait3A_794 : memref<1x125x64xf32, #tpu.memory_space<vmem>> -> memref<125x64xf32, #tpu.memory_space<vmem>>
      %dma_wait3A_796 = arith.constant 0 : i32
      %dma_wait3A_797 = tpu.memref_slice %arg8[%add3A_597, %dma_wait3A_796] : memref<80x125xi32, #tpu.memory_space<vmem>> -> memref<1x125xi32, #tpu.memory_space<vmem>>
      %dma_wait3A_798 = tpu.memref_squeeze %dma_wait3A_797 : memref<1x125xi32, #tpu.memory_space<vmem>> -> memref<125xi32, #tpu.memory_space<vmem>>
      %dma_wait3A_799 = arith.constant 0 : i32
      %dma_wait3A_800 = arith.constant 0 : i32
      %dma_wait3A_801 = tpu.memref_slice %arg10[%dma_wait3A_799, %dma_wait3A_800] : memref<10240x64xf32, #tpu.memory_space<vmem_shared>> -> memref<10240x64xf32, #tpu.memory_space<vmem_shared>>
      tpu.wait_indirect_dma semaphore(%arg26 : memref<!tpu.dma_semaphore, #tpu.memory_space<semaphore_mem>>) src(%dma_wait3A_795 : memref<125x64xf32, #tpu.memory_space<vmem>>) dst(%dma_wait3A_801 : memref<10240x64xf32, #tpu.memory_space<vmem_shared>>)
      %add3A_802 = arith.constant 8 : i32
      %add3A_803 = arith.addi %mul3A_400, %add3A_802 : i32
      %add3A_804 = arith.constant 7 : i32
      %add3A_805 = arith.addi %add3A_803, %add3A_804 : i32
      %dma_start3A_806 = arith.constant 7 : i32
      %dma_start3A_807 = arith.constant 0 : i32
      %dma_start3A_808 = arith.constant 0 : i32
      %dma_start3A_809 = tpu.memref_slice %arg9[%dma_start3A_806, %dma_start3A_807, %dma_start3A_808] : memref<8x125x64xf32, #tpu.memory_space<vmem>> -> memref<1x125x64xf32, #tpu.memory_space<vmem>>
      %dma_start3A_810 = tpu.memref_squeeze %dma_start3A_809 : memref<1x125x64xf32, #tpu.memory_space<vmem>> -> memref<125x64xf32, #tpu.memory_space<vmem>>
      %dma_start3A_811 = arith.constant 0 : i32
      %dma_start3A_812 = tpu.memref_slice %arg7[%add3A_805, %dma_start3A_811] : memref<80x125xi32, #tpu.memory_space<vmem>> -> memref<1x125xi32, #tpu.memory_space<vmem>>
      %dma_start3A_813 = tpu.memref_squeeze %dma_start3A_812 : memref<1x125xi32, #tpu.memory_space<vmem>> -> memref<125xi32, #tpu.memory_space<vmem>>
      %dma_start3A_814 = arith.constant 0 : i32
      %dma_start3A_815 = arith.constant 0 : i32
      %dma_start3A_816 = tpu.memref_slice %arg2[%dma_start3A_814, %dma_start3A_815] : memref<10000x64xf32, #tpu.memory_space<hbm>> -> memref<10000x64xf32, #tpu.memory_space<hbm>>
      tpu.enqueue_indirect_dma source(%dma_start3A_816 : memref<10000x64xf32, #tpu.memory_space<hbm>>) target(%dma_start3A_810 : memref<125x64xf32, #tpu.memory_space<vmem>>) offsets(%dma_start3A_813 : memref<125xi32, #tpu.memory_space<vmem>>) semaphore(%arg18 : memref<!tpu.dma_semaphore, #tpu.memory_space<semaphore_mem>>)
    }
    %scan3A_101 = arith.constant 9 : i32
    %dma_wait3A = arith.constant 72 : i32
    %dma_wait3A_102 = arith.constant 0 : i32
    %dma_wait3A_103 = arith.constant 0 : i32
    %dma_wait3A_104 = arith.constant 0 : i32
    %dma_wait3A_105 = tpu.memref_slice %arg9[%dma_wait3A_102, %dma_wait3A_103, %dma_wait3A_104] : memref<8x125x64xf32, #tpu.memory_space<vmem>> -> memref<1x125x64xf32, #tpu.memory_space<vmem>>
    %dma_wait3A_106 = tpu.memref_squeeze %dma_wait3A_105 : memref<1x125x64xf32, #tpu.memory_space<vmem>> -> memref<125x64xf32, #tpu.memory_space<vmem>>
    %dma_wait3A_107 = arith.constant 0 : i32
    %dma_wait3A_108 = tpu.memref_slice %arg7[%dma_wait3A, %dma_wait3A_107] : memref<80x125xi32, #tpu.memory_space<vmem>> -> memref<1x125xi32, #tpu.memory_space<vmem>>
    %dma_wait3A_109 = tpu.memref_squeeze %dma_wait3A_108 : memref<1x125xi32, #tpu.memory_space<vmem>> -> memref<125xi32, #tpu.memory_space<vmem>>
    %dma_wait3A_110 = arith.constant 0 : i32
    %dma_wait3A_111 = arith.constant 0 : i32
    %dma_wait3A_112 = tpu.memref_slice %arg2[%dma_wait3A_110, %dma_wait3A_111] : memref<10000x64xf32, #tpu.memory_space<hbm>> -> memref<10000x64xf32, #tpu.memory_space<hbm>>
    tpu.wait_indirect_dma semaphore(%arg11 : memref<!tpu.dma_semaphore, #tpu.memory_space<semaphore_mem>>) src(%dma_wait3A_112 : memref<10000x64xf32, #tpu.memory_space<hbm>>) dst(%dma_wait3A_106 : memref<125x64xf32, #tpu.memory_space<vmem>>)
    %dma_start3A_113 = arith.constant 0 : i32
    %dma_start3A_114 = arith.constant 72 : i32
    %dma_start3A_115 = arith.constant 0 : i32
    %dma_start3A_116 = arith.constant 0 : i32
    %dma_start3A_117 = tpu.memref_slice %arg9[%dma_start3A_113, %dma_start3A_115, %dma_start3A_116] : memref<8x125x64xf32, #tpu.memory_space<vmem>> -> memref<1x125x64xf32, #tpu.memory_space<vmem>>
    %dma_start3A_118 = tpu.memref_squeeze %dma_start3A_117 : memref<1x125x64xf32, #tpu.memory_space<vmem>> -> memref<125x64xf32, #tpu.memory_space<vmem>>
    %dma_start3A_119 = arith.constant 0 : i32
    %dma_start3A_120 = tpu.memref_slice %arg8[%dma_start3A_114, %dma_start3A_119] : memref<80x125xi32, #tpu.memory_space<vmem>> -> memref<1x125xi32, #tpu.memory_space<vmem>>
    %dma_start3A_121 = tpu.memref_squeeze %dma_start3A_120 : memref<1x125xi32, #tpu.memory_space<vmem>> -> memref<125xi32, #tpu.memory_space<vmem>>
    %dma_start3A_122 = arith.constant 0 : i32
    %dma_start3A_123 = arith.constant 0 : i32
    %dma_start3A_124 = tpu.memref_slice %arg10[%dma_start3A_122, %dma_start3A_123] : memref<10240x64xf32, #tpu.memory_space<vmem_shared>> -> memref<10240x64xf32, #tpu.memory_space<vmem_shared>>
    tpu.enqueue_indirect_dma source(%dma_start3A_118 : memref<125x64xf32, #tpu.memory_space<vmem>>) target(%dma_start3A_124 : memref<10240x64xf32, #tpu.memory_space<vmem_shared>>) offsets(%dma_start3A_121 : memref<125xi32, #tpu.memory_space<vmem>>) semaphore(%arg19 : memref<!tpu.dma_semaphore, #tpu.memory_space<semaphore_mem>>) {add = true}
    %dma_wait3A_125 = arith.constant 73 : i32
    %dma_wait3A_126 = arith.constant 1 : i32
    %dma_wait3A_127 = arith.constant 0 : i32
    %dma_wait3A_128 = arith.constant 0 : i32
    %dma_wait3A_129 = tpu.memref_slice %arg9[%dma_wait3A_126, %dma_wait3A_127, %dma_wait3A_128] : memref<8x125x64xf32, #tpu.memory_space<vmem>> -> memref<1x125x64xf32, #tpu.memory_space<vmem>>
    %dma_wait3A_130 = tpu.memref_squeeze %dma_wait3A_129 : memref<1x125x64xf32, #tpu.memory_space<vmem>> -> memref<125x64xf32, #tpu.memory_space<vmem>>
    %dma_wait3A_131 = arith.constant 0 : i32
    %dma_wait3A_132 = tpu.memref_slice %arg7[%dma_wait3A_125, %dma_wait3A_131] : memref<80x125xi32, #tpu.memory_space<vmem>> -> memref<1x125xi32, #tpu.memory_space<vmem>>
    %dma_wait3A_133 = tpu.memref_squeeze %dma_wait3A_132 : memref<1x125xi32, #tpu.memory_space<vmem>> -> memref<125xi32, #tpu.memory_space<vmem>>
    %dma_wait3A_134 = arith.constant 0 : i32
    %dma_wait3A_135 = arith.constant 0 : i32
    %dma_wait3A_136 = tpu.memref_slice %arg2[%dma_wait3A_134, %dma_wait3A_135] : memref<10000x64xf32, #tpu.memory_space<hbm>> -> memref<10000x64xf32, #tpu.memory_space<hbm>>
    tpu.wait_indirect_dma semaphore(%arg12 : memref<!tpu.dma_semaphore, #tpu.memory_space<semaphore_mem>>) src(%dma_wait3A_136 : memref<10000x64xf32, #tpu.memory_space<hbm>>) dst(%dma_wait3A_130 : memref<125x64xf32, #tpu.memory_space<vmem>>)
    %dma_start3A_137 = arith.constant 1 : i32
    %dma_start3A_138 = arith.constant 73 : i32
    %dma_start3A_139 = arith.constant 0 : i32
    %dma_start3A_140 = arith.constant 0 : i32
    %dma_start3A_141 = tpu.memref_slice %arg9[%dma_start3A_137, %dma_start3A_139, %dma_start3A_140] : memref<8x125x64xf32, #tpu.memory_space<vmem>> -> memref<1x125x64xf32, #tpu.memory_space<vmem>>
    %dma_start3A_142 = tpu.memref_squeeze %dma_start3A_141 : memref<1x125x64xf32, #tpu.memory_space<vmem>> -> memref<125x64xf32, #tpu.memory_space<vmem>>
    %dma_start3A_143 = arith.constant 0 : i32
    %dma_start3A_144 = tpu.memref_slice %arg8[%dma_start3A_138, %dma_start3A_143] : memref<80x125xi32, #tpu.memory_space<vmem>> -> memref<1x125xi32, #tpu.memory_space<vmem>>
    %dma_start3A_145 = tpu.memref_squeeze %dma_start3A_144 : memref<1x125xi32, #tpu.memory_space<vmem>> -> memref<125xi32, #tpu.memory_space<vmem>>
    %dma_start3A_146 = arith.constant 0 : i32
    %dma_start3A_147 = arith.constant 0 : i32
    %dma_start3A_148 = tpu.memref_slice %arg10[%dma_start3A_146, %dma_start3A_147] : memref<10240x64xf32, #tpu.memory_space<vmem_shared>> -> memref<10240x64xf32, #tpu.memory_space<vmem_shared>>
    tpu.enqueue_indirect_dma source(%dma_start3A_142 : memref<125x64xf32, #tpu.memory_space<vmem>>) target(%dma_start3A_148 : memref<10240x64xf32, #tpu.memory_space<vmem_shared>>) offsets(%dma_start3A_145 : memref<125xi32, #tpu.memory_space<vmem>>) semaphore(%arg20 : memref<!tpu.dma_semaphore, #tpu.memory_space<semaphore_mem>>) {add = true}
    %dma_wait3A_149 = arith.constant 74 : i32
    %dma_wait3A_150 = arith.constant 2 : i32
    %dma_wait3A_151 = arith.constant 0 : i32
    %dma_wait3A_152 = arith.constant 0 : i32
    %dma_wait3A_153 = tpu.memref_slice %arg9[%dma_wait3A_150, %dma_wait3A_151, %dma_wait3A_152] : memref<8x125x64xf32, #tpu.memory_space<vmem>> -> memref<1x125x64xf32, #tpu.memory_space<vmem>>
    %dma_wait3A_154 = tpu.memref_squeeze %dma_wait3A_153 : memref<1x125x64xf32, #tpu.memory_space<vmem>> -> memref<125x64xf32, #tpu.memory_space<vmem>>
    %dma_wait3A_155 = arith.constant 0 : i32
    %dma_wait3A_156 = tpu.memref_slice %arg7[%dma_wait3A_149, %dma_wait3A_155] : memref<80x125xi32, #tpu.memory_space<vmem>> -> memref<1x125xi32, #tpu.memory_space<vmem>>
    %dma_wait3A_157 = tpu.memref_squeeze %dma_wait3A_156 : memref<1x125xi32, #tpu.memory_space<vmem>> -> memref<125xi32, #tpu.memory_space<vmem>>
    %dma_wait3A_158 = arith.constant 0 : i32
    %dma_wait3A_159 = arith.constant 0 : i32
    %dma_wait3A_160 = tpu.memref_slice %arg2[%dma_wait3A_158, %dma_wait3A_159] : memref<10000x64xf32, #tpu.memory_space<hbm>> -> memref<10000x64xf32, #tpu.memory_space<hbm>>
    tpu.wait_indirect_dma semaphore(%arg13 : memref<!tpu.dma_semaphore, #tpu.memory_space<semaphore_mem>>) src(%dma_wait3A_160 : memref<10000x64xf32, #tpu.memory_space<hbm>>) dst(%dma_wait3A_154 : memref<125x64xf32, #tpu.memory_space<vmem>>)
    %dma_start3A_161 = arith.constant 2 : i32
    %dma_start3A_162 = arith.constant 74 : i32
    %dma_start3A_163 = arith.constant 0 : i32
    %dma_start3A_164 = arith.constant 0 : i32
    %dma_start3A_165 = tpu.memref_slice %arg9[%dma_start3A_161, %dma_start3A_163, %dma_start3A_164] : memref<8x125x64xf32, #tpu.memory_space<vmem>> -> memref<1x125x64xf32, #tpu.memory_space<vmem>>
    %dma_start3A_166 = tpu.memref_squeeze %dma_start3A_165 : memref<1x125x64xf32, #tpu.memory_space<vmem>> -> memref<125x64xf32, #tpu.memory_space<vmem>>
    %dma_start3A_167 = arith.constant 0 : i32
    %dma_start3A_168 = tpu.memref_slice %arg8[%dma_start3A_162, %dma_start3A_167] : memref<80x125xi32, #tpu.memory_space<vmem>> -> memref<1x125xi32, #tpu.memory_space<vmem>>
    %dma_start3A_169 = tpu.memref_squeeze %dma_start3A_168 : memref<1x125xi32, #tpu.memory_space<vmem>> -> memref<125xi32, #tpu.memory_space<vmem>>
    %dma_start3A_170 = arith.constant 0 : i32
    %dma_start3A_171 = arith.constant 0 : i32
    %dma_start3A_172 = tpu.memref_slice %arg10[%dma_start3A_170, %dma_start3A_171] : memref<10240x64xf32, #tpu.memory_space<vmem_shared>> -> memref<10240x64xf32, #tpu.memory_space<vmem_shared>>
    tpu.enqueue_indirect_dma source(%dma_start3A_166 : memref<125x64xf32, #tpu.memory_space<vmem>>) target(%dma_start3A_172 : memref<10240x64xf32, #tpu.memory_space<vmem_shared>>) offsets(%dma_start3A_169 : memref<125xi32, #tpu.memory_space<vmem>>) semaphore(%arg21 : memref<!tpu.dma_semaphore, #tpu.memory_space<semaphore_mem>>) {add = true}
    %dma_wait3A_173 = arith.constant 75 : i32
    %dma_wait3A_174 = arith.constant 3 : i32
    %dma_wait3A_175 = arith.constant 0 : i32
    %dma_wait3A_176 = arith.constant 0 : i32
    %dma_wait3A_177 = tpu.memref_slice %arg9[%dma_wait3A_174, %dma_wait3A_175, %dma_wait3A_176] : memref<8x125x64xf32, #tpu.memory_space<vmem>> -> memref<1x125x64xf32, #tpu.memory_space<vmem>>
    %dma_wait3A_178 = tpu.memref_squeeze %dma_wait3A_177 : memref<1x125x64xf32, #tpu.memory_space<vmem>> -> memref<125x64xf32, #tpu.memory_space<vmem>>
    %dma_wait3A_179 = arith.constant 0 : i32
    %dma_wait3A_180 = tpu.memref_slice %arg7[%dma_wait3A_173, %dma_wait3A_179] : memref<80x125xi32, #tpu.memory_space<vmem>> -> memref<1x125xi32, #tpu.memory_space<vmem>>
    %dma_wait3A_181 = tpu.memref_squeeze %dma_wait3A_180 : memref<1x125xi32, #tpu.memory_space<vmem>> -> memref<125xi32, #tpu.memory_space<vmem>>
    %dma_wait3A_182 = arith.constant 0 : i32
    %dma_wait3A_183 = arith.constant 0 : i32
    %dma_wait3A_184 = tpu.memref_slice %arg2[%dma_wait3A_182, %dma_wait3A_183] : memref<10000x64xf32, #tpu.memory_space<hbm>> -> memref<10000x64xf32, #tpu.memory_space<hbm>>
    tpu.wait_indirect_dma semaphore(%arg14 : memref<!tpu.dma_semaphore, #tpu.memory_space<semaphore_mem>>) src(%dma_wait3A_184 : memref<10000x64xf32, #tpu.memory_space<hbm>>) dst(%dma_wait3A_178 : memref<125x64xf32, #tpu.memory_space<vmem>>)
    %dma_start3A_185 = arith.constant 3 : i32
    %dma_start3A_186 = arith.constant 75 : i32
    %dma_start3A_187 = arith.constant 0 : i32
    %dma_start3A_188 = arith.constant 0 : i32
    %dma_start3A_189 = tpu.memref_slice %arg9[%dma_start3A_185, %dma_start3A_187, %dma_start3A_188] : memref<8x125x64xf32, #tpu.memory_space<vmem>> -> memref<1x125x64xf32, #tpu.memory_space<vmem>>
    %dma_start3A_190 = tpu.memref_squeeze %dma_start3A_189 : memref<1x125x64xf32, #tpu.memory_space<vmem>> -> memref<125x64xf32, #tpu.memory_space<vmem>>
    %dma_start3A_191 = arith.constant 0 : i32
    %dma_start3A_192 = tpu.memref_slice %arg8[%dma_start3A_186, %dma_start3A_191] : memref<80x125xi32, #tpu.memory_space<vmem>> -> memref<1x125xi32, #tpu.memory_space<vmem>>
    %dma_start3A_193 = tpu.memref_squeeze %dma_start3A_192 : memref<1x125xi32, #tpu.memory_space<vmem>> -> memref<125xi32, #tpu.memory_space<vmem>>
    %dma_start3A_194 = arith.constant 0 : i32
    %dma_start3A_195 = arith.constant 0 : i32
    %dma_start3A_196 = tpu.memref_slice %arg10[%dma_start3A_194, %dma_start3A_195] : memref<10240x64xf32, #tpu.memory_space<vmem_shared>> -> memref<10240x64xf32, #tpu.memory_space<vmem_shared>>
    tpu.enqueue_indirect_dma source(%dma_start3A_190 : memref<125x64xf32, #tpu.memory_space<vmem>>) target(%dma_start3A_196 : memref<10240x64xf32, #tpu.memory_space<vmem_shared>>) offsets(%dma_start3A_193 : memref<125xi32, #tpu.memory_space<vmem>>) semaphore(%arg22 : memref<!tpu.dma_semaphore, #tpu.memory_space<semaphore_mem>>) {add = true}
    %dma_wait3A_197 = arith.constant 76 : i32
    %dma_wait3A_198 = arith.constant 4 : i32
    %dma_wait3A_199 = arith.constant 0 : i32
    %dma_wait3A_200 = arith.constant 0 : i32
    %dma_wait3A_201 = tpu.memref_slice %arg9[%dma_wait3A_198, %dma_wait3A_199, %dma_wait3A_200] : memref<8x125x64xf32, #tpu.memory_space<vmem>> -> memref<1x125x64xf32, #tpu.memory_space<vmem>>
    %dma_wait3A_202 = tpu.memref_squeeze %dma_wait3A_201 : memref<1x125x64xf32, #tpu.memory_space<vmem>> -> memref<125x64xf32, #tpu.memory_space<vmem>>
    %dma_wait3A_203 = arith.constant 0 : i32
    %dma_wait3A_204 = tpu.memref_slice %arg7[%dma_wait3A_197, %dma_wait3A_203] : memref<80x125xi32, #tpu.memory_space<vmem>> -> memref<1x125xi32, #tpu.memory_space<vmem>>
    %dma_wait3A_205 = tpu.memref_squeeze %dma_wait3A_204 : memref<1x125xi32, #tpu.memory_space<vmem>> -> memref<125xi32, #tpu.memory_space<vmem>>
    %dma_wait3A_206 = arith.constant 0 : i32
    %dma_wait3A_207 = arith.constant 0 : i32
    %dma_wait3A_208 = tpu.memref_slice %arg2[%dma_wait3A_206, %dma_wait3A_207] : memref<10000x64xf32, #tpu.memory_space<hbm>> -> memref<10000x64xf32, #tpu.memory_space<hbm>>
    tpu.wait_indirect_dma semaphore(%arg15 : memref<!tpu.dma_semaphore, #tpu.memory_space<semaphore_mem>>) src(%dma_wait3A_208 : memref<10000x64xf32, #tpu.memory_space<hbm>>) dst(%dma_wait3A_202 : memref<125x64xf32, #tpu.memory_space<vmem>>)
    %dma_start3A_209 = arith.constant 4 : i32
    %dma_start3A_210 = arith.constant 76 : i32
    %dma_start3A_211 = arith.constant 0 : i32
    %dma_start3A_212 = arith.constant 0 : i32
    %dma_start3A_213 = tpu.memref_slice %arg9[%dma_start3A_209, %dma_start3A_211, %dma_start3A_212] : memref<8x125x64xf32, #tpu.memory_space<vmem>> -> memref<1x125x64xf32, #tpu.memory_space<vmem>>
    %dma_start3A_214 = tpu.memref_squeeze %dma_start3A_213 : memref<1x125x64xf32, #tpu.memory_space<vmem>> -> memref<125x64xf32, #tpu.memory_space<vmem>>
    %dma_start3A_215 = arith.constant 0 : i32
    %dma_start3A_216 = tpu.memref_slice %arg8[%dma_start3A_210, %dma_start3A_215] : memref<80x125xi32, #tpu.memory_space<vmem>> -> memref<1x125xi32, #tpu.memory_space<vmem>>
    %dma_start3A_217 = tpu.memref_squeeze %dma_start3A_216 : memref<1x125xi32, #tpu.memory_space<vmem>> -> memref<125xi32, #tpu.memory_space<vmem>>
    %dma_start3A_218 = arith.constant 0 : i32
    %dma_start3A_219 = arith.constant 0 : i32
    %dma_start3A_220 = tpu.memref_slice %arg10[%dma_start3A_218, %dma_start3A_219] : memref<10240x64xf32, #tpu.memory_space<vmem_shared>> -> memref<10240x64xf32, #tpu.memory_space<vmem_shared>>
    tpu.enqueue_indirect_dma source(%dma_start3A_214 : memref<125x64xf32, #tpu.memory_space<vmem>>) target(%dma_start3A_220 : memref<10240x64xf32, #tpu.memory_space<vmem_shared>>) offsets(%dma_start3A_217 : memref<125xi32, #tpu.memory_space<vmem>>) semaphore(%arg23 : memref<!tpu.dma_semaphore, #tpu.memory_space<semaphore_mem>>) {add = true}
    %dma_wait3A_221 = arith.constant 77 : i32
    %dma_wait3A_222 = arith.constant 5 : i32
    %dma_wait3A_223 = arith.constant 0 : i32
    %dma_wait3A_224 = arith.constant 0 : i32
    %dma_wait3A_225 = tpu.memref_slice %arg9[%dma_wait3A_222, %dma_wait3A_223, %dma_wait3A_224] : memref<8x125x64xf32, #tpu.memory_space<vmem>> -> memref<1x125x64xf32, #tpu.memory_space<vmem>>
    %dma_wait3A_226 = tpu.memref_squeeze %dma_wait3A_225 : memref<1x125x64xf32, #tpu.memory_space<vmem>> -> memref<125x64xf32, #tpu.memory_space<vmem>>
    %dma_wait3A_227 = arith.constant 0 : i32
    %dma_wait3A_228 = tpu.memref_slice %arg7[%dma_wait3A_221, %dma_wait3A_227] : memref<80x125xi32, #tpu.memory_space<vmem>> -> memref<1x125xi32, #tpu.memory_space<vmem>>
    %dma_wait3A_229 = tpu.memref_squeeze %dma_wait3A_228 : memref<1x125xi32, #tpu.memory_space<vmem>> -> memref<125xi32, #tpu.memory_space<vmem>>
    %dma_wait3A_230 = arith.constant 0 : i32
    %dma_wait3A_231 = arith.constant 0 : i32
    %dma_wait3A_232 = tpu.memref_slice %arg2[%dma_wait3A_230, %dma_wait3A_231] : memref<10000x64xf32, #tpu.memory_space<hbm>> -> memref<10000x64xf32, #tpu.memory_space<hbm>>
    tpu.wait_indirect_dma semaphore(%arg16 : memref<!tpu.dma_semaphore, #tpu.memory_space<semaphore_mem>>) src(%dma_wait3A_232 : memref<10000x64xf32, #tpu.memory_space<hbm>>) dst(%dma_wait3A_226 : memref<125x64xf32, #tpu.memory_space<vmem>>)
    %dma_start3A_233 = arith.constant 5 : i32
    %dma_start3A_234 = arith.constant 77 : i32
    %dma_start3A_235 = arith.constant 0 : i32
    %dma_start3A_236 = arith.constant 0 : i32
    %dma_start3A_237 = tpu.memref_slice %arg9[%dma_start3A_233, %dma_start3A_235, %dma_start3A_236] : memref<8x125x64xf32, #tpu.memory_space<vmem>> -> memref<1x125x64xf32, #tpu.memory_space<vmem>>
    %dma_start3A_238 = tpu.memref_squeeze %dma_start3A_237 : memref<1x125x64xf32, #tpu.memory_space<vmem>> -> memref<125x64xf32, #tpu.memory_space<vmem>>
    %dma_start3A_239 = arith.constant 0 : i32
    %dma_start3A_240 = tpu.memref_slice %arg8[%dma_start3A_234, %dma_start3A_239] : memref<80x125xi32, #tpu.memory_space<vmem>> -> memref<1x125xi32, #tpu.memory_space<vmem>>
    %dma_start3A_241 = tpu.memref_squeeze %dma_start3A_240 : memref<1x125xi32, #tpu.memory_space<vmem>> -> memref<125xi32, #tpu.memory_space<vmem>>
    %dma_start3A_242 = arith.constant 0 : i32
    %dma_start3A_243 = arith.constant 0 : i32
    %dma_start3A_244 = tpu.memref_slice %arg10[%dma_start3A_242, %dma_start3A_243] : memref<10240x64xf32, #tpu.memory_space<vmem_shared>> -> memref<10240x64xf32, #tpu.memory_space<vmem_shared>>
    tpu.enqueue_indirect_dma source(%dma_start3A_238 : memref<125x64xf32, #tpu.memory_space<vmem>>) target(%dma_start3A_244 : memref<10240x64xf32, #tpu.memory_space<vmem_shared>>) offsets(%dma_start3A_241 : memref<125xi32, #tpu.memory_space<vmem>>) semaphore(%arg24 : memref<!tpu.dma_semaphore, #tpu.memory_space<semaphore_mem>>) {add = true}
    %dma_wait3A_245 = arith.constant 78 : i32
    %dma_wait3A_246 = arith.constant 6 : i32
    %dma_wait3A_247 = arith.constant 0 : i32
    %dma_wait3A_248 = arith.constant 0 : i32
    %dma_wait3A_249 = tpu.memref_slice %arg9[%dma_wait3A_246, %dma_wait3A_247, %dma_wait3A_248] : memref<8x125x64xf32, #tpu.memory_space<vmem>> -> memref<1x125x64xf32, #tpu.memory_space<vmem>>
    %dma_wait3A_250 = tpu.memref_squeeze %dma_wait3A_249 : memref<1x125x64xf32, #tpu.memory_space<vmem>> -> memref<125x64xf32, #tpu.memory_space<vmem>>
    %dma_wait3A_251 = arith.constant 0 : i32
    %dma_wait3A_252 = tpu.memref_slice %arg7[%dma_wait3A_245, %dma_wait3A_251] : memref<80x125xi32, #tpu.memory_space<vmem>> -> memref<1x125xi32, #tpu.memory_space<vmem>>
    %dma_wait3A_253 = tpu.memref_squeeze %dma_wait3A_252 : memref<1x125xi32, #tpu.memory_space<vmem>> -> memref<125xi32, #tpu.memory_space<vmem>>
    %dma_wait3A_254 = arith.constant 0 : i32
    %dma_wait3A_255 = arith.constant 0 : i32
    %dma_wait3A_256 = tpu.memref_slice %arg2[%dma_wait3A_254, %dma_wait3A_255] : memref<10000x64xf32, #tpu.memory_space<hbm>> -> memref<10000x64xf32, #tpu.memory_space<hbm>>
    tpu.wait_indirect_dma semaphore(%arg17 : memref<!tpu.dma_semaphore, #tpu.memory_space<semaphore_mem>>) src(%dma_wait3A_256 : memref<10000x64xf32, #tpu.memory_space<hbm>>) dst(%dma_wait3A_250 : memref<125x64xf32, #tpu.memory_space<vmem>>)
    %dma_start3A_257 = arith.constant 6 : i32
    %dma_start3A_258 = arith.constant 78 : i32
    %dma_start3A_259 = arith.constant 0 : i32
    %dma_start3A_260 = arith.constant 0 : i32
    %dma_start3A_261 = tpu.memref_slice %arg9[%dma_start3A_257, %dma_start3A_259, %dma_start3A_260] : memref<8x125x64xf32, #tpu.memory_space<vmem>> -> memref<1x125x64xf32, #tpu.memory_space<vmem>>
    %dma_start3A_262 = tpu.memref_squeeze %dma_start3A_261 : memref<1x125x64xf32, #tpu.memory_space<vmem>> -> memref<125x64xf32, #tpu.memory_space<vmem>>
    %dma_start3A_263 = arith.constant 0 : i32
    %dma_start3A_264 = tpu.memref_slice %arg8[%dma_start3A_258, %dma_start3A_263] : memref<80x125xi32, #tpu.memory_space<vmem>> -> memref<1x125xi32, #tpu.memory_space<vmem>>
    %dma_start3A_265 = tpu.memref_squeeze %dma_start3A_264 : memref<1x125xi32, #tpu.memory_space<vmem>> -> memref<125xi32, #tpu.memory_space<vmem>>
    %dma_start3A_266 = arith.constant 0 : i32
    %dma_start3A_267 = arith.constant 0 : i32
    %dma_start3A_268 = tpu.memref_slice %arg10[%dma_start3A_266, %dma_start3A_267] : memref<10240x64xf32, #tpu.memory_space<vmem_shared>> -> memref<10240x64xf32, #tpu.memory_space<vmem_shared>>
    tpu.enqueue_indirect_dma source(%dma_start3A_262 : memref<125x64xf32, #tpu.memory_space<vmem>>) target(%dma_start3A_268 : memref<10240x64xf32, #tpu.memory_space<vmem_shared>>) offsets(%dma_start3A_265 : memref<125xi32, #tpu.memory_space<vmem>>) semaphore(%arg25 : memref<!tpu.dma_semaphore, #tpu.memory_space<semaphore_mem>>) {add = true}
    %dma_wait3A_269 = arith.constant 79 : i32
    %dma_wait3A_270 = arith.constant 7 : i32
    %dma_wait3A_271 = arith.constant 0 : i32
    %dma_wait3A_272 = arith.constant 0 : i32
    %dma_wait3A_273 = tpu.memref_slice %arg9[%dma_wait3A_270, %dma_wait3A_271, %dma_wait3A_272] : memref<8x125x64xf32, #tpu.memory_space<vmem>> -> memref<1x125x64xf32, #tpu.memory_space<vmem>>
    %dma_wait3A_274 = tpu.memref_squeeze %dma_wait3A_273 : memref<1x125x64xf32, #tpu.memory_space<vmem>> -> memref<125x64xf32, #tpu.memory_space<vmem>>
    %dma_wait3A_275 = arith.constant 0 : i32
    %dma_wait3A_276 = tpu.memref_slice %arg7[%dma_wait3A_269, %dma_wait3A_275] : memref<80x125xi32, #tpu.memory_space<vmem>> -> memref<1x125xi32, #tpu.memory_space<vmem>>
    %dma_wait3A_277 = tpu.memref_squeeze %dma_wait3A_276 : memref<1x125xi32, #tpu.memory_space<vmem>> -> memref<125xi32, #tpu.memory_space<vmem>>
    %dma_wait3A_278 = arith.constant 0 : i32
    %dma_wait3A_279 = arith.constant 0 : i32
    %dma_wait3A_280 = tpu.memref_slice %arg2[%dma_wait3A_278, %dma_wait3A_279] : memref<10000x64xf32, #tpu.memory_space<hbm>> -> memref<10000x64xf32, #tpu.memory_space<hbm>>
    tpu.wait_indirect_dma semaphore(%arg18 : memref<!tpu.dma_semaphore, #tpu.memory_space<semaphore_mem>>) src(%dma_wait3A_280 : memref<10000x64xf32, #tpu.memory_space<hbm>>) dst(%dma_wait3A_274 : memref<125x64xf32, #tpu.memory_space<vmem>>)
    %dma_start3A_281 = arith.constant 7 : i32
    %dma_start3A_282 = arith.constant 79 : i32
    %dma_start3A_283 = arith.constant 0 : i32
    %dma_start3A_284 = arith.constant 0 : i32
    %dma_start3A_285 = tpu.memref_slice %arg9[%dma_start3A_281, %dma_start3A_283, %dma_start3A_284] : memref<8x125x64xf32, #tpu.memory_space<vmem>> -> memref<1x125x64xf32, #tpu.memory_space<vmem>>
    %dma_start3A_286 = tpu.memref_squeeze %dma_start3A_285 : memref<1x125x64xf32, #tpu.memory_space<vmem>> -> memref<125x64xf32, #tpu.memory_space<vmem>>
    %dma_start3A_287 = arith.constant 0 : i32
    %dma_start3A_288 = tpu.memref_slice %arg8[%dma_start3A_282, %dma_start3A_287] : memref<80x125xi32, #tpu.memory_space<vmem>> -> memref<1x125xi32, #tpu.memory_space<vmem>>
    %dma_start3A_289 = tpu.memref_squeeze %dma_start3A_288 : memref<1x125xi32, #tpu.memory_space<vmem>> -> memref<125xi32, #tpu.memory_space<vmem>>
    %dma_start3A_290 = arith.constant 0 : i32
    %dma_start3A_291 = arith.constant 0 : i32
    %dma_start3A_292 = tpu.memref_slice %arg10[%dma_start3A_290, %dma_start3A_291] : memref<10240x64xf32, #tpu.memory_space<vmem_shared>> -> memref<10240x64xf32, #tpu.memory_space<vmem_shared>>
    tpu.enqueue_indirect_dma source(%dma_start3A_286 : memref<125x64xf32, #tpu.memory_space<vmem>>) target(%dma_start3A_292 : memref<10240x64xf32, #tpu.memory_space<vmem_shared>>) offsets(%dma_start3A_289 : memref<125xi32, #tpu.memory_space<vmem>>) semaphore(%arg26 : memref<!tpu.dma_semaphore, #tpu.memory_space<semaphore_mem>>) {add = true}
    %dma_wait3A_293 = arith.constant 0 : i32
    %dma_wait3A_294 = arith.constant 72 : i32
    %dma_wait3A_295 = arith.constant 0 : i32
    %dma_wait3A_296 = arith.constant 0 : i32
    %dma_wait3A_297 = tpu.memref_slice %arg9[%dma_wait3A_293, %dma_wait3A_295, %dma_wait3A_296] : memref<8x125x64xf32, #tpu.memory_space<vmem>> -> memref<1x125x64xf32, #tpu.memory_space<vmem>>
    %dma_wait3A_298 = tpu.memref_squeeze %dma_wait3A_297 : memref<1x125x64xf32, #tpu.memory_space<vmem>> -> memref<125x64xf32, #tpu.memory_space<vmem>>
    %dma_wait3A_299 = arith.constant 0 : i32
    %dma_wait3A_300 = tpu.memref_slice %arg8[%dma_wait3A_294, %dma_wait3A_299] : memref<80x125xi32, #tpu.memory_space<vmem>> -> memref<1x125xi32, #tpu.memory_space<vmem>>
    %dma_wait3A_301 = tpu.memref_squeeze %dma_wait3A_300 : memref<1x125xi32, #tpu.memory_space<vmem>> -> memref<125xi32, #tpu.memory_space<vmem>>
    %dma_wait3A_302 = arith.constant 0 : i32
    %dma_wait3A_303 = arith.constant 0 : i32
    %dma_wait3A_304 = tpu.memref_slice %arg10[%dma_wait3A_302, %dma_wait3A_303] : memref<10240x64xf32, #tpu.memory_space<vmem_shared>> -> memref<10240x64xf32, #tpu.memory_space<vmem_shared>>
    tpu.wait_indirect_dma semaphore(%arg19 : memref<!tpu.dma_semaphore, #tpu.memory_space<semaphore_mem>>) src(%dma_wait3A_298 : memref<125x64xf32, #tpu.memory_space<vmem>>) dst(%dma_wait3A_304 : memref<10240x64xf32, #tpu.memory_space<vmem_shared>>)
    %dma_wait3A_305 = arith.constant 1 : i32
    %dma_wait3A_306 = arith.constant 73 : i32
    %dma_wait3A_307 = arith.constant 0 : i32
    %dma_wait3A_308 = arith.constant 0 : i32
    %dma_wait3A_309 = tpu.memref_slice %arg9[%dma_wait3A_305, %dma_wait3A_307, %dma_wait3A_308] : memref<8x125x64xf32, #tpu.memory_space<vmem>> -> memref<1x125x64xf32, #tpu.memory_space<vmem>>
    %dma_wait3A_310 = tpu.memref_squeeze %dma_wait3A_309 : memref<1x125x64xf32, #tpu.memory_space<vmem>> -> memref<125x64xf32, #tpu.memory_space<vmem>>
    %dma_wait3A_311 = arith.constant 0 : i32
    %dma_wait3A_312 = tpu.memref_slice %arg8[%dma_wait3A_306, %dma_wait3A_311] : memref<80x125xi32, #tpu.memory_space<vmem>> -> memref<1x125xi32, #tpu.memory_space<vmem>>
    %dma_wait3A_313 = tpu.memref_squeeze %dma_wait3A_312 : memref<1x125xi32, #tpu.memory_space<vmem>> -> memref<125xi32, #tpu.memory_space<vmem>>
    %dma_wait3A_314 = arith.constant 0 : i32
    %dma_wait3A_315 = arith.constant 0 : i32
    %dma_wait3A_316 = tpu.memref_slice %arg10[%dma_wait3A_314, %dma_wait3A_315] : memref<10240x64xf32, #tpu.memory_space<vmem_shared>> -> memref<10240x64xf32, #tpu.memory_space<vmem_shared>>
    tpu.wait_indirect_dma semaphore(%arg20 : memref<!tpu.dma_semaphore, #tpu.memory_space<semaphore_mem>>) src(%dma_wait3A_310 : memref<125x64xf32, #tpu.memory_space<vmem>>) dst(%dma_wait3A_316 : memref<10240x64xf32, #tpu.memory_space<vmem_shared>>)
    %dma_wait3A_317 = arith.constant 2 : i32
    %dma_wait3A_318 = arith.constant 74 : i32
    %dma_wait3A_319 = arith.constant 0 : i32
    %dma_wait3A_320 = arith.constant 0 : i32
    %dma_wait3A_321 = tpu.memref_slice %arg9[%dma_wait3A_317, %dma_wait3A_319, %dma_wait3A_320] : memref<8x125x64xf32, #tpu.memory_space<vmem>> -> memref<1x125x64xf32, #tpu.memory_space<vmem>>
    %dma_wait3A_322 = tpu.memref_squeeze %dma_wait3A_321 : memref<1x125x64xf32, #tpu.memory_space<vmem>> -> memref<125x64xf32, #tpu.memory_space<vmem>>
    %dma_wait3A_323 = arith.constant 0 : i32
    %dma_wait3A_324 = tpu.memref_slice %arg8[%dma_wait3A_318, %dma_wait3A_323] : memref<80x125xi32, #tpu.memory_space<vmem>> -> memref<1x125xi32, #tpu.memory_space<vmem>>
    %dma_wait3A_325 = tpu.memref_squeeze %dma_wait3A_324 : memref<1x125xi32, #tpu.memory_space<vmem>> -> memref<125xi32, #tpu.memory_space<vmem>>
    %dma_wait3A_326 = arith.constant 0 : i32
    %dma_wait3A_327 = arith.constant 0 : i32
    %dma_wait3A_328 = tpu.memref_slice %arg10[%dma_wait3A_326, %dma_wait3A_327] : memref<10240x64xf32, #tpu.memory_space<vmem_shared>> -> memref<10240x64xf32, #tpu.memory_space<vmem_shared>>
    tpu.wait_indirect_dma semaphore(%arg21 : memref<!tpu.dma_semaphore, #tpu.memory_space<semaphore_mem>>) src(%dma_wait3A_322 : memref<125x64xf32, #tpu.memory_space<vmem>>) dst(%dma_wait3A_328 : memref<10240x64xf32, #tpu.memory_space<vmem_shared>>)
    %dma_wait3A_329 = arith.constant 3 : i32
    %dma_wait3A_330 = arith.constant 75 : i32
    %dma_wait3A_331 = arith.constant 0 : i32
    %dma_wait3A_332 = arith.constant 0 : i32
    %dma_wait3A_333 = tpu.memref_slice %arg9[%dma_wait3A_329, %dma_wait3A_331, %dma_wait3A_332] : memref<8x125x64xf32, #tpu.memory_space<vmem>> -> memref<1x125x64xf32, #tpu.memory_space<vmem>>
    %dma_wait3A_334 = tpu.memref_squeeze %dma_wait3A_333 : memref<1x125x64xf32, #tpu.memory_space<vmem>> -> memref<125x64xf32, #tpu.memory_space<vmem>>
    %dma_wait3A_335 = arith.constant 0 : i32
    %dma_wait3A_336 = tpu.memref_slice %arg8[%dma_wait3A_330, %dma_wait3A_335] : memref<80x125xi32, #tpu.memory_space<vmem>> -> memref<1x125xi32, #tpu.memory_space<vmem>>
    %dma_wait3A_337 = tpu.memref_squeeze %dma_wait3A_336 : memref<1x125xi32, #tpu.memory_space<vmem>> -> memref<125xi32, #tpu.memory_space<vmem>>
    %dma_wait3A_338 = arith.constant 0 : i32
    %dma_wait3A_339 = arith.constant 0 : i32
    %dma_wait3A_340 = tpu.memref_slice %arg10[%dma_wait3A_338, %dma_wait3A_339] : memref<10240x64xf32, #tpu.memory_space<vmem_shared>> -> memref<10240x64xf32, #tpu.memory_space<vmem_shared>>
    tpu.wait_indirect_dma semaphore(%arg22 : memref<!tpu.dma_semaphore, #tpu.memory_space<semaphore_mem>>) src(%dma_wait3A_334 : memref<125x64xf32, #tpu.memory_space<vmem>>) dst(%dma_wait3A_340 : memref<10240x64xf32, #tpu.memory_space<vmem_shared>>)
    %dma_wait3A_341 = arith.constant 4 : i32
    %dma_wait3A_342 = arith.constant 76 : i32
    %dma_wait3A_343 = arith.constant 0 : i32
    %dma_wait3A_344 = arith.constant 0 : i32
    %dma_wait3A_345 = tpu.memref_slice %arg9[%dma_wait3A_341, %dma_wait3A_343, %dma_wait3A_344] : memref<8x125x64xf32, #tpu.memory_space<vmem>> -> memref<1x125x64xf32, #tpu.memory_space<vmem>>
    %dma_wait3A_346 = tpu.memref_squeeze %dma_wait3A_345 : memref<1x125x64xf32, #tpu.memory_space<vmem>> -> memref<125x64xf32, #tpu.memory_space<vmem>>
    %dma_wait3A_347 = arith.constant 0 : i32
    %dma_wait3A_348 = tpu.memref_slice %arg8[%dma_wait3A_342, %dma_wait3A_347] : memref<80x125xi32, #tpu.memory_space<vmem>> -> memref<1x125xi32, #tpu.memory_space<vmem>>
    %dma_wait3A_349 = tpu.memref_squeeze %dma_wait3A_348 : memref<1x125xi32, #tpu.memory_space<vmem>> -> memref<125xi32, #tpu.memory_space<vmem>>
    %dma_wait3A_350 = arith.constant 0 : i32
    %dma_wait3A_351 = arith.constant 0 : i32
    %dma_wait3A_352 = tpu.memref_slice %arg10[%dma_wait3A_350, %dma_wait3A_351] : memref<10240x64xf32, #tpu.memory_space<vmem_shared>> -> memref<10240x64xf32, #tpu.memory_space<vmem_shared>>
    tpu.wait_indirect_dma semaphore(%arg23 : memref<!tpu.dma_semaphore, #tpu.memory_space<semaphore_mem>>) src(%dma_wait3A_346 : memref<125x64xf32, #tpu.memory_space<vmem>>) dst(%dma_wait3A_352 : memref<10240x64xf32, #tpu.memory_space<vmem_shared>>)
    %dma_wait3A_353 = arith.constant 5 : i32
    %dma_wait3A_354 = arith.constant 77 : i32
    %dma_wait3A_355 = arith.constant 0 : i32
    %dma_wait3A_356 = arith.constant 0 : i32
    %dma_wait3A_357 = tpu.memref_slice %arg9[%dma_wait3A_353, %dma_wait3A_355, %dma_wait3A_356] : memref<8x125x64xf32, #tpu.memory_space<vmem>> -> memref<1x125x64xf32, #tpu.memory_space<vmem>>
    %dma_wait3A_358 = tpu.memref_squeeze %dma_wait3A_357 : memref<1x125x64xf32, #tpu.memory_space<vmem>> -> memref<125x64xf32, #tpu.memory_space<vmem>>
    %dma_wait3A_359 = arith.constant 0 : i32
    %dma_wait3A_360 = tpu.memref_slice %arg8[%dma_wait3A_354, %dma_wait3A_359] : memref<80x125xi32, #tpu.memory_space<vmem>> -> memref<1x125xi32, #tpu.memory_space<vmem>>
    %dma_wait3A_361 = tpu.memref_squeeze %dma_wait3A_360 : memref<1x125xi32, #tpu.memory_space<vmem>> -> memref<125xi32, #tpu.memory_space<vmem>>
    %dma_wait3A_362 = arith.constant 0 : i32
    %dma_wait3A_363 = arith.constant 0 : i32
    %dma_wait3A_364 = tpu.memref_slice %arg10[%dma_wait3A_362, %dma_wait3A_363] : memref<10240x64xf32, #tpu.memory_space<vmem_shared>> -> memref<10240x64xf32, #tpu.memory_space<vmem_shared>>
    tpu.wait_indirect_dma semaphore(%arg24 : memref<!tpu.dma_semaphore, #tpu.memory_space<semaphore_mem>>) src(%dma_wait3A_358 : memref<125x64xf32, #tpu.memory_space<vmem>>) dst(%dma_wait3A_364 : memref<10240x64xf32, #tpu.memory_space<vmem_shared>>)
    %dma_wait3A_365 = arith.constant 6 : i32
    %dma_wait3A_366 = arith.constant 78 : i32
    %dma_wait3A_367 = arith.constant 0 : i32
    %dma_wait3A_368 = arith.constant 0 : i32
    %dma_wait3A_369 = tpu.memref_slice %arg9[%dma_wait3A_365, %dma_wait3A_367, %dma_wait3A_368] : memref<8x125x64xf32, #tpu.memory_space<vmem>> -> memref<1x125x64xf32, #tpu.memory_space<vmem>>
    %dma_wait3A_370 = tpu.memref_squeeze %dma_wait3A_369 : memref<1x125x64xf32, #tpu.memory_space<vmem>> -> memref<125x64xf32, #tpu.memory_space<vmem>>
    %dma_wait3A_371 = arith.constant 0 : i32
    %dma_wait3A_372 = tpu.memref_slice %arg8[%dma_wait3A_366, %dma_wait3A_371] : memref<80x125xi32, #tpu.memory_space<vmem>> -> memref<1x125xi32, #tpu.memory_space<vmem>>
    %dma_wait3A_373 = tpu.memref_squeeze %dma_wait3A_372 : memref<1x125xi32, #tpu.memory_space<vmem>> -> memref<125xi32, #tpu.memory_space<vmem>>
    %dma_wait3A_374 = arith.constant 0 : i32
    %dma_wait3A_375 = arith.constant 0 : i32
    %dma_wait3A_376 = tpu.memref_slice %arg10[%dma_wait3A_374, %dma_wait3A_375] : memref<10240x64xf32, #tpu.memory_space<vmem_shared>> -> memref<10240x64xf32, #tpu.memory_space<vmem_shared>>
    tpu.wait_indirect_dma semaphore(%arg25 : memref<!tpu.dma_semaphore, #tpu.memory_space<semaphore_mem>>) src(%dma_wait3A_370 : memref<125x64xf32, #tpu.memory_space<vmem>>) dst(%dma_wait3A_376 : memref<10240x64xf32, #tpu.memory_space<vmem_shared>>)
    %dma_wait3A_377 = arith.constant 7 : i32
    %dma_wait3A_378 = arith.constant 79 : i32
    %dma_wait3A_379 = arith.constant 0 : i32
    %dma_wait3A_380 = arith.constant 0 : i32
    %dma_wait3A_381 = tpu.memref_slice %arg9[%dma_wait3A_377, %dma_wait3A_379, %dma_wait3A_380] : memref<8x125x64xf32, #tpu.memory_space<vmem>> -> memref<1x125x64xf32, #tpu.memory_space<vmem>>
    %dma_wait3A_382 = tpu.memref_squeeze %dma_wait3A_381 : memref<1x125x64xf32, #tpu.memory_space<vmem>> -> memref<125x64xf32, #tpu.memory_space<vmem>>
    %dma_wait3A_383 = arith.constant 0 : i32
    %dma_wait3A_384 = tpu.memref_slice %arg8[%dma_wait3A_378, %dma_wait3A_383] : memref<80x125xi32, #tpu.memory_space<vmem>> -> memref<1x125xi32, #tpu.memory_space<vmem>>
    %dma_wait3A_385 = tpu.memref_squeeze %dma_wait3A_384 : memref<1x125xi32, #tpu.memory_space<vmem>> -> memref<125xi32, #tpu.memory_space<vmem>>
    %dma_wait3A_386 = arith.constant 0 : i32
    %dma_wait3A_387 = arith.constant 0 : i32
    %dma_wait3A_388 = tpu.memref_slice %arg10[%dma_wait3A_386, %dma_wait3A_387] : memref<10240x64xf32, #tpu.memory_space<vmem_shared>> -> memref<10240x64xf32, #tpu.memory_space<vmem_shared>>
    tpu.wait_indirect_dma semaphore(%arg26 : memref<!tpu.dma_semaphore, #tpu.memory_space<semaphore_mem>>) src(%dma_wait3A_382 : memref<125x64xf32, #tpu.memory_space<vmem>>) dst(%dma_wait3A_388 : memref<10240x64xf32, #tpu.memory_space<vmem_shared>>)
    %barrier3A_389 = arith.constant 0 : index
    tpu.barrier barrier_id(%barrier3A_389)
    %mul3A_390 = arith.constant 640 : i32
    %mul3A_391 = arith.muli %arg1, %mul3A_390 : i32
    %mul3A_392 = arith.constant 640 : i32
    %mul3A_393 = arith.muli %arg1, %mul3A_392 : i32
    "tpu.region"() ({
      %run_scoped3A = tpu.sem_alloc : memref<!tpu.dma_semaphore, #tpu.memory_space<semaphore_mem>>
      %dma_start3A_394 = arith.constant 0 : i32
      %dma_start3A_395 = tpu.memref_slice %arg6[%arg0, %mul3A_393, %dma_start3A_394] : memref<2x10240x64xf32, #tpu.memory_space<hbm>> -> memref<1x640x64xf32, #tpu.memory_space<hbm>>
      %dma_start3A_396 = tpu.memref_squeeze %dma_start3A_395 : memref<1x640x64xf32, #tpu.memory_space<hbm>> -> memref<640x64xf32, #tpu.memory_space<hbm>>
      %dma_start3A_397 = arith.constant 0 : i32
      %dma_start3A_398 = tpu.memref_slice %arg10[%mul3A_391, %dma_start3A_397] : memref<10240x64xf32, #tpu.memory_space<vmem_shared>> -> memref<640x64xf32, #tpu.memory_space<vmem_shared>>
      tpu.enqueue_dma source(%dma_start3A_398 : memref<640x64xf32, #tpu.memory_space<vmem_shared>>) target(%dma_start3A_396 : memref<640x64xf32, #tpu.memory_space<hbm>>) target_semaphore(%run_scoped3A : memref<!tpu.dma_semaphore, #tpu.memory_space<semaphore_mem>>)
      %dma_wait3A_399 = arith.constant 0 : i32
      %dma_wait3A_400 = tpu.memref_slice %arg6[%arg0, %mul3A_393, %dma_wait3A_399] : memref<2x10240x64xf32, #tpu.memory_space<hbm>> -> memref<1x640x64xf32, #tpu.memory_space<hbm>>
      %dma_wait3A_401 = tpu.memref_squeeze %dma_wait3A_400 : memref<1x640x64xf32, #tpu.memory_space<hbm>> -> memref<640x64xf32, #tpu.memory_space<hbm>>
      %dma_wait3A_402 = arith.constant 0 : i32
      %dma_wait3A_403 = tpu.memref_slice %arg10[%mul3A_391, %dma_wait3A_402] : memref<10240x64xf32, #tpu.memory_space<vmem_shared>> -> memref<640x64xf32, #tpu.memory_space<vmem_shared>>
      tpu.wait_dma2 semaphore(%run_scoped3A : memref<!tpu.dma_semaphore, #tpu.memory_space<semaphore_mem>>) src(%dma_wait3A_403 : memref<640x64xf32, #tpu.memory_space<vmem_shared>>) dst(%dma_wait3A_401 : memref<640x64xf32, #tpu.memory_space<hbm>>)
      tpu.yield
    }) : () -> ()
    return
  }
}

module attributes {stable_mosaic.version = 14 : i64} {
  func.func @_mm1_body(%arg0: i32, %arg1: memref<2000x128xf32, #tpu.memory_space<vmem>>, %arg2: memref<128x64xf32, #tpu.memory_space<vmem>>, %arg3: memref<2000x64xf32, #tpu.memory_space<vmem>>) attributes {dimension_semantics = [#tpu.dimension_semantics<arbitrary>], iteration_bounds = array<i64: 5>, scalar_prefetch = 0 : i64, scratch_operands = 0 : i64, tpu.core_type = #tpu.core_type<tc>, window_params = [{transform_indices = @transform_0, window_bounds = array<i64: 2000, 128>}, {pipeline_mode = #tpu.pipeline_mode<synchronous>, transform_indices = @transform_1, window_bounds = array<i64: 128, 64>}, {transform_indices = @transform_2, window_bounds = array<i64: 2000, 64>}]} {
    %get3A = arith.constant 0 : index
    %get3A_0 = arith.constant 0 : index
    %get3A_1 = vector.load %arg1[%get3A, %get3A_0] : memref<2000x128xf32, #tpu.memory_space<vmem>>, vector<2000x128xf32>
    %get3A_2 = arith.constant 0 : index
    %get3A_3 = arith.constant 0 : index
    %get3A_4 = vector.load %arg2[%get3A_2, %get3A_3] : memref<128x64xf32, #tpu.memory_space<vmem>>, vector<128x64xf32>
    %dot_general3A = arith.constant dense<0.000000e+00> : vector<2000x64xf32>
    %dot_general3A_5 = tpu.matmul %get3A_1, %get3A_4, %dot_general3A {dimension_numbers = #tpu.dot_dimension_numbers<[1], [0], [0], [1], [0, 0, 1, 1], [], []>, transpose_lhs_hint = false} : vector<2000x128xf32>, vector<128x64xf32>, vector<2000x64xf32> -> vector<2000x64xf32>
    %swap3A = arith.constant 0 : index
    %swap3A_6 = arith.constant 0 : index
    %swap3A_7 = vector.load %arg3[%swap3A, %swap3A_6] : memref<2000x64xf32, #tpu.memory_space<vmem>>, vector<2000x64xf32>
    tpu.vector_store %arg3[%swap3A, %swap3A_6], %dot_general3A_5 {strides = array<i32>} : memref<2000x64xf32, #tpu.memory_space<vmem>>, vector<2000x64xf32>,
    return
  }
  func.func @transform_0(%arg0: i32) -> (i32, i32) {
    %c0_i32 = arith.constant 0 : i32
    %c0_i32_0 = arith.constant 0 : i32
    return %arg0, %c0_i32 : i32, i32
  }
  func.func @transform_1(%arg0: i32) -> (i32, i32) {
    %c0_i32 = arith.constant 0 : i32
    %c0_i32_0 = arith.constant 0 : i32
    %c0_i32_1 = arith.constant 0 : i32
    return %c0_i32, %c0_i32_0 : i32, i32
  }
  func.func @transform_2(%arg0: i32) -> (i32, i32) {
    %c0_i32 = arith.constant 0 : i32
    %c0_i32_0 = arith.constant 0 : i32
    return %arg0, %c0_i32 : i32, i32
  }
}

module attributes {stable_mosaic.version = 14 : i64} {
  func.func @_scale_body(%arg0: i32, %arg1: memref<2x2000x16xf32, #tpu.memory_space<vmem>>, %arg2: memref<2000x64xf32, #tpu.memory_space<vmem>>, %arg3: memref<2000x64xf32, #tpu.memory_space<vmem>>, %arg4: memref<2000x1xf32, #tpu.memory_space<vmem>>) attributes {dimension_semantics = [#tpu.dimension_semantics<arbitrary>], iteration_bounds = array<i64: 5>, scalar_prefetch = 0 : i64, scratch_operands = 0 : i64, tpu.core_type = #tpu.core_type<tc>, window_params = [{transform_indices = @transform_0, window_bounds = array<i64: 2, 2000, 16>}, {transform_indices = @transform_1, window_bounds = array<i64: 2000, 64>}, {transform_indices = @transform_2, window_bounds = array<i64: 2000, 64>}, {transform_indices = @transform_3, window_bounds = array<i64: 2000, 1>}]} {
    %get3A = arith.constant 0 : index
    %get3A_0 = arith.constant 0 : index
    %get3A_1 = arith.constant 0 : index
    %get3A_2 = vector.load %arg1[%get3A, %get3A_0, %get3A_1] : memref<2x2000x16xf32, #tpu.memory_space<vmem>>, vector<1x2000x1xf32>
    %get3A_3 = vector.shape_cast %get3A_2 : vector<1x2000x1xf32> to vector<2000x1xf32>
    %get3A_4 = arith.constant 1 : index
    %get3A_5 = arith.constant 0 : index
    %get3A_6 = arith.constant 0 : index
    %get3A_7 = vector.load %arg1[%get3A_4, %get3A_5, %get3A_6] : memref<2x2000x16xf32, #tpu.memory_space<vmem>>, vector<1x2000x1xf32>
    %get3A_8 = vector.shape_cast %get3A_7 : vector<1x2000x1xf32> to vector<2000x1xf32>
    %add3A = arith.addf %get3A_3, %get3A_8 : vector<2000x1xf32>
    %add3A_9 = arith.constant 1.000000e+00 : f32
    %add3A_10 = vector.broadcast %add3A_9 : f32 to vector<2000x1xf32>
    %add3A_11 = arith.addf %add3A, %add3A_10 : vector<2000x1xf32>
    %rsqrt3A = math.rsqrt %add3A_11 : vector<2000x1xf32>
    %swap3A = arith.constant 0 : index
    %swap3A_12 = arith.constant 0 : index
    %swap3A_13 = vector.load %arg4[%swap3A, %swap3A_12] : memref<2000x1xf32, #tpu.memory_space<vmem>>, vector<2000x1xf32>
    tpu.vector_store %arg4[%swap3A, %swap3A_12], %rsqrt3A {strides = array<i32>} : memref<2000x1xf32, #tpu.memory_space<vmem>>, vector<2000x1xf32>,
    %get3A_14 = arith.constant 0 : index
    %get3A_15 = arith.constant 0 : index
    %get3A_16 = vector.load %arg2[%get3A_14, %get3A_15] : memref<2000x64xf32, #tpu.memory_space<vmem>>, vector<2000x64xf32>
    %mul3A = vector.broadcast %rsqrt3A : vector<2000x1xf32> to vector<2000x64xf32>
    %mul3A_17 = arith.mulf %get3A_16, %mul3A : vector<2000x64xf32>
    %swap3A_18 = arith.constant 0 : index
    %swap3A_19 = arith.constant 0 : index
    %swap3A_20 = vector.load %arg3[%swap3A_18, %swap3A_19] : memref<2000x64xf32, #tpu.memory_space<vmem>>, vector<2000x64xf32>
    tpu.vector_store %arg3[%swap3A_18, %swap3A_19], %mul3A_17 {strides = array<i32>} : memref<2000x64xf32, #tpu.memory_space<vmem>>, vector<2000x64xf32>,
    return
  }
  func.func @transform_0(%arg0: i32) -> (i32, i32, i32) {
    %c0_i32 = arith.constant 0 : i32
    %c0_i32_0 = arith.constant 0 : i32
    %c0_i32_1 = arith.constant 0 : i32
    return %c0_i32, %arg0, %c0_i32_0 : i32, i32, i32
  }
  func.func @transform_1(%arg0: i32) -> (i32, i32) {
    %c0_i32 = arith.constant 0 : i32
    %c0_i32_0 = arith.constant 0 : i32
    return %arg0, %c0_i32 : i32, i32
  }
  func.func @transform_2(%arg0: i32) -> (i32, i32) {
    %c0_i32 = arith.constant 0 : i32
    %c0_i32_0 = arith.constant 0 : i32
    return %arg0, %c0_i32 : i32, i32
  }
  func.func @transform_3(%arg0: i32) -> (i32, i32) {
    %c0_i32 = arith.constant 0 : i32
    %c0_i32_0 = arith.constant 0 : i32
    return %arg0, %c0_i32 : i32, i32
  }
}

module attributes {stable_mosaic.version = 14 : i64} {
  func.func @_mid_body(%arg0: i32, %arg1: memref<2x2000x64xf32, #tpu.memory_space<vmem>>, %arg2: memref<2000x64xf32, #tpu.memory_space<vmem>>, %arg3: memref<2000x1xf32, #tpu.memory_space<vmem>>, %arg4: memref<1x64xf32, #tpu.memory_space<vmem>>, %arg5: memref<64x64xf32, #tpu.memory_space<vmem>>, %arg6: memref<2000x64xf32, #tpu.memory_space<vmem>>, %arg7: memref<2000x64xf32, #tpu.memory_space<vmem>>) attributes {dimension_semantics = [#tpu.dimension_semantics<arbitrary>], iteration_bounds = array<i64: 5>, scalar_prefetch = 0 : i64, scratch_operands = 0 : i64, tpu.core_type = #tpu.core_type<tc>, window_params = [{transform_indices = @transform_0, window_bounds = array<i64: 2, 2000, 64>}, {transform_indices = @transform_1, window_bounds = array<i64: 2000, 64>}, {transform_indices = @transform_2, window_bounds = array<i64: 2000, 1>}, {pipeline_mode = #tpu.pipeline_mode<synchronous>, transform_indices = @transform_3, window_bounds = array<i64: 1, 64>}, {pipeline_mode = #tpu.pipeline_mode<synchronous>, transform_indices = @transform_4, window_bounds = array<i64: 64, 64>}, {transform_indices = @transform_5, window_bounds = array<i64: 2000, 64>}, {transform_indices = @transform_6, window_bounds = array<i64: 2000, 64>}]} {
    %get3A = arith.constant 0 : index
    %get3A_0 = arith.constant 0 : index
    %get3A_1 = vector.load %arg3[%get3A, %get3A_0] : memref<2000x1xf32, #tpu.memory_space<vmem>>, vector<2000x1xf32>
    %get3A_2 = arith.constant 0 : index
    %get3A_3 = arith.constant 0 : index
    %get3A_4 = arith.constant 0 : index
    %get3A_5 = vector.load %arg1[%get3A_2, %get3A_3, %get3A_4] : memref<2x2000x64xf32, #tpu.memory_space<vmem>>, vector<1x2000x64xf32>
    %get3A_6 = vector.shape_cast %get3A_5 : vector<1x2000x64xf32> to vector<2000x64xf32>
    %get3A_7 = arith.constant 1 : index
    %get3A_8 = arith.constant 0 : index
    %get3A_9 = arith.constant 0 : index
    %get3A_10 = vector.load %arg1[%get3A_7, %get3A_8, %get3A_9] : memref<2x2000x64xf32, #tpu.memory_space<vmem>>, vector<1x2000x64xf32>
    %get3A_11 = vector.shape_cast %get3A_10 : vector<1x2000x64xf32> to vector<2000x64xf32>
    %add3A = arith.addf %get3A_6, %get3A_11 : vector<2000x64xf32>
    %get3A_12 = arith.constant 0 : index
    %get3A_13 = arith.constant 0 : index
    %get3A_14 = vector.load %arg2[%get3A_12, %get3A_13] : memref<2000x64xf32, #tpu.memory_space<vmem>>, vector<2000x64xf32>
    %add3A_15 = arith.addf %add3A, %get3A_14 : vector<2000x64xf32>
    %mul3A = vector.broadcast %get3A_1 : vector<2000x1xf32> to vector<2000x64xf32>
    %mul3A_16 = arith.mulf %add3A_15, %mul3A : vector<2000x64xf32>
    %get3A_17 = arith.constant 0 : index
    %get3A_18 = arith.constant 0 : index
    %get3A_19 = vector.load %arg4[%get3A_17, %get3A_18] : memref<1x64xf32, #tpu.memory_space<vmem>>, vector<1x64xf32>
    %add3A_20 = vector.broadcast %get3A_19 : vector<1x64xf32> to vector<2000x64xf32>
    %add3A_21 = arith.addf %mul3A_16, %add3A_20 : vector<2000x64xf32>
    %tanh3A = math.tanh %add3A_21 : vector<2000x64xf32>
    %swap3A = arith.constant 0 : index
    %swap3A_22 = arith.constant 0 : index
    %swap3A_23 = vector.load %arg6[%swap3A, %swap3A_22] : memref<2000x64xf32, #tpu.memory_space<vmem>>, vector<2000x64xf32>
    tpu.vector_store %arg6[%swap3A, %swap3A_22], %tanh3A {strides = array<i32>} : memref<2000x64xf32, #tpu.memory_space<vmem>>, vector<2000x64xf32>,
    %get3A_24 = arith.constant 0 : index
    %get3A_25 = arith.constant 0 : index
    %get3A_26 = vector.load %arg5[%get3A_24, %get3A_25] : memref<64x64xf32, #tpu.memory_space<vmem>>, vector<64x64xf32>
    %dot_general3A = arith.constant dense<0.000000e+00> : vector<2000x64xf32>
    %dot_general3A_27 = tpu.matmul %tanh3A, %get3A_26, %dot_general3A {dimension_numbers = #tpu.dot_dimension_numbers<[1], [0], [0], [1], [0, 0, 1, 1], [], []>, transpose_lhs_hint = false} : vector<2000x64xf32>, vector<64x64xf32>, vector<2000x64xf32> -> vector<2000x64xf32>
    %mul3A_28 = vector.broadcast %get3A_1 : vector<2000x1xf32> to vector<2000x64xf32>
    %mul3A_29 = arith.mulf %dot_general3A_27, %mul3A_28 : vector<2000x64xf32>
    %swap3A_30 = arith.constant 0 : index
    %swap3A_31 = arith.constant 0 : index
    %swap3A_32 = vector.load %arg7[%swap3A_30, %swap3A_31] : memref<2000x64xf32, #tpu.memory_space<vmem>>, vector<2000x64xf32>
    tpu.vector_store %arg7[%swap3A_30, %swap3A_31], %mul3A_29 {strides = array<i32>} : memref<2000x64xf32, #tpu.memory_space<vmem>>, vector<2000x64xf32>,
    return
  }
  func.func @transform_0(%arg0: i32) -> (i32, i32, i32) {
    %c0_i32 = arith.constant 0 : i32
    %c0_i32_0 = arith.constant 0 : i32
    %c0_i32_1 = arith.constant 0 : i32
    return %c0_i32, %arg0, %c0_i32_0 : i32, i32, i32
  }
  func.func @transform_1(%arg0: i32) -> (i32, i32) {
    %c0_i32 = arith.constant 0 : i32
    %c0_i32_0 = arith.constant 0 : i32
    return %arg0, %c0_i32 : i32, i32
  }
  func.func @transform_2(%arg0: i32) -> (i32, i32) {
    %c0_i32 = arith.constant 0 : i32
    %c0_i32_0 = arith.constant 0 : i32
    return %arg0, %c0_i32 : i32, i32
  }
  func.func @transform_3(%arg0: i32) -> (i32, i32) {
    %c0_i32 = arith.constant 0 : i32
    %c0_i32_0 = arith.constant 0 : i32
    %c0_i32_1 = arith.constant 0 : i32
    return %c0_i32, %c0_i32_0 : i32, i32
  }
  func.func @transform_4(%arg0: i32) -> (i32, i32) {
    %c0_i32 = arith.constant 0 : i32
    %c0_i32_0 = arith.constant 0 : i32
    %c0_i32_1 = arith.constant 0 : i32
    return %c0_i32, %c0_i32_0 : i32, i32
  }
  func.func @transform_5(%arg0: i32) -> (i32, i32) {
    %c0_i32 = arith.constant 0 : i32
    %c0_i32_0 = arith.constant 0 : i32
    return %arg0, %c0_i32 : i32, i32
  }
  func.func @transform_6(%arg0: i32) -> (i32, i32) {
    %c0_i32 = arith.constant 0 : i32
    %c0_i32_0 = arith.constant 0 : i32
    return %arg0, %c0_i32 : i32, i32
  }
}

module attributes {stable_mosaic.version = 14 : i64} {
  func.func @_final_body(%arg0: i32, %arg1: memref<2x2000x64xf32, #tpu.memory_space<vmem>>, %arg2: memref<2000x64xf32, #tpu.memory_space<vmem>>, %arg3: memref<2000x1xf32, #tpu.memory_space<vmem>>, %arg4: memref<1x64xf32, #tpu.memory_space<vmem>>, %arg5: memref<2000x1xi32, #tpu.memory_space<vmem>>, %arg6: memref<2000x64xf32, #tpu.memory_space<vmem>>, %arg7: memref<64x64xf32, #tpu.memory_space<vmem>>, %arg8: memref<64x1xf32, #tpu.memory_space<vmem>>) attributes {dimension_semantics = [#tpu.dimension_semantics<arbitrary>], iteration_bounds = array<i64: 5>, scalar_prefetch = 0 : i64, scratch_operands = 1 : i64, tpu.core_type = #tpu.core_type<tc>, window_params = [{transform_indices = @transform_0, window_bounds = array<i64: 2, 2000, 64>}, {transform_indices = @transform_1, window_bounds = array<i64: 2000, 64>}, {transform_indices = @transform_2, window_bounds = array<i64: 2000, 1>}, {pipeline_mode = #tpu.pipeline_mode<synchronous>, transform_indices = @transform_3, window_bounds = array<i64: 1, 64>}, {transform_indices = @transform_4, window_bounds = array<i64: 2000, 1>}, {transform_indices = @transform_5, window_bounds = array<i64: 2000, 64>}, {pipeline_mode = #tpu.pipeline_mode<synchronous>, transform_indices = @transform_6, window_bounds = array<i64: 64, 64>}]} {
    %eq3A = arith.constant 0 : i32
    %eq3A_0 = arith.cmpi eq, %arg0, %eq3A : i32
    %convert_element_type3A = arith.extui %eq3A_0 : i1 to i32
    %cond3A = arith.constant 0 : i32
    %cond3A_1 = arith.cmpi ne, %convert_element_type3A, %cond3A : i32
    scf.if %cond3A_1 {
      %broadcast_in_dim3A_56 = arith.constant 0.000000e+00 : f32
      %broadcast_in_dim3A_57 = vector.broadcast %broadcast_in_dim3A_56 : f32 to vector<64x64xf32>
      %swap3A_58 = arith.constant 0 : index
      %swap3A_59 = arith.constant 0 : index
      %swap3A_60 = vector.load %arg7[%swap3A_58, %swap3A_59] : memref<64x64xf32, #tpu.memory_space<vmem>>, vector<64x64xf32>
      tpu.vector_store %arg7[%swap3A_58, %swap3A_59], %broadcast_in_dim3A_57 {strides = array<i32>} : memref<64x64xf32, #tpu.memory_space<vmem>>, vector<64x64xf32>,
      %broadcast_in_dim3A_61 = arith.constant 0.000000e+00 : f32
      %broadcast_in_dim3A_62 = vector.broadcast %broadcast_in_dim3A_61 : f32 to vector<64x1xf32>
      %swap3A_63 = arith.constant 0 : index
      %swap3A_64 = arith.constant 0 : index
      %swap3A_65 = vector.load %arg8[%swap3A_63, %swap3A_64] : memref<64x1xf32, #tpu.memory_space<vmem>>, vector<64x1xf32>
      tpu.vector_store %arg8[%swap3A_63, %swap3A_64], %broadcast_in_dim3A_62 {strides = array<i32>} : memref<64x1xf32, #tpu.memory_space<vmem>>, vector<64x1xf32>,
    } else {
    }
    %get3A = arith.constant 0 : index
    %get3A_2 = arith.constant 0 : index
    %get3A_3 = arith.constant 0 : index
    %get3A_4 = vector.load %arg1[%get3A, %get3A_2, %get3A_3] : memref<2x2000x64xf32, #tpu.memory_space<vmem>>, vector<1x2000x64xf32>
    %get3A_5 = vector.shape_cast %get3A_4 : vector<1x2000x64xf32> to vector<2000x64xf32>
    %get3A_6 = arith.constant 1 : index
    %get3A_7 = arith.constant 0 : index
    %get3A_8 = arith.constant 0 : index
    %get3A_9 = vector.load %arg1[%get3A_6, %get3A_7, %get3A_8] : memref<2x2000x64xf32, #tpu.memory_space<vmem>>, vector<1x2000x64xf32>
    %get3A_10 = vector.shape_cast %get3A_9 : vector<1x2000x64xf32> to vector<2000x64xf32>
    %add3A = arith.addf %get3A_5, %get3A_10 : vector<2000x64xf32>
    %get3A_11 = arith.constant 0 : index
    %get3A_12 = arith.constant 0 : index
    %get3A_13 = vector.load %arg2[%get3A_11, %get3A_12] : memref<2000x64xf32, #tpu.memory_space<vmem>>, vector<2000x64xf32>
    %add3A_14 = arith.addf %add3A, %get3A_13 : vector<2000x64xf32>
    %get3A_15 = arith.constant 0 : index
    %get3A_16 = arith.constant 0 : index
    %get3A_17 = vector.load %arg3[%get3A_15, %get3A_16] : memref<2000x1xf32, #tpu.memory_space<vmem>>, vector<2000x1xf32>
    %mul3A = vector.broadcast %get3A_17 : vector<2000x1xf32> to vector<2000x64xf32>
    %mul3A_18 = arith.mulf %add3A_14, %mul3A : vector<2000x64xf32>
    %get3A_19 = arith.constant 0 : index
    %get3A_20 = arith.constant 0 : index
    %get3A_21 = vector.load %arg4[%get3A_19, %get3A_20] : memref<1x64xf32, #tpu.memory_space<vmem>>, vector<1x64xf32>
    %add3A_22 = vector.broadcast %get3A_21 : vector<1x64xf32> to vector<2000x64xf32>
    %add3A_23 = arith.addf %mul3A_18, %add3A_22 : vector<2000x64xf32>
    %tanh3A = math.tanh %add3A_23 : vector<2000x64xf32>
    %swap3A = arith.constant 0 : index
    %swap3A_24 = arith.constant 0 : index
    %swap3A_25 = vector.load %arg6[%swap3A, %swap3A_24] : memref<2000x64xf32, #tpu.memory_space<vmem>>, vector<2000x64xf32>
    tpu.vector_store %arg6[%swap3A, %swap3A_24], %tanh3A {strides = array<i32>} : memref<2000x64xf32, #tpu.memory_space<vmem>>, vector<2000x64xf32>,
    %get3A_26 = arith.constant 0 : index
    %get3A_27 = arith.constant 0 : index
    %get3A_28 = vector.load %arg5[%get3A_26, %get3A_27] : memref<2000x1xi32, #tpu.memory_space<vmem>>, vector<2000x1xi32>
    %iota3A = tpu.iota {dimensions = array<i32: 1>} : vector<2000x64xi32>
    %eq3A_29 = vector.broadcast %get3A_28 : vector<2000x1xi32> to vector<2000x64xi32>
    %eq3A_30 = arith.cmpi eq, %eq3A_29, %iota3A : vector<2000x64xi32>
    %convert_element_type3A_31 = arith.extui %eq3A_30 : vector<2000x64xi1> to vector<2000x64xi32>
    %convert_element_type3A_32 = arith.sitofp %convert_element_type3A_31 : vector<2000x64xi32> to vector<2000x64xf32>
    %get3A_33 = arith.constant 0 : index
    %get3A_34 = arith.constant 0 : index
    %get3A_35 = vector.load %arg7[%get3A_33, %get3A_34] : memref<64x64xf32, #tpu.memory_space<vmem>>, vector<64x64xf32>
    %dot_general3A = arith.constant dense<0.000000e+00> : vector<64x64xf32>
    %dot_general3A_36 = tpu.matmul %convert_element_type3A_32, %tanh3A, %dot_general3A {dimension_numbers = #tpu.dot_dimension_numbers<[0], [0], [1], [1], [0, 1, 1, 1], [], []>, transpose_lhs_hint = false} : vector<2000x64xf32>, vector<2000x64xf32>, vector<64x64xf32> -> vector<64x64xf32>
    %add3A_37 = arith.addf %get3A_35, %dot_general3A_36 : vector<64x64xf32>
    %swap3A_38 = arith.constant 0 : index
    %swap3A_39 = arith.constant 0 : index
    %swap3A_40 = vector.load %arg7[%swap3A_38, %swap3A_39] : memref<64x64xf32, #tpu.memory_space<vmem>>, vector<64x64xf32>
    tpu.vector_store %arg7[%swap3A_38, %swap3A_39], %add3A_37 {strides = array<i32>} : memref<64x64xf32, #tpu.memory_space<vmem>>, vector<64x64xf32>,
    %get3A_41 = arith.constant 0 : index
    %get3A_42 = arith.constant 0 : index
    %get3A_43 = vector.load %arg8[%get3A_41, %get3A_42] : memref<64x1xf32, #tpu.memory_space<vmem>>, vector<64x1xf32>
    %broadcast_in_dim3A = arith.constant 1.000000e+00 : f32
    %broadcast_in_dim3A_44 = vector.broadcast %broadcast_in_dim3A : f32 to vector<2000x1xf32>
    %dot_general3A_45 = arith.constant dense<0.000000e+00> : vector<64x1xf32>
    %dot_general3A_46 = tpu.matmul %convert_element_type3A_32, %broadcast_in_dim3A_44, %dot_general3A_45 {dimension_numbers = #tpu.dot_dimension_numbers<[0], [0], [1], [1], [0, 1, 1, 1], [], []>, transpose_lhs_hint = false} : vector<2000x64xf32>, vector<2000x1xf32>, vector<64x1xf32> -> vector<64x1xf32>
    %add3A_47 = arith.addf %get3A_43, %dot_general3A_46 : vector<64x1xf32>
    %swap3A_48 = arith.constant 0 : index
    %swap3A_49 = arith.constant 0 : index
    %swap3A_50 = vector.load %arg8[%swap3A_48, %swap3A_49] : memref<64x1xf32, #tpu.memory_space<vmem>>, vector<64x1xf32>
    tpu.vector_store %arg8[%swap3A_48, %swap3A_49], %add3A_47 {strides = array<i32>} : memref<64x1xf32, #tpu.memory_space<vmem>>, vector<64x1xf32>,
    %eq3A_51 = arith.constant 4 : i32
    %eq3A_52 = arith.cmpi eq, %arg0, %eq3A_51 : i32
    %convert_element_type3A_53 = arith.extui %eq3A_52 : i1 to i32
    %cond3A_54 = arith.constant 0 : i32
    %cond3A_55 = arith.cmpi ne, %convert_element_type3A_53, %cond3A_54 : i32
    scf.if %cond3A_55 {
      %get3A_56 = arith.constant 0 : index
      %get3A_57 = arith.constant 0 : index
      %get3A_58 = vector.load %arg7[%get3A_56, %get3A_57] : memref<64x64xf32, #tpu.memory_space<vmem>>, vector<64x64xf32>
      %get3A_59 = arith.constant 0 : index
      %get3A_60 = arith.constant 0 : index
      %get3A_61 = vector.load %arg8[%get3A_59, %get3A_60] : memref<64x1xf32, #tpu.memory_space<vmem>>, vector<64x1xf32>
      %max3A = arith.constant 1.000000e+00 : f32
      %max3A_62 = vector.broadcast %max3A : f32 to vector<64x1xf32>
      %max3A_63 = arith.maximumf %get3A_61, %max3A_62 : vector<64x1xf32>
      %div3A = vector.broadcast %max3A_63 : vector<64x1xf32> to vector<64x64xf32>
      %div3A_64 = arith.divf %get3A_58, %div3A : vector<64x64xf32>
      %swap3A_65 = arith.constant 0 : index
      %swap3A_66 = arith.constant 0 : index
      %swap3A_67 = vector.load %arg7[%swap3A_65, %swap3A_66] : memref<64x64xf32, #tpu.memory_space<vmem>>, vector<64x64xf32>
      tpu.vector_store %arg7[%swap3A_65, %swap3A_66], %div3A_64 {strides = array<i32>} : memref<64x64xf32, #tpu.memory_space<vmem>>, vector<64x64xf32>,
    } else {
    }
    return
  }
  func.func @transform_0(%arg0: i32) -> (i32, i32, i32) {
    %c0_i32 = arith.constant 0 : i32
    %c0_i32_0 = arith.constant 0 : i32
    %c0_i32_1 = arith.constant 0 : i32
    return %c0_i32, %arg0, %c0_i32_0 : i32, i32, i32
  }
  func.func @transform_1(%arg0: i32) -> (i32, i32) {
    %c0_i32 = arith.constant 0 : i32
    %c0_i32_0 = arith.constant 0 : i32
    return %arg0, %c0_i32 : i32, i32
  }
  func.func @transform_2(%arg0: i32) -> (i32, i32) {
    %c0_i32 = arith.constant 0 : i32
    %c0_i32_0 = arith.constant 0 : i32
    return %arg0, %c0_i32 : i32, i32
  }
  func.func @transform_3(%arg0: i32) -> (i32, i32) {
    %c0_i32 = arith.constant 0 : i32
    %c0_i32_0 = arith.constant 0 : i32
    %c0_i32_1 = arith.constant 0 : i32
    return %c0_i32, %c0_i32_0 : i32, i32
  }
  func.func @transform_4(%arg0: i32) -> (i32, i32) {
    %c0_i32 = arith.constant 0 : i32
    %c0_i32_0 = arith.constant 0 : i32
    return %arg0, %c0_i32 : i32, i32
  }
  func.func @transform_5(%arg0: i32) -> (i32, i32) {
    %c0_i32 = arith.constant 0 : i32
    %c0_i32_0 = arith.constant 0 : i32
    return %arg0, %c0_i32 : i32, i32
  }
  func.func @transform_6(%arg0: i32) -> (i32, i32) {
    %c0_i32 = arith.constant 0 : i32
    %c0_i32_0 = arith.constant 0 : i32
    %c0_i32_1 = arith.constant 0 : i32
    return %c0_i32, %c0_i32_0 : i32, i32
  }
}

</mosaic_0001>

<sc_bundles>
// kernel: kernel.12.cloned.1.call-start
scs
__scs_entry_jumppad:
0x0: {  	(pc) =	sbr.rel $0x88, $3  }
0x1: {  	(tag) =	ssettag $0x0;
	lr =	simm.s32 $0x1  }
0x2: {  	[smem:$0x3F9A] =	sst lr;
	_ =	strace $0xD0000000  }
0x3: {  	_ = 	snop  }
0x4: {  	_ = 	snop  }
0x5: {  	_ = 	snop  }
0x6: {  	_ = 	snop  }
0x7: {  	_ = 	snop  }
__scs_overlays_trampoline_lowered:
0x8: {  	[smem:$0x3FA9] =	sst s0  }
0x9: {  	[smem:$0x3FAA] =	sst s1  }
0xa: {  	[smem:$0x3FAB] =	sst s2  }
0xb: {  	[smem:$0x3FAC] =	sst s3  }
0xc: {  	[smem:$0x3FAD] =	sst s4  }
0xd: {  	[smem:$0x3FAE] =	sst s5  }
0xe: {  	[smem:$0x3FAF] =	sst s6  }
0xf: {  	[smem:$0x3FB0] =	sst s7  }
0x10: {  	[smem:$0x3FB1] =	sst s8  }
0x11: {  	[smem:$0x3FB2] =	sst s9;
	s0 =	simm.s32 @!p0 $0x0  }
0x12: {  	s1 =	sld [smem:$0x3F98];
	s0 =	simm.s32 @p0 $0x1  }
0x13: {  	[smem:$0x3FB3] =	sst s0;
	s0 =	simm.s32 @!p1 $0x0  }
0x14: {  	s2 =	sld [smem:$0x3F97];
	s0 =	simm.s32 @p1 $0x1  }
0x15: {  	[smem:$0x3FB4] =	sst s0;
	s0 =	simm.s32 @!p2 $0x0  }
0x16: {  	s3 =	sld [smem:$0x3FDB];
	s0 =	simm.s32 @p2 $0x1  }
0x17: {  	s4 =	simm.s32 $0x1BF5;
	[smem:$0x3FB6] =	sst s0  }
0x18: {  	s0 =	sld [smem:$0x3F99];
	_ =	swait.ge [sflag:s4], $0x0  }
0x19: {  	s7 =	sld [smem:$0x3F9A]  }
0x1a: {  	s8 =	sadd.s32 $0xFFFFE003, lr  }
0x1b: {  	s9 =	sadd.s32 $0xFFFFFEF7, lr;
	s5 =	simm.s32 $0xFFFFFFFF;
	p2 =	slt.u32 s8, $0xFFFFF086  }
0x1c: {  	p1 =	slt.u32 s9, $0xF7A;
	s5 =	simm.s32 @!p2 $0x0  }
0x1d: {  	s5 =	simm.s32 @p1 $0x1;
	p0 =	seq.s32 s7, s2  }
0x1e: {  	s7 =	smul.u32 @!p0 $0xF7A, s2;
	p2 =	seq.s32 @!p0 s5, $0x0  }
0x1f: {  	s9 =	smul.u32 $0xF7A, s1;
	s8 =	simm.s32 @!p0 $0x1BF5;
	p2 =	por !p2, p0  }
0x20: {  	[sflag:s8] =	ssyncset.s32 @!p0 $0xFFFFF086;
	s6 =	sadd.s32 @!p0 s3, s7;
	s7 =	simm.s32 @!p0 $0x108  }
0x21: {  	s3 =	sadd.s32 s3, s9;
	s6 =	sadd.s32 @!p0 $0x88, s6;
	s7 =	simm.s32 @p2 $0x1082  }
0x22: {  	[simem:s7], [sflag:s8] =	dma.local @!p0 [hbm:s6], $0xF7A  }
0x23: {  	s9 =	sor.u32 $0xD0000000, s2;
	s6 =	simm.s32 $0x108;
	_ =	swait.ge @!p0 [sflag:s8], $0x0  }
0x24: {  	s3 =	sadd.s32 $0x88, s3;
	s6 =	simm.s32 @!p1 $0x1082;
	[sflag:s4] =	ssyncset.s32 $0xFFFFF086  }
0x25: {  	[simem:s6], [sflag:s4] =	dma.local [hbm:s3], $0xF7A  }
0x26: {  	[smem:$0x3F9A] =	sst s1;
	(tag) =	ssettag s2;
	_ =	strace s9  }
0x27: {  	s1 =	sld [smem:$0x3FAA]  }
0x28: {  	s2 =	sld [smem:$0x3FAB]  }
0x29: {  	s4 =	sld [smem:$0x3FAD]  }
0x2a: {  	p0 =	seq.s32 s5, $0x0;
	s5 =	sld [smem:$0x3FAE]  }
0x2b: {  	s6 =	sld [smem:$0x3FAF]  }
0x2c: {  	s7 =	sld [smem:$0x3FB0]  }
0x2d: {  	s3 =	simm.s32 $0x108;
	s8 =	sld [smem:$0x3FB1]  }
0x2e: {  	s3 =	simm.s32 @!p0 $0x1082;
	s9 =	sld [smem:$0x3FB2]  }
0x2f: {  	lr =	sadd.s32 s0, s3;
	s0 =	sld [smem:$0x3FA9]  }
0x30: {  	s3 =	sld [smem:$0x3FAC]  }
0x31: {  	[smem:$0x3FB5] =	sst s10  }
0x32: {  	s10 =	sld [smem:$0x3FB3];
	_ =	sdelay $0x3  }
0x33: {  	p0 =	seq.s32 s10, $0x1;
	s10 =	sld [smem:$0x3FB5];
	_ =	sdelay $0x3  }
0x34: {  	[smem:$0x3FB5] =	sst s10  }
0x35: {  	s10 =	sld [smem:$0x3FB4];
	_ =	sdelay $0x3  }
0x36: {  	p1 =	seq.s32 s10, $0x1;
	s10 =	sld [smem:$0x3FB5];
	_ =	sdelay $0x3  }
0x37: {  	[smem:$0x3FB5] =	sst s10  }
0x38: {  	s10 =	sld [smem:$0x3FB6]  }
0x39: {  	_ = 	snop;
	(pc) =	sbr.ind lr, $3  }
0x3a: {  	_ = 	snop  }
0x3b: {  	_ = 	snop  }
0x3c: {  	p2 =	seq.s32 s10, $0x1;
	s10 =	sld [smem:$0x3FB5]  }
0x3d: {  	_ =	shalt  }
0x3e: {  	_ =	shalt  }
0x3f: {  	_ =	shalt  }
0x40: {  	_ =	shalt  }
0x41: {  	_ =	shalt  }
0x42: {  	_ =	shalt  }
0x43: {  	_ =	shalt  }
0x44: {  	_ =	shalt  }
0x45: {  	_ =	shalt  }
0x46: {  	_ =	shalt  }
0x47: {  	_ =	shalt  }
0x48: {  	_ =	shalt  }
0x49: {  	_ =	shalt  }
0x4a: {  	_ =	shalt  }
0x4b: {  	_ =	shalt  }
0x4c: {  	_ =	shalt  }
0x4d: {  	_ =	shalt  }
0x4e: {  	_ =	shalt  }
0x4f: {  	_ =	shalt  }
0x50: {  	_ =	shalt  }
0x51: {  	_ =	shalt  }
0x52: {  	_ =	shalt  }
0x53: {  	_ =	shalt  }
0x54: {  	_ =	shalt  }
0x55: {  	_ =	shalt  }
0x56: {  	_ =	shalt  }
0x57: {  	_ =	shalt  }
0x58: {  	_ =	shalt  }
0x59: {  	_ =	shalt  }
0x5a: {  	_ =	shalt  }
0x5b: {  	_ =	shalt  }
0x5c: {  	_ =	shalt  }
0x5d: {  	_ =	shalt  }
0x5e: {  	_ =	shalt  }
0x5f: {  	_ =	shalt  }
0x60: {  	_ =	shalt  }
0x61: {  	_ =	shalt  }
0x62: {  	_ =	shalt  }
0x63: {  	_ =	shalt  }
0x64: {  	_ =	shalt  }
0x65: {  	_ =	shalt  }
0x66: {  	_ =	shalt  }
0x67: {  	_ =	shalt  }
0x68: {  	_ =	shalt  }
0x69: {  	_ =	shalt  }
0x6a: {  	_ =	shalt  }
0x6b: {  	_ =	shalt  }
0x6c: {  	_ =	shalt  }
0x6d: {  	_ =	shalt  }
0x6e: {  	_ =	shalt  }
0x6f: {  	_ =	shalt  }
0x70: {  	_ =	shalt  }
0x71: {  	_ =	shalt  }
0x72: {  	_ =	shalt  }
0x73: {  	_ =	shalt  }
0x74: {  	_ =	shalt  }
0x75: {  	_ =	shalt  }
0x76: {  	_ =	shalt  }
0x77: {  	_ =	shalt  }
0x78: {  	_ =	shalt  }
0x79: {  	_ =	shalt  }
0x7a: {  	_ =	shalt  }
0x7b: {  	_ =	shalt  }
0x7c: {  	_ =	shalt  }
0x7d: {  	_ =	shalt  }
0x7e: {  	_ =	shalt  }
0x7f: {  	_ =	shalt  }
0x80: {  	_ =	shalt  }
0x81: {  	_ =	shalt  }
0x82: {  	_ =	shalt  }
0x83: {  	_ =	shalt  }
0x84: {  	_ =	shalt  }
0x85: {  	_ =	shalt  }
0x86: {  	_ =	shalt  }
0x87: {  	_ =	shalt  }
.Lfunc_end0:
.L_simem_size_0:
called_computation.1_lowered:
.L_overlay_start_0:
0x88: {  	s2 =	sld [smem:$0x3FD9]  }
0x89: {  	s3 =	sld [smem:$0x3FFE];
	_ =	sdelay $0x1  }
0x8a: {  	s1 =	srdreg.scid  }
0x8b: {  	s0 =	sand.u32 $0x1, s1  }
0x8c: {  	s14 =	sshll.u32 s0, $0xA;
	s2 =	sadd.s32 s3, s2  }
0x8d: {  	s2 =	sadd.s32 s2, s14  }
0x8e: {  	[smem:$0x3FC1] =	sst s2  }
0x8f: {  	_ = 	snop  }
0x90: {  	s2 =	sld [smem:$0x3FD0];
	_ =	sdelay $0x2  }
0x91: {  	s15 =	simm.s32 $0xA;
	s4 =	simm.s32 $0x10  }
0x92: {  	[smem:s4], [sflag:s15] =	dma.local [hbm:s2], $0x1  }
0x93: {  	_ =	swait.eq [sflag:s15], $0x1  }
0x94: {  	[sflag:s15] =	ssyncset.done $0x0  }
0x95: {  	s16 =	sld [smem:$0x10];
	[sflag:s15] =	ssyncadd.s32 $0xFFFFFFFF  }
0x96: {  	s17 =	sld [smem:$0x13];
	(tm) =	ssettm $0x1  }
0x97: {  	s18 =	sld [smem:$0x3FFB];
	_ =	sdelay $0x3  }
0x98: {  	_ =	strace s18  }
0x99: {  	s4 =	sld [smem:$0x3FFC];
	_ =	sdelay $0x3  }
0x9a: {  	_ =	strace s4  }
0x9b: {  	s4 =	sld [smem:$0x3FFD];
	_ =	sdelay $0x3  }
0x9c: {  	_ =	strace s4  }
0x9d: {  	_ =	strace $0x8FFFFFFF  }
0x9e: {  	s19 =	sld [smem:$0x3FDB];
	_ =	sdelay $0x1  }
0x9f: {  	s5 =	simm.s32 $_scs_section_size  }
0xa0: {  	s6 =	simm.s32 $_size__tile_overlayer_lowered;
	s7 =	simm.s32 $_tile_overlayer_lowered  }
0xa1: {  	s22 =	simm.s32 $0x1BFF;
	s21 =	sshll.u32 s7, $0x1;
	s4 =	sadd.s32 s5, s19  }
0xa2: {  	s8 =	simm.s32 $0x0;
	s20 =	sshll.u32 s6, $0x1;
	s6 =	sadd.s32 s21, s4  }
0xa3: {  	[timem:s8], [sflag:s22] =	dma.local [hbm:s6], s20  }
0xa4: {  	_ =	swait.ge [sflag:s22], s20  }
0xa5: {  	s5 =	ssub.s32 $0x0, s20;
	[sflag:s22] =	ssyncset.done $0x0  }
0xa6: {  	[sflag:s22] =	ssyncadd.s32 s5;
	_ =	sdelay $0x1  }
0xa7: {  	s23 =	simm.s32 $0x1B8B  }
0xa8: {  	_ =	swait.ge [sflag:s23], $0x1  }
0xa9: {  	[sflag:s23] =	ssyncset.done $0x0  }
0xaa: {  	s25 =	simm.s32 $0x1B8E;
	s24 =	sld [smem:$0x3FFE];
	[sflag:s23] =	ssyncadd.s32 $0xFFFFFFFF  }
0xab: {  	s26 =	simm.s32 $execute0_lowered;
	[smem:$0x3FD2] =	sst s25  }
0xac: {  	s6 =	sshll.u32 s26, $0x1;
	_ =	strace $0x80000049;
	[dreg:$0x1] =	wrdreg $0xFFFFFFFF  }
0xad: {  	s28 =	simm.s32 $_size_execute0_lowered;
	s4 =	sadd.s32 s4, s6;
	[dreg:$0x0] =	wrdreg $0x0  }
0xae: {  	s6 =	sshll.u32 s28, $0x1;
	[dreg:$0x2] =	wrdreg s4  }
0xaf: {  	[dreg:$0x3] =	wrdreg s6  }
0xb0: {  	[dreg:$0x4] =	wrdreg $0xC0  }
0xb1: {  	_ =	task [dreg:s8], $0x5FFFF  }
0xb2: {  	[dreg:$0x1] =	wrdreg $0xFFFFFFFF  }
0xb3: {  	[dreg:$0x0] =	wrdreg $0x60  }
0xb4: {  	[dreg:$0x2] =	wrdreg s17  }
0xb5: {  	[dreg:$0x3] =	wrdreg s24  }
0xb6: {  	[dreg:$0x4] =	wrdreg s16  }
0xb7: {  	[dreg:$0x5] =	wrdreg $0x14A000  }
0xb8: {  	[dreg:$0x6] =	wrdreg $0x9  }
0xb9: {  	_ =	task.clear_ibuf [dreg:s8], $0x7FFFF;
	_ =	strace $0x90000049  }
0xba: {  	s29 =	simm.s32 $0x9;
	_ =	strace $0x8000004B  }
0xbb: {  	_ =	swait.ge [sflag:s29], $0x1  }
0xbc: {  	[sflag:s29] =	ssyncadd.s32 $0xFFFFFFFF  }
0xbd: {  	_ =	strace $0x9000004B  }
0xbe: {  	_ =	sfence  }
0xbf: {  	s30 =	sld [smem:$0x0];
	_ =	sdelay $0x2  }
0xc0: {  	s31 =	sshll.u32 s1, $0xD;
	s1 =	sshrl.u32 s1, $0x2  }
0xc1: {  	s3 =	sand.u32 $0x4000, s31;
	s1 =	sadd.s32 s1, s30  }
0xc2: {  	s0 =	sor.u32 s3, s0;
	s1 =	sshll.u32 s1, $0x11  }
0xc3: {  	s0 =	sor.u32 s1, s0  }
0xc4: {  	s0 =	sadd.s32 $0x8F2B, s0  }
0xc5: {  	[sflag:s0] =	ssyncadd.remote.s32 $0x1  }
0xc6: {  	_ =	sfence.sel $0xFFFF  }
0xc7: {  	[dreg:$0x0] =	wrdreg $0xFFFFFFFF;
	(pc) =	sbr.abs _section_cstart, $3  }
0xc8: {  	[dreg:$0x1] =	wrdreg $0xFFFFFFFF  }
0xc9: {  	_ =	task.clear_ibuf [dreg:s8], $0x2FFFF;
	_ =	strace $0x9FFFFFFF  }
0xca: {  	(tm) =	ssettm $0x7FFFFFFF  }
0xcb: {  	_ =	shalt  }
tec
execute0_lowered:
.L_overlay_start_1:
0x0: {  	(tag) =	ssettag $0x1  }
0x1: {  	s1 =	rddreg [dreg:$0x0]  }
0x2: {  	s0 =	srdreg.scid;
	s4 =	rddreg [dreg:$0x1]  }
0x3: {  	s9 =	stileid.u32;
	s5 =	rddreg [dreg:$0x2]  }
0x4: {  	s3 =	rddreg [dreg:$0x3];
	s8 =	simm.s32 $0x0;
	s14 =	simm.s32 $0x7D  }
0x5: {  	s15 =	simm.s32 $0x5000;
	s17 =	simm.s32 $0x6F40;
	s19 =	simm.s32 $0x8E80  }
0x6: {  	s21 =	simm.s32 $0xADC0;
	s23 =	simm.s32 $0xCD00;
	s28 =	simm.s32 $0x10B80  }
0x7: {  	s30 =	simm.s32 $0x12AC0;
	s31 =	simm.s32 $0x1;
	s13 =	simm.s32 $0x4  }
0x8: {  	s16 =	simm.s32 $0x5;
	s18 =	simm.s32 $0x6;
	s20 =	simm.s32 $0x7  }
0x9: {  	s22 =	simm.s32 $0x8;
	s29 =	simm.s32 $0xB;
	s0 =	sand.u32 $0x1, s0  }
0xa: {  	s6 =	smul.u32 $0xA000, s9;
	[smem:$0x7FF] =	sst s8;
	s10 =	sadd.s32 $0xC800, s4  }
0xb: {  	s8 =	simm.s32 $0xE;
	s2 =	sshll.u32 s0, $0x4;
	s7 =	smul.u32 $0xA0000, s0  }
0xc: {  	_ =	strace $0x8000004A;
	[dreg:$0x5] =	wrdreg s10;
	s0 =	ssub.s32 $0x2, s0  }
0xd: {  	s10 =	simm.s32 $0x10;
	s2 =	sor.u32 s9, s2;
	s25 =	sshrl.u32 s0, $0x1  }
0xe: {  	s9 =	sshll.u32 s9, $0x6;
	s2 =	smul.u32 $0x500, s2;
	s7 =	sadd.s32 s6, s7  }
0xf: {  	s0 =	ssub.s32 s0, s25;
	s6 =	sadd.s32 s6, s3;
	s11 =	sor.u32 $0x1C11, s9  }
0x10: {  	s25 =	simm.s32 $0xEC40;
	s9 =	simm.s32 $0xF;
	s7 =	sshrl.u32 s7, $0x3  }
0x11: {  	s0 =	smax.u32 s0, $0x1;
	s12 =	sshrl.u32 s6, $0x3;
	[dreg:$0x6] =	wrdreg s11  }
0x12: {  	s6 =	simm.s32 $0x0;
	s24 =	sadd.s32 s2, s4;
	[dreg:$0xa] =	wrdreg s0  }
0x13: {  	s4 =	sadd.s32 s7, s4;
	s2 =	sadd.s32 s5, s2;
	[dreg:$0xc] =	wrdreg s6  }
0x14: {  	s0 =	simm.s32 $0x3;
	s7 =	simm.s32 $0xD;
	[dreg:$0xb] =	wrdreg s12  }
0x15: {  	s26 =	sadd.s32 $0x2800, s24;
	[dreg:$0x8] =	wrdreg s2;
	s5 =	sadd.s32 $0xDC00, s4  }
0x16: {  	s2 =	simm.s32 $0x2;
	s24 =	simm.s32 $0x9;
	[dreg:$0x7] =	wrdreg s26  }
0x17: {  	[dreg:$0x9] =	wrdreg s5;
	s26 =	simm.s32 $0xA;
	s5 =	simm.s32 $0xC  }
.LBB2_1:
0x18: {  	s4 =	simm.s32 $0x11;
	s6 =	rddreg [dreg:$0x5]  }
0x19: {  	[spmem:s12], [sflag:s11] =	dma.local [hbm:s6], $0x1400  }
0x1a: {  	_ =	swait.ge [sflag:s4], $0x1400  }
0x1b: {  	[sflag:s4] =	ssyncset.done $0x0  }
0x1c: {  	s6 =	simm.s32 $0x0;
	s12 =	rddreg [dreg:$0x7];
	[sflag:s4] =	ssyncadd.s32 $0xFFFFEC00  }
0x1d: {  	[tilespmem:s6], [sflag:$0x11] =	stream.linear.gather [hbm4b:s12+s6], $0x2800, $0x38;
	[tilespmem:$0x1EA00] =	vst v63  }
0x1e: {  	_ =	swait.ge [sflag:s4], $0x2800  }
0x1f: {  	[sflag:s4] =	ssyncset.done $0x0  }
0x20: {  	s12 =	simm.s32 $0x2800;
	s11 =	rddreg [dreg:$0x8];
	[sflag:s4] =	ssyncadd.s32 $0xFFFFD800  }
0x21: {  	[tilespmem:s12], [sflag:$0x11] =	stream.linear.gather [hbm4b:s11+s6], $0x2800, $0x38;
	[tilespmem:$0x1EA00] =	vst v63  }
0x22: {  	_ =	swait.ge [sflag:s4], $0x2800  }
0x23: {  	[sflag:s4] =	ssyncset.done $0x0  }
0x24: {  	[sflag:s4] =	ssyncadd.s32 $0xFFFFD800  }
0x25: {  	[bflag:$0x0] =	sbarrier.arrive $0xFFFF  }
0x26: {  	[tilespmem:s15], [sflag:$0x1] =	stream.indirect.gather [hbm4b:s1+s14], $0x40, s6, s14, $0xb8;
	[tilespmem:$0x1EA00] =	vst v63  }
0x27: {  	s12 =	simm.s32 $0x80  }
0x28: {  	[tilespmem:s17], [sflag:$0x2] =	stream.indirect.gather [hbm4b:s1+s14], $0x40, s12, s14, $0xb8;
	[tilespmem:$0x1EA00] =	vst v63  }
0x29: {  	s6 =	simm.s32 $0x100  }
0x2a: {  	[tilespmem:s19], [sflag:$0x3] =	stream.indirect.gather [hbm4b:s1+s14], $0x40, s6, s14, $0xb8;
	[tilespmem:$0x1EA00] =	vst v63  }
0x2b: {  	s11 =	simm.s32 $0x180  }
0x2c: {  	[tilespmem:s21], [sflag:$0x4] =	stream.indirect.gather [hbm4b:s1+s14], $0x40, s11, s14, $0xb8;
	[tilespmem:$0x1EA00] =	vst v63  }
0x2d: {  	s12 =	simm.s32 $0x200  }
0x2e: {  	[tilespmem:s23], [sflag:$0x5] =	stream.indirect.gather [hbm4b:s1+s14], $0x40, s12, s14, $0xb8;
	[tilespmem:$0x1EA00] =	vst v63  }
0x2f: {  	s6 =	simm.s32 $0x280  }
0x30: {  	[tilespmem:s25], [sflag:$0x6] =	stream.indirect.gather [hbm4b:s1+s14], $0x40, s6, s14, $0xb8;
	[tilespmem:$0x1EA00] =	vst v63  }
0x31: {  	s11 =	simm.s32 $0x300  }
0x32: {  	[tilespmem:s28], [sflag:$0x7] =	stream.indirect.gather [hbm4b:s1+s14], $0x40, s11, s14, $0xb8;
	[tilespmem:$0x1EA00] =	vst v63  }
0x33: {  	s12 =	simm.s32 $0x380  }
0x34: {  	[tilespmem:s30], [sflag:$0x8] =	stream.indirect.gather [hbm4b:s1+s14], $0x40, s12, s14, $0xb8;
	[tilespmem:$0x1EA00] =	vst v63  }
0x35: {  	_ =	swait.ge [sflag:s31], $0x1F40  }
0x36: {  	[sflag:s31] =	ssyncset.done $0x0  }
0x37: {  	s4 =	simm.s32 $0x2800;
	[sflag:s31] =	ssyncadd.s32 $0xFFFFE0C0  }
0x38: {  	[spmem:s3] =	stream.indirect.scatter.add.f32 [tilespmem:s15], [sflag:$0x9], $0x40, s4, s14, $0xb8;
	[tilespmem:$0x1EA00] =	vst v63  }
0x39: {  	_ =	swait.ge [sflag:s2], $0x1F40  }
0x3a: {  	[sflag:s2] =	ssyncset.done $0x0  }
0x3b: {  	s11 =	simm.s32 $0x2880;
	[sflag:s2] =	ssyncadd.s32 $0xFFFFE0C0  }
0x3c: {  	[spmem:s3] =	stream.indirect.scatter.add.f32 [tilespmem:s17], [sflag:$0xA], $0x40, s11, s14, $0xb8;
	[tilespmem:$0x1EA00] =	vst v63  }
0x3d: {  	_ =	swait.ge [sflag:s0], $0x1F40  }
0x3e: {  	[sflag:s0] =	ssyncset.done $0x0  }
0x3f: {  	s12 =	simm.s32 $0x2900;
	[sflag:s0] =	ssyncadd.s32 $0xFFFFE0C0  }
0x40: {  	[spmem:s3] =	stream.indirect.scatter.add.f32 [tilespmem:s19], [sflag:$0xB], $0x40, s12, s14, $0xb8;
	[tilespmem:$0x1EA00] =	vst v63  }
0x41: {  	_ =	swait.ge [sflag:s13], $0x1F40  }
0x42: {  	[sflag:s13] =	ssyncset.done $0x0  }
0x43: {  	s4 =	simm.s32 $0x2980;
	[sflag:s13] =	ssyncadd.s32 $0xFFFFE0C0  }
0x44: {  	[spmem:s3] =	stream.indirect.scatter.add.f32 [tilespmem:s21], [sflag:$0xC], $0x40, s4, s14, $0xb8;
	[tilespmem:$0x1EA00] =	vst v63  }
0x45: {  	_ =	swait.ge [sflag:s16], $0x1F40  }
0x46: {  	[sflag:s16] =	ssyncset.done $0x0  }
0x47: {  	s11 =	simm.s32 $0x2A00;
	[sflag:s16] =	ssyncadd.s32 $0xFFFFE0C0  }
0x48: {  	[spmem:s3] =	stream.indirect.scatter.add.f32 [tilespmem:s23], [sflag:$0xD], $0x40, s11, s14, $0xb8;
	[tilespmem:$0x1EA00] =	vst v63  }
0x49: {  	_ =	swait.ge [sflag:s18], $0x1F40  }
0x4a: {  	[sflag:s18] =	ssyncset.done $0x0  }
0x4b: {  	s12 =	simm.s32 $0x2A80;
	[sflag:s18] =	ssyncadd.s32 $0xFFFFE0C0  }
0x4c: {  	[spmem:s3] =	stream.indirect.scatter.add.f32 [tilespmem:s25], [sflag:$0xE], $0x40, s12, s14, $0xb8;
	[tilespmem:$0x1EA00] =	vst v63  }
0x4d: {  	_ =	swait.ge [sflag:s20], $0x1F40  }
0x4e: {  	[sflag:s20] =	ssyncset.done $0x0  }
0x4f: {  	s4 =	simm.s32 $0x2B00;
	[sflag:s20] =	ssyncadd.s32 $0xFFFFE0C0  }
0x50: {  	[spmem:s3] =	stream.indirect.scatter.add.f32 [tilespmem:s28], [sflag:$0xF], $0x40, s4, s14, $0xb8;
	[tilespmem:$0x1EA00] =	vst v63  }
0x51: {  	_ =	swait.ge [sflag:s22], $0x1F40  }
0x52: {  	[sflag:s22] =	ssyncset.done $0x0  }
0x53: {  	s11 =	simm.s32 $0x2B80;
	[sflag:s22] =	ssyncadd.s32 $0xFFFFE0C0  }
0x54: {  	[spmem:s3] =	stream.indirect.scatter.add.f32 [tilespmem:s30], [sflag:$0x10], $0x40, s11, s14, $0xb8;
	[tilespmem:$0x1EA00] =	vst v63  }
0x55: {  	_ =	swait.ge [sflag:s24], $0x1F40  }
0x56: {  	[sflag:s24] =	ssyncset.done $0x0  }
0x57: {  	s12 =	simm.s32 $0x400;
	[sflag:s24] =	ssyncadd.s32 $0xFFFFE0C0  }
0x58: {  	[tilespmem:s15], [sflag:$0x1] =	stream.indirect.gather [hbm4b:s1+s14], $0x40, s12, s14, $0xb8;
	[tilespmem:$0x1EA00] =	vst v63  }
0x59: {  	_ =	swait.ge [sflag:s26], $0x1F40  }
0x5a: {  	[sflag:s26] =	ssyncset.done $0x0  }
0x5b: {  	s4 =	simm.s32 $0x480;
	[sflag:s26] =	ssyncadd.s32 $0xFFFFE0C0  }
0x5c: {  	[tilespmem:s17], [sflag:$0x2] =	stream.indirect.gather [hbm4b:s1+s14], $0x40, s4, s14, $0xb8;
	[tilespmem:$0x1EA00] =	vst v63  }
0x5d: {  	_ =	swait.ge [sflag:s29], $0x1F40  }
0x5e: {  	[sflag:s29] =	ssyncset.done $0x0  }
0x5f: {  	s11 =	simm.s32 $0x500;
	[sflag:s29] =	ssyncadd.s32 $0xFFFFE0C0  }
0x60: {  	[tilespmem:s19], [sflag:$0x3] =	stream.indirect.gather [hbm4b:s1+s14], $0x40, s11, s14, $0xb8;
	[tilespmem:$0x1EA00] =	vst v63  }
0x61: {  	_ =	swait.ge [sflag:s5], $0x1F40  }
0x62: {  	[sflag:s5] =	ssyncset.done $0x0  }
0x63: {  	s12 =	simm.s32 $0x580;
	[sflag:s5] =	ssyncadd.s32 $0xFFFFE0C0  }
0x64: {  	[tilespmem:s21], [sflag:$0x4] =	stream.indirect.gather [hbm4b:s1+s14], $0x40, s12, s14, $0xb8;
	[tilespmem:$0x1EA00] =	vst v63  }
0x65: {  	_ =	swait.ge [sflag:s7], $0x1F40  }
0x66: {  	[sflag:s7] =	ssyncset.done $0x0  }
0x67: {  	s4 =	simm.s32 $0x600;
	[sflag:s7] =	ssyncadd.s32 $0xFFFFE0C0  }
0x68: {  	[tilespmem:s23], [sflag:$0x5] =	stream.indirect.gather [hbm4b:s1+s14], $0x40, s4, s14, $0xb8;
	[tilespmem:$0x1EA00] =	vst v63  }
0x69: {  	_ =	swait.ge [sflag:s8], $0x1F40  }
0x6a: {  	[sflag:s8] =	ssyncset.done $0x0  }
0x6b: {  	s11 =	simm.s32 $0x680;
	[sflag:s8] =	ssyncadd.s32 $0xFFFFE0C0  }
0x6c: {  	[tilespmem:s25], [sflag:$0x6] =	stream.indirect.gather [hbm4b:s1+s14], $0x40, s11, s14, $0xb8;
	[tilespmem:$0x1EA00] =	vst v63  }
0x6d: {  	_ =	swait.ge [sflag:s9], $0x1F40  }
0x6e: {  	[sflag:s9] =	ssyncset.done $0x0  }
0x6f: {  	s12 =	simm.s32 $0x700;
	[sflag:s9] =	ssyncadd.s32 $0xFFFFE0C0  }
0x70: {  	[tilespmem:s28], [sflag:$0x7] =	stream.indirect.gather [hbm4b:s1+s14], $0x40, s12, s14, $0xb8;
	[tilespmem:$0x1EA00] =	vst v63  }
0x71: {  	_ =	swait.ge [sflag:s10], $0x1F40  }
0x72: {  	[sflag:s10] =	ssyncset.done $0x0  }
0x73: {  	s6 =	simm.s32 $0x1000;
	s11 =	simm.s32 $0x780;
	[sflag:s10] =	ssyncadd.s32 $0xFFFFE0C0  }
.LBB2_2:
0x74: {  	[tilespmem:s30], [sflag:$0x8] =	stream.indirect.gather [hbm4b:s1+s14], $0x40, s11, s14, $0xb8;
	[tilespmem:$0x1EA00] =	vst v63  }
0x75: {  	s11 =	smov.u32 s6  }
0x76: {  	p0 =	sne.s32 s6, $0x8000;
	s6 =	sadd.s32 $0x1000, s6;
	_ =	swait.ge [sflag:s31], $0x1F40  }
0x77: {  	s11 =	sshra.s32 s11, $0x2;
	[sflag:s31] =	ssyncset.done $0x0  }
0x78: {  	s12 =	sadd.s32 $0x2800, s11;
	[sflag:s31] =	ssyncadd.s32 $0xFFFFE0C0  }
0x79: {  	[spmem:s3] =	stream.indirect.scatter.add.f32 [tilespmem:s15], [sflag:$0x9], $0x40, s12, s14, $0xb8;
	[tilespmem:$0x1EA00] =	vst v63  }
0x7a: {  	_ =	swait.ge [sflag:s2], $0x1F40  }
0x7b: {  	[sflag:s2] =	ssyncset.done $0x0  }
0x7c: {  	s12 =	sadd.s32 $0x2880, s11;
	[sflag:s2] =	ssyncadd.s32 $0xFFFFE0C0  }
0x7d: {  	[spmem:s3] =	stream.indirect.scatter.add.f32 [tilespmem:s17], [sflag:$0xA], $0x40, s12, s14, $0xb8;
	[tilespmem:$0x1EA00] =	vst v63  }
0x7e: {  	_ =	swait.ge [sflag:s0], $0x1F40  }
0x7f: {  	[sflag:s0] =	ssyncset.done $0x0  }
0x80: {  	s12 =	sadd.s32 $0x2900, s11;
	[sflag:s0] =	ssyncadd.s32 $0xFFFFE0C0  }
0x81: {  	[spmem:s3] =	stream.indirect.scatter.add.f32 [tilespmem:s19], [sflag:$0xB], $0x40, s12, s14, $0xb8;
	[tilespmem:$0x1EA00] =	vst v63  }
0x82: {  	_ =	swait.ge [sflag:s13], $0x1F40  }
0x83: {  	[sflag:s13] =	ssyncset.done $0x0  }
0x84: {  	s12 =	sadd.s32 $0x2980, s11;
	[sflag:s13] =	ssyncadd.s32 $0xFFFFE0C0  }
0x85: {  	[spmem:s3] =	stream.indirect.scatter.add.f32 [tilespmem:s21], [sflag:$0xC], $0x40, s12, s14, $0xb8;
	[tilespmem:$0x1EA00] =	vst v63  }
0x86: {  	_ =	swait.ge [sflag:s16], $0x1F40  }
0x87: {  	[sflag:s16] =	ssyncset.done $0x0  }
0x88: {  	s12 =	sadd.s32 $0x2A00, s11;
	[sflag:s16] =	ssyncadd.s32 $0xFFFFE0C0  }
0x89: {  	[spmem:s3] =	stream.indirect.scatter.add.f32 [tilespmem:s23], [sflag:$0xD], $0x40, s12, s14, $0xb8;
	[tilespmem:$0x1EA00] =	vst v63  }
0x8a: {  	_ =	swait.ge [sflag:s18], $0x1F40  }
0x8b: {  	[sflag:s18] =	ssyncset.done $0x0  }
0x8c: {  	s12 =	sadd.s32 $0x2A80, s11;
	[sflag:s18] =	ssyncadd.s32 $0xFFFFE0C0  }
0x8d: {  	[spmem:s3] =	stream.indirect.scatter.add.f32 [tilespmem:s25], [sflag:$0xE], $0x40, s12, s14, $0xb8;
	[tilespmem:$0x1EA00] =	vst v63  }
0x8e: {  	_ =	swait.ge [sflag:s20], $0x1F40  }
0x8f: {  	[sflag:s20] =	ssyncset.done $0x0  }
0x90: {  	s12 =	sadd.s32 $0x2B00, s11;
	[sflag:s20] =	ssyncadd.s32 $0xFFFFE0C0  }
0x91: {  	[spmem:s3] =	stream.indirect.scatter.add.f32 [tilespmem:s28], [sflag:$0xF], $0x40, s12, s14, $0xb8;
	[tilespmem:$0x1EA00] =	vst v63  }
0x92: {  	_ =	swait.ge [sflag:s22], $0x1F40  }
0x93: {  	[sflag:s22] =	ssyncset.done $0x0  }
0x94: {  	s12 =	sadd.s32 $0x2B80, s11;
	[sflag:s22] =	ssyncadd.s32 $0xFFFFE0C0  }
0x95: {  	[spmem:s3] =	stream.indirect.scatter.add.f32 [tilespmem:s30], [sflag:$0x10], $0x40, s12, s14, $0xb8;
	[tilespmem:$0x1EA00] =	vst v63  }
0x96: {  	_ =	swait.ge [sflag:s24], $0x1F40  }
0x97: {  	[sflag:s24] =	ssyncset.done $0x0  }
0x98: {  	s12 =	sadd.s32 $0x400, s11;
	[sflag:s24] =	ssyncadd.s32 $0xFFFFE0C0  }
0x99: {  	[tilespmem:s15], [sflag:$0x1] =	stream.indirect.gather [hbm4b:s1+s14], $0x40, s12, s14, $0xb8;
	[tilespmem:$0x1EA00] =	vst v63  }
0x9a: {  	_ =	swait.ge [sflag:s26], $0x1F40  }
0x9b: {  	[sflag:s26] =	ssyncset.done $0x0  }
0x9c: {  	s12 =	sadd.s32 $0x480, s11;
	[sflag:s26] =	ssyncadd.s32 $0xFFFFE0C0  }
0x9d: {  	[tilespmem:s17], [sflag:$0x2] =	stream.indirect.gather [hbm4b:s1+s14], $0x40, s12, s14, $0xb8;
	[tilespmem:$0x1EA00] =	vst v63  }
0x9e: {  	_ =	swait.ge [sflag:s29], $0x1F40  }
0x9f: {  	[sflag:s29] =	ssyncset.done $0x0  }
0xa0: {  	s12 =	sadd.s32 $0x500, s11;
	[sflag:s29] =	ssyncadd.s32 $0xFFFFE0C0  }
0xa1: {  	[tilespmem:s19], [sflag:$0x3] =	stream.indirect.gather [hbm4b:s1+s14], $0x40, s12, s14, $0xb8;
	[tilespmem:$0x1EA00] =	vst v63  }
0xa2: {  	_ =	swait.ge [sflag:s5], $0x1F40  }
0xa3: {  	[sflag:s5] =	ssyncset.done $0x0  }
0xa4: {  	s12 =	sadd.s32 $0x580, s11;
	[sflag:s5] =	ssyncadd.s32 $0xFFFFE0C0  }
0xa5: {  	[tilespmem:s21], [sflag:$0x4] =	stream.indirect.gather [hbm4b:s1+s14], $0x40, s12, s14, $0xb8;
	[tilespmem:$0x1EA00] =	vst v63  }
0xa6: {  	_ =	swait.ge [sflag:s7], $0x1F40  }
0xa7: {  	[sflag:s7] =	ssyncset.done $0x0  }
0xa8: {  	s12 =	sadd.s32 $0x600, s11;
	[sflag:s7] =	ssyncadd.s32 $0xFFFFE0C0  }
0xa9: {  	[tilespmem:s23], [sflag:$0x5] =	stream.indirect.gather [hbm4b:s1+s14], $0x40, s12, s14, $0xb8;
	[tilespmem:$0x1EA00] =	vst v63  }
0xaa: {  	_ =	swait.ge [sflag:s8], $0x1F40  }
0xab: {  	[sflag:s8] =	ssyncset.done $0x0  }
0xac: {  	s12 =	sadd.s32 $0x680, s11;
	[sflag:s8] =	ssyncadd.s32 $0xFFFFE0C0  }
0xad: {  	[tilespmem:s25], [sflag:$0x6] =	stream.indirect.gather [hbm4b:s1+s14], $0x40, s12, s14, $0xb8;
	[tilespmem:$0x1EA00] =	vst v63  }
0xae: {  	_ =	swait.ge [sflag:s9], $0x1F40  }
0xaf: {  	[sflag:s9] =	ssyncset.done $0x0  }
.Ltmp0:
0xb0: {  	s12 =	sadd.s32 $0x700, s11;
	[sflag:s9] =	ssyncadd.s32 $0xFFFFE0C0;
	(pc) =	sbr.rel @p0 .LBB2_2-.Ltmp0, $4  }
0xb1: {  	[tilespmem:s28], [sflag:$0x7] =	stream.indirect.gather [hbm4b:s1+s14], $0x40, s12, s14, $0xb8;
	[tilespmem:$0x1EA00] =	vst v63  }
0xb2: {  	_ =	swait.ge [sflag:s10], $0x1F40  }
0xb3: {  	[sflag:s10] =	ssyncset.done $0x0  }
0xb4: {  	s11 =	sadd.s32 $0x780, s11;
	[sflag:s10] =	ssyncadd.s32 $0xFFFFE0C0  }
0xb5: {  	[tilespmem:s30], [sflag:$0x8] =	stream.indirect.gather [hbm4b:s1+s14], $0x40, s11, s14, $0xb8;
	[tilespmem:$0x1EA00] =	vst v63  }
0xb6: {  	_ =	swait.ge [sflag:s31], $0x1F40  }
0xb7: {  	[sflag:s31] =	ssyncset.done $0x0  }
0xb8: {  	s4 =	simm.s32 $0x4C00;
	[sflag:s31] =	ssyncadd.s32 $0xFFFFE0C0  }
0xb9: {  	[spmem:s3] =	stream.indirect.scatter.add.f32 [tilespmem:s15], [sflag:$0x9], $0x40, s4, s14, $0xb8;
	[tilespmem:$0x1EA00] =	vst v63  }
0xba: {  	_ =	swait.ge [sflag:s2], $0x1F40  }
0xbb: {  	[sflag:s2] =	ssyncset.done $0x0  }
0xbc: {  	s12 =	simm.s32 $0x4C80;
	[sflag:s2] =	ssyncadd.s32 $0xFFFFE0C0  }
0xbd: {  	[spmem:s3] =	stream.indirect.scatter.add.f32 [tilespmem:s17], [sflag:$0xA], $0x40, s12, s14, $0xb8;
	[tilespmem:$0x1EA00] =	vst v63  }
0xbe: {  	_ =	swait.ge [sflag:s0], $0x1F40  }
0xbf: {  	[sflag:s0] =	ssyncset.done $0x0  }
0xc0: {  	s6 =	simm.s32 $0x4D00;
	[sflag:s0] =	ssyncadd.s32 $0xFFFFE0C0  }
0xc1: {  	[spmem:s3] =	stream.indirect.scatter.add.f32 [tilespmem:s19], [sflag:$0xB], $0x40, s6, s14, $0xb8;
	[tilespmem:$0x1EA00] =	vst v63  }
0xc2: {  	_ =	swait.ge [sflag:s13], $0x1F40  }
0xc3: {  	[sflag:s13] =	ssyncset.done $0x0  }
0xc4: {  	s11 =	simm.s32 $0x4D80;
	[sflag:s13] =	ssyncadd.s32 $0xFFFFE0C0  }
0xc5: {  	[spmem:s3] =	stream.indirect.scatter.add.f32 [tilespmem:s21], [sflag:$0xC], $0x40, s11, s14, $0xb8;
	[tilespmem:$0x1EA00] =	vst v63  }
0xc6: {  	_ =	swait.ge [sflag:s16], $0x1F40  }
0xc7: {  	[sflag:s16] =	ssyncset.done $0x0  }
0xc8: {  	s12 =	simm.s32 $0x4E00;
	[sflag:s16] =	ssyncadd.s32 $0xFFFFE0C0  }
0xc9: {  	[spmem:s3] =	stream.indirect.scatter.add.f32 [tilespmem:s23], [sflag:$0xD], $0x40, s12, s14, $0xb8;
	[tilespmem:$0x1EA00] =	vst v63  }
0xca: {  	_ =	swait.ge [sflag:s18], $0x1F40  }
0xcb: {  	[sflag:s18] =	ssyncset.done $0x0  }
0xcc: {  	s6 =	simm.s32 $0x4E80;
	[sflag:s18] =	ssyncadd.s32 $0xFFFFE0C0  }
0xcd: {  	[spmem:s3] =	stream.indirect.scatter.add.f32 [tilespmem:s25], [sflag:$0xE], $0x40, s6, s14, $0xb8;
	[tilespmem:$0x1EA00] =	vst v63  }
0xce: {  	_ =	swait.ge [sflag:s20], $0x1F40  }
0xcf: {  	[sflag:s20] =	ssyncset.done $0x0  }
0xd0: {  	s11 =	simm.s32 $0x4F00;
	[sflag:s20] =	ssyncadd.s32 $0xFFFFE0C0  }
0xd1: {  	[spmem:s3] =	stream.indirect.scatter.add.f32 [tilespmem:s28], [sflag:$0xF], $0x40, s11, s14, $0xb8;
	[tilespmem:$0x1EA00] =	vst v63  }
0xd2: {  	_ =	swait.ge [sflag:s22], $0x1F40  }
0xd3: {  	[sflag:s22] =	ssyncset.done $0x0  }
0xd4: {  	s12 =	simm.s32 $0x4F80;
	[sflag:s22] =	ssyncadd.s32 $0xFFFFE0C0  }
0xd5: {  	[spmem:s3] =	stream.indirect.scatter.add.f32 [tilespmem:s30], [sflag:$0x10], $0x40, s12, s14, $0xb8;
	[tilespmem:$0x1EA00] =	vst v63  }
0xd6: {  	_ =	swait.ge [sflag:s24], $0x1F40  }
0xd7: {  	[sflag:s24] =	ssyncset.done $0x0  }
0xd8: {  	[sflag:s24] =	ssyncadd.s32 $0xFFFFE0C0  }
0xd9: {  	_ =	swait.ge [sflag:s26], $0x1F40  }
0xda: {  	[sflag:s26] =	ssyncset.done $0x0  }
0xdb: {  	[sflag:s26] =	ssyncadd.s32 $0xFFFFE0C0  }
0xdc: {  	_ =	swait.ge [sflag:s29], $0x1F40  }
0xdd: {  	[sflag:s29] =	ssyncset.done $0x0  }
0xde: {  	[sflag:s29] =	ssyncadd.s32 $0xFFFFE0C0  }
0xdf: {  	_ =	swait.ge [sflag:s5], $0x1F40  }
0xe0: {  	[sflag:s5] =	ssyncset.done $0x0  }
0xe1: {  	[sflag:s5] =	ssyncadd.s32 $0xFFFFE0C0  }
0xe2: {  	_ =	swait.ge [sflag:s7], $0x1F40  }
0xe3: {  	[sflag:s7] =	ssyncset.done $0x0  }
0xe4: {  	[sflag:s7] =	ssyncadd.s32 $0xFFFFE0C0  }
0xe5: {  	_ =	swait.ge [sflag:s8], $0x1F40  }
0xe6: {  	[sflag:s8] =	ssyncset.done $0x0  }
0xe7: {  	[sflag:s8] =	ssyncadd.s32 $0xFFFFE0C0  }
0xe8: {  	_ =	swait.ge [sflag:s9], $0x1F40  }
0xe9: {  	[sflag:s9] =	ssyncset.done $0x0  }
0xea: {  	[sflag:s9] =	ssyncadd.s32 $0xFFFFE0C0  }
0xeb: {  	_ =	swait.ge [sflag:s10], $0x1F40  }
0xec: {  	[sflag:s10] =	ssyncset.done $0x0  }
0xed: {  	[sflag:s10] =	ssyncadd.s32 $0xFFFFE0C0  }
0xee: {  	[bflag:$0x0] =	sbarrier.arrive $0xFFFF  }
0xef: {  	s11 =	rddreg [dreg:$0x6]  }
0xf0: {  	s6 =	rddreg [dreg:$0x9]  }
0xf1: {  	s12 =	rddreg [dreg:$0xb]  }
0xf2: {  	[hbm:s6], [sflag:s11] =	dma.local [spmem:s12], $0x1400  }
0xf3: {  	s6 =	simm.s32 $0x11  }
0xf4: {  	_ =	swait.ge [sflag:s6], $0x1400  }
0xf5: {  	s4 =	rddreg [dreg:$0xc]  }
0xf6: {  	[sflag:s6] =	ssyncset.done $0x0;
	s6 =	rddreg [dreg:$0xa];
	s4 =	sadd.s32 $0x1, s4  }
0xf7: {  	p0 =	sne.s32 s4, s6  }
.Ltmp1:
0xf8: {  	_ = 	snop;
	(pc) =	sbr.rel @p0 .LBB2_1-.Ltmp1, $3  }
0xf9: {  	_ =	sdelay $0x1  }
0xfa: {  	s6 =	simm.s32 $0x11  }
0xfb: {  	[dreg:$0xc] =	wrdreg s4;
	[sflag:s6] =	ssyncadd.s32 $0xFFFFEC00  }
0xfc: {  	_ =	sfence.sel $0x180000  }
0xfd: {  	[bflag:$0x0] =	sbarrier.arrive $0xFFFF  }
0xfe: {  	_ =	strace $0x9000004A  }
0xff: {  	s0 =	stileid.u32;
	[bflag:$0x2] =	sbarrier.arrive $0xFFFF  }
0x100: {  	p0 =	sne.s32 s0, $0x0;
	s0 =	rddreg [dreg:$0x4]  }
0x101: {  	s0 =	sadd.s32 @!p0 $0x100000, s0  }
0x102: {  	[sflag:s0] =	ssyncadd.tile.s32 @!p0 $0x1;
	_ =	shalt  }
.Lfunc_end2:
_tile_overlayer_lowered:
.L_overlay_start_2:
0x103: {  	(tag) =	ssettag $0x2  }
0x104: {  	s0 =	rddreg [dreg:$0x0];
	s2 =	stileid.u32  }
0x105: {  	s1 =	rddreg [dreg:$0x1];
	p0 =	sne.s32 s2, $0x0  }
0x106: {  	s3 =	rddreg [dreg:$0x2];
	[bflag:$0x3] =	sbarrier.arrive $0xFFFF;
	s2 =	simm.s32 @!p0 $0x1C11  }
0x107: {  	[timem:s3], [sflag:s2] =	dma.local @!p0 [hbm:s0], s1  }
0x108: {  	s0 =	simm.s32 @!p0 $0x11  }
0x109: {  	_ =	swait.ge @!p0 [sflag:s0], s1  }
0x10a: {  	s1 =	ssub.s32 @!p0 $0x0, s1;
	[sflag:s0] =	ssyncset.done @!p0 $0x0  }
0x10b: {  	[sflag:s0] =	ssyncadd.s32 @!p0 s1  }
0x10c: {  	[bflag:$0x3] =	sbarrier.arrive $0xFFFF  }
0x10d: {  	_ =	shalt  }

// kernel: kernel.15.cloned.1.call-start
scs
__scs_entry_jumppad:
0x0: {  	(pc) =	sbr.rel $0x88, $3  }
0x1: {  	(tag) =	ssettag $0x0;
	lr =	simm.s32 $0x1  }
0x2: {  	[smem:$0x3F9A] =	sst lr;
	_ =	strace $0xD0000000  }
0x3: {  	_ = 	snop  }
0x4: {  	_ = 	snop  }
0x5: {  	_ = 	snop  }
0x6: {  	_ = 	snop  }
0x7: {  	_ = 	snop  }
__scs_overlays_trampoline_lowered:
0x8: {  	[smem:$0x3FA9] =	sst s0  }
0x9: {  	[smem:$0x3FAA] =	sst s1  }
0xa: {  	[smem:$0x3FAB] =	sst s2  }
0xb: {  	[smem:$0x3FAC] =	sst s3  }
0xc: {  	[smem:$0x3FAD] =	sst s4  }
0xd: {  	[smem:$0x3FAE] =	sst s5  }
0xe: {  	[smem:$0x3FAF] =	sst s6  }
0xf: {  	[smem:$0x3FB0] =	sst s7  }
0x10: {  	[smem:$0x3FB1] =	sst s8  }
0x11: {  	[smem:$0x3FB2] =	sst s9;
	s0 =	simm.s32 @!p0 $0x0  }
0x12: {  	s1 =	sld [smem:$0x3F98];
	s0 =	simm.s32 @p0 $0x1  }
0x13: {  	[smem:$0x3FB3] =	sst s0;
	s0 =	simm.s32 @!p1 $0x0  }
0x14: {  	s2 =	sld [smem:$0x3F97];
	s0 =	simm.s32 @p1 $0x1  }
0x15: {  	[smem:$0x3FB4] =	sst s0;
	s0 =	simm.s32 @!p2 $0x0  }
0x16: {  	s3 =	sld [smem:$0x3FDB];
	s0 =	simm.s32 @p2 $0x1  }
0x17: {  	s4 =	simm.s32 $0x1BF5;
	[smem:$0x3FB6] =	sst s0  }
0x18: {  	s0 =	sld [smem:$0x3F99];
	_ =	swait.ge [sflag:s4], $0x0  }
0x19: {  	s7 =	sld [smem:$0x3F9A]  }
0x1a: {  	s8 =	sadd.s32 $0xFFFFE003, lr  }
0x1b: {  	s9 =	sadd.s32 $0xFFFFFEF7, lr;
	s5 =	simm.s32 $0xFFFFFFFF;
	p2 =	slt.u32 s8, $0xFFFFF086  }
0x1c: {  	p1 =	slt.u32 s9, $0xF7A;
	s5 =	simm.s32 @!p2 $0x0  }
0x1d: {  	s5 =	simm.s32 @p1 $0x1;
	p0 =	seq.s32 s7, s2  }
0x1e: {  	s7 =	smul.u32 @!p0 $0xF7A, s2;
	p2 =	seq.s32 @!p0 s5, $0x0  }
0x1f: {  	s9 =	smul.u32 $0xF7A, s1;
	s8 =	simm.s32 @!p0 $0x1BF5;
	p2 =	por !p2, p0  }
0x20: {  	[sflag:s8] =	ssyncset.s32 @!p0 $0xFFFFF086;
	s6 =	sadd.s32 @!p0 s3, s7;
	s7 =	simm.s32 @!p0 $0x108  }
0x21: {  	s3 =	sadd.s32 s3, s9;
	s6 =	sadd.s32 @!p0 $0x88, s6;
	s7 =	simm.s32 @p2 $0x1082  }
0x22: {  	[simem:s7], [sflag:s8] =	dma.local @!p0 [hbm:s6], $0xF7A  }
0x23: {  	s9 =	sor.u32 $0xD0000000, s2;
	s6 =	simm.s32 $0x108;
	_ =	swait.ge @!p0 [sflag:s8], $0x0  }
0x24: {  	s3 =	sadd.s32 $0x88, s3;
	s6 =	simm.s32 @!p1 $0x1082;
	[sflag:s4] =	ssyncset.s32 $0xFFFFF086  }
0x25: {  	[simem:s6], [sflag:s4] =	dma.local [hbm:s3], $0xF7A  }
0x26: {  	[smem:$0x3F9A] =	sst s1;
	(tag) =	ssettag s2;
	_ =	strace s9  }
0x27: {  	s1 =	sld [smem:$0x3FAA]  }
0x28: {  	s2 =	sld [smem:$0x3FAB]  }
0x29: {  	s4 =	sld [smem:$0x3FAD]  }
0x2a: {  	p0 =	seq.s32 s5, $0x0;
	s5 =	sld [smem:$0x3FAE]  }
0x2b: {  	s6 =	sld [smem:$0x3FAF]  }
0x2c: {  	s7 =	sld [smem:$0x3FB0]  }
0x2d: {  	s3 =	simm.s32 $0x108;
	s8 =	sld [smem:$0x3FB1]  }
0x2e: {  	s3 =	simm.s32 @!p0 $0x1082;
	s9 =	sld [smem:$0x3FB2]  }
0x2f: {  	lr =	sadd.s32 s0, s3;
	s0 =	sld [smem:$0x3FA9]  }
0x30: {  	s3 =	sld [smem:$0x3FAC]  }
0x31: {  	[smem:$0x3FB5] =	sst s10  }
0x32: {  	s10 =	sld [smem:$0x3FB3];
	_ =	sdelay $0x3  }
0x33: {  	p0 =	seq.s32 s10, $0x1;
	s10 =	sld [smem:$0x3FB5];
	_ =	sdelay $0x3  }
0x34: {  	[smem:$0x3FB5] =	sst s10  }
0x35: {  	s10 =	sld [smem:$0x3FB4];
	_ =	sdelay $0x3  }
0x36: {  	p1 =	seq.s32 s10, $0x1;
	s10 =	sld [smem:$0x3FB5];
	_ =	sdelay $0x3  }
0x37: {  	[smem:$0x3FB5] =	sst s10  }
0x38: {  	s10 =	sld [smem:$0x3FB6]  }
0x39: {  	_ = 	snop;
	(pc) =	sbr.ind lr, $3  }
0x3a: {  	_ = 	snop  }
0x3b: {  	_ = 	snop  }
0x3c: {  	p2 =	seq.s32 s10, $0x1;
	s10 =	sld [smem:$0x3FB5]  }
0x3d: {  	_ =	shalt  }
0x3e: {  	_ =	shalt  }
0x3f: {  	_ =	shalt  }
0x40: {  	_ =	shalt  }
0x41: {  	_ =	shalt  }
0x42: {  	_ =	shalt  }
0x43: {  	_ =	shalt  }
0x44: {  	_ =	shalt  }
0x45: {  	_ =	shalt  }
0x46: {  	_ =	shalt  }
0x47: {  	_ =	shalt  }
0x48: {  	_ =	shalt  }
0x49: {  	_ =	shalt  }
0x4a: {  	_ =	shalt  }
0x4b: {  	_ =	shalt  }
0x4c: {  	_ =	shalt  }
0x4d: {  	_ =	shalt  }
0x4e: {  	_ =	shalt  }
0x4f: {  	_ =	shalt  }
0x50: {  	_ =	shalt  }
0x51: {  	_ =	shalt  }
0x52: {  	_ =	shalt  }
0x53: {  	_ =	shalt  }
0x54: {  	_ =	shalt  }
0x55: {  	_ =	shalt  }
0x56: {  	_ =	shalt  }
0x57: {  	_ =	shalt  }
0x58: {  	_ =	shalt  }
0x59: {  	_ =	shalt  }
0x5a: {  	_ =	shalt  }
0x5b: {  	_ =	shalt  }
0x5c: {  	_ =	shalt  }
0x5d: {  	_ =	shalt  }
0x5e: {  	_ =	shalt  }
0x5f: {  	_ =	shalt  }
0x60: {  	_ =	shalt  }
0x61: {  	_ =	shalt  }
0x62: {  	_ =	shalt  }
0x63: {  	_ =	shalt  }
0x64: {  	_ =	shalt  }
0x65: {  	_ =	shalt  }
0x66: {  	_ =	shalt  }
0x67: {  	_ =	shalt  }
0x68: {  	_ =	shalt  }
0x69: {  	_ =	shalt  }
0x6a: {  	_ =	shalt  }
0x6b: {  	_ =	shalt  }
0x6c: {  	_ =	shalt  }
0x6d: {  	_ =	shalt  }
0x6e: {  	_ =	shalt  }
0x6f: {  	_ =	shalt  }
0x70: {  	_ =	shalt  }
0x71: {  	_ =	shalt  }
0x72: {  	_ =	shalt  }
0x73: {  	_ =	shalt  }
0x74: {  	_ =	shalt  }
0x75: {  	_ =	shalt  }
0x76: {  	_ =	shalt  }
0x77: {  	_ =	shalt  }
0x78: {  	_ =	shalt  }
0x79: {  	_ =	shalt  }
0x7a: {  	_ =	shalt  }
0x7b: {  	_ =	shalt  }
0x7c: {  	_ =	shalt  }
0x7d: {  	_ =	shalt  }
0x7e: {  	_ =	shalt  }
0x7f: {  	_ =	shalt  }
0x80: {  	_ =	shalt  }
0x81: {  	_ =	shalt  }
0x82: {  	_ =	shalt  }
0x83: {  	_ =	shalt  }
0x84: {  	_ =	shalt  }
0x85: {  	_ =	shalt  }
0x86: {  	_ =	shalt  }
0x87: {  	_ =	shalt  }
.Lfunc_end0:
.L_simem_size_0:
called_computation.2_lowered:
.L_overlay_start_0:
0x88: {  	s2 =	sld [smem:$0x3FD9]  }
0x89: {  	s3 =	sld [smem:$0x3FFE];
	_ =	sdelay $0x1  }
0x8a: {  	s1 =	srdreg.scid  }
0x8b: {  	s0 =	sand.u32 $0x1, s1  }
0x8c: {  	s14 =	sshll.u32 s0, $0xA;
	s2 =	sadd.s32 s3, s2  }
0x8d: {  	s2 =	sadd.s32 s2, s14  }
0x8e: {  	[smem:$0x3FC1] =	sst s2  }
0x8f: {  	_ = 	snop  }
0x90: {  	s2 =	sld [smem:$0x3FD0];
	_ =	sdelay $0x2  }
0x91: {  	s15 =	simm.s32 $0xA;
	s4 =	simm.s32 $0x10  }
0x92: {  	[smem:s4], [sflag:s15] =	dma.local [hbm:s2], $0x1  }
0x93: {  	_ =	swait.eq [sflag:s15], $0x1  }
0x94: {  	[sflag:s15] =	ssyncset.done $0x0  }
0x95: {  	s16 =	sld [smem:$0x10];
	[sflag:s15] =	ssyncadd.s32 $0xFFFFFFFF  }
0x96: {  	s17 =	sld [smem:$0x13];
	(tm) =	ssettm $0x1  }
0x97: {  	s18 =	sld [smem:$0x3FFB];
	_ =	sdelay $0x3  }
0x98: {  	_ =	strace s18  }
0x99: {  	s4 =	sld [smem:$0x3FFC];
	_ =	sdelay $0x3  }
0x9a: {  	_ =	strace s4  }
0x9b: {  	s4 =	sld [smem:$0x3FFD];
	_ =	sdelay $0x3  }
0x9c: {  	_ =	strace s4  }
0x9d: {  	_ =	strace $0x8FFFFFFF  }
0x9e: {  	s19 =	sld [smem:$0x3FDB];
	_ =	sdelay $0x1  }
0x9f: {  	s5 =	simm.s32 $_scs_section_size  }
0xa0: {  	s6 =	simm.s32 $_size__tile_overlayer_lowered;
	s7 =	simm.s32 $_tile_overlayer_lowered  }
0xa1: {  	s22 =	simm.s32 $0x1BFF;
	s21 =	sshll.u32 s7, $0x1;
	s4 =	sadd.s32 s5, s19  }
0xa2: {  	s8 =	simm.s32 $0x0;
	s20 =	sshll.u32 s6, $0x1;
	s6 =	sadd.s32 s21, s4  }
0xa3: {  	[timem:s8], [sflag:s22] =	dma.local [hbm:s6], s20  }
0xa4: {  	_ =	swait.ge [sflag:s22], s20  }
0xa5: {  	s5 =	ssub.s32 $0x0, s20;
	[sflag:s22] =	ssyncset.done $0x0  }
0xa6: {  	[sflag:s22] =	ssyncadd.s32 s5;
	_ =	sdelay $0x1  }
0xa7: {  	s23 =	simm.s32 $0x1B8B  }
0xa8: {  	_ =	swait.ge [sflag:s23], $0x1  }
0xa9: {  	[sflag:s23] =	ssyncset.done $0x0  }
0xaa: {  	s25 =	simm.s32 $0x1B8E;
	s24 =	sld [smem:$0x3FFE];
	[sflag:s23] =	ssyncadd.s32 $0xFFFFFFFF  }
0xab: {  	s26 =	simm.s32 $execute0_lowered;
	[smem:$0x3FD2] =	sst s25  }
0xac: {  	s6 =	sshll.u32 s26, $0x1;
	_ =	strace $0x8000004C;
	[dreg:$0x1] =	wrdreg $0xFFFFFFFF  }
0xad: {  	s28 =	simm.s32 $_size_execute0_lowered;
	s4 =	sadd.s32 s4, s6;
	[dreg:$0x0] =	wrdreg $0x0  }
0xae: {  	s6 =	sshll.u32 s28, $0x1;
	[dreg:$0x2] =	wrdreg s4  }
0xaf: {  	[dreg:$0x3] =	wrdreg s6  }
0xb0: {  	[dreg:$0x4] =	wrdreg $0xC0  }
0xb1: {  	_ =	task [dreg:s8], $0x5FFFF  }
0xb2: {  	[dreg:$0x1] =	wrdreg $0xFFFFFFFF  }
0xb3: {  	[dreg:$0x0] =	wrdreg $0x60  }
0xb4: {  	[dreg:$0x2] =	wrdreg s17  }
0xb5: {  	[dreg:$0x3] =	wrdreg s24  }
0xb6: {  	[dreg:$0x4] =	wrdreg s16  }
0xb7: {  	[dreg:$0x5] =	wrdreg $0x14A000  }
0xb8: {  	[dreg:$0x6] =	wrdreg $0x9  }
0xb9: {  	_ =	task.clear_ibuf [dreg:s8], $0x7FFFF;
	_ =	strace $0x9000004C  }
0xba: {  	s29 =	simm.s32 $0x9;
	_ =	strace $0x8000004E  }
0xbb: {  	_ =	swait.ge [sflag:s29], $0x1  }
0xbc: {  	[sflag:s29] =	ssyncadd.s32 $0xFFFFFFFF  }
0xbd: {  	_ =	strace $0x9000004E  }
0xbe: {  	_ =	sfence  }
0xbf: {  	s30 =	sld [smem:$0x0];
	_ =	sdelay $0x2  }
0xc0: {  	s31 =	sshll.u32 s1, $0xD;
	s1 =	sshrl.u32 s1, $0x2  }
0xc1: {  	s3 =	sand.u32 $0x4000, s31;
	s1 =	sadd.s32 s1, s30  }
0xc2: {  	s0 =	sor.u32 s3, s0;
	s1 =	sshll.u32 s1, $0x11  }
0xc3: {  	s0 =	sor.u32 s1, s0  }
0xc4: {  	s0 =	sadd.s32 $0x8F2B, s0  }
0xc5: {  	[sflag:s0] =	ssyncadd.remote.s32 $0x1  }
0xc6: {  	_ =	sfence.sel $0xFFFF  }
0xc7: {  	[dreg:$0x0] =	wrdreg $0xFFFFFFFF;
	(pc) =	sbr.abs _section_cstart, $3  }
0xc8: {  	[dreg:$0x1] =	wrdreg $0xFFFFFFFF  }
0xc9: {  	_ =	task.clear_ibuf [dreg:s8], $0x2FFFF;
	_ =	strace $0x9FFFFFFF  }
0xca: {  	(tm) =	ssettm $0x7FFFFFFF  }
0xcb: {  	_ =	shalt  }
tec
execute0_lowered:
.L_overlay_start_1:
0x0: {  	(tag) =	ssettag $0x1  }
0x1: {  	s1 =	rddreg [dreg:$0x0]  }
0x2: {  	s0 =	srdreg.scid;
	s4 =	rddreg [dreg:$0x1]  }
0x3: {  	s9 =	stileid.u32;
	s5 =	rddreg [dreg:$0x2]  }
0x4: {  	s3 =	rddreg [dreg:$0x3];
	s8 =	simm.s32 $0x0;
	s14 =	simm.s32 $0x7D  }
0x5: {  	s15 =	simm.s32 $0x5000;
	s17 =	simm.s32 $0x6F40;
	s19 =	simm.s32 $0x8E80  }
0x6: {  	s21 =	simm.s32 $0xADC0;
	s23 =	simm.s32 $0xCD00;
	s28 =	simm.s32 $0x10B80  }
0x7: {  	s30 =	simm.s32 $0x12AC0;
	s31 =	simm.s32 $0x1;
	s13 =	simm.s32 $0x4  }
0x8: {  	s16 =	simm.s32 $0x5;
	s18 =	simm.s32 $0x6;
	s20 =	simm.s32 $0x7  }
0x9: {  	s22 =	simm.s32 $0x8;
	s29 =	simm.s32 $0xB;
	s0 =	sand.u32 $0x1, s0  }
0xa: {  	s6 =	smul.u32 $0xA000, s9;
	[smem:$0x7FF] =	sst s8;
	s10 =	sadd.s32 $0xC800, s4  }
0xb: {  	s8 =	simm.s32 $0xE;
	s2 =	sshll.u32 s0, $0x4;
	s7 =	smul.u32 $0xA0000, s0  }
0xc: {  	_ =	strace $0x8000004D;
	[dreg:$0x5] =	wrdreg s10;
	s0 =	ssub.s32 $0x2, s0  }
0xd: {  	s10 =	simm.s32 $0x10;
	s2 =	sor.u32 s9, s2;
	s25 =	sshrl.u32 s0, $0x1  }
0xe: {  	s9 =	sshll.u32 s9, $0x6;
	s2 =	smul.u32 $0x500, s2;
	s7 =	sadd.s32 s6, s7  }
0xf: {  	s0 =	ssub.s32 s0, s25;
	s6 =	sadd.s32 s6, s3;
	s11 =	sor.u32 $0x1C11, s9  }
0x10: {  	s25 =	simm.s32 $0xEC40;
	s9 =	simm.s32 $0xF;
	s7 =	sshrl.u32 s7, $0x3  }
0x11: {  	s0 =	smax.u32 s0, $0x1;
	s12 =	sshrl.u32 s6, $0x3;
	[dreg:$0x6] =	wrdreg s11  }
0x12: {  	s6 =	simm.s32 $0x0;
	s24 =	sadd.s32 s2, s4;
	[dreg:$0xa] =	wrdreg s0  }
0x13: {  	s4 =	sadd.s32 s7, s4;
	s2 =	sadd.s32 s5, s2;
	[dreg:$0xc] =	wrdreg s6  }
0x14: {  	s0 =	simm.s32 $0x3;
	s7 =	simm.s32 $0xD;
	[dreg:$0xb] =	wrdreg s12  }
0x15: {  	s26 =	sadd.s32 $0x2800, s24;
	[dreg:$0x8] =	wrdreg s2;
	s5 =	sadd.s32 $0x34E00, s4  }
0x16: {  	s2 =	simm.s32 $0x2;
	s24 =	simm.s32 $0x9;
	[dreg:$0x7] =	wrdreg s26  }
0x17: {  	[dreg:$0x9] =	wrdreg s5;
	s26 =	simm.s32 $0xA;
	s5 =	simm.s32 $0xC  }
.LBB2_1:
0x18: {  	s4 =	simm.s32 $0x11;
	s6 =	rddreg [dreg:$0x5]  }
0x19: {  	[spmem:s12], [sflag:s11] =	dma.local [hbm:s6], $0x1400  }
0x1a: {  	_ =	swait.ge [sflag:s4], $0x1400  }
0x1b: {  	[sflag:s4] =	ssyncset.done $0x0  }
0x1c: {  	s6 =	simm.s32 $0x0;
	s12 =	rddreg [dreg:$0x7];
	[sflag:s4] =	ssyncadd.s32 $0xFFFFEC00  }
0x1d: {  	[tilespmem:s6], [sflag:$0x11] =	stream.linear.gather [hbm4b:s12+s6], $0x2800, $0x38;
	[tilespmem:$0x1EA00] =	vst v63  }
0x1e: {  	_ =	swait.ge [sflag:s4], $0x2800  }
0x1f: {  	[sflag:s4] =	ssyncset.done $0x0  }
0x20: {  	s12 =	simm.s32 $0x2800;
	s11 =	rddreg [dreg:$0x8];
	[sflag:s4] =	ssyncadd.s32 $0xFFFFD800  }
0x21: {  	[tilespmem:s12], [sflag:$0x11] =	stream.linear.gather [hbm4b:s11+s6], $0x2800, $0x38;
	[tilespmem:$0x1EA00] =	vst v63  }
0x22: {  	_ =	swait.ge [sflag:s4], $0x2800  }
0x23: {  	[sflag:s4] =	ssyncset.done $0x0  }
0x24: {  	[sflag:s4] =	ssyncadd.s32 $0xFFFFD800  }
0x25: {  	[bflag:$0x0] =	sbarrier.arrive $0xFFFF  }
0x26: {  	[tilespmem:s15], [sflag:$0x1] =	stream.indirect.gather [hbm4b:s1+s14], $0x40, s6, s14, $0xb8;
	[tilespmem:$0x1EA00] =	vst v63  }
0x27: {  	s12 =	simm.s32 $0x80  }
0x28: {  	[tilespmem:s17], [sflag:$0x2] =	stream.indirect.gather [hbm4b:s1+s14], $0x40, s12, s14, $0xb8;
	[tilespmem:$0x1EA00] =	vst v63  }
0x29: {  	s6 =	simm.s32 $0x100  }
0x2a: {  	[tilespmem:s19], [sflag:$0x3] =	stream.indirect.gather [hbm4b:s1+s14], $0x40, s6, s14, $0xb8;
	[tilespmem:$0x1EA00] =	vst v63  }
0x2b: {  	s11 =	simm.s32 $0x180  }
0x2c: {  	[tilespmem:s21], [sflag:$0x4] =	stream.indirect.gather [hbm4b:s1+s14], $0x40, s11, s14, $0xb8;
	[tilespmem:$0x1EA00] =	vst v63  }
0x2d: {  	s12 =	simm.s32 $0x200  }
0x2e: {  	[tilespmem:s23], [sflag:$0x5] =	stream.indirect.gather [hbm4b:s1+s14], $0x40, s12, s14, $0xb8;
	[tilespmem:$0x1EA00] =	vst v63  }
0x2f: {  	s6 =	simm.s32 $0x280  }
0x30: {  	[tilespmem:s25], [sflag:$0x6] =	stream.indirect.gather [hbm4b:s1+s14], $0x40, s6, s14, $0xb8;
	[tilespmem:$0x1EA00] =	vst v63  }
0x31: {  	s11 =	simm.s32 $0x300  }
0x32: {  	[tilespmem:s28], [sflag:$0x7] =	stream.indirect.gather [hbm4b:s1+s14], $0x40, s11, s14, $0xb8;
	[tilespmem:$0x1EA00] =	vst v63  }
0x33: {  	s12 =	simm.s32 $0x380  }
0x34: {  	[tilespmem:s30], [sflag:$0x8] =	stream.indirect.gather [hbm4b:s1+s14], $0x40, s12, s14, $0xb8;
	[tilespmem:$0x1EA00] =	vst v63  }
0x35: {  	_ =	swait.ge [sflag:s31], $0x1F40  }
0x36: {  	[sflag:s31] =	ssyncset.done $0x0  }
0x37: {  	s4 =	simm.s32 $0x2800;
	[sflag:s31] =	ssyncadd.s32 $0xFFFFE0C0  }
0x38: {  	[spmem:s3] =	stream.indirect.scatter.add.f32 [tilespmem:s15], [sflag:$0x9], $0x40, s4, s14, $0xb8;
	[tilespmem:$0x1EA00] =	vst v63  }
0x39: {  	_ =	swait.ge [sflag:s2], $0x1F40  }
0x3a: {  	[sflag:s2] =	ssyncset.done $0x0  }
0x3b: {  	s11 =	simm.s32 $0x2880;
	[sflag:s2] =	ssyncadd.s32 $0xFFFFE0C0  }
0x3c: {  	[spmem:s3] =	stream.indirect.scatter.add.f32 [tilespmem:s17], [sflag:$0xA], $0x40, s11, s14, $0xb8;
	[tilespmem:$0x1EA00] =	vst v63  }
0x3d: {  	_ =	swait.ge [sflag:s0], $0x1F40  }
0x3e: {  	[sflag:s0] =	ssyncset.done $0x0  }
0x3f: {  	s12 =	simm.s32 $0x2900;
	[sflag:s0] =	ssyncadd.s32 $0xFFFFE0C0  }
0x40: {  	[spmem:s3] =	stream.indirect.scatter.add.f32 [tilespmem:s19], [sflag:$0xB], $0x40, s12, s14, $0xb8;
	[tilespmem:$0x1EA00] =	vst v63  }
0x41: {  	_ =	swait.ge [sflag:s13], $0x1F40  }
0x42: {  	[sflag:s13] =	ssyncset.done $0x0  }
0x43: {  	s4 =	simm.s32 $0x2980;
	[sflag:s13] =	ssyncadd.s32 $0xFFFFE0C0  }
0x44: {  	[spmem:s3] =	stream.indirect.scatter.add.f32 [tilespmem:s21], [sflag:$0xC], $0x40, s4, s14, $0xb8;
	[tilespmem:$0x1EA00] =	vst v63  }
0x45: {  	_ =	swait.ge [sflag:s16], $0x1F40  }
0x46: {  	[sflag:s16] =	ssyncset.done $0x0  }
0x47: {  	s11 =	simm.s32 $0x2A00;
	[sflag:s16] =	ssyncadd.s32 $0xFFFFE0C0  }
0x48: {  	[spmem:s3] =	stream.indirect.scatter.add.f32 [tilespmem:s23], [sflag:$0xD], $0x40, s11, s14, $0xb8;
	[tilespmem:$0x1EA00] =	vst v63  }
0x49: {  	_ =	swait.ge [sflag:s18], $0x1F40  }
0x4a: {  	[sflag:s18] =	ssyncset.done $0x0  }
0x4b: {  	s12 =	simm.s32 $0x2A80;
	[sflag:s18] =	ssyncadd.s32 $0xFFFFE0C0  }
0x4c: {  	[spmem:s3] =	stream.indirect.scatter.add.f32 [tilespmem:s25], [sflag:$0xE], $0x40, s12, s14, $0xb8;
	[tilespmem:$0x1EA00] =	vst v63  }
0x4d: {  	_ =	swait.ge [sflag:s20], $0x1F40  }
0x4e: {  	[sflag:s20] =	ssyncset.done $0x0  }
0x4f: {  	s4 =	simm.s32 $0x2B00;
	[sflag:s20] =	ssyncadd.s32 $0xFFFFE0C0  }
0x50: {  	[spmem:s3] =	stream.indirect.scatter.add.f32 [tilespmem:s28], [sflag:$0xF], $0x40, s4, s14, $0xb8;
	[tilespmem:$0x1EA00] =	vst v63  }
0x51: {  	_ =	swait.ge [sflag:s22], $0x1F40  }
0x52: {  	[sflag:s22] =	ssyncset.done $0x0  }
0x53: {  	s11 =	simm.s32 $0x2B80;
	[sflag:s22] =	ssyncadd.s32 $0xFFFFE0C0  }
0x54: {  	[spmem:s3] =	stream.indirect.scatter.add.f32 [tilespmem:s30], [sflag:$0x10], $0x40, s11, s14, $0xb8;
	[tilespmem:$0x1EA00] =	vst v63  }
0x55: {  	_ =	swait.ge [sflag:s24], $0x1F40  }
0x56: {  	[sflag:s24] =	ssyncset.done $0x0  }
0x57: {  	s12 =	simm.s32 $0x400;
	[sflag:s24] =	ssyncadd.s32 $0xFFFFE0C0  }
0x58: {  	[tilespmem:s15], [sflag:$0x1] =	stream.indirect.gather [hbm4b:s1+s14], $0x40, s12, s14, $0xb8;
	[tilespmem:$0x1EA00] =	vst v63  }
0x59: {  	_ =	swait.ge [sflag:s26], $0x1F40  }
0x5a: {  	[sflag:s26] =	ssyncset.done $0x0  }
0x5b: {  	s4 =	simm.s32 $0x480;
	[sflag:s26] =	ssyncadd.s32 $0xFFFFE0C0  }
0x5c: {  	[tilespmem:s17], [sflag:$0x2] =	stream.indirect.gather [hbm4b:s1+s14], $0x40, s4, s14, $0xb8;
	[tilespmem:$0x1EA00] =	vst v63  }
0x5d: {  	_ =	swait.ge [sflag:s29], $0x1F40  }
0x5e: {  	[sflag:s29] =	ssyncset.done $0x0  }
0x5f: {  	s11 =	simm.s32 $0x500;
	[sflag:s29] =	ssyncadd.s32 $0xFFFFE0C0  }
0x60: {  	[tilespmem:s19], [sflag:$0x3] =	stream.indirect.gather [hbm4b:s1+s14], $0x40, s11, s14, $0xb8;
	[tilespmem:$0x1EA00] =	vst v63  }
0x61: {  	_ =	swait.ge [sflag:s5], $0x1F40  }
0x62: {  	[sflag:s5] =	ssyncset.done $0x0  }
0x63: {  	s12 =	simm.s32 $0x580;
	[sflag:s5] =	ssyncadd.s32 $0xFFFFE0C0  }
0x64: {  	[tilespmem:s21], [sflag:$0x4] =	stream.indirect.gather [hbm4b:s1+s14], $0x40, s12, s14, $0xb8;
	[tilespmem:$0x1EA00] =	vst v63  }
0x65: {  	_ =	swait.ge [sflag:s7], $0x1F40  }
0x66: {  	[sflag:s7] =	ssyncset.done $0x0  }
0x67: {  	s4 =	simm.s32 $0x600;
	[sflag:s7] =	ssyncadd.s32 $0xFFFFE0C0  }
0x68: {  	[tilespmem:s23], [sflag:$0x5] =	stream.indirect.gather [hbm4b:s1+s14], $0x40, s4, s14, $0xb8;
	[tilespmem:$0x1EA00] =	vst v63  }
0x69: {  	_ =	swait.ge [sflag:s8], $0x1F40  }
0x6a: {  	[sflag:s8] =	ssyncset.done $0x0  }
0x6b: {  	s11 =	simm.s32 $0x680;
	[sflag:s8] =	ssyncadd.s32 $0xFFFFE0C0  }
0x6c: {  	[tilespmem:s25], [sflag:$0x6] =	stream.indirect.gather [hbm4b:s1+s14], $0x40, s11, s14, $0xb8;
	[tilespmem:$0x1EA00] =	vst v63  }
0x6d: {  	_ =	swait.ge [sflag:s9], $0x1F40  }
0x6e: {  	[sflag:s9] =	ssyncset.done $0x0  }
0x6f: {  	s12 =	simm.s32 $0x700;
	[sflag:s9] =	ssyncadd.s32 $0xFFFFE0C0  }
0x70: {  	[tilespmem:s28], [sflag:$0x7] =	stream.indirect.gather [hbm4b:s1+s14], $0x40, s12, s14, $0xb8;
	[tilespmem:$0x1EA00] =	vst v63  }
0x71: {  	_ =	swait.ge [sflag:s10], $0x1F40  }
0x72: {  	[sflag:s10] =	ssyncset.done $0x0  }
0x73: {  	s6 =	simm.s32 $0x1000;
	s11 =	simm.s32 $0x780;
	[sflag:s10] =	ssyncadd.s32 $0xFFFFE0C0  }
.LBB2_2:
0x74: {  	[tilespmem:s30], [sflag:$0x8] =	stream.indirect.gather [hbm4b:s1+s14], $0x40, s11, s14, $0xb8;
	[tilespmem:$0x1EA00] =	vst v63  }
0x75: {  	s11 =	smov.u32 s6  }
0x76: {  	p0 =	sne.s32 s6, $0x8000;
	s6 =	sadd.s32 $0x1000, s6;
	_ =	swait.ge [sflag:s31], $0x1F40  }
0x77: {  	s11 =	sshra.s32 s11, $0x2;
	[sflag:s31] =	ssyncset.done $0x0  }
0x78: {  	s12 =	sadd.s32 $0x2800, s11;
	[sflag:s31] =	ssyncadd.s32 $0xFFFFE0C0  }
0x79: {  	[spmem:s3] =	stream.indirect.scatter.add.f32 [tilespmem:s15], [sflag:$0x9], $0x40, s12, s14, $0xb8;
	[tilespmem:$0x1EA00] =	vst v63  }
0x7a: {  	_ =	swait.ge [sflag:s2], $0x1F40  }
0x7b: {  	[sflag:s2] =	ssyncset.done $0x0  }
0x7c: {  	s12 =	sadd.s32 $0x2880, s11;
	[sflag:s2] =	ssyncadd.s32 $0xFFFFE0C0  }
0x7d: {  	[spmem:s3] =	stream.indirect.scatter.add.f32 [tilespmem:s17], [sflag:$0xA], $0x40, s12, s14, $0xb8;
	[tilespmem:$0x1EA00] =	vst v63  }
0x7e: {  	_ =	swait.ge [sflag:s0], $0x1F40  }
0x7f: {  	[sflag:s0] =	ssyncset.done $0x0  }
0x80: {  	s12 =	sadd.s32 $0x2900, s11;
	[sflag:s0] =	ssyncadd.s32 $0xFFFFE0C0  }
0x81: {  	[spmem:s3] =	stream.indirect.scatter.add.f32 [tilespmem:s19], [sflag:$0xB], $0x40, s12, s14, $0xb8;
	[tilespmem:$0x1EA00] =	vst v63  }
0x82: {  	_ =	swait.ge [sflag:s13], $0x1F40  }
0x83: {  	[sflag:s13] =	ssyncset.done $0x0  }
0x84: {  	s12 =	sadd.s32 $0x2980, s11;
	[sflag:s13] =	ssyncadd.s32 $0xFFFFE0C0  }
0x85: {  	[spmem:s3] =	stream.indirect.scatter.add.f32 [tilespmem:s21], [sflag:$0xC], $0x40, s12, s14, $0xb8;
	[tilespmem:$0x1EA00] =	vst v63  }
0x86: {  	_ =	swait.ge [sflag:s16], $0x1F40  }
0x87: {  	[sflag:s16] =	ssyncset.done $0x0  }
0x88: {  	s12 =	sadd.s32 $0x2A00, s11;
	[sflag:s16] =	ssyncadd.s32 $0xFFFFE0C0  }
0x89: {  	[spmem:s3] =	stream.indirect.scatter.add.f32 [tilespmem:s23], [sflag:$0xD], $0x40, s12, s14, $0xb8;
	[tilespmem:$0x1EA00] =	vst v63  }
0x8a: {  	_ =	swait.ge [sflag:s18], $0x1F40  }
0x8b: {  	[sflag:s18] =	ssyncset.done $0x0  }
0x8c: {  	s12 =	sadd.s32 $0x2A80, s11;
	[sflag:s18] =	ssyncadd.s32 $0xFFFFE0C0  }
0x8d: {  	[spmem:s3] =	stream.indirect.scatter.add.f32 [tilespmem:s25], [sflag:$0xE], $0x40, s12, s14, $0xb8;
	[tilespmem:$0x1EA00] =	vst v63  }
0x8e: {  	_ =	swait.ge [sflag:s20], $0x1F40  }
0x8f: {  	[sflag:s20] =	ssyncset.done $0x0  }
0x90: {  	s12 =	sadd.s32 $0x2B00, s11;
	[sflag:s20] =	ssyncadd.s32 $0xFFFFE0C0  }
0x91: {  	[spmem:s3] =	stream.indirect.scatter.add.f32 [tilespmem:s28], [sflag:$0xF], $0x40, s12, s14, $0xb8;
	[tilespmem:$0x1EA00] =	vst v63  }
0x92: {  	_ =	swait.ge [sflag:s22], $0x1F40  }
0x93: {  	[sflag:s22] =	ssyncset.done $0x0  }
0x94: {  	s12 =	sadd.s32 $0x2B80, s11;
	[sflag:s22] =	ssyncadd.s32 $0xFFFFE0C0  }
0x95: {  	[spmem:s3] =	stream.indirect.scatter.add.f32 [tilespmem:s30], [sflag:$0x10], $0x40, s12, s14, $0xb8;
	[tilespmem:$0x1EA00] =	vst v63  }
0x96: {  	_ =	swait.ge [sflag:s24], $0x1F40  }
0x97: {  	[sflag:s24] =	ssyncset.done $0x0  }
0x98: {  	s12 =	sadd.s32 $0x400, s11;
	[sflag:s24] =	ssyncadd.s32 $0xFFFFE0C0  }
0x99: {  	[tilespmem:s15], [sflag:$0x1] =	stream.indirect.gather [hbm4b:s1+s14], $0x40, s12, s14, $0xb8;
	[tilespmem:$0x1EA00] =	vst v63  }
0x9a: {  	_ =	swait.ge [sflag:s26], $0x1F40  }
0x9b: {  	[sflag:s26] =	ssyncset.done $0x0  }
0x9c: {  	s12 =	sadd.s32 $0x480, s11;
	[sflag:s26] =	ssyncadd.s32 $0xFFFFE0C0  }
0x9d: {  	[tilespmem:s17], [sflag:$0x2] =	stream.indirect.gather [hbm4b:s1+s14], $0x40, s12, s14, $0xb8;
	[tilespmem:$0x1EA00] =	vst v63  }
0x9e: {  	_ =	swait.ge [sflag:s29], $0x1F40  }
0x9f: {  	[sflag:s29] =	ssyncset.done $0x0  }
0xa0: {  	s12 =	sadd.s32 $0x500, s11;
	[sflag:s29] =	ssyncadd.s32 $0xFFFFE0C0  }
0xa1: {  	[tilespmem:s19], [sflag:$0x3] =	stream.indirect.gather [hbm4b:s1+s14], $0x40, s12, s14, $0xb8;
	[tilespmem:$0x1EA00] =	vst v63  }
0xa2: {  	_ =	swait.ge [sflag:s5], $0x1F40  }
0xa3: {  	[sflag:s5] =	ssyncset.done $0x0  }
0xa4: {  	s12 =	sadd.s32 $0x580, s11;
	[sflag:s5] =	ssyncadd.s32 $0xFFFFE0C0  }
0xa5: {  	[tilespmem:s21], [sflag:$0x4] =	stream.indirect.gather [hbm4b:s1+s14], $0x40, s12, s14, $0xb8;
	[tilespmem:$0x1EA00] =	vst v63  }
0xa6: {  	_ =	swait.ge [sflag:s7], $0x1F40  }
0xa7: {  	[sflag:s7] =	ssyncset.done $0x0  }
0xa8: {  	s12 =	sadd.s32 $0x600, s11;
	[sflag:s7] =	ssyncadd.s32 $0xFFFFE0C0  }
0xa9: {  	[tilespmem:s23], [sflag:$0x5] =	stream.indirect.gather [hbm4b:s1+s14], $0x40, s12, s14, $0xb8;
	[tilespmem:$0x1EA00] =	vst v63  }
0xaa: {  	_ =	swait.ge [sflag:s8], $0x1F40  }
0xab: {  	[sflag:s8] =	ssyncset.done $0x0  }
0xac: {  	s12 =	sadd.s32 $0x680, s11;
	[sflag:s8] =	ssyncadd.s32 $0xFFFFE0C0  }
0xad: {  	[tilespmem:s25], [sflag:$0x6] =	stream.indirect.gather [hbm4b:s1+s14], $0x40, s12, s14, $0xb8;
	[tilespmem:$0x1EA00] =	vst v63  }
0xae: {  	_ =	swait.ge [sflag:s9], $0x1F40  }
0xaf: {  	[sflag:s9] =	ssyncset.done $0x0  }
.Ltmp0:
0xb0: {  	s12 =	sadd.s32 $0x700, s11;
	[sflag:s9] =	ssyncadd.s32 $0xFFFFE0C0;
	(pc) =	sbr.rel @p0 .LBB2_2-.Ltmp0, $4  }
0xb1: {  	[tilespmem:s28], [sflag:$0x7] =	stream.indirect.gather [hbm4b:s1+s14], $0x40, s12, s14, $0xb8;
	[tilespmem:$0x1EA00] =	vst v63  }
0xb2: {  	_ =	swait.ge [sflag:s10], $0x1F40  }
0xb3: {  	[sflag:s10] =	ssyncset.done $0x0  }
0xb4: {  	s11 =	sadd.s32 $0x780, s11;
	[sflag:s10] =	ssyncadd.s32 $0xFFFFE0C0  }
0xb5: {  	[tilespmem:s30], [sflag:$0x8] =	stream.indirect.gather [hbm4b:s1+s14], $0x40, s11, s14, $0xb8;
	[tilespmem:$0x1EA00] =	vst v63  }
0xb6: {  	_ =	swait.ge [sflag:s31], $0x1F40  }
0xb7: {  	[sflag:s31] =	ssyncset.done $0x0  }
0xb8: {  	s4 =	simm.s32 $0x4C00;
	[sflag:s31] =	ssyncadd.s32 $0xFFFFE0C0  }
0xb9: {  	[spmem:s3] =	stream.indirect.scatter.add.f32 [tilespmem:s15], [sflag:$0x9], $0x40, s4, s14, $0xb8;
	[tilespmem:$0x1EA00] =	vst v63  }
0xba: {  	_ =	swait.ge [sflag:s2], $0x1F40  }
0xbb: {  	[sflag:s2] =	ssyncset.done $0x0  }
0xbc: {  	s12 =	simm.s32 $0x4C80;
	[sflag:s2] =	ssyncadd.s32 $0xFFFFE0C0  }
0xbd: {  	[spmem:s3] =	stream.indirect.scatter.add.f32 [tilespmem:s17], [sflag:$0xA], $0x40, s12, s14, $0xb8;
	[tilespmem:$0x1EA00] =	vst v63  }
0xbe: {  	_ =	swait.ge [sflag:s0], $0x1F40  }
0xbf: {  	[sflag:s0] =	ssyncset.done $0x0  }
0xc0: {  	s6 =	simm.s32 $0x4D00;
	[sflag:s0] =	ssyncadd.s32 $0xFFFFE0C0  }
0xc1: {  	[spmem:s3] =	stream.indirect.scatter.add.f32 [tilespmem:s19], [sflag:$0xB], $0x40, s6, s14, $0xb8;
	[tilespmem:$0x1EA00] =	vst v63  }
0xc2: {  	_ =	swait.ge [sflag:s13], $0x1F40  }
0xc3: {  	[sflag:s13] =	ssyncset.done $0x0  }
0xc4: {  	s11 =	simm.s32 $0x4D80;
	[sflag:s13] =	ssyncadd.s32 $0xFFFFE0C0  }
0xc5: {  	[spmem:s3] =	stream.indirect.scatter.add.f32 [tilespmem:s21], [sflag:$0xC], $0x40, s11, s14, $0xb8;
	[tilespmem:$0x1EA00] =	vst v63  }
0xc6: {  	_ =	swait.ge [sflag:s16], $0x1F40  }
0xc7: {  	[sflag:s16] =	ssyncset.done $0x0  }
0xc8: {  	s12 =	simm.s32 $0x4E00;
	[sflag:s16] =	ssyncadd.s32 $0xFFFFE0C0  }
0xc9: {  	[spmem:s3] =	stream.indirect.scatter.add.f32 [tilespmem:s23], [sflag:$0xD], $0x40, s12, s14, $0xb8;
	[tilespmem:$0x1EA00] =	vst v63  }
0xca: {  	_ =	swait.ge [sflag:s18], $0x1F40  }
0xcb: {  	[sflag:s18] =	ssyncset.done $0x0  }
0xcc: {  	s6 =	simm.s32 $0x4E80;
	[sflag:s18] =	ssyncadd.s32 $0xFFFFE0C0  }
0xcd: {  	[spmem:s3] =	stream.indirect.scatter.add.f32 [tilespmem:s25], [sflag:$0xE], $0x40, s6, s14, $0xb8;
	[tilespmem:$0x1EA00] =	vst v63  }
0xce: {  	_ =	swait.ge [sflag:s20], $0x1F40  }
0xcf: {  	[sflag:s20] =	ssyncset.done $0x0  }
0xd0: {  	s11 =	simm.s32 $0x4F00;
	[sflag:s20] =	ssyncadd.s32 $0xFFFFE0C0  }
0xd1: {  	[spmem:s3] =	stream.indirect.scatter.add.f32 [tilespmem:s28], [sflag:$0xF], $0x40, s11, s14, $0xb8;
	[tilespmem:$0x1EA00] =	vst v63  }
0xd2: {  	_ =	swait.ge [sflag:s22], $0x1F40  }
0xd3: {  	[sflag:s22] =	ssyncset.done $0x0  }
0xd4: {  	s12 =	simm.s32 $0x4F80;
	[sflag:s22] =	ssyncadd.s32 $0xFFFFE0C0  }
0xd5: {  	[spmem:s3] =	stream.indirect.scatter.add.f32 [tilespmem:s30], [sflag:$0x10], $0x40, s12, s14, $0xb8;
	[tilespmem:$0x1EA00] =	vst v63  }
0xd6: {  	_ =	swait.ge [sflag:s24], $0x1F40  }
0xd7: {  	[sflag:s24] =	ssyncset.done $0x0  }
0xd8: {  	[sflag:s24] =	ssyncadd.s32 $0xFFFFE0C0  }
0xd9: {  	_ =	swait.ge [sflag:s26], $0x1F40  }
0xda: {  	[sflag:s26] =	ssyncset.done $0x0  }
0xdb: {  	[sflag:s26] =	ssyncadd.s32 $0xFFFFE0C0  }
0xdc: {  	_ =	swait.ge [sflag:s29], $0x1F40  }
0xdd: {  	[sflag:s29] =	ssyncset.done $0x0  }
0xde: {  	[sflag:s29] =	ssyncadd.s32 $0xFFFFE0C0  }
0xdf: {  	_ =	swait.ge [sflag:s5], $0x1F40  }
0xe0: {  	[sflag:s5] =	ssyncset.done $0x0  }
0xe1: {  	[sflag:s5] =	ssyncadd.s32 $0xFFFFE0C0  }
0xe2: {  	_ =	swait.ge [sflag:s7], $0x1F40  }
0xe3: {  	[sflag:s7] =	ssyncset.done $0x0  }
0xe4: {  	[sflag:s7] =	ssyncadd.s32 $0xFFFFE0C0  }
0xe5: {  	_ =	swait.ge [sflag:s8], $0x1F40  }
0xe6: {  	[sflag:s8] =	ssyncset.done $0x0  }
0xe7: {  	[sflag:s8] =	ssyncadd.s32 $0xFFFFE0C0  }
0xe8: {  	_ =	swait.ge [sflag:s9], $0x1F40  }
0xe9: {  	[sflag:s9] =	ssyncset.done $0x0  }
0xea: {  	[sflag:s9] =	ssyncadd.s32 $0xFFFFE0C0  }
0xeb: {  	_ =	swait.ge [sflag:s10], $0x1F40  }
0xec: {  	[sflag:s10] =	ssyncset.done $0x0  }
0xed: {  	[sflag:s10] =	ssyncadd.s32 $0xFFFFE0C0  }
0xee: {  	[bflag:$0x0] =	sbarrier.arrive $0xFFFF  }
0xef: {  	s11 =	rddreg [dreg:$0x6]  }
0xf0: {  	s6 =	rddreg [dreg:$0x9]  }
0xf1: {  	s12 =	rddreg [dreg:$0xb]  }
0xf2: {  	[hbm:s6], [sflag:s11] =	dma.local [spmem:s12], $0x1400  }
0xf3: {  	s6 =	simm.s32 $0x11  }
0xf4: {  	_ =	swait.ge [sflag:s6], $0x1400  }
0xf5: {  	s4 =	rddreg [dreg:$0xc]  }
0xf6: {  	[sflag:s6] =	ssyncset.done $0x0;
	s6 =	rddreg [dreg:$0xa];
	s4 =	sadd.s32 $0x1, s4  }
0xf7: {  	p0 =	sne.s32 s4, s6  }
.Ltmp1:
0xf8: {  	_ = 	snop;
	(pc) =	sbr.rel @p0 .LBB2_1-.Ltmp1, $3  }
0xf9: {  	_ =	sdelay $0x1  }
0xfa: {  	s6 =	simm.s32 $0x11  }
0xfb: {  	[dreg:$0xc] =	wrdreg s4;
	[sflag:s6] =	ssyncadd.s32 $0xFFFFEC00  }
0xfc: {  	_ =	sfence.sel $0x180000  }
0xfd: {  	[bflag:$0x0] =	sbarrier.arrive $0xFFFF  }
0xfe: {  	_ =	strace $0x9000004D  }
0xff: {  	s0 =	stileid.u32;
	[bflag:$0x2] =	sbarrier.arrive $0xFFFF  }
0x100: {  	p0 =	sne.s32 s0, $0x0;
	s0 =	rddreg [dreg:$0x4]  }
0x101: {  	s0 =	sadd.s32 @!p0 $0x100000, s0  }
0x102: {  	[sflag:s0] =	ssyncadd.tile.s32 @!p0 $0x1;
	_ =	shalt  }
.Lfunc_end2:
_tile_overlayer_lowered:
.L_overlay_start_2:
0x103: {  	(tag) =	ssettag $0x2  }
0x104: {  	s0 =	rddreg [dreg:$0x0];
	s2 =	stileid.u32  }
0x105: {  	s1 =	rddreg [dreg:$0x1];
	p0 =	sne.s32 s2, $0x0  }
0x106: {  	s3 =	rddreg [dreg:$0x2];
	[bflag:$0x3] =	sbarrier.arrive $0xFFFF;
	s2 =	simm.s32 @!p0 $0x1C11  }
0x107: {  	[timem:s3], [sflag:s2] =	dma.local @!p0 [hbm:s0], s1  }
0x108: {  	s0 =	simm.s32 @!p0 $0x11  }
0x109: {  	_ =	swait.ge @!p0 [sflag:s0], s1  }
0x10a: {  	s1 =	ssub.s32 @!p0 $0x0, s1;
	[sflag:s0] =	ssyncset.done @!p0 $0x0  }
0x10b: {  	[sflag:s0] =	ssyncadd.s32 @!p0 s1  }
0x10c: {  	[bflag:$0x3] =	sbarrier.arrive $0xFFFF  }
0x10d: {  	_ =	shalt  }

// kernel: kernel.9.cloned.1.call-start
scs
__scs_entry_jumppad:
0x0: {  	(pc) =	sbr.rel $0x88, $3  }
0x1: {  	(tag) =	ssettag $0x0;
	lr =	simm.s32 $0x1  }
0x2: {  	[smem:$0x3F9A] =	sst lr;
	_ =	strace $0xD0000000  }
0x3: {  	_ = 	snop  }
0x4: {  	_ = 	snop  }
0x5: {  	_ = 	snop  }
0x6: {  	_ = 	snop  }
0x7: {  	_ = 	snop  }
__scs_overlays_trampoline_lowered:
0x8: {  	[smem:$0x3FA9] =	sst s0  }
0x9: {  	[smem:$0x3FAA] =	sst s1  }
0xa: {  	[smem:$0x3FAB] =	sst s2  }
0xb: {  	[smem:$0x3FAC] =	sst s3  }
0xc: {  	[smem:$0x3FAD] =	sst s4  }
0xd: {  	[smem:$0x3FAE] =	sst s5  }
0xe: {  	[smem:$0x3FAF] =	sst s6  }
0xf: {  	[smem:$0x3FB0] =	sst s7  }
0x10: {  	[smem:$0x3FB1] =	sst s8  }
0x11: {  	[smem:$0x3FB2] =	sst s9;
	s0 =	simm.s32 @!p0 $0x0  }
0x12: {  	s1 =	sld [smem:$0x3F98];
	s0 =	simm.s32 @p0 $0x1  }
0x13: {  	[smem:$0x3FB3] =	sst s0;
	s0 =	simm.s32 @!p1 $0x0  }
0x14: {  	s2 =	sld [smem:$0x3F97];
	s0 =	simm.s32 @p1 $0x1  }
0x15: {  	[smem:$0x3FB4] =	sst s0;
	s0 =	simm.s32 @!p2 $0x0  }
0x16: {  	s3 =	sld [smem:$0x3FDB];
	s0 =	simm.s32 @p2 $0x1  }
0x17: {  	s4 =	simm.s32 $0x1BF5;
	[smem:$0x3FB6] =	sst s0  }
0x18: {  	s0 =	sld [smem:$0x3F99];
	_ =	swait.ge [sflag:s4], $0x0  }
0x19: {  	s7 =	sld [smem:$0x3F9A]  }
0x1a: {  	s8 =	sadd.s32 $0xFFFFE003, lr  }
0x1b: {  	s9 =	sadd.s32 $0xFFFFFEF7, lr;
	s5 =	simm.s32 $0xFFFFFFFF;
	p2 =	slt.u32 s8, $0xFFFFF086  }
0x1c: {  	p1 =	slt.u32 s9, $0xF7A;
	s5 =	simm.s32 @!p2 $0x0  }
0x1d: {  	s5 =	simm.s32 @p1 $0x1;
	p0 =	seq.s32 s7, s2  }
0x1e: {  	s7 =	smul.u32 @!p0 $0xF7A, s2;
	p2 =	seq.s32 @!p0 s5, $0x0  }
0x1f: {  	s9 =	smul.u32 $0xF7A, s1;
	s8 =	simm.s32 @!p0 $0x1BF5;
	p2 =	por !p2, p0  }
0x20: {  	[sflag:s8] =	ssyncset.s32 @!p0 $0xFFFFF086;
	s6 =	sadd.s32 @!p0 s3, s7;
	s7 =	simm.s32 @!p0 $0x108  }
0x21: {  	s3 =	sadd.s32 s3, s9;
	s6 =	sadd.s32 @!p0 $0x88, s6;
	s7 =	simm.s32 @p2 $0x1082  }
0x22: {  	[simem:s7], [sflag:s8] =	dma.local @!p0 [hbm:s6], $0xF7A  }
0x23: {  	s9 =	sor.u32 $0xD0000000, s2;
	s6 =	simm.s32 $0x108;
	_ =	swait.ge @!p0 [sflag:s8], $0x0  }
0x24: {  	s3 =	sadd.s32 $0x88, s3;
	s6 =	simm.s32 @!p1 $0x1082;
	[sflag:s4] =	ssyncset.s32 $0xFFFFF086  }
0x25: {  	[simem:s6], [sflag:s4] =	dma.local [hbm:s3], $0xF7A  }
0x26: {  	[smem:$0x3F9A] =	sst s1;
	(tag) =	ssettag s2;
	_ =	strace s9  }
0x27: {  	s1 =	sld [smem:$0x3FAA]  }
0x28: {  	s2 =	sld [smem:$0x3FAB]  }
0x29: {  	s4 =	sld [smem:$0x3FAD]  }
0x2a: {  	p0 =	seq.s32 s5, $0x0;
	s5 =	sld [smem:$0x3FAE]  }
0x2b: {  	s6 =	sld [smem:$0x3FAF]  }
0x2c: {  	s7 =	sld [smem:$0x3FB0]  }
0x2d: {  	s3 =	simm.s32 $0x108;
	s8 =	sld [smem:$0x3FB1]  }
0x2e: {  	s3 =	simm.s32 @!p0 $0x1082;
	s9 =	sld [smem:$0x3FB2]  }
0x2f: {  	lr =	sadd.s32 s0, s3;
	s0 =	sld [smem:$0x3FA9]  }
0x30: {  	s3 =	sld [smem:$0x3FAC]  }
0x31: {  	[smem:$0x3FB5] =	sst s10  }
0x32: {  	s10 =	sld [smem:$0x3FB3];
	_ =	sdelay $0x3  }
0x33: {  	p0 =	seq.s32 s10, $0x1;
	s10 =	sld [smem:$0x3FB5];
	_ =	sdelay $0x3  }
0x34: {  	[smem:$0x3FB5] =	sst s10  }
0x35: {  	s10 =	sld [smem:$0x3FB4];
	_ =	sdelay $0x3  }
0x36: {  	p1 =	seq.s32 s10, $0x1;
	s10 =	sld [smem:$0x3FB5];
	_ =	sdelay $0x3  }
0x37: {  	[smem:$0x3FB5] =	sst s10  }
0x38: {  	s10 =	sld [smem:$0x3FB6]  }
0x39: {  	_ = 	snop;
	(pc) =	sbr.ind lr, $3  }
0x3a: {  	_ = 	snop  }
0x3b: {  	_ = 	snop  }
0x3c: {  	p2 =	seq.s32 s10, $0x1;
	s10 =	sld [smem:$0x3FB5]  }
0x3d: {  	_ =	shalt  }
0x3e: {  	_ =	shalt  }
0x3f: {  	_ =	shalt  }
0x40: {  	_ =	shalt  }
0x41: {  	_ =	shalt  }
0x42: {  	_ =	shalt  }
0x43: {  	_ =	shalt  }
0x44: {  	_ =	shalt  }
0x45: {  	_ =	shalt  }
0x46: {  	_ =	shalt  }
0x47: {  	_ =	shalt  }
0x48: {  	_ =	shalt  }
0x49: {  	_ =	shalt  }
0x4a: {  	_ =	shalt  }
0x4b: {  	_ =	shalt  }
0x4c: {  	_ =	shalt  }
0x4d: {  	_ =	shalt  }
0x4e: {  	_ =	shalt  }
0x4f: {  	_ =	shalt  }
0x50: {  	_ =	shalt  }
0x51: {  	_ =	shalt  }
0x52: {  	_ =	shalt  }
0x53: {  	_ =	shalt  }
0x54: {  	_ =	shalt  }
0x55: {  	_ =	shalt  }
0x56: {  	_ =	shalt  }
0x57: {  	_ =	shalt  }
0x58: {  	_ =	shalt  }
0x59: {  	_ =	shalt  }
0x5a: {  	_ =	shalt  }
0x5b: {  	_ =	shalt  }
0x5c: {  	_ =	shalt  }
0x5d: {  	_ =	shalt  }
0x5e: {  	_ =	shalt  }
0x5f: {  	_ =	shalt  }
0x60: {  	_ =	shalt  }
0x61: {  	_ =	shalt  }
0x62: {  	_ =	shalt  }
0x63: {  	_ =	shalt  }
0x64: {  	_ =	shalt  }
0x65: {  	_ =	shalt  }
0x66: {  	_ =	shalt  }
0x67: {  	_ =	shalt  }
0x68: {  	_ =	shalt  }
0x69: {  	_ =	shalt  }
0x6a: {  	_ =	shalt  }
0x6b: {  	_ =	shalt  }
0x6c: {  	_ =	shalt  }
0x6d: {  	_ =	shalt  }
0x6e: {  	_ =	shalt  }
0x6f: {  	_ =	shalt  }
0x70: {  	_ =	shalt  }
0x71: {  	_ =	shalt  }
0x72: {  	_ =	shalt  }
0x73: {  	_ =	shalt  }
0x74: {  	_ =	shalt  }
0x75: {  	_ =	shalt  }
0x76: {  	_ =	shalt  }
0x77: {  	_ =	shalt  }
0x78: {  	_ =	shalt  }
0x79: {  	_ =	shalt  }
0x7a: {  	_ =	shalt  }
0x7b: {  	_ =	shalt  }
0x7c: {  	_ =	shalt  }
0x7d: {  	_ =	shalt  }
0x7e: {  	_ =	shalt  }
0x7f: {  	_ =	shalt  }
0x80: {  	_ =	shalt  }
0x81: {  	_ =	shalt  }
0x82: {  	_ =	shalt  }
0x83: {  	_ =	shalt  }
0x84: {  	_ =	shalt  }
0x85: {  	_ =	shalt  }
0x86: {  	_ =	shalt  }
0x87: {  	_ =	shalt  }
.Lfunc_end0:
.L_simem_size_0:
called_computation_lowered:
.L_overlay_start_0:
0x88: {  	s2 =	sld [smem:$0x3FD9]  }
0x89: {  	s3 =	sld [smem:$0x3FFE];
	_ =	sdelay $0x1  }
0x8a: {  	s1 =	srdreg.scid  }
0x8b: {  	s0 =	sand.u32 $0x1, s1  }
0x8c: {  	s15 =	sshll.u32 s0, $0xA;
	s2 =	sadd.s32 s3, s2  }
0x8d: {  	s2 =	sadd.s32 s2, s15  }
0x8e: {  	[smem:$0x3FC1] =	sst s2  }
0x8f: {  	_ = 	snop  }
0x90: {  	s2 =	sld [smem:$0x3FD0];
	_ =	sdelay $0x2  }
0x91: {  	s16 =	simm.s32 $0xA;
	s4 =	simm.s32 $0x10  }
0x92: {  	[smem:s4], [sflag:s16] =	dma.local [hbm:s2], $0x1  }
0x93: {  	_ =	swait.eq [sflag:s16], $0x1  }
0x94: {  	s17 =	sld [smem:$0x10]  }
0x95: {  	s18 =	sld [smem:$0x11];
	[sflag:s16] =	ssyncset.done $0x0  }
0x96: {  	s5 =	sld [smem:$0x12];
	[sflag:s16] =	ssyncadd.s32 $0xFFFFFFFF  }
0x97: {  	s19 =	sld [smem:$0x13];
	(tm) =	ssettm $0x1  }
0x98: {  	s6 =	sld [smem:$0x3FFB];
	_ =	sdelay $0x3  }
0x99: {  	_ =	strace s6  }
0x9a: {  	s6 =	sld [smem:$0x3FFC];
	_ =	sdelay $0x3  }
0x9b: {  	_ =	strace s6  }
0x9c: {  	s6 =	sld [smem:$0x3FFD];
	_ =	sdelay $0x3  }
0x9d: {  	_ =	strace s6  }
0x9e: {  	_ =	strace $0x8FFFFFFF  }
0x9f: {  	s20 =	sld [smem:$0x3FDB];
	_ =	sdelay $0x1  }
0xa0: {  	s7 =	simm.s32 $_scs_section_size  }
0xa1: {  	s8 =	simm.s32 $_size__tile_overlayer_lowered;
	s9 =	simm.s32 $_tile_overlayer_lowered  }
0xa2: {  	s23 =	simm.s32 $0x1BFF;
	s22 =	sshll.u32 s9, $0x1;
	s6 =	sadd.s32 s7, s20  }
0xa3: {  	s10 =	simm.s32 $0x0;
	s21 =	sshll.u32 s8, $0x1;
	s8 =	sadd.s32 s22, s6  }
0xa4: {  	[timem:s10], [sflag:s23] =	dma.local [hbm:s8], s21  }
0xa5: {  	_ =	swait.ge [sflag:s23], s21  }
0xa6: {  	s7 =	ssub.s32 $0x0, s21;
	[sflag:s23] =	ssyncset.done $0x0  }
0xa7: {  	[sflag:s23] =	ssyncadd.s32 s7;
	_ =	sdelay $0x1  }
0xa8: {  	s24 =	simm.s32 $0x1B8B  }
0xa9: {  	_ =	swait.ge [sflag:s24], $0x1  }
0xaa: {  	[sflag:s24] =	ssyncset.done $0x0  }
0xab: {  	s25 =	simm.s32 $0x1B8E;
	[sflag:s24] =	ssyncadd.s32 $0xFFFFFFFF  }
0xac: {  	s26 =	simm.s32 $execute0_lowered;
	[smem:$0x3FD2] =	sst s25  }
0xad: {  	s7 =	sshll.u32 s26, $0x1;
	_ =	strace $0x80000046;
	[dreg:$0x1] =	wrdreg $0xFFFFFFFF  }
0xae: {  	s28 =	simm.s32 $_size_execute0_lowered;
	s6 =	sadd.s32 s6, s7;
	[dreg:$0x0] =	wrdreg $0x0  }
0xaf: {  	s7 =	sshll.u32 s28, $0x1;
	[dreg:$0x2] =	wrdreg s6  }
0xb0: {  	[dreg:$0x3] =	wrdreg s7  }
0xb1: {  	[dreg:$0x4] =	wrdreg $0xC0  }
0xb2: {  	_ =	task [dreg:s10], $0x5FFFF  }
0xb3: {  	[dreg:$0x1] =	wrdreg $0xFFFFFFFF  }
0xb4: {  	[dreg:$0x0] =	wrdreg $0x60  }
0xb5: {  	[dreg:$0x2] =	wrdreg s17  }
0xb6: {  	[dreg:$0x3] =	wrdreg s5  }
0xb7: {  	[dreg:$0x4] =	wrdreg s18  }
0xb8: {  	[dreg:$0x5] =	wrdreg s19  }
0xb9: {  	[dreg:$0x6] =	wrdreg $0x2FD00  }
0xba: {  	[dreg:$0x7] =	wrdreg $0x9  }
0xbb: {  	_ =	task.clear_ibuf [dreg:s10], $0x8FFFF;
	_ =	strace $0x90000046  }
0xbc: {  	s29 =	simm.s32 $0x9;
	_ =	strace $0x80000048  }
0xbd: {  	_ =	swait.ge [sflag:s29], $0x1  }
0xbe: {  	[sflag:s29] =	ssyncadd.s32 $0xFFFFFFFF  }
0xbf: {  	_ =	strace $0x90000048  }
0xc0: {  	_ =	sfence  }
0xc1: {  	s30 =	sld [smem:$0x0];
	_ =	sdelay $0x2  }
0xc2: {  	s31 =	sshll.u32 s1, $0xD;
	s1 =	sshrl.u32 s1, $0x2  }
0xc3: {  	s3 =	sand.u32 $0x4000, s31;
	s1 =	sadd.s32 s1, s30  }
0xc4: {  	s0 =	sor.u32 s3, s0;
	s1 =	sshll.u32 s1, $0x11  }
0xc5: {  	s0 =	sor.u32 s1, s0  }
0xc6: {  	s0 =	sadd.s32 $0x8F2B, s0  }
0xc7: {  	[sflag:s0] =	ssyncadd.remote.s32 $0x1  }
0xc8: {  	_ =	sfence.sel $0xFFFF  }
0xc9: {  	[dreg:$0x0] =	wrdreg $0xFFFFFFFF;
	(pc) =	sbr.abs _section_cstart, $3  }
0xca: {  	[dreg:$0x1] =	wrdreg $0xFFFFFFFF  }
0xcb: {  	_ =	task.clear_ibuf [dreg:s10], $0x2FFFF;
	_ =	strace $0x9FFFFFFF  }
0xcc: {  	(tm) =	ssettm $0x7FFFFFFF  }
0xcd: {  	_ =	shalt  }
tec
execute0_lowered:
.L_overlay_start_1:
0x0: {  	(tag) =	ssettag $0x1  }
0x1: {  	s7 =	rddreg [dreg:$0x0]  }
0x2: {  	s1 =	rddreg [dreg:$0x1]  }
0x3: {  	s2 =	rddreg [dreg:$0x2]  }
0x4: {  	s8 =	rddreg [dreg:$0x3]  }
0x5: {  	s4 =	rddreg [dreg:$0x4]  }
0x6: {  	s0 =	rddreg [dreg:$0x5]  }
0x7: {  	s5 =	simm.s32 $0x0;
	s6 =	srdreg.scid;
	s3 =	stileid.u32  }
0x8: {  	s14 =	simm.s32 $0x0;
	[smem:$0x7FF] =	sst s5;
	s6 =	sand.u32 $0x1, s6  }
0x9: {  	s9 =	smul.u32 $0x2800, s3;
	s31 =	sshll.u32 s3, $0x6;
	s10 =	ssub.s32 $0x2, s6  }
0xa: {  	s11 =	sshll.u32 s6, $0x4;
	s6 =	smul.u32 $0x28000, s6;
	_ =	strace $0x80000047  }
0xb: {  	s12 =	sshrl.u32 s10, $0x1;
	s11 =	sor.u32 s3, s11;
	s30 =	sadd.s32 s9, s4  }
0xc: {  	s10 =	ssub.s32 s10, s12;
	s11 =	smul.u32 $0x500, s11;
	s6 =	sadd.s32 s9, s6  }
0xd: {  	s12 =	simm.s32 $0x2800;
	s13 =	sshrl.u32 s6, $0x3;
	s6 =	sor.u32 $0x1C01, s31  }
0xe: {  	s9 =	smax.u32 s10, $0x1;
	s10 =	sshrl.u32 s30, $0x3;
	s7 =	sadd.s32 s7, s11  }
0xf: {  	s8 =	sadd.s32 s8, s13;
	s11 =	simm.s32 $0x1;
	s13 =	simm.s32 $0x7D  }
.LBB2_1:
0x10: {  	[spmem:s10], [sflag:s6] =	dma.local [hbm:s1], $0x500  }
0x11: {  	_ =	swait.ge [sflag:s11], $0x500  }
0x12: {  	[sflag:s11] =	ssyncset.done $0x0  }
0x13: {  	[sflag:s11] =	ssyncadd.s32 $0xFFFFFB00  }
0x14: {  	[tilespmem:s12], [sflag:$0x1] =	stream.linear.gather [hbm4b:s2+s5], $0x7D0, $0x38;
	[tilespmem:$0x57D0] =	vst v63  }
0x15: {  	_ =	swait.ge [sflag:s11], $0x7D0  }
0x16: {  	[sflag:s11] =	ssyncset.done $0x0  }
0x17: {  	[sflag:s11] =	ssyncadd.s32 $0xFFFFF830  }
0x18: {  	[tilespmem:s5], [sflag:$0x1] =	stream.linear.gather [hbm4b:s7+s5], $0x2800, $0x38;
	[tilespmem:$0x57D0] =	vst v63  }
0x19: {  	_ =	swait.ge [sflag:s11], $0x2800  }
0x1a: {  	[sflag:s11] =	ssyncset.done $0x0  }
0x1b: {  	[sflag:s11] =	ssyncadd.s32 $0xFFFFD800  }
0x1c: {  	s15 =	simm.s32 $0x0;
	[bflag:$0x0] =	sbarrier.arrive $0xFFFF  }
0x1d: {  	[spmem:s4] =	stream.indirect.scatter.add.f32 [tilespmem:s12], [sflag:$0x1], $0x10, s15, s13, $0xb8;
	[tilespmem:$0x57D0] =	vst v63  }
0x1e: {  	_ =	swait.ge [sflag:s11], $0x7D0  }
0x1f: {  	s15 =	simm.s32 $0x200;
	[sflag:s11] =	ssyncset.done $0x0  }
.LBB2_2:
0x20: {  	s16 =	sshra.s32 s15, $0x2;
	[sflag:s11] =	ssyncadd.s32 $0xFFFFF830;
	p0 =	sne.s32 s15, $0x9E00  }
0x21: {  	[spmem:s4] =	stream.indirect.scatter.add.f32 [tilespmem:s12], [sflag:$0x1], $0x10, s16, s13, $0xb8;
	[tilespmem:$0x57D0] =	vst v63  }
.Ltmp0:
0x22: {  	_ = 	snop;
	(pc) =	sbr.rel @p0 .LBB2_2-.Ltmp0, $4  }
0x23: {  	_ = 	snop  }
0x24: {  	s15 =	sadd.s32 $0x200, s15  }
0x25: {  	_ =	swait.ge [sflag:s11], $0x7D0  }
0x26: {  	[sflag:s11] =	ssyncset.done $0x0  }
0x27: {  	s14 =	sadd.s32 $0x1, s14  }
0x28: {  	[sflag:s11] =	ssyncadd.s32 $0xFFFFF830;
	p0 =	sne.s32 s14, s9  }
.Ltmp1:
0x29: {  	[bflag:$0x0] =	sbarrier.arrive $0xFFFF;
	(pc) =	sbr.rel @p0 .LBB2_1-.Ltmp1, $4  }
0x2a: {  	[hbm:s8], [sflag:s6] =	dma.local [spmem:s10], $0x500  }
0x2b: {  	_ =	swait.ge [sflag:s11], $0x500  }
0x2c: {  	[sflag:s11] =	ssyncset.done $0x0  }
0x2d: {  	[sflag:s11] =	ssyncadd.s32 $0xFFFFFB00  }
0x2e: {  	_ =	sfence.sel $0x180000  }
0x2f: {  	[bflag:$0x0] =	sbarrier.arrive $0xFFFF  }
0x30: {  	p0 =	sne.s32 s3, $0x0;
	_ =	strace $0x90000047  }
0x31: {  	s0 =	sadd.s32 @!p0 $0x100000, s0;
	[bflag:$0x2] =	sbarrier.arrive $0xFFFF  }
0x32: {  	[sflag:s0] =	ssyncadd.tile.s32 @!p0 $0x1;
	_ =	shalt  }
.Lfunc_end2:
_tile_overlayer_lowered:
.L_overlay_start_2:
0x33: {  	(tag) =	ssettag $0x2  }
0x34: {  	s0 =	rddreg [dreg:$0x0];
	s2 =	stileid.u32  }
0x35: {  	s1 =	rddreg [dreg:$0x1];
	p0 =	sne.s32 s2, $0x0  }
0x36: {  	s3 =	rddreg [dreg:$0x2];
	[bflag:$0x3] =	sbarrier.arrive $0xFFFF;
	s2 =	simm.s32 @!p0 $0x1C01  }
0x37: {  	[timem:s3], [sflag:s2] =	dma.local @!p0 [hbm:s0], s1  }
0x38: {  	s0 =	simm.s32 @!p0 $0x1  }
0x39: {  	_ =	swait.ge @!p0 [sflag:s0], s1  }
0x3a: {  	s1 =	ssub.s32 @!p0 $0x0, s1;
	[sflag:s0] =	ssyncset.done @!p0 $0x0  }
0x3b: {  	[sflag:s0] =	ssyncadd.s32 @!p0 s1  }
0x3c: {  	[bflag:$0x3] =	sbarrier.arrive $0xFFFF  }
0x3d: {  	_ =	shalt  }

</sc_bundles>
